<compile_context>
chip_gen: v7x
topology: tpu7x:2x2x1
jax: 0.10.2.dev20260603
libtpu: 0.0.44.dev20260713+nightly
codegen_flags: <defaults>
</compile_context>

<pallas_src>
import functools

import jax
import jax.numpy as jnp
from jax import lax
from jax.experimental import pallas as pl
from jax.experimental.pallas import tpu as pltpu
from jax.experimental.pallas import tpu_sc as plsc

_NUM_CORES = 2
_NUM_SUBCORES = 16
_LANES = 16


def kernel(x, tkn_table, pos_table):
    B, S = x.shape
    V, D = tkn_table.shape
    NW = _NUM_CORES * _NUM_SUBCORES
    C = S // NW
    assert S % NW == 0 and D % _LANES == 0

    x = x.astype(jnp.int32)

    mesh = plsc.VectorSubcoreMesh(core_axis_name="c", subcore_axis_name="s")

    @functools.partial(
        pl.kernel,
        mesh=mesh,
        out_type=jax.ShapeDtypeStruct((B, S, D), jnp.float32),
        scratch_types=[
            pltpu.VMEM((C,), jnp.int32),
            pltpu.VMEM((C, D), jnp.float32),
            pltpu.VMEM((C, D), jnp.float32),
            pltpu.SemaphoreType.DMA,
        ],
    )
    def emb(x_hbm, tkn_hbm, pos_hbm, out_hbm, idx_v, pos_v, tkn_v, sem):
        wid = lax.axis_index("s") * _NUM_CORES + lax.axis_index("c")
        s0 = wid * C
        pltpu.sync_copy(pos_hbm.at[pl.ds(s0, C)], pos_v)
        for b in range(B):
            pltpu.sync_copy(x_hbm.at[b, pl.ds(s0, C)], idx_v)
            pltpu.async_copy(tkn_hbm.at[idx_v], tkn_v, sem).wait()

            def row_body(r, carry):
                for c in range(D // _LANES):
                    sl = pl.ds(c * _LANES, _LANES)
                    tkn_v[r, sl] = tkn_v[r, sl] + pos_v[r, sl]
                return carry

            lax.fori_loop(0, C, row_body, 0)
            pltpu.sync_copy(tkn_v, out_hbm.at[b, pl.ds(s0, C)])

    return emb(x, tkn_table, pos_table)

# --- scband reference (transcript-rebuilt; emitter-appended) ---
"""Pipeline reference for scband-embedding-1649267441727 (READ-ONLY COPY).

The authoritative reference and input builder live on the scoring server;
editing this copy changes nothing except your own understanding.
"""

import jax, jax.numpy as jnp
import numpy as np

VOCAB = 100000
DIM = 768
CONTEXT = 2048
BATCH = 4
SEQ = 2048

def setup_inputs(seed: int = 0) -> dict:
    key = jax.random.key(seed)
    k1, k2, k3 = jax.random.split(key, 3)
    x = jax.random.randint(k1, (BATCH, SEQ), 0, VOCAB, dtype=jnp.int64 if jax.config.read('jax_enable_x64') else jnp.int32)
    tkn_table = jax.random.normal(k2, (VOCAB, DIM), dtype=jnp.float32) * 0.02
    pos_table = jax.random.normal(k3, (CONTEXT, DIM), dtype=jnp.float32) * 0.02
    return {"x": x, "tkn_table": tkn_table, "pos_table": pos_table}

def reference(x, tkn_table, pos_table):
    # pos = arange over sequence length
    pos = jnp.arange(x.shape[1], dtype=x.dtype)
    tkn_emb = jnp.take(tkn_table, x, axis=0)          # [B, S, D] gather
    pos_emb = jnp.take(pos_table, pos, axis=0)        # [S, D] gather
    out = tkn_emb + pos_emb[None, :, :]
    # dropout p=0.0 -> identity (eval-equivalent)
    return out

if __name__ == "__main__":
    import jax
    _d = setup_inputs()
    print(jax.jit(kernel)(*tuple(_d.values())))

</pallas_src>

<mosaic_0001>
#map = affine_map<(d0, d1) -> (0, 0)>
#map1 = affine_map<(d0, d1) -> (0, 0, 0)>
module attributes {stable_mosaic.version = 14 : i64} {
  func.func @emb(%arg0: i32, %arg1: i32, %arg2: memref<4x2048xi32, #tpu.memory_space<hbm>>, %arg3: memref<100000x768xf32, #tpu.memory_space<hbm>>, %arg4: memref<2048x768xf32, #tpu.memory_space<hbm>>, %arg5: memref<4x2048x768xf32, #tpu.memory_space<hbm>>, %arg6: memref<64xi32, #tpu.memory_space<vmem>>, %arg7: memref<64x768xf32, #tpu.memory_space<vmem>>, %arg8: memref<64x768xf32, #tpu.memory_space<vmem>>, %arg9: memref<!tpu.dma_semaphore, #tpu.memory_space<semaphore_mem>>) attributes {dimension_semantics = [#tpu.dimension_semantics<core_parallel>, #tpu.dimension_semantics<subcore_parallel>], iteration_bounds = array<i64: 2, 16>, scalar_prefetch = 0 : i64, scratch_operands = 4 : i64, tpu.core_type = #tpu.core_type<sc_vector_subcore>, window_params = [{transform_indices = #map}, {transform_indices = #map}, {transform_indices = #map}, {transform_indices = #map1}]} {
    %mul3A = arith.constant 2 : i32
    %mul3A_0 = arith.muli %arg1, %mul3A : i32
    %add3A = arith.addi %mul3A_0, %arg0 : i32
    %mul3A_1 = arith.constant 64 : i32
    %mul3A_2 = arith.muli %add3A, %mul3A_1 : i32
    "tpu.region"() ({
      %run_scoped3A_55 = tpu.sem_alloc : memref<!tpu.dma_semaphore, #tpu.memory_space<semaphore_mem>>
      %dma_start3A_56 = arith.constant 0 : i32
      %dma_start3A_57 = tpu.memref_slice %arg4[%mul3A_2, %dma_start3A_56] : memref<2048x768xf32, #tpu.memory_space<hbm>> -> memref<64x768xf32, #tpu.memory_space<hbm>>
      %dma_start3A_58 = arith.constant 0 : i32
      %dma_start3A_59 = tpu.memref_slice %arg4[%mul3A_2, %dma_start3A_58] : memref<2048x768xf32, #tpu.memory_space<hbm>> -> memref<64x768xf32, #tpu.memory_space<hbm>>
      tpu.enqueue_dma source(%dma_start3A_59 : memref<64x768xf32, #tpu.memory_space<hbm>>) target(%arg7 : memref<64x768xf32, #tpu.memory_space<vmem>>) target_semaphore(%run_scoped3A_55 : memref<!tpu.dma_semaphore, #tpu.memory_space<semaphore_mem>>)
      %dma_wait3A_60 = arith.constant 0 : i32
      %dma_wait3A_61 = tpu.memref_slice %arg4[%mul3A_2, %dma_wait3A_60] : memref<2048x768xf32, #tpu.memory_space<hbm>> -> memref<64x768xf32, #tpu.memory_space<hbm>>
      %dma_wait3A_62 = arith.constant 0 : i32
      %dma_wait3A_63 = tpu.memref_slice %arg4[%mul3A_2, %dma_wait3A_62] : memref<2048x768xf32, #tpu.memory_space<hbm>> -> memref<64x768xf32, #tpu.memory_space<hbm>>
      tpu.wait_dma2 semaphore(%run_scoped3A_55 : memref<!tpu.dma_semaphore, #tpu.memory_space<semaphore_mem>>) src(%dma_wait3A_63 : memref<64x768xf32, #tpu.memory_space<hbm>>) dst(%arg7 : memref<64x768xf32, #tpu.memory_space<vmem>>)
      tpu.yield
    }) : () -> ()
    %run_scoped3A = arith.constant 0 : i32
    "tpu.region"() ({
      %run_scoped3A_55 = tpu.sem_alloc : memref<!tpu.dma_semaphore, #tpu.memory_space<semaphore_mem>>
      %dma_start3A_56 = tpu.memref_slice %arg2[%run_scoped3A, %mul3A_2] : memref<4x2048xi32, #tpu.memory_space<hbm>> -> memref<1x64xi32, #tpu.memory_space<hbm>>
      %dma_start3A_57 = tpu.memref_squeeze %dma_start3A_56 : memref<1x64xi32, #tpu.memory_space<hbm>> -> memref<64xi32, #tpu.memory_space<hbm>>
      %dma_start3A_58 = tpu.memref_slice %arg2[%run_scoped3A, %mul3A_2] : memref<4x2048xi32, #tpu.memory_space<hbm>> -> memref<1x64xi32, #tpu.memory_space<hbm>>
      %dma_start3A_59 = tpu.memref_squeeze %dma_start3A_58 : memref<1x64xi32, #tpu.memory_space<hbm>> -> memref<64xi32, #tpu.memory_space<hbm>>
      tpu.enqueue_dma source(%dma_start3A_59 : memref<64xi32, #tpu.memory_space<hbm>>) target(%arg6 : memref<64xi32, #tpu.memory_space<vmem>>) target_semaphore(%run_scoped3A_55 : memref<!tpu.dma_semaphore, #tpu.memory_space<semaphore_mem>>)
      %dma_wait3A_60 = tpu.memref_slice %arg2[%run_scoped3A, %mul3A_2] : memref<4x2048xi32, #tpu.memory_space<hbm>> -> memref<1x64xi32, #tpu.memory_space<hbm>>
      %dma_wait3A_61 = tpu.memref_squeeze %dma_wait3A_60 : memref<1x64xi32, #tpu.memory_space<hbm>> -> memref<64xi32, #tpu.memory_space<hbm>>
      %dma_wait3A_62 = tpu.memref_slice %arg2[%run_scoped3A, %mul3A_2] : memref<4x2048xi32, #tpu.memory_space<hbm>> -> memref<1x64xi32, #tpu.memory_space<hbm>>
      %dma_wait3A_63 = tpu.memref_squeeze %dma_wait3A_62 : memref<1x64xi32, #tpu.memory_space<hbm>> -> memref<64xi32, #tpu.memory_space<hbm>>
      tpu.wait_dma2 semaphore(%run_scoped3A_55 : memref<!tpu.dma_semaphore, #tpu.memory_space<semaphore_mem>>) src(%dma_wait3A_63 : memref<64xi32, #tpu.memory_space<hbm>>) dst(%arg6 : memref<64xi32, #tpu.memory_space<vmem>>)
      tpu.yield
    }) : () -> ()
    %dma_start3A = arith.constant 0 : i32
    %dma_start3A_3 = arith.constant 0 : i32
    %dma_start3A_4 = tpu.memref_slice %arg3[%dma_start3A, %dma_start3A_3] : memref<100000x768xf32, #tpu.memory_space<hbm>> -> memref<100000x768xf32, #tpu.memory_space<hbm>>
    tpu.enqueue_indirect_dma source(%dma_start3A_4 : memref<100000x768xf32, #tpu.memory_space<hbm>>) target(%arg8 : memref<64x768xf32, #tpu.memory_space<vmem>>) offsets(%arg6 : memref<64xi32, #tpu.memory_space<vmem>>) semaphore(%arg9 : memref<!tpu.dma_semaphore, #tpu.memory_space<semaphore_mem>>)
    %dma_wait3A = arith.constant 0 : i32
    %dma_wait3A_5 = arith.constant 0 : i32
    %dma_wait3A_6 = tpu.memref_slice %arg3[%dma_wait3A, %dma_wait3A_5] : memref<100000x768xf32, #tpu.memory_space<hbm>> -> memref<100000x768xf32, #tpu.memory_space<hbm>>
    tpu.wait_indirect_dma semaphore(%arg9 : memref<!tpu.dma_semaphore, #tpu.memory_space<semaphore_mem>>) src(%dma_wait3A_6 : memref<100000x768xf32, #tpu.memory_space<hbm>>) dst(%arg8 : memref<64x768xf32, #tpu.memory_space<vmem>>)
    %scan3A = arith.constant 0 : i32
    %scan3A_7 = arith.constant 0 : i32
    %scan3A_8 = arith.constant 64 : i32
    %scan3A_9 = arith.addi %scan3A_7, %scan3A_8 : i32
    %scan3A_10 = arith.constant 1 : i32
    scf.for %scan3A_55 = %scan3A_7 to %scan3A_9 step %scan3A_10  : i32 {
      %get3A = arith.index_cast %scan3A_55 : i32 to index
      %get3A_56 = arith.constant 0 : index
      %get3A_57 = tpu.vector_load %arg8[%get3A, %get3A_56] {strides = array<i32>} : memref<64x768xf32, #tpu.memory_space<vmem>>, vector<1x16xf32>,
      %get3A_58 = vector.shape_cast %get3A_57 : vector<1x16xf32> to vector<16xf32>
      %get3A_59 = arith.index_cast %scan3A_55 : i32 to index
      %get3A_60 = arith.constant 0 : index
      %get3A_61 = tpu.vector_load %arg7[%get3A_59, %get3A_60] {strides = array<i32>} : memref<64x768xf32, #tpu.memory_space<vmem>>, vector<1x16xf32>,
      %get3A_62 = vector.shape_cast %get3A_61 : vector<1x16xf32> to vector<16xf32>
      %add3A_63 = arith.addf %get3A_58, %get3A_62 : vector<16xf32>
      %swap3A = arith.index_cast %scan3A_55 : i32 to index
      %swap3A_64 = arith.constant 0 : index
      %swap3A_65 = tpu.vector_load %arg8[%swap3A, %swap3A_64] {strides = array<i32>} : memref<64x768xf32, #tpu.memory_space<vmem>>, vector<1x16xf32>,
      %swap3A_66 = vector.shape_cast %swap3A_65 : vector<1x16xf32> to vector<16xf32>
      %swap3A_67 = vector.shape_cast %add3A_63 : vector<16xf32> to vector<1x16xf32>
      tpu.vector_store %arg8[%swap3A, %swap3A_64], %swap3A_67 {strides = array<i32>} : memref<64x768xf32, #tpu.memory_space<vmem>>, vector<1x16xf32>,
      %get3A_68 = arith.index_cast %scan3A_55 : i32 to index
      %get3A_69 = arith.constant 16 : index
      %get3A_70 = tpu.vector_load %arg8[%get3A_68, %get3A_69] {strides = array<i32>} : memref<64x768xf32, #tpu.memory_space<vmem>>, vector<1x16xf32>,
      %get3A_71 = vector.shape_cast %get3A_70 : vector<1x16xf32> to vector<16xf32>
      %get3A_72 = arith.index_cast %scan3A_55 : i32 to index
      %get3A_73 = arith.constant 16 : index
      %get3A_74 = tpu.vector_load %arg7[%get3A_72, %get3A_73] {strides = array<i32>} : memref<64x768xf32, #tpu.memory_space<vmem>>, vector<1x16xf32>,
      %get3A_75 = vector.shape_cast %get3A_74 : vector<1x16xf32> to vector<16xf32>
      %add3A_76 = arith.addf %get3A_71, %get3A_75 : vector<16xf32>
      %swap3A_77 = arith.index_cast %scan3A_55 : i32 to index
      %swap3A_78 = arith.constant 16 : index
      %swap3A_79 = tpu.vector_load %arg8[%swap3A_77, %swap3A_78] {strides = array<i32>} : memref<64x768xf32, #tpu.memory_space<vmem>>, vector<1x16xf32>,
      %swap3A_80 = vector.shape_cast %swap3A_79 : vector<1x16xf32> to vector<16xf32>
      %swap3A_81 = vector.shape_cast %add3A_76 : vector<16xf32> to vector<1x16xf32>
      tpu.vector_store %arg8[%swap3A_77, %swap3A_78], %swap3A_81 {strides = array<i32>} : memref<64x768xf32, #tpu.memory_space<vmem>>, vector<1x16xf32>,
      %get3A_82 = arith.index_cast %scan3A_55 : i32 to index
      %get3A_83 = arith.constant 32 : index
      %get3A_84 = tpu.vector_load %arg8[%get3A_82, %get3A_83] {strides = array<i32>} : memref<64x768xf32, #tpu.memory_space<vmem>>, vector<1x16xf32>,
      %get3A_85 = vector.shape_cast %get3A_84 : vector<1x16xf32> to vector<16xf32>
      %get3A_86 = arith.index_cast %scan3A_55 : i32 to index
      %get3A_87 = arith.constant 32 : index
      %get3A_88 = tpu.vector_load %arg7[%get3A_86, %get3A_87] {strides = array<i32>} : memref<64x768xf32, #tpu.memory_space<vmem>>, vector<1x16xf32>,
      %get3A_89 = vector.shape_cast %get3A_88 : vector<1x16xf32> to vector<16xf32>
      %add3A_90 = arith.addf %get3A_85, %get3A_89 : vector<16xf32>
      %swap3A_91 = arith.index_cast %scan3A_55 : i32 to index
      %swap3A_92 = arith.constant 32 : index
      %swap3A_93 = tpu.vector_load %arg8[%swap3A_91, %swap3A_92] {strides = array<i32>} : memref<64x768xf32, #tpu.memory_space<vmem>>, vector<1x16xf32>,
      %swap3A_94 = vector.shape_cast %swap3A_93 : vector<1x16xf32> to vector<16xf32>
      %swap3A_95 = vector.shape_cast %add3A_90 : vector<16xf32> to vector<1x16xf32>
      tpu.vector_store %arg8[%swap3A_91, %swap3A_92], %swap3A_95 {strides = array<i32>} : memref<64x768xf32, #tpu.memory_space<vmem>>, vector<1x16xf32>,
      %get3A_96 = arith.index_cast %scan3A_55 : i32 to index
      %get3A_97 = arith.constant 48 : index
      %get3A_98 = tpu.vector_load %arg8[%get3A_96, %get3A_97] {strides = array<i32>} : memref<64x768xf32, #tpu.memory_space<vmem>>, vector<1x16xf32>,
      %get3A_99 = vector.shape_cast %get3A_98 : vector<1x16xf32> to vector<16xf32>
      %get3A_100 = arith.index_cast %scan3A_55 : i32 to index
      %get3A_101 = arith.constant 48 : index
      %get3A_102 = tpu.vector_load %arg7[%get3A_100, %get3A_101] {strides = array<i32>} : memref<64x768xf32, #tpu.memory_space<vmem>>, vector<1x16xf32>,
      %get3A_103 = vector.shape_cast %get3A_102 : vector<1x16xf32> to vector<16xf32>
      %add3A_104 = arith.addf %get3A_99, %get3A_103 : vector<16xf32>
      %swap3A_105 = arith.index_cast %scan3A_55 : i32 to index
      %swap3A_106 = arith.constant 48 : index
      %swap3A_107 = tpu.vector_load %arg8[%swap3A_105, %swap3A_106] {strides = array<i32>} : memref<64x768xf32, #tpu.memory_space<vmem>>, vector<1x16xf32>,
      %swap3A_108 = vector.shape_cast %swap3A_107 : vector<1x16xf32> to vector<16xf32>
      %swap3A_109 = vector.shape_cast %add3A_104 : vector<16xf32> to vector<1x16xf32>
      tpu.vector_store %arg8[%swap3A_105, %swap3A_106], %swap3A_109 {strides = array<i32>} : memref<64x768xf32, #tpu.memory_space<vmem>>, vector<1x16xf32>,
      %get3A_110 = arith.index_cast %scan3A_55 : i32 to index
      %get3A_111 = arith.constant 64 : index
      %get3A_112 = tpu.vector_load %arg8[%get3A_110, %get3A_111] {strides = array<i32>} : memref<64x768xf32, #tpu.memory_space<vmem>>, vector<1x16xf32>,
      %get3A_113 = vector.shape_cast %get3A_112 : vector<1x16xf32> to vector<16xf32>
      %get3A_114 = arith.index_cast %scan3A_55 : i32 to index
      %get3A_115 = arith.constant 64 : index
      %get3A_116 = tpu.vector_load %arg7[%get3A_114, %get3A_115] {strides = array<i32>} : memref<64x768xf32, #tpu.memory_space<vmem>>, vector<1x16xf32>,
      %get3A_117 = vector.shape_cast %get3A_116 : vector<1x16xf32> to vector<16xf32>
      %add3A_118 = arith.addf %get3A_113, %get3A_117 : vector<16xf32>
      %swap3A_119 = arith.index_cast %scan3A_55 : i32 to index
      %swap3A_120 = arith.constant 64 : index
      %swap3A_121 = tpu.vector_load %arg8[%swap3A_119, %swap3A_120] {strides = array<i32>} : memref<64x768xf32, #tpu.memory_space<vmem>>, vector<1x16xf32>,
      %swap3A_122 = vector.shape_cast %swap3A_121 : vector<1x16xf32> to vector<16xf32>
      %swap3A_123 = vector.shape_cast %add3A_118 : vector<16xf32> to vector<1x16xf32>
      tpu.vector_store %arg8[%swap3A_119, %swap3A_120], %swap3A_123 {strides = array<i32>} : memref<64x768xf32, #tpu.memory_space<vmem>>, vector<1x16xf32>,
      %get3A_124 = arith.index_cast %scan3A_55 : i32 to index
      %get3A_125 = arith.constant 80 : index
      %get3A_126 = tpu.vector_load %arg8[%get3A_124, %get3A_125] {strides = array<i32>} : memref<64x768xf32, #tpu.memory_space<vmem>>, vector<1x16xf32>,
      %get3A_127 = vector.shape_cast %get3A_126 : vector<1x16xf32> to vector<16xf32>
      %get3A_128 = arith.index_cast %scan3A_55 : i32 to index
      %get3A_129 = arith.constant 80 : index
      %get3A_130 = tpu.vector_load %arg7[%get3A_128, %get3A_129] {strides = array<i32>} : memref<64x768xf32, #tpu.memory_space<vmem>>, vector<1x16xf32>,
      %get3A_131 = vector.shape_cast %get3A_130 : vector<1x16xf32> to vector<16xf32>
      %add3A_132 = arith.addf %get3A_127, %get3A_131 : vector<16xf32>
      %swap3A_133 = arith.index_cast %scan3A_55 : i32 to index
      %swap3A_134 = arith.constant 80 : index
      %swap3A_135 = tpu.vector_load %arg8[%swap3A_133, %swap3A_134] {strides = array<i32>} : memref<64x768xf32, #tpu.memory_space<vmem>>, vector<1x16xf32>,
      %swap3A_136 = vector.shape_cast %swap3A_135 : vector<1x16xf32> to vector<16xf32>
      %swap3A_137 = vector.shape_cast %add3A_132 : vector<16xf32> to vector<1x16xf32>
      tpu.vector_store %arg8[%swap3A_133, %swap3A_134], %swap3A_137 {strides = array<i32>} : memref<64x768xf32, #tpu.memory_space<vmem>>, vector<1x16xf32>,
      %get3A_138 = arith.index_cast %scan3A_55 : i32 to index
      %get3A_139 = arith.constant 96 : index
      %get3A_140 = tpu.vector_load %arg8[%get3A_138, %get3A_139] {strides = array<i32>} : memref<64x768xf32, #tpu.memory_space<vmem>>, vector<1x16xf32>,
      %get3A_141 = vector.shape_cast %get3A_140 : vector<1x16xf32> to vector<16xf32>
      %get3A_142 = arith.index_cast %scan3A_55 : i32 to index
      %get3A_143 = arith.constant 96 : index
      %get3A_144 = tpu.vector_load %arg7[%get3A_142, %get3A_143] {strides = array<i32>} : memref<64x768xf32, #tpu.memory_space<vmem>>, vector<1x16xf32>,
      %get3A_145 = vector.shape_cast %get3A_144 : vector<1x16xf32> to vector<16xf32>
      %add3A_146 = arith.addf %get3A_141, %get3A_145 : vector<16xf32>
      %swap3A_147 = arith.index_cast %scan3A_55 : i32 to index
      %swap3A_148 = arith.constant 96 : index
      %swap3A_149 = tpu.vector_load %arg8[%swap3A_147, %swap3A_148] {strides = array<i32>} : memref<64x768xf32, #tpu.memory_space<vmem>>, vector<1x16xf32>,
      %swap3A_150 = vector.shape_cast %swap3A_149 : vector<1x16xf32> to vector<16xf32>
      %swap3A_151 = vector.shape_cast %add3A_146 : vector<16xf32> to vector<1x16xf32>
      tpu.vector_store %arg8[%swap3A_147, %swap3A_148], %swap3A_151 {strides = array<i32>} : memref<64x768xf32, #tpu.memory_space<vmem>>, vector<1x16xf32>,
      %get3A_152 = arith.index_cast %scan3A_55 : i32 to index
      %get3A_153 = arith.constant 112 : index
      %get3A_154 = tpu.vector_load %arg8[%get3A_152, %get3A_153] {strides = array<i32>} : memref<64x768xf32, #tpu.memory_space<vmem>>, vector<1x16xf32>,
      %get3A_155 = vector.shape_cast %get3A_154 : vector<1x16xf32> to vector<16xf32>
      %get3A_156 = arith.index_cast %scan3A_55 : i32 to index
      %get3A_157 = arith.constant 112 : index
      %get3A_158 = tpu.vector_load %arg7[%get3A_156, %get3A_157] {strides = array<i32>} : memref<64x768xf32, #tpu.memory_space<vmem>>, vector<1x16xf32>,
      %get3A_159 = vector.shape_cast %get3A_158 : vector<1x16xf32> to vector<16xf32>
      %add3A_160 = arith.addf %get3A_155, %get3A_159 : vector<16xf32>
      %swap3A_161 = arith.index_cast %scan3A_55 : i32 to index
      %swap3A_162 = arith.constant 112 : index
      %swap3A_163 = tpu.vector_load %arg8[%swap3A_161, %swap3A_162] {strides = array<i32>} : memref<64x768xf32, #tpu.memory_space<vmem>>, vector<1x16xf32>,
      %swap3A_164 = vector.shape_cast %swap3A_163 : vector<1x16xf32> to vector<16xf32>
      %swap3A_165 = vector.shape_cast %add3A_160 : vector<16xf32> to vector<1x16xf32>
      tpu.vector_store %arg8[%swap3A_161, %swap3A_162], %swap3A_165 {strides = array<i32>} : memref<64x768xf32, #tpu.memory_space<vmem>>, vector<1x16xf32>,
      %get3A_166 = arith.index_cast %scan3A_55 : i32 to index
      %get3A_167 = arith.constant 128 : index
      %get3A_168 = tpu.vector_load %arg8[%get3A_166, %get3A_167] {strides = array<i32>} : memref<64x768xf32, #tpu.memory_space<vmem>>, vector<1x16xf32>,
      %get3A_169 = vector.shape_cast %get3A_168 : vector<1x16xf32> to vector<16xf32>
      %get3A_170 = arith.index_cast %scan3A_55 : i32 to index
      %get3A_171 = arith.constant 128 : index
      %get3A_172 = tpu.vector_load %arg7[%get3A_170, %get3A_171] {strides = array<i32>} : memref<64x768xf32, #tpu.memory_space<vmem>>, vector<1x16xf32>,
      %get3A_173 = vector.shape_cast %get3A_172 : vector<1x16xf32> to vector<16xf32>
      %add3A_174 = arith.addf %get3A_169, %get3A_173 : vector<16xf32>
      %swap3A_175 = arith.index_cast %scan3A_55 : i32 to index
      %swap3A_176 = arith.constant 128 : index
      %swap3A_177 = tpu.vector_load %arg8[%swap3A_175, %swap3A_176] {strides = array<i32>} : memref<64x768xf32, #tpu.memory_space<vmem>>, vector<1x16xf32>,
      %swap3A_178 = vector.shape_cast %swap3A_177 : vector<1x16xf32> to vector<16xf32>
      %swap3A_179 = vector.shape_cast %add3A_174 : vector<16xf32> to vector<1x16xf32>
      tpu.vector_store %arg8[%swap3A_175, %swap3A_176], %swap3A_179 {strides = array<i32>} : memref<64x768xf32, #tpu.memory_space<vmem>>, vector<1x16xf32>,
      %get3A_180 = arith.index_cast %scan3A_55 : i32 to index
      %get3A_181 = arith.constant 144 : index
      %get3A_182 = tpu.vector_load %arg8[%get3A_180, %get3A_181] {strides = array<i32>} : memref<64x768xf32, #tpu.memory_space<vmem>>, vector<1x16xf32>,
      %get3A_183 = vector.shape_cast %get3A_182 : vector<1x16xf32> to vector<16xf32>
      %get3A_184 = arith.index_cast %scan3A_55 : i32 to index
      %get3A_185 = arith.constant 144 : index
      %get3A_186 = tpu.vector_load %arg7[%get3A_184, %get3A_185] {strides = array<i32>} : memref<64x768xf32, #tpu.memory_space<vmem>>, vector<1x16xf32>,
      %get3A_187 = vector.shape_cast %get3A_186 : vector<1x16xf32> to vector<16xf32>
      %add3A_188 = arith.addf %get3A_183, %get3A_187 : vector<16xf32>
      %swap3A_189 = arith.index_cast %scan3A_55 : i32 to index
      %swap3A_190 = arith.constant 144 : index
      %swap3A_191 = tpu.vector_load %arg8[%swap3A_189, %swap3A_190] {strides = array<i32>} : memref<64x768xf32, #tpu.memory_space<vmem>>, vector<1x16xf32>,
      %swap3A_192 = vector.shape_cast %swap3A_191 : vector<1x16xf32> to vector<16xf32>
      %swap3A_193 = vector.shape_cast %add3A_188 : vector<16xf32> to vector<1x16xf32>
      tpu.vector_store %arg8[%swap3A_189, %swap3A_190], %swap3A_193 {strides = array<i32>} : memref<64x768xf32, #tpu.memory_space<vmem>>, vector<1x16xf32>,
      %get3A_194 = arith.index_cast %scan3A_55 : i32 to index
      %get3A_195 = arith.constant 160 : index
      %get3A_196 = tpu.vector_load %arg8[%get3A_194, %get3A_195] {strides = array<i32>} : memref<64x768xf32, #tpu.memory_space<vmem>>, vector<1x16xf32>,
      %get3A_197 = vector.shape_cast %get3A_196 : vector<1x16xf32> to vector<16xf32>
      %get3A_198 = arith.index_cast %scan3A_55 : i32 to index
      %get3A_199 = arith.constant 160 : index
      %get3A_200 = tpu.vector_load %arg7[%get3A_198, %get3A_199] {strides = array<i32>} : memref<64x768xf32, #tpu.memory_space<vmem>>, vector<1x16xf32>,
      %get3A_201 = vector.shape_cast %get3A_200 : vector<1x16xf32> to vector<16xf32>
      %add3A_202 = arith.addf %get3A_197, %get3A_201 : vector<16xf32>
      %swap3A_203 = arith.index_cast %scan3A_55 : i32 to index
      %swap3A_204 = arith.constant 160 : index
      %swap3A_205 = tpu.vector_load %arg8[%swap3A_203, %swap3A_204] {strides = array<i32>} : memref<64x768xf32, #tpu.memory_space<vmem>>, vector<1x16xf32>,
      %swap3A_206 = vector.shape_cast %swap3A_205 : vector<1x16xf32> to vector<16xf32>
      %swap3A_207 = vector.shape_cast %add3A_202 : vector<16xf32> to vector<1x16xf32>
      tpu.vector_store %arg8[%swap3A_203, %swap3A_204], %swap3A_207 {strides = array<i32>} : memref<64x768xf32, #tpu.memory_space<vmem>>, vector<1x16xf32>,
      %get3A_208 = arith.index_cast %scan3A_55 : i32 to index
      %get3A_209 = arith.constant 176 : index
      %get3A_210 = tpu.vector_load %arg8[%get3A_208, %get3A_209] {strides = array<i32>} : memref<64x768xf32, #tpu.memory_space<vmem>>, vector<1x16xf32>,
      %get3A_211 = vector.shape_cast %get3A_210 : vector<1x16xf32> to vector<16xf32>
      %get3A_212 = arith.index_cast %scan3A_55 : i32 to index
      %get3A_213 = arith.constant 176 : index
      %get3A_214 = tpu.vector_load %arg7[%get3A_212, %get3A_213] {strides = array<i32>} : memref<64x768xf32, #tpu.memory_space<vmem>>, vector<1x16xf32>,
      %get3A_215 = vector.shape_cast %get3A_214 : vector<1x16xf32> to vector<16xf32>
      %add3A_216 = arith.addf %get3A_211, %get3A_215 : vector<16xf32>
      %swap3A_217 = arith.index_cast %scan3A_55 : i32 to index
      %swap3A_218 = arith.constant 176 : index
      %swap3A_219 = tpu.vector_load %arg8[%swap3A_217, %swap3A_218] {strides = array<i32>} : memref<64x768xf32, #tpu.memory_space<vmem>>, vector<1x16xf32>,
      %swap3A_220 = vector.shape_cast %swap3A_219 : vector<1x16xf32> to vector<16xf32>
      %swap3A_221 = vector.shape_cast %add3A_216 : vector<16xf32> to vector<1x16xf32>
      tpu.vector_store %arg8[%swap3A_217, %swap3A_218], %swap3A_221 {strides = array<i32>} : memref<64x768xf32, #tpu.memory_space<vmem>>, vector<1x16xf32>,
      %get3A_222 = arith.index_cast %scan3A_55 : i32 to index
      %get3A_223 = arith.constant 192 : index
      %get3A_224 = tpu.vector_load %arg8[%get3A_222, %get3A_223] {strides = array<i32>} : memref<64x768xf32, #tpu.memory_space<vmem>>, vector<1x16xf32>,
      %get3A_225 = vector.shape_cast %get3A_224 : vector<1x16xf32> to vector<16xf32>
      %get3A_226 = arith.index_cast %scan3A_55 : i32 to index
      %get3A_227 = arith.constant 192 : index
      %get3A_228 = tpu.vector_load %arg7[%get3A_226, %get3A_227] {strides = array<i32>} : memref<64x768xf32, #tpu.memory_space<vmem>>, vector<1x16xf32>,
      %get3A_229 = vector.shape_cast %get3A_228 : vector<1x16xf32> to vector<16xf32>
      %add3A_230 = arith.addf %get3A_225, %get3A_229 : vector<16xf32>
      %swap3A_231 = arith.index_cast %scan3A_55 : i32 to index
      %swap3A_232 = arith.constant 192 : index
      %swap3A_233 = tpu.vector_load %arg8[%swap3A_231, %swap3A_232] {strides = array<i32>} : memref<64x768xf32, #tpu.memory_space<vmem>>, vector<1x16xf32>,
      %swap3A_234 = vector.shape_cast %swap3A_233 : vector<1x16xf32> to vector<16xf32>
      %swap3A_235 = vector.shape_cast %add3A_230 : vector<16xf32> to vector<1x16xf32>
      tpu.vector_store %arg8[%swap3A_231, %swap3A_232], %swap3A_235 {strides = array<i32>} : memref<64x768xf32, #tpu.memory_space<vmem>>, vector<1x16xf32>,
      %get3A_236 = arith.index_cast %scan3A_55 : i32 to index
      %get3A_237 = arith.constant 208 : index
      %get3A_238 = tpu.vector_load %arg8[%get3A_236, %get3A_237] {strides = array<i32>} : memref<64x768xf32, #tpu.memory_space<vmem>>, vector<1x16xf32>,
      %get3A_239 = vector.shape_cast %get3A_238 : vector<1x16xf32> to vector<16xf32>
      %get3A_240 = arith.index_cast %scan3A_55 : i32 to index
      %get3A_241 = arith.constant 208 : index
      %get3A_242 = tpu.vector_load %arg7[%get3A_240, %get3A_241] {strides = array<i32>} : memref<64x768xf32, #tpu.memory_space<vmem>>, vector<1x16xf32>,
      %get3A_243 = vector.shape_cast %get3A_242 : vector<1x16xf32> to vector<16xf32>
      %add3A_244 = arith.addf %get3A_239, %get3A_243 : vector<16xf32>
      %swap3A_245 = arith.index_cast %scan3A_55 : i32 to index
      %swap3A_246 = arith.constant 208 : index
      %swap3A_247 = tpu.vector_load %arg8[%swap3A_245, %swap3A_246] {strides = array<i32>} : memref<64x768xf32, #tpu.memory_space<vmem>>, vector<1x16xf32>,
      %swap3A_248 = vector.shape_cast %swap3A_247 : vector<1x16xf32> to vector<16xf32>
      %swap3A_249 = vector.shape_cast %add3A_244 : vector<16xf32> to vector<1x16xf32>
      tpu.vector_store %arg8[%swap3A_245, %swap3A_246], %swap3A_249 {strides = array<i32>} : memref<64x768xf32, #tpu.memory_space<vmem>>, vector<1x16xf32>,
      %get3A_250 = arith.index_cast %scan3A_55 : i32 to index
      %get3A_251 = arith.constant 224 : index
      %get3A_252 = tpu.vector_load %arg8[%get3A_250, %get3A_251] {strides = array<i32>} : memref<64x768xf32, #tpu.memory_space<vmem>>, vector<1x16xf32>,
      %get3A_253 = vector.shape_cast %get3A_252 : vector<1x16xf32> to vector<16xf32>
      %get3A_254 = arith.index_cast %scan3A_55 : i32 to index
      %get3A_255 = arith.constant 224 : index
      %get3A_256 = tpu.vector_load %arg7[%get3A_254, %get3A_255] {strides = array<i32>} : memref<64x768xf32, #tpu.memory_space<vmem>>, vector<1x16xf32>,
      %get3A_257 = vector.shape_cast %get3A_256 : vector<1x16xf32> to vector<16xf32>
      %add3A_258 = arith.addf %get3A_253, %get3A_257 : vector<16xf32>
      %swap3A_259 = arith.index_cast %scan3A_55 : i32 to index
      %swap3A_260 = arith.constant 224 : index
      %swap3A_261 = tpu.vector_load %arg8[%swap3A_259, %swap3A_260] {strides = array<i32>} : memref<64x768xf32, #tpu.memory_space<vmem>>, vector<1x16xf32>,
      %swap3A_262 = vector.shape_cast %swap3A_261 : vector<1x16xf32> to vector<16xf32>
      %swap3A_263 = vector.shape_cast %add3A_258 : vector<16xf32> to vector<1x16xf32>
      tpu.vector_store %arg8[%swap3A_259, %swap3A_260], %swap3A_263 {strides = array<i32>} : memref<64x768xf32, #tpu.memory_space<vmem>>, vector<1x16xf32>,
      %get3A_264 = arith.index_cast %scan3A_55 : i32 to index
      %get3A_265 = arith.constant 240 : index
      %get3A_266 = tpu.vector_load %arg8[%get3A_264, %get3A_265] {strides = array<i32>} : memref<64x768xf32, #tpu.memory_space<vmem>>, vector<1x16xf32>,
      %get3A_267 = vector.shape_cast %get3A_266 : vector<1x16xf32> to vector<16xf32>
      %get3A_268 = arith.index_cast %scan3A_55 : i32 to index
      %get3A_269 = arith.constant 240 : index
      %get3A_270 = tpu.vector_load %arg7[%get3A_268, %get3A_269] {strides = array<i32>} : memref<64x768xf32, #tpu.memory_space<vmem>>, vector<1x16xf32>,
      %get3A_271 = vector.shape_cast %get3A_270 : vector<1x16xf32> to vector<16xf32>
      %add3A_272 = arith.addf %get3A_267, %get3A_271 : vector<16xf32>
      %swap3A_273 = arith.index_cast %scan3A_55 : i32 to index
      %swap3A_274 = arith.constant 240 : index
      %swap3A_275 = tpu.vector_load %arg8[%swap3A_273, %swap3A_274] {strides = array<i32>} : memref<64x768xf32, #tpu.memory_space<vmem>>, vector<1x16xf32>,
      %swap3A_276 = vector.shape_cast %swap3A_275 : vector<1x16xf32> to vector<16xf32>
      %swap3A_277 = vector.shape_cast %add3A_272 : vector<16xf32> to vector<1x16xf32>
      tpu.vector_store %arg8[%swap3A_273, %swap3A_274], %swap3A_277 {strides = array<i32>} : memref<64x768xf32, #tpu.memory_space<vmem>>, vector<1x16xf32>,
      %get3A_278 = arith.index_cast %scan3A_55 : i32 to index
      %get3A_279 = arith.constant 256 : index
      %get3A_280 = tpu.vector_load %arg8[%get3A_278, %get3A_279] {strides = array<i32>} : memref<64x768xf32, #tpu.memory_space<vmem>>, vector<1x16xf32>,
      %get3A_281 = vector.shape_cast %get3A_280 : vector<1x16xf32> to vector<16xf32>
      %get3A_282 = arith.index_cast %scan3A_55 : i32 to index
      %get3A_283 = arith.constant 256 : index
      %get3A_284 = tpu.vector_load %arg7[%get3A_282, %get3A_283] {strides = array<i32>} : memref<64x768xf32, #tpu.memory_space<vmem>>, vector<1x16xf32>,
      %get3A_285 = vector.shape_cast %get3A_284 : vector<1x16xf32> to vector<16xf32>
      %add3A_286 = arith.addf %get3A_281, %get3A_285 : vector<16xf32>
      %swap3A_287 = arith.index_cast %scan3A_55 : i32 to index
      %swap3A_288 = arith.constant 256 : index
      %swap3A_289 = tpu.vector_load %arg8[%swap3A_287, %swap3A_288] {strides = array<i32>} : memref<64x768xf32, #tpu.memory_space<vmem>>, vector<1x16xf32>,
      %swap3A_290 = vector.shape_cast %swap3A_289 : vector<1x16xf32> to vector<16xf32>
      %swap3A_291 = vector.shape_cast %add3A_286 : vector<16xf32> to vector<1x16xf32>
      tpu.vector_store %arg8[%swap3A_287, %swap3A_288], %swap3A_291 {strides = array<i32>} : memref<64x768xf32, #tpu.memory_space<vmem>>, vector<1x16xf32>,
      %get3A_292 = arith.index_cast %scan3A_55 : i32 to index
      %get3A_293 = arith.constant 272 : index
      %get3A_294 = tpu.vector_load %arg8[%get3A_292, %get3A_293] {strides = array<i32>} : memref<64x768xf32, #tpu.memory_space<vmem>>, vector<1x16xf32>,
      %get3A_295 = vector.shape_cast %get3A_294 : vector<1x16xf32> to vector<16xf32>
      %get3A_296 = arith.index_cast %scan3A_55 : i32 to index
      %get3A_297 = arith.constant 272 : index
      %get3A_298 = tpu.vector_load %arg7[%get3A_296, %get3A_297] {strides = array<i32>} : memref<64x768xf32, #tpu.memory_space<vmem>>, vector<1x16xf32>,
      %get3A_299 = vector.shape_cast %get3A_298 : vector<1x16xf32> to vector<16xf32>
      %add3A_300 = arith.addf %get3A_295, %get3A_299 : vector<16xf32>
      %swap3A_301 = arith.index_cast %scan3A_55 : i32 to index
      %swap3A_302 = arith.constant 272 : index
      %swap3A_303 = tpu.vector_load %arg8[%swap3A_301, %swap3A_302] {strides = array<i32>} : memref<64x768xf32, #tpu.memory_space<vmem>>, vector<1x16xf32>,
      %swap3A_304 = vector.shape_cast %swap3A_303 : vector<1x16xf32> to vector<16xf32>
      %swap3A_305 = vector.shape_cast %add3A_300 : vector<16xf32> to vector<1x16xf32>
      tpu.vector_store %arg8[%swap3A_301, %swap3A_302], %swap3A_305 {strides = array<i32>} : memref<64x768xf32, #tpu.memory_space<vmem>>, vector<1x16xf32>,
      %get3A_306 = arith.index_cast %scan3A_55 : i32 to index
      %get3A_307 = arith.constant 288 : index
      %get3A_308 = tpu.vector_load %arg8[%get3A_306, %get3A_307] {strides = array<i32>} : memref<64x768xf32, #tpu.memory_space<vmem>>, vector<1x16xf32>,
      %get3A_309 = vector.shape_cast %get3A_308 : vector<1x16xf32> to vector<16xf32>
      %get3A_310 = arith.index_cast %scan3A_55 : i32 to index
      %get3A_311 = arith.constant 288 : index
      %get3A_312 = tpu.vector_load %arg7[%get3A_310, %get3A_311] {strides = array<i32>} : memref<64x768xf32, #tpu.memory_space<vmem>>, vector<1x16xf32>,
      %get3A_313 = vector.shape_cast %get3A_312 : vector<1x16xf32> to vector<16xf32>
      %add3A_314 = arith.addf %get3A_309, %get3A_313 : vector<16xf32>
      %swap3A_315 = arith.index_cast %scan3A_55 : i32 to index
      %swap3A_316 = arith.constant 288 : index
      %swap3A_317 = tpu.vector_load %arg8[%swap3A_315, %swap3A_316] {strides = array<i32>} : memref<64x768xf32, #tpu.memory_space<vmem>>, vector<1x16xf32>,
      %swap3A_318 = vector.shape_cast %swap3A_317 : vector<1x16xf32> to vector<16xf32>
      %swap3A_319 = vector.shape_cast %add3A_314 : vector<16xf32> to vector<1x16xf32>
      tpu.vector_store %arg8[%swap3A_315, %swap3A_316], %swap3A_319 {strides = array<i32>} : memref<64x768xf32, #tpu.memory_space<vmem>>, vector<1x16xf32>,
      %get3A_320 = arith.index_cast %scan3A_55 : i32 to index
      %get3A_321 = arith.constant 304 : index
      %get3A_322 = tpu.vector_load %arg8[%get3A_320, %get3A_321] {strides = array<i32>} : memref<64x768xf32, #tpu.memory_space<vmem>>, vector<1x16xf32>,
      %get3A_323 = vector.shape_cast %get3A_322 : vector<1x16xf32> to vector<16xf32>
      %get3A_324 = arith.index_cast %scan3A_55 : i32 to index
      %get3A_325 = arith.constant 304 : index
      %get3A_326 = tpu.vector_load %arg7[%get3A_324, %get3A_325] {strides = array<i32>} : memref<64x768xf32, #tpu.memory_space<vmem>>, vector<1x16xf32>,
      %get3A_327 = vector.shape_cast %get3A_326 : vector<1x16xf32> to vector<16xf32>
      %add3A_328 = arith.addf %get3A_323, %get3A_327 : vector<16xf32>
      %swap3A_329 = arith.index_cast %scan3A_55 : i32 to index
      %swap3A_330 = arith.constant 304 : index
      %swap3A_331 = tpu.vector_load %arg8[%swap3A_329, %swap3A_330] {strides = array<i32>} : memref<64x768xf32, #tpu.memory_space<vmem>>, vector<1x16xf32>,
      %swap3A_332 = vector.shape_cast %swap3A_331 : vector<1x16xf32> to vector<16xf32>
      %swap3A_333 = vector.shape_cast %add3A_328 : vector<16xf32> to vector<1x16xf32>
      tpu.vector_store %arg8[%swap3A_329, %swap3A_330], %swap3A_333 {strides = array<i32>} : memref<64x768xf32, #tpu.memory_space<vmem>>, vector<1x16xf32>,
      %get3A_334 = arith.index_cast %scan3A_55 : i32 to index
      %get3A_335 = arith.constant 320 : index
      %get3A_336 = tpu.vector_load %arg8[%get3A_334, %get3A_335] {strides = array<i32>} : memref<64x768xf32, #tpu.memory_space<vmem>>, vector<1x16xf32>,
      %get3A_337 = vector.shape_cast %get3A_336 : vector<1x16xf32> to vector<16xf32>
      %get3A_338 = arith.index_cast %scan3A_55 : i32 to index
      %get3A_339 = arith.constant 320 : index
      %get3A_340 = tpu.vector_load %arg7[%get3A_338, %get3A_339] {strides = array<i32>} : memref<64x768xf32, #tpu.memory_space<vmem>>, vector<1x16xf32>,
      %get3A_341 = vector.shape_cast %get3A_340 : vector<1x16xf32> to vector<16xf32>
      %add3A_342 = arith.addf %get3A_337, %get3A_341 : vector<16xf32>
      %swap3A_343 = arith.index_cast %scan3A_55 : i32 to index
      %swap3A_344 = arith.constant 320 : index
      %swap3A_345 = tpu.vector_load %arg8[%swap3A_343, %swap3A_344] {strides = array<i32>} : memref<64x768xf32, #tpu.memory_space<vmem>>, vector<1x16xf32>,
      %swap3A_346 = vector.shape_cast %swap3A_345 : vector<1x16xf32> to vector<16xf32>
      %swap3A_347 = vector.shape_cast %add3A_342 : vector<16xf32> to vector<1x16xf32>
      tpu.vector_store %arg8[%swap3A_343, %swap3A_344], %swap3A_347 {strides = array<i32>} : memref<64x768xf32, #tpu.memory_space<vmem>>, vector<1x16xf32>,
      %get3A_348 = arith.index_cast %scan3A_55 : i32 to index
      %get3A_349 = arith.constant 336 : index
      %get3A_350 = tpu.vector_load %arg8[%get3A_348, %get3A_349] {strides = array<i32>} : memref<64x768xf32, #tpu.memory_space<vmem>>, vector<1x16xf32>,
      %get3A_351 = vector.shape_cast %get3A_350 : vector<1x16xf32> to vector<16xf32>
      %get3A_352 = arith.index_cast %scan3A_55 : i32 to index
      %get3A_353 = arith.constant 336 : index
      %get3A_354 = tpu.vector_load %arg7[%get3A_352, %get3A_353] {strides = array<i32>} : memref<64x768xf32, #tpu.memory_space<vmem>>, vector<1x16xf32>,
      %get3A_355 = vector.shape_cast %get3A_354 : vector<1x16xf32> to vector<16xf32>
      %add3A_356 = arith.addf %get3A_351, %get3A_355 : vector<16xf32>
      %swap3A_357 = arith.index_cast %scan3A_55 : i32 to index
      %swap3A_358 = arith.constant 336 : index
      %swap3A_359 = tpu.vector_load %arg8[%swap3A_357, %swap3A_358] {strides = array<i32>} : memref<64x768xf32, #tpu.memory_space<vmem>>, vector<1x16xf32>,
      %swap3A_360 = vector.shape_cast %swap3A_359 : vector<1x16xf32> to vector<16xf32>
      %swap3A_361 = vector.shape_cast %add3A_356 : vector<16xf32> to vector<1x16xf32>
      tpu.vector_store %arg8[%swap3A_357, %swap3A_358], %swap3A_361 {strides = array<i32>} : memref<64x768xf32, #tpu.memory_space<vmem>>, vector<1x16xf32>,
      %get3A_362 = arith.index_cast %scan3A_55 : i32 to index
      %get3A_363 = arith.constant 352 : index
      %get3A_364 = tpu.vector_load %arg8[%get3A_362, %get3A_363] {strides = array<i32>} : memref<64x768xf32, #tpu.memory_space<vmem>>, vector<1x16xf32>,
      %get3A_365 = vector.shape_cast %get3A_364 : vector<1x16xf32> to vector<16xf32>
      %get3A_366 = arith.index_cast %scan3A_55 : i32 to index
      %get3A_367 = arith.constant 352 : index
      %get3A_368 = tpu.vector_load %arg7[%get3A_366, %get3A_367] {strides = array<i32>} : memref<64x768xf32, #tpu.memory_space<vmem>>, vector<1x16xf32>,
      %get3A_369 = vector.shape_cast %get3A_368 : vector<1x16xf32> to vector<16xf32>
      %add3A_370 = arith.addf %get3A_365, %get3A_369 : vector<16xf32>
      %swap3A_371 = arith.index_cast %scan3A_55 : i32 to index
      %swap3A_372 = arith.constant 352 : index
      %swap3A_373 = tpu.vector_load %arg8[%swap3A_371, %swap3A_372] {strides = array<i32>} : memref<64x768xf32, #tpu.memory_space<vmem>>, vector<1x16xf32>,
      %swap3A_374 = vector.shape_cast %swap3A_373 : vector<1x16xf32> to vector<16xf32>
      %swap3A_375 = vector.shape_cast %add3A_370 : vector<16xf32> to vector<1x16xf32>
      tpu.vector_store %arg8[%swap3A_371, %swap3A_372], %swap3A_375 {strides = array<i32>} : memref<64x768xf32, #tpu.memory_space<vmem>>, vector<1x16xf32>,
      %get3A_376 = arith.index_cast %scan3A_55 : i32 to index
      %get3A_377 = arith.constant 368 : index
      %get3A_378 = tpu.vector_load %arg8[%get3A_376, %get3A_377] {strides = array<i32>} : memref<64x768xf32, #tpu.memory_space<vmem>>, vector<1x16xf32>,
      %get3A_379 = vector.shape_cast %get3A_378 : vector<1x16xf32> to vector<16xf32>
      %get3A_380 = arith.index_cast %scan3A_55 : i32 to index
      %get3A_381 = arith.constant 368 : index
      %get3A_382 = tpu.vector_load %arg7[%get3A_380, %get3A_381] {strides = array<i32>} : memref<64x768xf32, #tpu.memory_space<vmem>>, vector<1x16xf32>,
      %get3A_383 = vector.shape_cast %get3A_382 : vector<1x16xf32> to vector<16xf32>
      %add3A_384 = arith.addf %get3A_379, %get3A_383 : vector<16xf32>
      %swap3A_385 = arith.index_cast %scan3A_55 : i32 to index
      %swap3A_386 = arith.constant 368 : index
      %swap3A_387 = tpu.vector_load %arg8[%swap3A_385, %swap3A_386] {strides = array<i32>} : memref<64x768xf32, #tpu.memory_space<vmem>>, vector<1x16xf32>,
      %swap3A_388 = vector.shape_cast %swap3A_387 : vector<1x16xf32> to vector<16xf32>
      %swap3A_389 = vector.shape_cast %add3A_384 : vector<16xf32> to vector<1x16xf32>
      tpu.vector_store %arg8[%swap3A_385, %swap3A_386], %swap3A_389 {strides = array<i32>} : memref<64x768xf32, #tpu.memory_space<vmem>>, vector<1x16xf32>,
      %get3A_390 = arith.index_cast %scan3A_55 : i32 to index
      %get3A_391 = arith.constant 384 : index
      %get3A_392 = tpu.vector_load %arg8[%get3A_390, %get3A_391] {strides = array<i32>} : memref<64x768xf32, #tpu.memory_space<vmem>>, vector<1x16xf32>,
      %get3A_393 = vector.shape_cast %get3A_392 : vector<1x16xf32> to vector<16xf32>
      %get3A_394 = arith.index_cast %scan3A_55 : i32 to index
      %get3A_395 = arith.constant 384 : index
      %get3A_396 = tpu.vector_load %arg7[%get3A_394, %get3A_395] {strides = array<i32>} : memref<64x768xf32, #tpu.memory_space<vmem>>, vector<1x16xf32>,
      %get3A_397 = vector.shape_cast %get3A_396 : vector<1x16xf32> to vector<16xf32>
      %add3A_398 = arith.addf %get3A_393, %get3A_397 : vector<16xf32>
      %swap3A_399 = arith.index_cast %scan3A_55 : i32 to index
      %swap3A_400 = arith.constant 384 : index
      %swap3A_401 = tpu.vector_load %arg8[%swap3A_399, %swap3A_400] {strides = array<i32>} : memref<64x768xf32, #tpu.memory_space<vmem>>, vector<1x16xf32>,
      %swap3A_402 = vector.shape_cast %swap3A_401 : vector<1x16xf32> to vector<16xf32>
      %swap3A_403 = vector.shape_cast %add3A_398 : vector<16xf32> to vector<1x16xf32>
      tpu.vector_store %arg8[%swap3A_399, %swap3A_400], %swap3A_403 {strides = array<i32>} : memref<64x768xf32, #tpu.memory_space<vmem>>, vector<1x16xf32>,
      %get3A_404 = arith.index_cast %scan3A_55 : i32 to index
      %get3A_405 = arith.constant 400 : index
      %get3A_406 = tpu.vector_load %arg8[%get3A_404, %get3A_405] {strides = array<i32>} : memref<64x768xf32, #tpu.memory_space<vmem>>, vector<1x16xf32>,
      %get3A_407 = vector.shape_cast %get3A_406 : vector<1x16xf32> to vector<16xf32>
      %get3A_408 = arith.index_cast %scan3A_55 : i32 to index
      %get3A_409 = arith.constant 400 : index
      %get3A_410 = tpu.vector_load %arg7[%get3A_408, %get3A_409] {strides = array<i32>} : memref<64x768xf32, #tpu.memory_space<vmem>>, vector<1x16xf32>,
      %get3A_411 = vector.shape_cast %get3A_410 : vector<1x16xf32> to vector<16xf32>
      %add3A_412 = arith.addf %get3A_407, %get3A_411 : vector<16xf32>
      %swap3A_413 = arith.index_cast %scan3A_55 : i32 to index
      %swap3A_414 = arith.constant 400 : index
      %swap3A_415 = tpu.vector_load %arg8[%swap3A_413, %swap3A_414] {strides = array<i32>} : memref<64x768xf32, #tpu.memory_space<vmem>>, vector<1x16xf32>,
      %swap3A_416 = vector.shape_cast %swap3A_415 : vector<1x16xf32> to vector<16xf32>
      %swap3A_417 = vector.shape_cast %add3A_412 : vector<16xf32> to vector<1x16xf32>
      tpu.vector_store %arg8[%swap3A_413, %swap3A_414], %swap3A_417 {strides = array<i32>} : memref<64x768xf32, #tpu.memory_space<vmem>>, vector<1x16xf32>,
      %get3A_418 = arith.index_cast %scan3A_55 : i32 to index
      %get3A_419 = arith.constant 416 : index
      %get3A_420 = tpu.vector_load %arg8[%get3A_418, %get3A_419] {strides = array<i32>} : memref<64x768xf32, #tpu.memory_space<vmem>>, vector<1x16xf32>,
      %get3A_421 = vector.shape_cast %get3A_420 : vector<1x16xf32> to vector<16xf32>
      %get3A_422 = arith.index_cast %scan3A_55 : i32 to index
      %get3A_423 = arith.constant 416 : index
      %get3A_424 = tpu.vector_load %arg7[%get3A_422, %get3A_423] {strides = array<i32>} : memref<64x768xf32, #tpu.memory_space<vmem>>, vector<1x16xf32>,
      %get3A_425 = vector.shape_cast %get3A_424 : vector<1x16xf32> to vector<16xf32>
      %add3A_426 = arith.addf %get3A_421, %get3A_425 : vector<16xf32>
      %swap3A_427 = arith.index_cast %scan3A_55 : i32 to index
      %swap3A_428 = arith.constant 416 : index
      %swap3A_429 = tpu.vector_load %arg8[%swap3A_427, %swap3A_428] {strides = array<i32>} : memref<64x768xf32, #tpu.memory_space<vmem>>, vector<1x16xf32>,
      %swap3A_430 = vector.shape_cast %swap3A_429 : vector<1x16xf32> to vector<16xf32>
      %swap3A_431 = vector.shape_cast %add3A_426 : vector<16xf32> to vector<1x16xf32>
      tpu.vector_store %arg8[%swap3A_427, %swap3A_428], %swap3A_431 {strides = array<i32>} : memref<64x768xf32, #tpu.memory_space<vmem>>, vector<1x16xf32>,
      %get3A_432 = arith.index_cast %scan3A_55 : i32 to index
      %get3A_433 = arith.constant 432 : index
      %get3A_434 = tpu.vector_load %arg8[%get3A_432, %get3A_433] {strides = array<i32>} : memref<64x768xf32, #tpu.memory_space<vmem>>, vector<1x16xf32>,
      %get3A_435 = vector.shape_cast %get3A_434 : vector<1x16xf32> to vector<16xf32>
      %get3A_436 = arith.index_cast %scan3A_55 : i32 to index
      %get3A_437 = arith.constant 432 : index
      %get3A_438 = tpu.vector_load %arg7[%get3A_436, %get3A_437] {strides = array<i32>} : memref<64x768xf32, #tpu.memory_space<vmem>>, vector<1x16xf32>,
      %get3A_439 = vector.shape_cast %get3A_438 : vector<1x16xf32> to vector<16xf32>
      %add3A_440 = arith.addf %get3A_435, %get3A_439 : vector<16xf32>
      %swap3A_441 = arith.index_cast %scan3A_55 : i32 to index
      %swap3A_442 = arith.constant 432 : index
      %swap3A_443 = tpu.vector_load %arg8[%swap3A_441, %swap3A_442] {strides = array<i32>} : memref<64x768xf32, #tpu.memory_space<vmem>>, vector<1x16xf32>,
      %swap3A_444 = vector.shape_cast %swap3A_443 : vector<1x16xf32> to vector<16xf32>
      %swap3A_445 = vector.shape_cast %add3A_440 : vector<16xf32> to vector<1x16xf32>
      tpu.vector_store %arg8[%swap3A_441, %swap3A_442], %swap3A_445 {strides = array<i32>} : memref<64x768xf32, #tpu.memory_space<vmem>>, vector<1x16xf32>,
      %get3A_446 = arith.index_cast %scan3A_55 : i32 to index
      %get3A_447 = arith.constant 448 : index
      %get3A_448 = tpu.vector_load %arg8[%get3A_446, %get3A_447] {strides = array<i32>} : memref<64x768xf32, #tpu.memory_space<vmem>>, vector<1x16xf32>,
      %get3A_449 = vector.shape_cast %get3A_448 : vector<1x16xf32> to vector<16xf32>
      %get3A_450 = arith.index_cast %scan3A_55 : i32 to index
      %get3A_451 = arith.constant 448 : index
      %get3A_452 = tpu.vector_load %arg7[%get3A_450, %get3A_451] {strides = array<i32>} : memref<64x768xf32, #tpu.memory_space<vmem>>, vector<1x16xf32>,
      %get3A_453 = vector.shape_cast %get3A_452 : vector<1x16xf32> to vector<16xf32>
      %add3A_454 = arith.addf %get3A_449, %get3A_453 : vector<16xf32>
      %swap3A_455 = arith.index_cast %scan3A_55 : i32 to index
      %swap3A_456 = arith.constant 448 : index
      %swap3A_457 = tpu.vector_load %arg8[%swap3A_455, %swap3A_456] {strides = array<i32>} : memref<64x768xf32, #tpu.memory_space<vmem>>, vector<1x16xf32>,
      %swap3A_458 = vector.shape_cast %swap3A_457 : vector<1x16xf32> to vector<16xf32>
      %swap3A_459 = vector.shape_cast %add3A_454 : vector<16xf32> to vector<1x16xf32>
      tpu.vector_store %arg8[%swap3A_455, %swap3A_456], %swap3A_459 {strides = array<i32>} : memref<64x768xf32, #tpu.memory_space<vmem>>, vector<1x16xf32>,
      %get3A_460 = arith.index_cast %scan3A_55 : i32 to index
      %get3A_461 = arith.constant 464 : index
      %get3A_462 = tpu.vector_load %arg8[%get3A_460, %get3A_461] {strides = array<i32>} : memref<64x768xf32, #tpu.memory_space<vmem>>, vector<1x16xf32>,
      %get3A_463 = vector.shape_cast %get3A_462 : vector<1x16xf32> to vector<16xf32>
      %get3A_464 = arith.index_cast %scan3A_55 : i32 to index
      %get3A_465 = arith.constant 464 : index
      %get3A_466 = tpu.vector_load %arg7[%get3A_464, %get3A_465] {strides = array<i32>} : memref<64x768xf32, #tpu.memory_space<vmem>>, vector<1x16xf32>,
      %get3A_467 = vector.shape_cast %get3A_466 : vector<1x16xf32> to vector<16xf32>
      %add3A_468 = arith.addf %get3A_463, %get3A_467 : vector<16xf32>
      %swap3A_469 = arith.index_cast %scan3A_55 : i32 to index
      %swap3A_470 = arith.constant 464 : index
      %swap3A_471 = tpu.vector_load %arg8[%swap3A_469, %swap3A_470] {strides = array<i32>} : memref<64x768xf32, #tpu.memory_space<vmem>>, vector<1x16xf32>,
      %swap3A_472 = vector.shape_cast %swap3A_471 : vector<1x16xf32> to vector<16xf32>
      %swap3A_473 = vector.shape_cast %add3A_468 : vector<16xf32> to vector<1x16xf32>
      tpu.vector_store %arg8[%swap3A_469, %swap3A_470], %swap3A_473 {strides = array<i32>} : memref<64x768xf32, #tpu.memory_space<vmem>>, vector<1x16xf32>,
      %get3A_474 = arith.index_cast %scan3A_55 : i32 to index
      %get3A_475 = arith.constant 480 : index
      %get3A_476 = tpu.vector_load %arg8[%get3A_474, %get3A_475] {strides = array<i32>} : memref<64x768xf32, #tpu.memory_space<vmem>>, vector<1x16xf32>,
      %get3A_477 = vector.shape_cast %get3A_476 : vector<1x16xf32> to vector<16xf32>
      %get3A_478 = arith.index_cast %scan3A_55 : i32 to index
      %get3A_479 = arith.constant 480 : index
      %get3A_480 = tpu.vector_load %arg7[%get3A_478, %get3A_479] {strides = array<i32>} : memref<64x768xf32, #tpu.memory_space<vmem>>, vector<1x16xf32>,
      %get3A_481 = vector.shape_cast %get3A_480 : vector<1x16xf32> to vector<16xf32>
      %add3A_482 = arith.addf %get3A_477, %get3A_481 : vector<16xf32>
      %swap3A_483 = arith.index_cast %scan3A_55 : i32 to index
      %swap3A_484 = arith.constant 480 : index
      %swap3A_485 = tpu.vector_load %arg8[%swap3A_483, %swap3A_484] {strides = array<i32>} : memref<64x768xf32, #tpu.memory_space<vmem>>, vector<1x16xf32>,
      %swap3A_486 = vector.shape_cast %swap3A_485 : vector<1x16xf32> to vector<16xf32>
      %swap3A_487 = vector.shape_cast %add3A_482 : vector<16xf32> to vector<1x16xf32>
      tpu.vector_store %arg8[%swap3A_483, %swap3A_484], %swap3A_487 {strides = array<i32>} : memref<64x768xf32, #tpu.memory_space<vmem>>, vector<1x16xf32>,
      %get3A_488 = arith.index_cast %scan3A_55 : i32 to index
      %get3A_489 = arith.constant 496 : index
      %get3A_490 = tpu.vector_load %arg8[%get3A_488, %get3A_489] {strides = array<i32>} : memref<64x768xf32, #tpu.memory_space<vmem>>, vector<1x16xf32>,
      %get3A_491 = vector.shape_cast %get3A_490 : vector<1x16xf32> to vector<16xf32>
      %get3A_492 = arith.index_cast %scan3A_55 : i32 to index
      %get3A_493 = arith.constant 496 : index
      %get3A_494 = tpu.vector_load %arg7[%get3A_492, %get3A_493] {strides = array<i32>} : memref<64x768xf32, #tpu.memory_space<vmem>>, vector<1x16xf32>,
      %get3A_495 = vector.shape_cast %get3A_494 : vector<1x16xf32> to vector<16xf32>
      %add3A_496 = arith.addf %get3A_491, %get3A_495 : vector<16xf32>
      %swap3A_497 = arith.index_cast %scan3A_55 : i32 to index
      %swap3A_498 = arith.constant 496 : index
      %swap3A_499 = tpu.vector_load %arg8[%swap3A_497, %swap3A_498] {strides = array<i32>} : memref<64x768xf32, #tpu.memory_space<vmem>>, vector<1x16xf32>,
      %swap3A_500 = vector.shape_cast %swap3A_499 : vector<1x16xf32> to vector<16xf32>
      %swap3A_501 = vector.shape_cast %add3A_496 : vector<16xf32> to vector<1x16xf32>
      tpu.vector_store %arg8[%swap3A_497, %swap3A_498], %swap3A_501 {strides = array<i32>} : memref<64x768xf32, #tpu.memory_space<vmem>>, vector<1x16xf32>,
      %get3A_502 = arith.index_cast %scan3A_55 : i32 to index
      %get3A_503 = arith.constant 512 : index
      %get3A_504 = tpu.vector_load %arg8[%get3A_502, %get3A_503] {strides = array<i32>} : memref<64x768xf32, #tpu.memory_space<vmem>>, vector<1x16xf32>,
      %get3A_505 = vector.shape_cast %get3A_504 : vector<1x16xf32> to vector<16xf32>
      %get3A_506 = arith.index_cast %scan3A_55 : i32 to index
      %get3A_507 = arith.constant 512 : index
      %get3A_508 = tpu.vector_load %arg7[%get3A_506, %get3A_507] {strides = array<i32>} : memref<64x768xf32, #tpu.memory_space<vmem>>, vector<1x16xf32>,
      %get3A_509 = vector.shape_cast %get3A_508 : vector<1x16xf32> to vector<16xf32>
      %add3A_510 = arith.addf %get3A_505, %get3A_509 : vector<16xf32>
      %swap3A_511 = arith.index_cast %scan3A_55 : i32 to index
      %swap3A_512 = arith.constant 512 : index
      %swap3A_513 = tpu.vector_load %arg8[%swap3A_511, %swap3A_512] {strides = array<i32>} : memref<64x768xf32, #tpu.memory_space<vmem>>, vector<1x16xf32>,
      %swap3A_514 = vector.shape_cast %swap3A_513 : vector<1x16xf32> to vector<16xf32>
      %swap3A_515 = vector.shape_cast %add3A_510 : vector<16xf32> to vector<1x16xf32>
      tpu.vector_store %arg8[%swap3A_511, %swap3A_512], %swap3A_515 {strides = array<i32>} : memref<64x768xf32, #tpu.memory_space<vmem>>, vector<1x16xf32>,
      %get3A_516 = arith.index_cast %scan3A_55 : i32 to index
      %get3A_517 = arith.constant 528 : index
      %get3A_518 = tpu.vector_load %arg8[%get3A_516, %get3A_517] {strides = array<i32>} : memref<64x768xf32, #tpu.memory_space<vmem>>, vector<1x16xf32>,
      %get3A_519 = vector.shape_cast %get3A_518 : vector<1x16xf32> to vector<16xf32>
      %get3A_520 = arith.index_cast %scan3A_55 : i32 to index
      %get3A_521 = arith.constant 528 : index
      %get3A_522 = tpu.vector_load %arg7[%get3A_520, %get3A_521] {strides = array<i32>} : memref<64x768xf32, #tpu.memory_space<vmem>>, vector<1x16xf32>,
      %get3A_523 = vector.shape_cast %get3A_522 : vector<1x16xf32> to vector<16xf32>
      %add3A_524 = arith.addf %get3A_519, %get3A_523 : vector<16xf32>
      %swap3A_525 = arith.index_cast %scan3A_55 : i32 to index
      %swap3A_526 = arith.constant 528 : index
      %swap3A_527 = tpu.vector_load %arg8[%swap3A_525, %swap3A_526] {strides = array<i32>} : memref<64x768xf32, #tpu.memory_space<vmem>>, vector<1x16xf32>,
      %swap3A_528 = vector.shape_cast %swap3A_527 : vector<1x16xf32> to vector<16xf32>
      %swap3A_529 = vector.shape_cast %add3A_524 : vector<16xf32> to vector<1x16xf32>
      tpu.vector_store %arg8[%swap3A_525, %swap3A_526], %swap3A_529 {strides = array<i32>} : memref<64x768xf32, #tpu.memory_space<vmem>>, vector<1x16xf32>,
      %get3A_530 = arith.index_cast %scan3A_55 : i32 to index
      %get3A_531 = arith.constant 544 : index
      %get3A_532 = tpu.vector_load %arg8[%get3A_530, %get3A_531] {strides = array<i32>} : memref<64x768xf32, #tpu.memory_space<vmem>>, vector<1x16xf32>,
      %get3A_533 = vector.shape_cast %get3A_532 : vector<1x16xf32> to vector<16xf32>
      %get3A_534 = arith.index_cast %scan3A_55 : i32 to index
      %get3A_535 = arith.constant 544 : index
      %get3A_536 = tpu.vector_load %arg7[%get3A_534, %get3A_535] {strides = array<i32>} : memref<64x768xf32, #tpu.memory_space<vmem>>, vector<1x16xf32>,
      %get3A_537 = vector.shape_cast %get3A_536 : vector<1x16xf32> to vector<16xf32>
      %add3A_538 = arith.addf %get3A_533, %get3A_537 : vector<16xf32>
      %swap3A_539 = arith.index_cast %scan3A_55 : i32 to index
      %swap3A_540 = arith.constant 544 : index
      %swap3A_541 = tpu.vector_load %arg8[%swap3A_539, %swap3A_540] {strides = array<i32>} : memref<64x768xf32, #tpu.memory_space<vmem>>, vector<1x16xf32>,
      %swap3A_542 = vector.shape_cast %swap3A_541 : vector<1x16xf32> to vector<16xf32>
      %swap3A_543 = vector.shape_cast %add3A_538 : vector<16xf32> to vector<1x16xf32>
      tpu.vector_store %arg8[%swap3A_539, %swap3A_540], %swap3A_543 {strides = array<i32>} : memref<64x768xf32, #tpu.memory_space<vmem>>, vector<1x16xf32>,
      %get3A_544 = arith.index_cast %scan3A_55 : i32 to index
      %get3A_545 = arith.constant 560 : index
      %get3A_546 = tpu.vector_load %arg8[%get3A_544, %get3A_545] {strides = array<i32>} : memref<64x768xf32, #tpu.memory_space<vmem>>, vector<1x16xf32>,
      %get3A_547 = vector.shape_cast %get3A_546 : vector<1x16xf32> to vector<16xf32>
      %get3A_548 = arith.index_cast %scan3A_55 : i32 to index
      %get3A_549 = arith.constant 560 : index
      %get3A_550 = tpu.vector_load %arg7[%get3A_548, %get3A_549] {strides = array<i32>} : memref<64x768xf32, #tpu.memory_space<vmem>>, vector<1x16xf32>,
      %get3A_551 = vector.shape_cast %get3A_550 : vector<1x16xf32> to vector<16xf32>
      %add3A_552 = arith.addf %get3A_547, %get3A_551 : vector<16xf32>
      %swap3A_553 = arith.index_cast %scan3A_55 : i32 to index
      %swap3A_554 = arith.constant 560 : index
      %swap3A_555 = tpu.vector_load %arg8[%swap3A_553, %swap3A_554] {strides = array<i32>} : memref<64x768xf32, #tpu.memory_space<vmem>>, vector<1x16xf32>,
      %swap3A_556 = vector.shape_cast %swap3A_555 : vector<1x16xf32> to vector<16xf32>
      %swap3A_557 = vector.shape_cast %add3A_552 : vector<16xf32> to vector<1x16xf32>
      tpu.vector_store %arg8[%swap3A_553, %swap3A_554], %swap3A_557 {strides = array<i32>} : memref<64x768xf32, #tpu.memory_space<vmem>>, vector<1x16xf32>,
      %get3A_558 = arith.index_cast %scan3A_55 : i32 to index
      %get3A_559 = arith.constant 576 : index
      %get3A_560 = tpu.vector_load %arg8[%get3A_558, %get3A_559] {strides = array<i32>} : memref<64x768xf32, #tpu.memory_space<vmem>>, vector<1x16xf32>,
      %get3A_561 = vector.shape_cast %get3A_560 : vector<1x16xf32> to vector<16xf32>
      %get3A_562 = arith.index_cast %scan3A_55 : i32 to index
      %get3A_563 = arith.constant 576 : index
      %get3A_564 = tpu.vector_load %arg7[%get3A_562, %get3A_563] {strides = array<i32>} : memref<64x768xf32, #tpu.memory_space<vmem>>, vector<1x16xf32>,
      %get3A_565 = vector.shape_cast %get3A_564 : vector<1x16xf32> to vector<16xf32>
      %add3A_566 = arith.addf %get3A_561, %get3A_565 : vector<16xf32>
      %swap3A_567 = arith.index_cast %scan3A_55 : i32 to index
      %swap3A_568 = arith.constant 576 : index
      %swap3A_569 = tpu.vector_load %arg8[%swap3A_567, %swap3A_568] {strides = array<i32>} : memref<64x768xf32, #tpu.memory_space<vmem>>, vector<1x16xf32>,
      %swap3A_570 = vector.shape_cast %swap3A_569 : vector<1x16xf32> to vector<16xf32>
      %swap3A_571 = vector.shape_cast %add3A_566 : vector<16xf32> to vector<1x16xf32>
      tpu.vector_store %arg8[%swap3A_567, %swap3A_568], %swap3A_571 {strides = array<i32>} : memref<64x768xf32, #tpu.memory_space<vmem>>, vector<1x16xf32>,
      %get3A_572 = arith.index_cast %scan3A_55 : i32 to index
      %get3A_573 = arith.constant 592 : index
      %get3A_574 = tpu.vector_load %arg8[%get3A_572, %get3A_573] {strides = array<i32>} : memref<64x768xf32, #tpu.memory_space<vmem>>, vector<1x16xf32>,
      %get3A_575 = vector.shape_cast %get3A_574 : vector<1x16xf32> to vector<16xf32>
      %get3A_576 = arith.index_cast %scan3A_55 : i32 to index
      %get3A_577 = arith.constant 592 : index
      %get3A_578 = tpu.vector_load %arg7[%get3A_576, %get3A_577] {strides = array<i32>} : memref<64x768xf32, #tpu.memory_space<vmem>>, vector<1x16xf32>,
      %get3A_579 = vector.shape_cast %get3A_578 : vector<1x16xf32> to vector<16xf32>
      %add3A_580 = arith.addf %get3A_575, %get3A_579 : vector<16xf32>
      %swap3A_581 = arith.index_cast %scan3A_55 : i32 to index
      %swap3A_582 = arith.constant 592 : index
      %swap3A_583 = tpu.vector_load %arg8[%swap3A_581, %swap3A_582] {strides = array<i32>} : memref<64x768xf32, #tpu.memory_space<vmem>>, vector<1x16xf32>,
      %swap3A_584 = vector.shape_cast %swap3A_583 : vector<1x16xf32> to vector<16xf32>
      %swap3A_585 = vector.shape_cast %add3A_580 : vector<16xf32> to vector<1x16xf32>
      tpu.vector_store %arg8[%swap3A_581, %swap3A_582], %swap3A_585 {strides = array<i32>} : memref<64x768xf32, #tpu.memory_space<vmem>>, vector<1x16xf32>,
      %get3A_586 = arith.index_cast %scan3A_55 : i32 to index
      %get3A_587 = arith.constant 608 : index
      %get3A_588 = tpu.vector_load %arg8[%get3A_586, %get3A_587] {strides = array<i32>} : memref<64x768xf32, #tpu.memory_space<vmem>>, vector<1x16xf32>,
      %get3A_589 = vector.shape_cast %get3A_588 : vector<1x16xf32> to vector<16xf32>
      %get3A_590 = arith.index_cast %scan3A_55 : i32 to index
      %get3A_591 = arith.constant 608 : index
      %get3A_592 = tpu.vector_load %arg7[%get3A_590, %get3A_591] {strides = array<i32>} : memref<64x768xf32, #tpu.memory_space<vmem>>, vector<1x16xf32>,
      %get3A_593 = vector.shape_cast %get3A_592 : vector<1x16xf32> to vector<16xf32>
      %add3A_594 = arith.addf %get3A_589, %get3A_593 : vector<16xf32>
      %swap3A_595 = arith.index_cast %scan3A_55 : i32 to index
      %swap3A_596 = arith.constant 608 : index
      %swap3A_597 = tpu.vector_load %arg8[%swap3A_595, %swap3A_596] {strides = array<i32>} : memref<64x768xf32, #tpu.memory_space<vmem>>, vector<1x16xf32>,
      %swap3A_598 = vector.shape_cast %swap3A_597 : vector<1x16xf32> to vector<16xf32>
      %swap3A_599 = vector.shape_cast %add3A_594 : vector<16xf32> to vector<1x16xf32>
      tpu.vector_store %arg8[%swap3A_595, %swap3A_596], %swap3A_599 {strides = array<i32>} : memref<64x768xf32, #tpu.memory_space<vmem>>, vector<1x16xf32>,
      %get3A_600 = arith.index_cast %scan3A_55 : i32 to index
      %get3A_601 = arith.constant 624 : index
      %get3A_602 = tpu.vector_load %arg8[%get3A_600, %get3A_601] {strides = array<i32>} : memref<64x768xf32, #tpu.memory_space<vmem>>, vector<1x16xf32>,
      %get3A_603 = vector.shape_cast %get3A_602 : vector<1x16xf32> to vector<16xf32>
      %get3A_604 = arith.index_cast %scan3A_55 : i32 to index
      %get3A_605 = arith.constant 624 : index
      %get3A_606 = tpu.vector_load %arg7[%get3A_604, %get3A_605] {strides = array<i32>} : memref<64x768xf32, #tpu.memory_space<vmem>>, vector<1x16xf32>,
      %get3A_607 = vector.shape_cast %get3A_606 : vector<1x16xf32> to vector<16xf32>
      %add3A_608 = arith.addf %get3A_603, %get3A_607 : vector<16xf32>
      %swap3A_609 = arith.index_cast %scan3A_55 : i32 to index
      %swap3A_610 = arith.constant 624 : index
      %swap3A_611 = tpu.vector_load %arg8[%swap3A_609, %swap3A_610] {strides = array<i32>} : memref<64x768xf32, #tpu.memory_space<vmem>>, vector<1x16xf32>,
      %swap3A_612 = vector.shape_cast %swap3A_611 : vector<1x16xf32> to vector<16xf32>
      %swap3A_613 = vector.shape_cast %add3A_608 : vector<16xf32> to vector<1x16xf32>
      tpu.vector_store %arg8[%swap3A_609, %swap3A_610], %swap3A_613 {strides = array<i32>} : memref<64x768xf32, #tpu.memory_space<vmem>>, vector<1x16xf32>,
      %get3A_614 = arith.index_cast %scan3A_55 : i32 to index
      %get3A_615 = arith.constant 640 : index
      %get3A_616 = tpu.vector_load %arg8[%get3A_614, %get3A_615] {strides = array<i32>} : memref<64x768xf32, #tpu.memory_space<vmem>>, vector<1x16xf32>,
      %get3A_617 = vector.shape_cast %get3A_616 : vector<1x16xf32> to vector<16xf32>
      %get3A_618 = arith.index_cast %scan3A_55 : i32 to index
      %get3A_619 = arith.constant 640 : index
      %get3A_620 = tpu.vector_load %arg7[%get3A_618, %get3A_619] {strides = array<i32>} : memref<64x768xf32, #tpu.memory_space<vmem>>, vector<1x16xf32>,
      %get3A_621 = vector.shape_cast %get3A_620 : vector<1x16xf32> to vector<16xf32>
      %add3A_622 = arith.addf %get3A_617, %get3A_621 : vector<16xf32>
      %swap3A_623 = arith.index_cast %scan3A_55 : i32 to index
      %swap3A_624 = arith.constant 640 : index
      %swap3A_625 = tpu.vector_load %arg8[%swap3A_623, %swap3A_624] {strides = array<i32>} : memref<64x768xf32, #tpu.memory_space<vmem>>, vector<1x16xf32>,
      %swap3A_626 = vector.shape_cast %swap3A_625 : vector<1x16xf32> to vector<16xf32>
      %swap3A_627 = vector.shape_cast %add3A_622 : vector<16xf32> to vector<1x16xf32>
      tpu.vector_store %arg8[%swap3A_623, %swap3A_624], %swap3A_627 {strides = array<i32>} : memref<64x768xf32, #tpu.memory_space<vmem>>, vector<1x16xf32>,
      %get3A_628 = arith.index_cast %scan3A_55 : i32 to index
      %get3A_629 = arith.constant 656 : index
      %get3A_630 = tpu.vector_load %arg8[%get3A_628, %get3A_629] {strides = array<i32>} : memref<64x768xf32, #tpu.memory_space<vmem>>, vector<1x16xf32>,
      %get3A_631 = vector.shape_cast %get3A_630 : vector<1x16xf32> to vector<16xf32>
      %get3A_632 = arith.index_cast %scan3A_55 : i32 to index
      %get3A_633 = arith.constant 656 : index
      %get3A_634 = tpu.vector_load %arg7[%get3A_632, %get3A_633] {strides = array<i32>} : memref<64x768xf32, #tpu.memory_space<vmem>>, vector<1x16xf32>,
      %get3A_635 = vector.shape_cast %get3A_634 : vector<1x16xf32> to vector<16xf32>
      %add3A_636 = arith.addf %get3A_631, %get3A_635 : vector<16xf32>
      %swap3A_637 = arith.index_cast %scan3A_55 : i32 to index
      %swap3A_638 = arith.constant 656 : index
      %swap3A_639 = tpu.vector_load %arg8[%swap3A_637, %swap3A_638] {strides = array<i32>} : memref<64x768xf32, #tpu.memory_space<vmem>>, vector<1x16xf32>,
      %swap3A_640 = vector.shape_cast %swap3A_639 : vector<1x16xf32> to vector<16xf32>
      %swap3A_641 = vector.shape_cast %add3A_636 : vector<16xf32> to vector<1x16xf32>
      tpu.vector_store %arg8[%swap3A_637, %swap3A_638], %swap3A_641 {strides = array<i32>} : memref<64x768xf32, #tpu.memory_space<vmem>>, vector<1x16xf32>,
      %get3A_642 = arith.index_cast %scan3A_55 : i32 to index
      %get3A_643 = arith.constant 672 : index
      %get3A_644 = tpu.vector_load %arg8[%get3A_642, %get3A_643] {strides = array<i32>} : memref<64x768xf32, #tpu.memory_space<vmem>>, vector<1x16xf32>,
      %get3A_645 = vector.shape_cast %get3A_644 : vector<1x16xf32> to vector<16xf32>
      %get3A_646 = arith.index_cast %scan3A_55 : i32 to index
      %get3A_647 = arith.constant 672 : index
      %get3A_648 = tpu.vector_load %arg7[%get3A_646, %get3A_647] {strides = array<i32>} : memref<64x768xf32, #tpu.memory_space<vmem>>, vector<1x16xf32>,
      %get3A_649 = vector.shape_cast %get3A_648 : vector<1x16xf32> to vector<16xf32>
      %add3A_650 = arith.addf %get3A_645, %get3A_649 : vector<16xf32>
      %swap3A_651 = arith.index_cast %scan3A_55 : i32 to index
      %swap3A_652 = arith.constant 672 : index
      %swap3A_653 = tpu.vector_load %arg8[%swap3A_651, %swap3A_652] {strides = array<i32>} : memref<64x768xf32, #tpu.memory_space<vmem>>, vector<1x16xf32>,
      %swap3A_654 = vector.shape_cast %swap3A_653 : vector<1x16xf32> to vector<16xf32>
      %swap3A_655 = vector.shape_cast %add3A_650 : vector<16xf32> to vector<1x16xf32>
      tpu.vector_store %arg8[%swap3A_651, %swap3A_652], %swap3A_655 {strides = array<i32>} : memref<64x768xf32, #tpu.memory_space<vmem>>, vector<1x16xf32>,
      %get3A_656 = arith.index_cast %scan3A_55 : i32 to index
      %get3A_657 = arith.constant 688 : index
      %get3A_658 = tpu.vector_load %arg8[%get3A_656, %get3A_657] {strides = array<i32>} : memref<64x768xf32, #tpu.memory_space<vmem>>, vector<1x16xf32>,
      %get3A_659 = vector.shape_cast %get3A_658 : vector<1x16xf32> to vector<16xf32>
      %get3A_660 = arith.index_cast %scan3A_55 : i32 to index
      %get3A_661 = arith.constant 688 : index
      %get3A_662 = tpu.vector_load %arg7[%get3A_660, %get3A_661] {strides = array<i32>} : memref<64x768xf32, #tpu.memory_space<vmem>>, vector<1x16xf32>,
      %get3A_663 = vector.shape_cast %get3A_662 : vector<1x16xf32> to vector<16xf32>
      %add3A_664 = arith.addf %get3A_659, %get3A_663 : vector<16xf32>
      %swap3A_665 = arith.index_cast %scan3A_55 : i32 to index
      %swap3A_666 = arith.constant 688 : index
      %swap3A_667 = tpu.vector_load %arg8[%swap3A_665, %swap3A_666] {strides = array<i32>} : memref<64x768xf32, #tpu.memory_space<vmem>>, vector<1x16xf32>,
      %swap3A_668 = vector.shape_cast %swap3A_667 : vector<1x16xf32> to vector<16xf32>
      %swap3A_669 = vector.shape_cast %add3A_664 : vector<16xf32> to vector<1x16xf32>
      tpu.vector_store %arg8[%swap3A_665, %swap3A_666], %swap3A_669 {strides = array<i32>} : memref<64x768xf32, #tpu.memory_space<vmem>>, vector<1x16xf32>,
      %get3A_670 = arith.index_cast %scan3A_55 : i32 to index
      %get3A_671 = arith.constant 704 : index
      %get3A_672 = tpu.vector_load %arg8[%get3A_670, %get3A_671] {strides = array<i32>} : memref<64x768xf32, #tpu.memory_space<vmem>>, vector<1x16xf32>,
      %get3A_673 = vector.shape_cast %get3A_672 : vector<1x16xf32> to vector<16xf32>
      %get3A_674 = arith.index_cast %scan3A_55 : i32 to index
      %get3A_675 = arith.constant 704 : index
      %get3A_676 = tpu.vector_load %arg7[%get3A_674, %get3A_675] {strides = array<i32>} : memref<64x768xf32, #tpu.memory_space<vmem>>, vector<1x16xf32>,
      %get3A_677 = vector.shape_cast %get3A_676 : vector<1x16xf32> to vector<16xf32>
      %add3A_678 = arith.addf %get3A_673, %get3A_677 : vector<16xf32>
      %swap3A_679 = arith.index_cast %scan3A_55 : i32 to index
      %swap3A_680 = arith.constant 704 : index
      %swap3A_681 = tpu.vector_load %arg8[%swap3A_679, %swap3A_680] {strides = array<i32>} : memref<64x768xf32, #tpu.memory_space<vmem>>, vector<1x16xf32>,
      %swap3A_682 = vector.shape_cast %swap3A_681 : vector<1x16xf32> to vector<16xf32>
      %swap3A_683 = vector.shape_cast %add3A_678 : vector<16xf32> to vector<1x16xf32>
      tpu.vector_store %arg8[%swap3A_679, %swap3A_680], %swap3A_683 {strides = array<i32>} : memref<64x768xf32, #tpu.memory_space<vmem>>, vector<1x16xf32>,
      %get3A_684 = arith.index_cast %scan3A_55 : i32 to index
      %get3A_685 = arith.constant 720 : index
      %get3A_686 = tpu.vector_load %arg8[%get3A_684, %get3A_685] {strides = array<i32>} : memref<64x768xf32, #tpu.memory_space<vmem>>, vector<1x16xf32>,
      %get3A_687 = vector.shape_cast %get3A_686 : vector<1x16xf32> to vector<16xf32>
      %get3A_688 = arith.index_cast %scan3A_55 : i32 to index
      %get3A_689 = arith.constant 720 : index
      %get3A_690 = tpu.vector_load %arg7[%get3A_688, %get3A_689] {strides = array<i32>} : memref<64x768xf32, #tpu.memory_space<vmem>>, vector<1x16xf32>,
      %get3A_691 = vector.shape_cast %get3A_690 : vector<1x16xf32> to vector<16xf32>
      %add3A_692 = arith.addf %get3A_687, %get3A_691 : vector<16xf32>
      %swap3A_693 = arith.index_cast %scan3A_55 : i32 to index
      %swap3A_694 = arith.constant 720 : index
      %swap3A_695 = tpu.vector_load %arg8[%swap3A_693, %swap3A_694] {strides = array<i32>} : memref<64x768xf32, #tpu.memory_space<vmem>>, vector<1x16xf32>,
      %swap3A_696 = vector.shape_cast %swap3A_695 : vector<1x16xf32> to vector<16xf32>
      %swap3A_697 = vector.shape_cast %add3A_692 : vector<16xf32> to vector<1x16xf32>
      tpu.vector_store %arg8[%swap3A_693, %swap3A_694], %swap3A_697 {strides = array<i32>} : memref<64x768xf32, #tpu.memory_space<vmem>>, vector<1x16xf32>,
      %get3A_698 = arith.index_cast %scan3A_55 : i32 to index
      %get3A_699 = arith.constant 736 : index
      %get3A_700 = tpu.vector_load %arg8[%get3A_698, %get3A_699] {strides = array<i32>} : memref<64x768xf32, #tpu.memory_space<vmem>>, vector<1x16xf32>,
      %get3A_701 = vector.shape_cast %get3A_700 : vector<1x16xf32> to vector<16xf32>
      %get3A_702 = arith.index_cast %scan3A_55 : i32 to index
      %get3A_703 = arith.constant 736 : index
      %get3A_704 = tpu.vector_load %arg7[%get3A_702, %get3A_703] {strides = array<i32>} : memref<64x768xf32, #tpu.memory_space<vmem>>, vector<1x16xf32>,
      %get3A_705 = vector.shape_cast %get3A_704 : vector<1x16xf32> to vector<16xf32>
      %add3A_706 = arith.addf %get3A_701, %get3A_705 : vector<16xf32>
      %swap3A_707 = arith.index_cast %scan3A_55 : i32 to index
      %swap3A_708 = arith.constant 736 : index
      %swap3A_709 = tpu.vector_load %arg8[%swap3A_707, %swap3A_708] {strides = array<i32>} : memref<64x768xf32, #tpu.memory_space<vmem>>, vector<1x16xf32>,
      %swap3A_710 = vector.shape_cast %swap3A_709 : vector<1x16xf32> to vector<16xf32>
      %swap3A_711 = vector.shape_cast %add3A_706 : vector<16xf32> to vector<1x16xf32>
      tpu.vector_store %arg8[%swap3A_707, %swap3A_708], %swap3A_711 {strides = array<i32>} : memref<64x768xf32, #tpu.memory_space<vmem>>, vector<1x16xf32>,
      %get3A_712 = arith.index_cast %scan3A_55 : i32 to index
      %get3A_713 = arith.constant 752 : index
      %get3A_714 = tpu.vector_load %arg8[%get3A_712, %get3A_713] {strides = array<i32>} : memref<64x768xf32, #tpu.memory_space<vmem>>, vector<1x16xf32>,
      %get3A_715 = vector.shape_cast %get3A_714 : vector<1x16xf32> to vector<16xf32>
      %get3A_716 = arith.index_cast %scan3A_55 : i32 to index
      %get3A_717 = arith.constant 752 : index
      %get3A_718 = tpu.vector_load %arg7[%get3A_716, %get3A_717] {strides = array<i32>} : memref<64x768xf32, #tpu.memory_space<vmem>>, vector<1x16xf32>,
      %get3A_719 = vector.shape_cast %get3A_718 : vector<1x16xf32> to vector<16xf32>
      %add3A_720 = arith.addf %get3A_715, %get3A_719 : vector<16xf32>
      %swap3A_721 = arith.index_cast %scan3A_55 : i32 to index
      %swap3A_722 = arith.constant 752 : index
      %swap3A_723 = tpu.vector_load %arg8[%swap3A_721, %swap3A_722] {strides = array<i32>} : memref<64x768xf32, #tpu.memory_space<vmem>>, vector<1x16xf32>,
      %swap3A_724 = vector.shape_cast %swap3A_723 : vector<1x16xf32> to vector<16xf32>
      %swap3A_725 = vector.shape_cast %add3A_720 : vector<16xf32> to vector<1x16xf32>
      tpu.vector_store %arg8[%swap3A_721, %swap3A_722], %swap3A_725 {strides = array<i32>} : memref<64x768xf32, #tpu.memory_space<vmem>>, vector<1x16xf32>,
    }
    %scan3A_11 = arith.constant 64 : i32
    %run_scoped3A_12 = arith.constant 0 : i32
    "tpu.region"() ({
      %run_scoped3A_55 = tpu.sem_alloc : memref<!tpu.dma_semaphore, #tpu.memory_space<semaphore_mem>>
      %dma_start3A_56 = arith.constant 0 : i32
      %dma_start3A_57 = tpu.memref_slice %arg5[%run_scoped3A_12, %mul3A_2, %dma_start3A_56] : memref<4x2048x768xf32, #tpu.memory_space<hbm>> -> memref<1x64x768xf32, #tpu.memory_space<hbm>>
      %dma_start3A_58 = tpu.memref_squeeze %dma_start3A_57 : memref<1x64x768xf32, #tpu.memory_space<hbm>> -> memref<64x768xf32, #tpu.memory_space<hbm>>
      %dma_start3A_59 = arith.constant 0 : i32
      %dma_start3A_60 = tpu.memref_slice %arg5[%run_scoped3A_12, %mul3A_2, %dma_start3A_59] : memref<4x2048x768xf32, #tpu.memory_space<hbm>> -> memref<1x64x768xf32, #tpu.memory_space<hbm>>
      %dma_start3A_61 = tpu.memref_squeeze %dma_start3A_60 : memref<1x64x768xf32, #tpu.memory_space<hbm>> -> memref<64x768xf32, #tpu.memory_space<hbm>>
      tpu.enqueue_dma source(%arg8 : memref<64x768xf32, #tpu.memory_space<vmem>>) target(%dma_start3A_61 : memref<64x768xf32, #tpu.memory_space<hbm>>) target_semaphore(%run_scoped3A_55 : memref<!tpu.dma_semaphore, #tpu.memory_space<semaphore_mem>>)
      %dma_wait3A_62 = arith.constant 0 : i32
      %dma_wait3A_63 = tpu.memref_slice %arg5[%run_scoped3A_12, %mul3A_2, %dma_wait3A_62] : memref<4x2048x768xf32, #tpu.memory_space<hbm>> -> memref<1x64x768xf32, #tpu.memory_space<hbm>>
      %dma_wait3A_64 = tpu.memref_squeeze %dma_wait3A_63 : memref<1x64x768xf32, #tpu.memory_space<hbm>> -> memref<64x768xf32, #tpu.memory_space<hbm>>
      %dma_wait3A_65 = arith.constant 0 : i32
      %dma_wait3A_66 = tpu.memref_slice %arg5[%run_scoped3A_12, %mul3A_2, %dma_wait3A_65] : memref<4x2048x768xf32, #tpu.memory_space<hbm>> -> memref<1x64x768xf32, #tpu.memory_space<hbm>>
      %dma_wait3A_67 = tpu.memref_squeeze %dma_wait3A_66 : memref<1x64x768xf32, #tpu.memory_space<hbm>> -> memref<64x768xf32, #tpu.memory_space<hbm>>
      tpu.wait_dma2 semaphore(%run_scoped3A_55 : memref<!tpu.dma_semaphore, #tpu.memory_space<semaphore_mem>>) src(%arg8 : memref<64x768xf32, #tpu.memory_space<vmem>>) dst(%dma_wait3A_67 : memref<64x768xf32, #tpu.memory_space<hbm>>)
      tpu.yield
    }) : () -> ()
    %run_scoped3A_13 = arith.constant 1 : i32
    "tpu.region"() ({
      %run_scoped3A_55 = tpu.sem_alloc : memref<!tpu.dma_semaphore, #tpu.memory_space<semaphore_mem>>
      %dma_start3A_56 = tpu.memref_slice %arg2[%run_scoped3A_13, %mul3A_2] : memref<4x2048xi32, #tpu.memory_space<hbm>> -> memref<1x64xi32, #tpu.memory_space<hbm>>
      %dma_start3A_57 = tpu.memref_squeeze %dma_start3A_56 : memref<1x64xi32, #tpu.memory_space<hbm>> -> memref<64xi32, #tpu.memory_space<hbm>>
      %dma_start3A_58 = tpu.memref_slice %arg2[%run_scoped3A_13, %mul3A_2] : memref<4x2048xi32, #tpu.memory_space<hbm>> -> memref<1x64xi32, #tpu.memory_space<hbm>>
      %dma_start3A_59 = tpu.memref_squeeze %dma_start3A_58 : memref<1x64xi32, #tpu.memory_space<hbm>> -> memref<64xi32, #tpu.memory_space<hbm>>
      tpu.enqueue_dma source(%dma_start3A_59 : memref<64xi32, #tpu.memory_space<hbm>>) target(%arg6 : memref<64xi32, #tpu.memory_space<vmem>>) target_semaphore(%run_scoped3A_55 : memref<!tpu.dma_semaphore, #tpu.memory_space<semaphore_mem>>)
      %dma_wait3A_60 = tpu.memref_slice %arg2[%run_scoped3A_13, %mul3A_2] : memref<4x2048xi32, #tpu.memory_space<hbm>> -> memref<1x64xi32, #tpu.memory_space<hbm>>
      %dma_wait3A_61 = tpu.memref_squeeze %dma_wait3A_60 : memref<1x64xi32, #tpu.memory_space<hbm>> -> memref<64xi32, #tpu.memory_space<hbm>>
      %dma_wait3A_62 = tpu.memref_slice %arg2[%run_scoped3A_13, %mul3A_2] : memref<4x2048xi32, #tpu.memory_space<hbm>> -> memref<1x64xi32, #tpu.memory_space<hbm>>
      %dma_wait3A_63 = tpu.memref_squeeze %dma_wait3A_62 : memref<1x64xi32, #tpu.memory_space<hbm>> -> memref<64xi32, #tpu.memory_space<hbm>>
      tpu.wait_dma2 semaphore(%run_scoped3A_55 : memref<!tpu.dma_semaphore, #tpu.memory_space<semaphore_mem>>) src(%dma_wait3A_63 : memref<64xi32, #tpu.memory_space<hbm>>) dst(%arg6 : memref<64xi32, #tpu.memory_space<vmem>>)
      tpu.yield
    }) : () -> ()
    %dma_start3A_14 = arith.constant 0 : i32
    %dma_start3A_15 = arith.constant 0 : i32
    %dma_start3A_16 = tpu.memref_slice %arg3[%dma_start3A_14, %dma_start3A_15] : memref<100000x768xf32, #tpu.memory_space<hbm>> -> memref<100000x768xf32, #tpu.memory_space<hbm>>
    tpu.enqueue_indirect_dma source(%dma_start3A_16 : memref<100000x768xf32, #tpu.memory_space<hbm>>) target(%arg8 : memref<64x768xf32, #tpu.memory_space<vmem>>) offsets(%arg6 : memref<64xi32, #tpu.memory_space<vmem>>) semaphore(%arg9 : memref<!tpu.dma_semaphore, #tpu.memory_space<semaphore_mem>>)
    %dma_wait3A_17 = arith.constant 0 : i32
    %dma_wait3A_18 = arith.constant 0 : i32
    %dma_wait3A_19 = tpu.memref_slice %arg3[%dma_wait3A_17, %dma_wait3A_18] : memref<100000x768xf32, #tpu.memory_space<hbm>> -> memref<100000x768xf32, #tpu.memory_space<hbm>>
    tpu.wait_indirect_dma semaphore(%arg9 : memref<!tpu.dma_semaphore, #tpu.memory_space<semaphore_mem>>) src(%dma_wait3A_19 : memref<100000x768xf32, #tpu.memory_space<hbm>>) dst(%arg8 : memref<64x768xf32, #tpu.memory_space<vmem>>)
    %scan3A_20 = arith.constant 0 : i32
    %scan3A_21 = arith.constant 0 : i32
    %scan3A_22 = arith.constant 64 : i32
    %scan3A_23 = arith.addi %scan3A_21, %scan3A_22 : i32
    %scan3A_24 = arith.constant 1 : i32
    scf.for %scan3A_55 = %scan3A_21 to %scan3A_23 step %scan3A_24  : i32 {
      %get3A = arith.index_cast %scan3A_55 : i32 to index
      %get3A_56 = arith.constant 0 : index
      %get3A_57 = tpu.vector_load %arg8[%get3A, %get3A_56] {strides = array<i32>} : memref<64x768xf32, #tpu.memory_space<vmem>>, vector<1x16xf32>,
      %get3A_58 = vector.shape_cast %get3A_57 : vector<1x16xf32> to vector<16xf32>
      %get3A_59 = arith.index_cast %scan3A_55 : i32 to index
      %get3A_60 = arith.constant 0 : index
      %get3A_61 = tpu.vector_load %arg7[%get3A_59, %get3A_60] {strides = array<i32>} : memref<64x768xf32, #tpu.memory_space<vmem>>, vector<1x16xf32>,
      %get3A_62 = vector.shape_cast %get3A_61 : vector<1x16xf32> to vector<16xf32>
      %add3A_63 = arith.addf %get3A_58, %get3A_62 : vector<16xf32>
      %swap3A = arith.index_cast %scan3A_55 : i32 to index
      %swap3A_64 = arith.constant 0 : index
      %swap3A_65 = tpu.vector_load %arg8[%swap3A, %swap3A_64] {strides = array<i32>} : memref<64x768xf32, #tpu.memory_space<vmem>>, vector<1x16xf32>,
      %swap3A_66 = vector.shape_cast %swap3A_65 : vector<1x16xf32> to vector<16xf32>
      %swap3A_67 = vector.shape_cast %add3A_63 : vector<16xf32> to vector<1x16xf32>
      tpu.vector_store %arg8[%swap3A, %swap3A_64], %swap3A_67 {strides = array<i32>} : memref<64x768xf32, #tpu.memory_space<vmem>>, vector<1x16xf32>,
      %get3A_68 = arith.index_cast %scan3A_55 : i32 to index
      %get3A_69 = arith.constant 16 : index
      %get3A_70 = tpu.vector_load %arg8[%get3A_68, %get3A_69] {strides = array<i32>} : memref<64x768xf32, #tpu.memory_space<vmem>>, vector<1x16xf32>,
      %get3A_71 = vector.shape_cast %get3A_70 : vector<1x16xf32> to vector<16xf32>
      %get3A_72 = arith.index_cast %scan3A_55 : i32 to index
      %get3A_73 = arith.constant 16 : index
      %get3A_74 = tpu.vector_load %arg7[%get3A_72, %get3A_73] {strides = array<i32>} : memref<64x768xf32, #tpu.memory_space<vmem>>, vector<1x16xf32>,
      %get3A_75 = vector.shape_cast %get3A_74 : vector<1x16xf32> to vector<16xf32>
      %add3A_76 = arith.addf %get3A_71, %get3A_75 : vector<16xf32>
      %swap3A_77 = arith.index_cast %scan3A_55 : i32 to index
      %swap3A_78 = arith.constant 16 : index
      %swap3A_79 = tpu.vector_load %arg8[%swap3A_77, %swap3A_78] {strides = array<i32>} : memref<64x768xf32, #tpu.memory_space<vmem>>, vector<1x16xf32>,
      %swap3A_80 = vector.shape_cast %swap3A_79 : vector<1x16xf32> to vector<16xf32>
      %swap3A_81 = vector.shape_cast %add3A_76 : vector<16xf32> to vector<1x16xf32>
      tpu.vector_store %arg8[%swap3A_77, %swap3A_78], %swap3A_81 {strides = array<i32>} : memref<64x768xf32, #tpu.memory_space<vmem>>, vector<1x16xf32>,
      %get3A_82 = arith.index_cast %scan3A_55 : i32 to index
      %get3A_83 = arith.constant 32 : index
      %get3A_84 = tpu.vector_load %arg8[%get3A_82, %get3A_83] {strides = array<i32>} : memref<64x768xf32, #tpu.memory_space<vmem>>, vector<1x16xf32>,
      %get3A_85 = vector.shape_cast %get3A_84 : vector<1x16xf32> to vector<16xf32>
      %get3A_86 = arith.index_cast %scan3A_55 : i32 to index
      %get3A_87 = arith.constant 32 : index
      %get3A_88 = tpu.vector_load %arg7[%get3A_86, %get3A_87] {strides = array<i32>} : memref<64x768xf32, #tpu.memory_space<vmem>>, vector<1x16xf32>,
      %get3A_89 = vector.shape_cast %get3A_88 : vector<1x16xf32> to vector<16xf32>
      %add3A_90 = arith.addf %get3A_85, %get3A_89 : vector<16xf32>
      %swap3A_91 = arith.index_cast %scan3A_55 : i32 to index
      %swap3A_92 = arith.constant 32 : index
      %swap3A_93 = tpu.vector_load %arg8[%swap3A_91, %swap3A_92] {strides = array<i32>} : memref<64x768xf32, #tpu.memory_space<vmem>>, vector<1x16xf32>,
      %swap3A_94 = vector.shape_cast %swap3A_93 : vector<1x16xf32> to vector<16xf32>
      %swap3A_95 = vector.shape_cast %add3A_90 : vector<16xf32> to vector<1x16xf32>
      tpu.vector_store %arg8[%swap3A_91, %swap3A_92], %swap3A_95 {strides = array<i32>} : memref<64x768xf32, #tpu.memory_space<vmem>>, vector<1x16xf32>,
      %get3A_96 = arith.index_cast %scan3A_55 : i32 to index
      %get3A_97 = arith.constant 48 : index
      %get3A_98 = tpu.vector_load %arg8[%get3A_96, %get3A_97] {strides = array<i32>} : memref<64x768xf32, #tpu.memory_space<vmem>>, vector<1x16xf32>,
      %get3A_99 = vector.shape_cast %get3A_98 : vector<1x16xf32> to vector<16xf32>
      %get3A_100 = arith.index_cast %scan3A_55 : i32 to index
      %get3A_101 = arith.constant 48 : index
      %get3A_102 = tpu.vector_load %arg7[%get3A_100, %get3A_101] {strides = array<i32>} : memref<64x768xf32, #tpu.memory_space<vmem>>, vector<1x16xf32>,
      %get3A_103 = vector.shape_cast %get3A_102 : vector<1x16xf32> to vector<16xf32>
      %add3A_104 = arith.addf %get3A_99, %get3A_103 : vector<16xf32>
      %swap3A_105 = arith.index_cast %scan3A_55 : i32 to index
      %swap3A_106 = arith.constant 48 : index
      %swap3A_107 = tpu.vector_load %arg8[%swap3A_105, %swap3A_106] {strides = array<i32>} : memref<64x768xf32, #tpu.memory_space<vmem>>, vector<1x16xf32>,
      %swap3A_108 = vector.shape_cast %swap3A_107 : vector<1x16xf32> to vector<16xf32>
      %swap3A_109 = vector.shape_cast %add3A_104 : vector<16xf32> to vector<1x16xf32>
      tpu.vector_store %arg8[%swap3A_105, %swap3A_106], %swap3A_109 {strides = array<i32>} : memref<64x768xf32, #tpu.memory_space<vmem>>, vector<1x16xf32>,
      %get3A_110 = arith.index_cast %scan3A_55 : i32 to index
      %get3A_111 = arith.constant 64 : index
      %get3A_112 = tpu.vector_load %arg8[%get3A_110, %get3A_111] {strides = array<i32>} : memref<64x768xf32, #tpu.memory_space<vmem>>, vector<1x16xf32>,
      %get3A_113 = vector.shape_cast %get3A_112 : vector<1x16xf32> to vector<16xf32>
      %get3A_114 = arith.index_cast %scan3A_55 : i32 to index
      %get3A_115 = arith.constant 64 : index
      %get3A_116 = tpu.vector_load %arg7[%get3A_114, %get3A_115] {strides = array<i32>} : memref<64x768xf32, #tpu.memory_space<vmem>>, vector<1x16xf32>,
      %get3A_117 = vector.shape_cast %get3A_116 : vector<1x16xf32> to vector<16xf32>
      %add3A_118 = arith.addf %get3A_113, %get3A_117 : vector<16xf32>
      %swap3A_119 = arith.index_cast %scan3A_55 : i32 to index
      %swap3A_120 = arith.constant 64 : index
      %swap3A_121 = tpu.vector_load %arg8[%swap3A_119, %swap3A_120] {strides = array<i32>} : memref<64x768xf32, #tpu.memory_space<vmem>>, vector<1x16xf32>,
      %swap3A_122 = vector.shape_cast %swap3A_121 : vector<1x16xf32> to vector<16xf32>
      %swap3A_123 = vector.shape_cast %add3A_118 : vector<16xf32> to vector<1x16xf32>
      tpu.vector_store %arg8[%swap3A_119, %swap3A_120], %swap3A_123 {strides = array<i32>} : memref<64x768xf32, #tpu.memory_space<vmem>>, vector<1x16xf32>,
      %get3A_124 = arith.index_cast %scan3A_55 : i32 to index
      %get3A_125 = arith.constant 80 : index
      %get3A_126 = tpu.vector_load %arg8[%get3A_124, %get3A_125] {strides = array<i32>} : memref<64x768xf32, #tpu.memory_space<vmem>>, vector<1x16xf32>,
      %get3A_127 = vector.shape_cast %get3A_126 : vector<1x16xf32> to vector<16xf32>
      %get3A_128 = arith.index_cast %scan3A_55 : i32 to index
      %get3A_129 = arith.constant 80 : index
      %get3A_130 = tpu.vector_load %arg7[%get3A_128, %get3A_129] {strides = array<i32>} : memref<64x768xf32, #tpu.memory_space<vmem>>, vector<1x16xf32>,
      %get3A_131 = vector.shape_cast %get3A_130 : vector<1x16xf32> to vector<16xf32>
      %add3A_132 = arith.addf %get3A_127, %get3A_131 : vector<16xf32>
      %swap3A_133 = arith.index_cast %scan3A_55 : i32 to index
      %swap3A_134 = arith.constant 80 : index
      %swap3A_135 = tpu.vector_load %arg8[%swap3A_133, %swap3A_134] {strides = array<i32>} : memref<64x768xf32, #tpu.memory_space<vmem>>, vector<1x16xf32>,
      %swap3A_136 = vector.shape_cast %swap3A_135 : vector<1x16xf32> to vector<16xf32>
      %swap3A_137 = vector.shape_cast %add3A_132 : vector<16xf32> to vector<1x16xf32>
      tpu.vector_store %arg8[%swap3A_133, %swap3A_134], %swap3A_137 {strides = array<i32>} : memref<64x768xf32, #tpu.memory_space<vmem>>, vector<1x16xf32>,
      %get3A_138 = arith.index_cast %scan3A_55 : i32 to index
      %get3A_139 = arith.constant 96 : index
      %get3A_140 = tpu.vector_load %arg8[%get3A_138, %get3A_139] {strides = array<i32>} : memref<64x768xf32, #tpu.memory_space<vmem>>, vector<1x16xf32>,
      %get3A_141 = vector.shape_cast %get3A_140 : vector<1x16xf32> to vector<16xf32>
      %get3A_142 = arith.index_cast %scan3A_55 : i32 to index
      %get3A_143 = arith.constant 96 : index
      %get3A_144 = tpu.vector_load %arg7[%get3A_142, %get3A_143] {strides = array<i32>} : memref<64x768xf32, #tpu.memory_space<vmem>>, vector<1x16xf32>,
      %get3A_145 = vector.shape_cast %get3A_144 : vector<1x16xf32> to vector<16xf32>
      %add3A_146 = arith.addf %get3A_141, %get3A_145 : vector<16xf32>
      %swap3A_147 = arith.index_cast %scan3A_55 : i32 to index
      %swap3A_148 = arith.constant 96 : index
      %swap3A_149 = tpu.vector_load %arg8[%swap3A_147, %swap3A_148] {strides = array<i32>} : memref<64x768xf32, #tpu.memory_space<vmem>>, vector<1x16xf32>,
      %swap3A_150 = vector.shape_cast %swap3A_149 : vector<1x16xf32> to vector<16xf32>
      %swap3A_151 = vector.shape_cast %add3A_146 : vector<16xf32> to vector<1x16xf32>
      tpu.vector_store %arg8[%swap3A_147, %swap3A_148], %swap3A_151 {strides = array<i32>} : memref<64x768xf32, #tpu.memory_space<vmem>>, vector<1x16xf32>,
      %get3A_152 = arith.index_cast %scan3A_55 : i32 to index
      %get3A_153 = arith.constant 112 : index
      %get3A_154 = tpu.vector_load %arg8[%get3A_152, %get3A_153] {strides = array<i32>} : memref<64x768xf32, #tpu.memory_space<vmem>>, vector<1x16xf32>,
      %get3A_155 = vector.shape_cast %get3A_154 : vector<1x16xf32> to vector<16xf32>
      %get3A_156 = arith.index_cast %scan3A_55 : i32 to index
      %get3A_157 = arith.constant 112 : index
      %get3A_158 = tpu.vector_load %arg7[%get3A_156, %get3A_157] {strides = array<i32>} : memref<64x768xf32, #tpu.memory_space<vmem>>, vector<1x16xf32>,
      %get3A_159 = vector.shape_cast %get3A_158 : vector<1x16xf32> to vector<16xf32>
      %add3A_160 = arith.addf %get3A_155, %get3A_159 : vector<16xf32>
      %swap3A_161 = arith.index_cast %scan3A_55 : i32 to index
      %swap3A_162 = arith.constant 112 : index
      %swap3A_163 = tpu.vector_load %arg8[%swap3A_161, %swap3A_162] {strides = array<i32>} : memref<64x768xf32, #tpu.memory_space<vmem>>, vector<1x16xf32>,
      %swap3A_164 = vector.shape_cast %swap3A_163 : vector<1x16xf32> to vector<16xf32>
      %swap3A_165 = vector.shape_cast %add3A_160 : vector<16xf32> to vector<1x16xf32>
      tpu.vector_store %arg8[%swap3A_161, %swap3A_162], %swap3A_165 {strides = array<i32>} : memref<64x768xf32, #tpu.memory_space<vmem>>, vector<1x16xf32>,
      %get3A_166 = arith.index_cast %scan3A_55 : i32 to index
      %get3A_167 = arith.constant 128 : index
      %get3A_168 = tpu.vector_load %arg8[%get3A_166, %get3A_167] {strides = array<i32>} : memref<64x768xf32, #tpu.memory_space<vmem>>, vector<1x16xf32>,
      %get3A_169 = vector.shape_cast %get3A_168 : vector<1x16xf32> to vector<16xf32>
      %get3A_170 = arith.index_cast %scan3A_55 : i32 to index
      %get3A_171 = arith.constant 128 : index
      %get3A_172 = tpu.vector_load %arg7[%get3A_170, %get3A_171] {strides = array<i32>} : memref<64x768xf32, #tpu.memory_space<vmem>>, vector<1x16xf32>,
      %get3A_173 = vector.shape_cast %get3A_172 : vector<1x16xf32> to vector<16xf32>
      %add3A_174 = arith.addf %get3A_169, %get3A_173 : vector<16xf32>
      %swap3A_175 = arith.index_cast %scan3A_55 : i32 to index
      %swap3A_176 = arith.constant 128 : index
      %swap3A_177 = tpu.vector_load %arg8[%swap3A_175, %swap3A_176] {strides = array<i32>} : memref<64x768xf32, #tpu.memory_space<vmem>>, vector<1x16xf32>,
      %swap3A_178 = vector.shape_cast %swap3A_177 : vector<1x16xf32> to vector<16xf32>
      %swap3A_179 = vector.shape_cast %add3A_174 : vector<16xf32> to vector<1x16xf32>
      tpu.vector_store %arg8[%swap3A_175, %swap3A_176], %swap3A_179 {strides = array<i32>} : memref<64x768xf32, #tpu.memory_space<vmem>>, vector<1x16xf32>,
      %get3A_180 = arith.index_cast %scan3A_55 : i32 to index
      %get3A_181 = arith.constant 144 : index
      %get3A_182 = tpu.vector_load %arg8[%get3A_180, %get3A_181] {strides = array<i32>} : memref<64x768xf32, #tpu.memory_space<vmem>>, vector<1x16xf32>,
      %get3A_183 = vector.shape_cast %get3A_182 : vector<1x16xf32> to vector<16xf32>
      %get3A_184 = arith.index_cast %scan3A_55 : i32 to index
      %get3A_185 = arith.constant 144 : index
      %get3A_186 = tpu.vector_load %arg7[%get3A_184, %get3A_185] {strides = array<i32>} : memref<64x768xf32, #tpu.memory_space<vmem>>, vector<1x16xf32>,
      %get3A_187 = vector.shape_cast %get3A_186 : vector<1x16xf32> to vector<16xf32>
      %add3A_188 = arith.addf %get3A_183, %get3A_187 : vector<16xf32>
      %swap3A_189 = arith.index_cast %scan3A_55 : i32 to index
      %swap3A_190 = arith.constant 144 : index
      %swap3A_191 = tpu.vector_load %arg8[%swap3A_189, %swap3A_190] {strides = array<i32>} : memref<64x768xf32, #tpu.memory_space<vmem>>, vector<1x16xf32>,
      %swap3A_192 = vector.shape_cast %swap3A_191 : vector<1x16xf32> to vector<16xf32>
      %swap3A_193 = vector.shape_cast %add3A_188 : vector<16xf32> to vector<1x16xf32>
      tpu.vector_store %arg8[%swap3A_189, %swap3A_190], %swap3A_193 {strides = array<i32>} : memref<64x768xf32, #tpu.memory_space<vmem>>, vector<1x16xf32>,
      %get3A_194 = arith.index_cast %scan3A_55 : i32 to index
      %get3A_195 = arith.constant 160 : index
      %get3A_196 = tpu.vector_load %arg8[%get3A_194, %get3A_195] {strides = array<i32>} : memref<64x768xf32, #tpu.memory_space<vmem>>, vector<1x16xf32>,
      %get3A_197 = vector.shape_cast %get3A_196 : vector<1x16xf32> to vector<16xf32>
      %get3A_198 = arith.index_cast %scan3A_55 : i32 to index
      %get3A_199 = arith.constant 160 : index
      %get3A_200 = tpu.vector_load %arg7[%get3A_198, %get3A_199] {strides = array<i32>} : memref<64x768xf32, #tpu.memory_space<vmem>>, vector<1x16xf32>,
      %get3A_201 = vector.shape_cast %get3A_200 : vector<1x16xf32> to vector<16xf32>
      %add3A_202 = arith.addf %get3A_197, %get3A_201 : vector<16xf32>
      %swap3A_203 = arith.index_cast %scan3A_55 : i32 to index
      %swap3A_204 = arith.constant 160 : index
      %swap3A_205 = tpu.vector_load %arg8[%swap3A_203, %swap3A_204] {strides = array<i32>} : memref<64x768xf32, #tpu.memory_space<vmem>>, vector<1x16xf32>,
      %swap3A_206 = vector.shape_cast %swap3A_205 : vector<1x16xf32> to vector<16xf32>
      %swap3A_207 = vector.shape_cast %add3A_202 : vector<16xf32> to vector<1x16xf32>
      tpu.vector_store %arg8[%swap3A_203, %swap3A_204], %swap3A_207 {strides = array<i32>} : memref<64x768xf32, #tpu.memory_space<vmem>>, vector<1x16xf32>,
      %get3A_208 = arith.index_cast %scan3A_55 : i32 to index
      %get3A_209 = arith.constant 176 : index
      %get3A_210 = tpu.vector_load %arg8[%get3A_208, %get3A_209] {strides = array<i32>} : memref<64x768xf32, #tpu.memory_space<vmem>>, vector<1x16xf32>,
      %get3A_211 = vector.shape_cast %get3A_210 : vector<1x16xf32> to vector<16xf32>
      %get3A_212 = arith.index_cast %scan3A_55 : i32 to index
      %get3A_213 = arith.constant 176 : index
      %get3A_214 = tpu.vector_load %arg7[%get3A_212, %get3A_213] {strides = array<i32>} : memref<64x768xf32, #tpu.memory_space<vmem>>, vector<1x16xf32>,
      %get3A_215 = vector.shape_cast %get3A_214 : vector<1x16xf32> to vector<16xf32>
      %add3A_216 = arith.addf %get3A_211, %get3A_215 : vector<16xf32>
      %swap3A_217 = arith.index_cast %scan3A_55 : i32 to index
      %swap3A_218 = arith.constant 176 : index
      %swap3A_219 = tpu.vector_load %arg8[%swap3A_217, %swap3A_218] {strides = array<i32>} : memref<64x768xf32, #tpu.memory_space<vmem>>, vector<1x16xf32>,
      %swap3A_220 = vector.shape_cast %swap3A_219 : vector<1x16xf32> to vector<16xf32>
      %swap3A_221 = vector.shape_cast %add3A_216 : vector<16xf32> to vector<1x16xf32>
      tpu.vector_store %arg8[%swap3A_217, %swap3A_218], %swap3A_221 {strides = array<i32>} : memref<64x768xf32, #tpu.memory_space<vmem>>, vector<1x16xf32>,
      %get3A_222 = arith.index_cast %scan3A_55 : i32 to index
      %get3A_223 = arith.constant 192 : index
      %get3A_224 = tpu.vector_load %arg8[%get3A_222, %get3A_223] {strides = array<i32>} : memref<64x768xf32, #tpu.memory_space<vmem>>, vector<1x16xf32>,
      %get3A_225 = vector.shape_cast %get3A_224 : vector<1x16xf32> to vector<16xf32>
      %get3A_226 = arith.index_cast %scan3A_55 : i32 to index
      %get3A_227 = arith.constant 192 : index
      %get3A_228 = tpu.vector_load %arg7[%get3A_226, %get3A_227] {strides = array<i32>} : memref<64x768xf32, #tpu.memory_space<vmem>>, vector<1x16xf32>,
      %get3A_229 = vector.shape_cast %get3A_228 : vector<1x16xf32> to vector<16xf32>
      %add3A_230 = arith.addf %get3A_225, %get3A_229 : vector<16xf32>
      %swap3A_231 = arith.index_cast %scan3A_55 : i32 to index
      %swap3A_232 = arith.constant 192 : index
      %swap3A_233 = tpu.vector_load %arg8[%swap3A_231, %swap3A_232] {strides = array<i32>} : memref<64x768xf32, #tpu.memory_space<vmem>>, vector<1x16xf32>,
      %swap3A_234 = vector.shape_cast %swap3A_233 : vector<1x16xf32> to vector<16xf32>
      %swap3A_235 = vector.shape_cast %add3A_230 : vector<16xf32> to vector<1x16xf32>
      tpu.vector_store %arg8[%swap3A_231, %swap3A_232], %swap3A_235 {strides = array<i32>} : memref<64x768xf32, #tpu.memory_space<vmem>>, vector<1x16xf32>,
      %get3A_236 = arith.index_cast %scan3A_55 : i32 to index
      %get3A_237 = arith.constant 208 : index
      %get3A_238 = tpu.vector_load %arg8[%get3A_236, %get3A_237] {strides = array<i32>} : memref<64x768xf32, #tpu.memory_space<vmem>>, vector<1x16xf32>,
      %get3A_239 = vector.shape_cast %get3A_238 : vector<1x16xf32> to vector<16xf32>
      %get3A_240 = arith.index_cast %scan3A_55 : i32 to index
      %get3A_241 = arith.constant 208 : index
      %get3A_242 = tpu.vector_load %arg7[%get3A_240, %get3A_241] {strides = array<i32>} : memref<64x768xf32, #tpu.memory_space<vmem>>, vector<1x16xf32>,
      %get3A_243 = vector.shape_cast %get3A_242 : vector<1x16xf32> to vector<16xf32>
      %add3A_244 = arith.addf %get3A_239, %get3A_243 : vector<16xf32>
      %swap3A_245 = arith.index_cast %scan3A_55 : i32 to index
      %swap3A_246 = arith.constant 208 : index
      %swap3A_247 = tpu.vector_load %arg8[%swap3A_245, %swap3A_246] {strides = array<i32>} : memref<64x768xf32, #tpu.memory_space<vmem>>, vector<1x16xf32>,
      %swap3A_248 = vector.shape_cast %swap3A_247 : vector<1x16xf32> to vector<16xf32>
      %swap3A_249 = vector.shape_cast %add3A_244 : vector<16xf32> to vector<1x16xf32>
      tpu.vector_store %arg8[%swap3A_245, %swap3A_246], %swap3A_249 {strides = array<i32>} : memref<64x768xf32, #tpu.memory_space<vmem>>, vector<1x16xf32>,
      %get3A_250 = arith.index_cast %scan3A_55 : i32 to index
      %get3A_251 = arith.constant 224 : index
      %get3A_252 = tpu.vector_load %arg8[%get3A_250, %get3A_251] {strides = array<i32>} : memref<64x768xf32, #tpu.memory_space<vmem>>, vector<1x16xf32>,
      %get3A_253 = vector.shape_cast %get3A_252 : vector<1x16xf32> to vector<16xf32>
      %get3A_254 = arith.index_cast %scan3A_55 : i32 to index
      %get3A_255 = arith.constant 224 : index
      %get3A_256 = tpu.vector_load %arg7[%get3A_254, %get3A_255] {strides = array<i32>} : memref<64x768xf32, #tpu.memory_space<vmem>>, vector<1x16xf32>,
      %get3A_257 = vector.shape_cast %get3A_256 : vector<1x16xf32> to vector<16xf32>
      %add3A_258 = arith.addf %get3A_253, %get3A_257 : vector<16xf32>
      %swap3A_259 = arith.index_cast %scan3A_55 : i32 to index
      %swap3A_260 = arith.constant 224 : index
      %swap3A_261 = tpu.vector_load %arg8[%swap3A_259, %swap3A_260] {strides = array<i32>} : memref<64x768xf32, #tpu.memory_space<vmem>>, vector<1x16xf32>,
      %swap3A_262 = vector.shape_cast %swap3A_261 : vector<1x16xf32> to vector<16xf32>
      %swap3A_263 = vector.shape_cast %add3A_258 : vector<16xf32> to vector<1x16xf32>
      tpu.vector_store %arg8[%swap3A_259, %swap3A_260], %swap3A_263 {strides = array<i32>} : memref<64x768xf32, #tpu.memory_space<vmem>>, vector<1x16xf32>,
      %get3A_264 = arith.index_cast %scan3A_55 : i32 to index
      %get3A_265 = arith.constant 240 : index
      %get3A_266 = tpu.vector_load %arg8[%get3A_264, %get3A_265] {strides = array<i32>} : memref<64x768xf32, #tpu.memory_space<vmem>>, vector<1x16xf32>,
      %get3A_267 = vector.shape_cast %get3A_266 : vector<1x16xf32> to vector<16xf32>
      %get3A_268 = arith.index_cast %scan3A_55 : i32 to index
      %get3A_269 = arith.constant 240 : index
      %get3A_270 = tpu.vector_load %arg7[%get3A_268, %get3A_269] {strides = array<i32>} : memref<64x768xf32, #tpu.memory_space<vmem>>, vector<1x16xf32>,
      %get3A_271 = vector.shape_cast %get3A_270 : vector<1x16xf32> to vector<16xf32>
      %add3A_272 = arith.addf %get3A_267, %get3A_271 : vector<16xf32>
      %swap3A_273 = arith.index_cast %scan3A_55 : i32 to index
      %swap3A_274 = arith.constant 240 : index
      %swap3A_275 = tpu.vector_load %arg8[%swap3A_273, %swap3A_274] {strides = array<i32>} : memref<64x768xf32, #tpu.memory_space<vmem>>, vector<1x16xf32>,
      %swap3A_276 = vector.shape_cast %swap3A_275 : vector<1x16xf32> to vector<16xf32>
      %swap3A_277 = vector.shape_cast %add3A_272 : vector<16xf32> to vector<1x16xf32>
      tpu.vector_store %arg8[%swap3A_273, %swap3A_274], %swap3A_277 {strides = array<i32>} : memref<64x768xf32, #tpu.memory_space<vmem>>, vector<1x16xf32>,
      %get3A_278 = arith.index_cast %scan3A_55 : i32 to index
      %get3A_279 = arith.constant 256 : index
      %get3A_280 = tpu.vector_load %arg8[%get3A_278, %get3A_279] {strides = array<i32>} : memref<64x768xf32, #tpu.memory_space<vmem>>, vector<1x16xf32>,
      %get3A_281 = vector.shape_cast %get3A_280 : vector<1x16xf32> to vector<16xf32>
      %get3A_282 = arith.index_cast %scan3A_55 : i32 to index
      %get3A_283 = arith.constant 256 : index
      %get3A_284 = tpu.vector_load %arg7[%get3A_282, %get3A_283] {strides = array<i32>} : memref<64x768xf32, #tpu.memory_space<vmem>>, vector<1x16xf32>,
      %get3A_285 = vector.shape_cast %get3A_284 : vector<1x16xf32> to vector<16xf32>
      %add3A_286 = arith.addf %get3A_281, %get3A_285 : vector<16xf32>
      %swap3A_287 = arith.index_cast %scan3A_55 : i32 to index
      %swap3A_288 = arith.constant 256 : index
      %swap3A_289 = tpu.vector_load %arg8[%swap3A_287, %swap3A_288] {strides = array<i32>} : memref<64x768xf32, #tpu.memory_space<vmem>>, vector<1x16xf32>,
      %swap3A_290 = vector.shape_cast %swap3A_289 : vector<1x16xf32> to vector<16xf32>
      %swap3A_291 = vector.shape_cast %add3A_286 : vector<16xf32> to vector<1x16xf32>
      tpu.vector_store %arg8[%swap3A_287, %swap3A_288], %swap3A_291 {strides = array<i32>} : memref<64x768xf32, #tpu.memory_space<vmem>>, vector<1x16xf32>,
      %get3A_292 = arith.index_cast %scan3A_55 : i32 to index
      %get3A_293 = arith.constant 272 : index
      %get3A_294 = tpu.vector_load %arg8[%get3A_292, %get3A_293] {strides = array<i32>} : memref<64x768xf32, #tpu.memory_space<vmem>>, vector<1x16xf32>,
      %get3A_295 = vector.shape_cast %get3A_294 : vector<1x16xf32> to vector<16xf32>
      %get3A_296 = arith.index_cast %scan3A_55 : i32 to index
      %get3A_297 = arith.constant 272 : index
      %get3A_298 = tpu.vector_load %arg7[%get3A_296, %get3A_297] {strides = array<i32>} : memref<64x768xf32, #tpu.memory_space<vmem>>, vector<1x16xf32>,
      %get3A_299 = vector.shape_cast %get3A_298 : vector<1x16xf32> to vector<16xf32>
      %add3A_300 = arith.addf %get3A_295, %get3A_299 : vector<16xf32>
      %swap3A_301 = arith.index_cast %scan3A_55 : i32 to index
      %swap3A_302 = arith.constant 272 : index
      %swap3A_303 = tpu.vector_load %arg8[%swap3A_301, %swap3A_302] {strides = array<i32>} : memref<64x768xf32, #tpu.memory_space<vmem>>, vector<1x16xf32>,
      %swap3A_304 = vector.shape_cast %swap3A_303 : vector<1x16xf32> to vector<16xf32>
      %swap3A_305 = vector.shape_cast %add3A_300 : vector<16xf32> to vector<1x16xf32>
      tpu.vector_store %arg8[%swap3A_301, %swap3A_302], %swap3A_305 {strides = array<i32>} : memref<64x768xf32, #tpu.memory_space<vmem>>, vector<1x16xf32>,
      %get3A_306 = arith.index_cast %scan3A_55 : i32 to index
      %get3A_307 = arith.constant 288 : index
      %get3A_308 = tpu.vector_load %arg8[%get3A_306, %get3A_307] {strides = array<i32>} : memref<64x768xf32, #tpu.memory_space<vmem>>, vector<1x16xf32>,
      %get3A_309 = vector.shape_cast %get3A_308 : vector<1x16xf32> to vector<16xf32>
      %get3A_310 = arith.index_cast %scan3A_55 : i32 to index
      %get3A_311 = arith.constant 288 : index
      %get3A_312 = tpu.vector_load %arg7[%get3A_310, %get3A_311] {strides = array<i32>} : memref<64x768xf32, #tpu.memory_space<vmem>>, vector<1x16xf32>,
      %get3A_313 = vector.shape_cast %get3A_312 : vector<1x16xf32> to vector<16xf32>
      %add3A_314 = arith.addf %get3A_309, %get3A_313 : vector<16xf32>
      %swap3A_315 = arith.index_cast %scan3A_55 : i32 to index
      %swap3A_316 = arith.constant 288 : index
      %swap3A_317 = tpu.vector_load %arg8[%swap3A_315, %swap3A_316] {strides = array<i32>} : memref<64x768xf32, #tpu.memory_space<vmem>>, vector<1x16xf32>,
      %swap3A_318 = vector.shape_cast %swap3A_317 : vector<1x16xf32> to vector<16xf32>
      %swap3A_319 = vector.shape_cast %add3A_314 : vector<16xf32> to vector<1x16xf32>
      tpu.vector_store %arg8[%swap3A_315, %swap3A_316], %swap3A_319 {strides = array<i32>} : memref<64x768xf32, #tpu.memory_space<vmem>>, vector<1x16xf32>,
      %get3A_320 = arith.index_cast %scan3A_55 : i32 to index
      %get3A_321 = arith.constant 304 : index
      %get3A_322 = tpu.vector_load %arg8[%get3A_320, %get3A_321] {strides = array<i32>} : memref<64x768xf32, #tpu.memory_space<vmem>>, vector<1x16xf32>,
      %get3A_323 = vector.shape_cast %get3A_322 : vector<1x16xf32> to vector<16xf32>
      %get3A_324 = arith.index_cast %scan3A_55 : i32 to index
      %get3A_325 = arith.constant 304 : index
      %get3A_326 = tpu.vector_load %arg7[%get3A_324, %get3A_325] {strides = array<i32>} : memref<64x768xf32, #tpu.memory_space<vmem>>, vector<1x16xf32>,
      %get3A_327 = vector.shape_cast %get3A_326 : vector<1x16xf32> to vector<16xf32>
      %add3A_328 = arith.addf %get3A_323, %get3A_327 : vector<16xf32>
      %swap3A_329 = arith.index_cast %scan3A_55 : i32 to index
      %swap3A_330 = arith.constant 304 : index
      %swap3A_331 = tpu.vector_load %arg8[%swap3A_329, %swap3A_330] {strides = array<i32>} : memref<64x768xf32, #tpu.memory_space<vmem>>, vector<1x16xf32>,
      %swap3A_332 = vector.shape_cast %swap3A_331 : vector<1x16xf32> to vector<16xf32>
      %swap3A_333 = vector.shape_cast %add3A_328 : vector<16xf32> to vector<1x16xf32>
      tpu.vector_store %arg8[%swap3A_329, %swap3A_330], %swap3A_333 {strides = array<i32>} : memref<64x768xf32, #tpu.memory_space<vmem>>, vector<1x16xf32>,
      %get3A_334 = arith.index_cast %scan3A_55 : i32 to index
      %get3A_335 = arith.constant 320 : index
      %get3A_336 = tpu.vector_load %arg8[%get3A_334, %get3A_335] {strides = array<i32>} : memref<64x768xf32, #tpu.memory_space<vmem>>, vector<1x16xf32>,
      %get3A_337 = vector.shape_cast %get3A_336 : vector<1x16xf32> to vector<16xf32>
      %get3A_338 = arith.index_cast %scan3A_55 : i32 to index
      %get3A_339 = arith.constant 320 : index
      %get3A_340 = tpu.vector_load %arg7[%get3A_338, %get3A_339] {strides = array<i32>} : memref<64x768xf32, #tpu.memory_space<vmem>>, vector<1x16xf32>,
      %get3A_341 = vector.shape_cast %get3A_340 : vector<1x16xf32> to vector<16xf32>
      %add3A_342 = arith.addf %get3A_337, %get3A_341 : vector<16xf32>
      %swap3A_343 = arith.index_cast %scan3A_55 : i32 to index
      %swap3A_344 = arith.constant 320 : index
      %swap3A_345 = tpu.vector_load %arg8[%swap3A_343, %swap3A_344] {strides = array<i32>} : memref<64x768xf32, #tpu.memory_space<vmem>>, vector<1x16xf32>,
      %swap3A_346 = vector.shape_cast %swap3A_345 : vector<1x16xf32> to vector<16xf32>
      %swap3A_347 = vector.shape_cast %add3A_342 : vector<16xf32> to vector<1x16xf32>
      tpu.vector_store %arg8[%swap3A_343, %swap3A_344], %swap3A_347 {strides = array<i32>} : memref<64x768xf32, #tpu.memory_space<vmem>>, vector<1x16xf32>,
      %get3A_348 = arith.index_cast %scan3A_55 : i32 to index
      %get3A_349 = arith.constant 336 : index
      %get3A_350 = tpu.vector_load %arg8[%get3A_348, %get3A_349] {strides = array<i32>} : memref<64x768xf32, #tpu.memory_space<vmem>>, vector<1x16xf32>,
      %get3A_351 = vector.shape_cast %get3A_350 : vector<1x16xf32> to vector<16xf32>
      %get3A_352 = arith.index_cast %scan3A_55 : i32 to index
      %get3A_353 = arith.constant 336 : index
      %get3A_354 = tpu.vector_load %arg7[%get3A_352, %get3A_353] {strides = array<i32>} : memref<64x768xf32, #tpu.memory_space<vmem>>, vector<1x16xf32>,
      %get3A_355 = vector.shape_cast %get3A_354 : vector<1x16xf32> to vector<16xf32>
      %add3A_356 = arith.addf %get3A_351, %get3A_355 : vector<16xf32>
      %swap3A_357 = arith.index_cast %scan3A_55 : i32 to index
      %swap3A_358 = arith.constant 336 : index
      %swap3A_359 = tpu.vector_load %arg8[%swap3A_357, %swap3A_358] {strides = array<i32>} : memref<64x768xf32, #tpu.memory_space<vmem>>, vector<1x16xf32>,
      %swap3A_360 = vector.shape_cast %swap3A_359 : vector<1x16xf32> to vector<16xf32>
      %swap3A_361 = vector.shape_cast %add3A_356 : vector<16xf32> to vector<1x16xf32>
      tpu.vector_store %arg8[%swap3A_357, %swap3A_358], %swap3A_361 {strides = array<i32>} : memref<64x768xf32, #tpu.memory_space<vmem>>, vector<1x16xf32>,
      %get3A_362 = arith.index_cast %scan3A_55 : i32 to index
      %get3A_363 = arith.constant 352 : index
      %get3A_364 = tpu.vector_load %arg8[%get3A_362, %get3A_363] {strides = array<i32>} : memref<64x768xf32, #tpu.memory_space<vmem>>, vector<1x16xf32>,
      %get3A_365 = vector.shape_cast %get3A_364 : vector<1x16xf32> to vector<16xf32>
      %get3A_366 = arith.index_cast %scan3A_55 : i32 to index
      %get3A_367 = arith.constant 352 : index
      %get3A_368 = tpu.vector_load %arg7[%get3A_366, %get3A_367] {strides = array<i32>} : memref<64x768xf32, #tpu.memory_space<vmem>>, vector<1x16xf32>,
      %get3A_369 = vector.shape_cast %get3A_368 : vector<1x16xf32> to vector<16xf32>
      %add3A_370 = arith.addf %get3A_365, %get3A_369 : vector<16xf32>
      %swap3A_371 = arith.index_cast %scan3A_55 : i32 to index
      %swap3A_372 = arith.constant 352 : index
      %swap3A_373 = tpu.vector_load %arg8[%swap3A_371, %swap3A_372] {strides = array<i32>} : memref<64x768xf32, #tpu.memory_space<vmem>>, vector<1x16xf32>,
      %swap3A_374 = vector.shape_cast %swap3A_373 : vector<1x16xf32> to vector<16xf32>
      %swap3A_375 = vector.shape_cast %add3A_370 : vector<16xf32> to vector<1x16xf32>
      tpu.vector_store %arg8[%swap3A_371, %swap3A_372], %swap3A_375 {strides = array<i32>} : memref<64x768xf32, #tpu.memory_space<vmem>>, vector<1x16xf32>,
      %get3A_376 = arith.index_cast %scan3A_55 : i32 to index
      %get3A_377 = arith.constant 368 : index
      %get3A_378 = tpu.vector_load %arg8[%get3A_376, %get3A_377] {strides = array<i32>} : memref<64x768xf32, #tpu.memory_space<vmem>>, vector<1x16xf32>,
      %get3A_379 = vector.shape_cast %get3A_378 : vector<1x16xf32> to vector<16xf32>
      %get3A_380 = arith.index_cast %scan3A_55 : i32 to index
      %get3A_381 = arith.constant 368 : index
      %get3A_382 = tpu.vector_load %arg7[%get3A_380, %get3A_381] {strides = array<i32>} : memref<64x768xf32, #tpu.memory_space<vmem>>, vector<1x16xf32>,
      %get3A_383 = vector.shape_cast %get3A_382 : vector<1x16xf32> to vector<16xf32>
      %add3A_384 = arith.addf %get3A_379, %get3A_383 : vector<16xf32>
      %swap3A_385 = arith.index_cast %scan3A_55 : i32 to index
      %swap3A_386 = arith.constant 368 : index
      %swap3A_387 = tpu.vector_load %arg8[%swap3A_385, %swap3A_386] {strides = array<i32>} : memref<64x768xf32, #tpu.memory_space<vmem>>, vector<1x16xf32>,
      %swap3A_388 = vector.shape_cast %swap3A_387 : vector<1x16xf32> to vector<16xf32>
      %swap3A_389 = vector.shape_cast %add3A_384 : vector<16xf32> to vector<1x16xf32>
      tpu.vector_store %arg8[%swap3A_385, %swap3A_386], %swap3A_389 {strides = array<i32>} : memref<64x768xf32, #tpu.memory_space<vmem>>, vector<1x16xf32>,
      %get3A_390 = arith.index_cast %scan3A_55 : i32 to index
      %get3A_391 = arith.constant 384 : index
      %get3A_392 = tpu.vector_load %arg8[%get3A_390, %get3A_391] {strides = array<i32>} : memref<64x768xf32, #tpu.memory_space<vmem>>, vector<1x16xf32>,
      %get3A_393 = vector.shape_cast %get3A_392 : vector<1x16xf32> to vector<16xf32>
      %get3A_394 = arith.index_cast %scan3A_55 : i32 to index
      %get3A_395 = arith.constant 384 : index
      %get3A_396 = tpu.vector_load %arg7[%get3A_394, %get3A_395] {strides = array<i32>} : memref<64x768xf32, #tpu.memory_space<vmem>>, vector<1x16xf32>,
      %get3A_397 = vector.shape_cast %get3A_396 : vector<1x16xf32> to vector<16xf32>
      %add3A_398 = arith.addf %get3A_393, %get3A_397 : vector<16xf32>
      %swap3A_399 = arith.index_cast %scan3A_55 : i32 to index
      %swap3A_400 = arith.constant 384 : index
      %swap3A_401 = tpu.vector_load %arg8[%swap3A_399, %swap3A_400] {strides = array<i32>} : memref<64x768xf32, #tpu.memory_space<vmem>>, vector<1x16xf32>,
      %swap3A_402 = vector.shape_cast %swap3A_401 : vector<1x16xf32> to vector<16xf32>
      %swap3A_403 = vector.shape_cast %add3A_398 : vector<16xf32> to vector<1x16xf32>
      tpu.vector_store %arg8[%swap3A_399, %swap3A_400], %swap3A_403 {strides = array<i32>} : memref<64x768xf32, #tpu.memory_space<vmem>>, vector<1x16xf32>,
      %get3A_404 = arith.index_cast %scan3A_55 : i32 to index
      %get3A_405 = arith.constant 400 : index
      %get3A_406 = tpu.vector_load %arg8[%get3A_404, %get3A_405] {strides = array<i32>} : memref<64x768xf32, #tpu.memory_space<vmem>>, vector<1x16xf32>,
      %get3A_407 = vector.shape_cast %get3A_406 : vector<1x16xf32> to vector<16xf32>
      %get3A_408 = arith.index_cast %scan3A_55 : i32 to index
      %get3A_409 = arith.constant 400 : index
      %get3A_410 = tpu.vector_load %arg7[%get3A_408, %get3A_409] {strides = array<i32>} : memref<64x768xf32, #tpu.memory_space<vmem>>, vector<1x16xf32>,
      %get3A_411 = vector.shape_cast %get3A_410 : vector<1x16xf32> to vector<16xf32>
      %add3A_412 = arith.addf %get3A_407, %get3A_411 : vector<16xf32>
      %swap3A_413 = arith.index_cast %scan3A_55 : i32 to index
      %swap3A_414 = arith.constant 400 : index
      %swap3A_415 = tpu.vector_load %arg8[%swap3A_413, %swap3A_414] {strides = array<i32>} : memref<64x768xf32, #tpu.memory_space<vmem>>, vector<1x16xf32>,
      %swap3A_416 = vector.shape_cast %swap3A_415 : vector<1x16xf32> to vector<16xf32>
      %swap3A_417 = vector.shape_cast %add3A_412 : vector<16xf32> to vector<1x16xf32>
      tpu.vector_store %arg8[%swap3A_413, %swap3A_414], %swap3A_417 {strides = array<i32>} : memref<64x768xf32, #tpu.memory_space<vmem>>, vector<1x16xf32>,
      %get3A_418 = arith.index_cast %scan3A_55 : i32 to index
      %get3A_419 = arith.constant 416 : index
      %get3A_420 = tpu.vector_load %arg8[%get3A_418, %get3A_419] {strides = array<i32>} : memref<64x768xf32, #tpu.memory_space<vmem>>, vector<1x16xf32>,
      %get3A_421 = vector.shape_cast %get3A_420 : vector<1x16xf32> to vector<16xf32>
      %get3A_422 = arith.index_cast %scan3A_55 : i32 to index
      %get3A_423 = arith.constant 416 : index
      %get3A_424 = tpu.vector_load %arg7[%get3A_422, %get3A_423] {strides = array<i32>} : memref<64x768xf32, #tpu.memory_space<vmem>>, vector<1x16xf32>,
      %get3A_425 = vector.shape_cast %get3A_424 : vector<1x16xf32> to vector<16xf32>
      %add3A_426 = arith.addf %get3A_421, %get3A_425 : vector<16xf32>
      %swap3A_427 = arith.index_cast %scan3A_55 : i32 to index
      %swap3A_428 = arith.constant 416 : index
      %swap3A_429 = tpu.vector_load %arg8[%swap3A_427, %swap3A_428] {strides = array<i32>} : memref<64x768xf32, #tpu.memory_space<vmem>>, vector<1x16xf32>,
      %swap3A_430 = vector.shape_cast %swap3A_429 : vector<1x16xf32> to vector<16xf32>
      %swap3A_431 = vector.shape_cast %add3A_426 : vector<16xf32> to vector<1x16xf32>
      tpu.vector_store %arg8[%swap3A_427, %swap3A_428], %swap3A_431 {strides = array<i32>} : memref<64x768xf32, #tpu.memory_space<vmem>>, vector<1x16xf32>,
      %get3A_432 = arith.index_cast %scan3A_55 : i32 to index
      %get3A_433 = arith.constant 432 : index
      %get3A_434 = tpu.vector_load %arg8[%get3A_432, %get3A_433] {strides = array<i32>} : memref<64x768xf32, #tpu.memory_space<vmem>>, vector<1x16xf32>,
      %get3A_435 = vector.shape_cast %get3A_434 : vector<1x16xf32> to vector<16xf32>
      %get3A_436 = arith.index_cast %scan3A_55 : i32 to index
      %get3A_437 = arith.constant 432 : index
      %get3A_438 = tpu.vector_load %arg7[%get3A_436, %get3A_437] {strides = array<i32>} : memref<64x768xf32, #tpu.memory_space<vmem>>, vector<1x16xf32>,
      %get3A_439 = vector.shape_cast %get3A_438 : vector<1x16xf32> to vector<16xf32>
      %add3A_440 = arith.addf %get3A_435, %get3A_439 : vector<16xf32>
      %swap3A_441 = arith.index_cast %scan3A_55 : i32 to index
      %swap3A_442 = arith.constant 432 : index
      %swap3A_443 = tpu.vector_load %arg8[%swap3A_441, %swap3A_442] {strides = array<i32>} : memref<64x768xf32, #tpu.memory_space<vmem>>, vector<1x16xf32>,
      %swap3A_444 = vector.shape_cast %swap3A_443 : vector<1x16xf32> to vector<16xf32>
      %swap3A_445 = vector.shape_cast %add3A_440 : vector<16xf32> to vector<1x16xf32>
      tpu.vector_store %arg8[%swap3A_441, %swap3A_442], %swap3A_445 {strides = array<i32>} : memref<64x768xf32, #tpu.memory_space<vmem>>, vector<1x16xf32>,
      %get3A_446 = arith.index_cast %scan3A_55 : i32 to index
      %get3A_447 = arith.constant 448 : index
      %get3A_448 = tpu.vector_load %arg8[%get3A_446, %get3A_447] {strides = array<i32>} : memref<64x768xf32, #tpu.memory_space<vmem>>, vector<1x16xf32>,
      %get3A_449 = vector.shape_cast %get3A_448 : vector<1x16xf32> to vector<16xf32>
      %get3A_450 = arith.index_cast %scan3A_55 : i32 to index
      %get3A_451 = arith.constant 448 : index
      %get3A_452 = tpu.vector_load %arg7[%get3A_450, %get3A_451] {strides = array<i32>} : memref<64x768xf32, #tpu.memory_space<vmem>>, vector<1x16xf32>,
      %get3A_453 = vector.shape_cast %get3A_452 : vector<1x16xf32> to vector<16xf32>
      %add3A_454 = arith.addf %get3A_449, %get3A_453 : vector<16xf32>
      %swap3A_455 = arith.index_cast %scan3A_55 : i32 to index
      %swap3A_456 = arith.constant 448 : index
      %swap3A_457 = tpu.vector_load %arg8[%swap3A_455, %swap3A_456] {strides = array<i32>} : memref<64x768xf32, #tpu.memory_space<vmem>>, vector<1x16xf32>,
      %swap3A_458 = vector.shape_cast %swap3A_457 : vector<1x16xf32> to vector<16xf32>
      %swap3A_459 = vector.shape_cast %add3A_454 : vector<16xf32> to vector<1x16xf32>
      tpu.vector_store %arg8[%swap3A_455, %swap3A_456], %swap3A_459 {strides = array<i32>} : memref<64x768xf32, #tpu.memory_space<vmem>>, vector<1x16xf32>,
      %get3A_460 = arith.index_cast %scan3A_55 : i32 to index
      %get3A_461 = arith.constant 464 : index
      %get3A_462 = tpu.vector_load %arg8[%get3A_460, %get3A_461] {strides = array<i32>} : memref<64x768xf32, #tpu.memory_space<vmem>>, vector<1x16xf32>,
      %get3A_463 = vector.shape_cast %get3A_462 : vector<1x16xf32> to vector<16xf32>
      %get3A_464 = arith.index_cast %scan3A_55 : i32 to index
      %get3A_465 = arith.constant 464 : index
      %get3A_466 = tpu.vector_load %arg7[%get3A_464, %get3A_465] {strides = array<i32>} : memref<64x768xf32, #tpu.memory_space<vmem>>, vector<1x16xf32>,
      %get3A_467 = vector.shape_cast %get3A_466 : vector<1x16xf32> to vector<16xf32>
      %add3A_468 = arith.addf %get3A_463, %get3A_467 : vector<16xf32>
      %swap3A_469 = arith.index_cast %scan3A_55 : i32 to index
      %swap3A_470 = arith.constant 464 : index
      %swap3A_471 = tpu.vector_load %arg8[%swap3A_469, %swap3A_470] {strides = array<i32>} : memref<64x768xf32, #tpu.memory_space<vmem>>, vector<1x16xf32>,
      %swap3A_472 = vector.shape_cast %swap3A_471 : vector<1x16xf32> to vector<16xf32>
      %swap3A_473 = vector.shape_cast %add3A_468 : vector<16xf32> to vector<1x16xf32>
      tpu.vector_store %arg8[%swap3A_469, %swap3A_470], %swap3A_473 {strides = array<i32>} : memref<64x768xf32, #tpu.memory_space<vmem>>, vector<1x16xf32>,
      %get3A_474 = arith.index_cast %scan3A_55 : i32 to index
      %get3A_475 = arith.constant 480 : index
      %get3A_476 = tpu.vector_load %arg8[%get3A_474, %get3A_475] {strides = array<i32>} : memref<64x768xf32, #tpu.memory_space<vmem>>, vector<1x16xf32>,
      %get3A_477 = vector.shape_cast %get3A_476 : vector<1x16xf32> to vector<16xf32>
      %get3A_478 = arith.index_cast %scan3A_55 : i32 to index
      %get3A_479 = arith.constant 480 : index
      %get3A_480 = tpu.vector_load %arg7[%get3A_478, %get3A_479] {strides = array<i32>} : memref<64x768xf32, #tpu.memory_space<vmem>>, vector<1x16xf32>,
      %get3A_481 = vector.shape_cast %get3A_480 : vector<1x16xf32> to vector<16xf32>
      %add3A_482 = arith.addf %get3A_477, %get3A_481 : vector<16xf32>
      %swap3A_483 = arith.index_cast %scan3A_55 : i32 to index
      %swap3A_484 = arith.constant 480 : index
      %swap3A_485 = tpu.vector_load %arg8[%swap3A_483, %swap3A_484] {strides = array<i32>} : memref<64x768xf32, #tpu.memory_space<vmem>>, vector<1x16xf32>,
      %swap3A_486 = vector.shape_cast %swap3A_485 : vector<1x16xf32> to vector<16xf32>
      %swap3A_487 = vector.shape_cast %add3A_482 : vector<16xf32> to vector<1x16xf32>
      tpu.vector_store %arg8[%swap3A_483, %swap3A_484], %swap3A_487 {strides = array<i32>} : memref<64x768xf32, #tpu.memory_space<vmem>>, vector<1x16xf32>,
      %get3A_488 = arith.index_cast %scan3A_55 : i32 to index
      %get3A_489 = arith.constant 496 : index
      %get3A_490 = tpu.vector_load %arg8[%get3A_488, %get3A_489] {strides = array<i32>} : memref<64x768xf32, #tpu.memory_space<vmem>>, vector<1x16xf32>,
      %get3A_491 = vector.shape_cast %get3A_490 : vector<1x16xf32> to vector<16xf32>
      %get3A_492 = arith.index_cast %scan3A_55 : i32 to index
      %get3A_493 = arith.constant 496 : index
      %get3A_494 = tpu.vector_load %arg7[%get3A_492, %get3A_493] {strides = array<i32>} : memref<64x768xf32, #tpu.memory_space<vmem>>, vector<1x16xf32>,
      %get3A_495 = vector.shape_cast %get3A_494 : vector<1x16xf32> to vector<16xf32>
      %add3A_496 = arith.addf %get3A_491, %get3A_495 : vector<16xf32>
      %swap3A_497 = arith.index_cast %scan3A_55 : i32 to index
      %swap3A_498 = arith.constant 496 : index
      %swap3A_499 = tpu.vector_load %arg8[%swap3A_497, %swap3A_498] {strides = array<i32>} : memref<64x768xf32, #tpu.memory_space<vmem>>, vector<1x16xf32>,
      %swap3A_500 = vector.shape_cast %swap3A_499 : vector<1x16xf32> to vector<16xf32>
      %swap3A_501 = vector.shape_cast %add3A_496 : vector<16xf32> to vector<1x16xf32>
      tpu.vector_store %arg8[%swap3A_497, %swap3A_498], %swap3A_501 {strides = array<i32>} : memref<64x768xf32, #tpu.memory_space<vmem>>, vector<1x16xf32>,
      %get3A_502 = arith.index_cast %scan3A_55 : i32 to index
      %get3A_503 = arith.constant 512 : index
      %get3A_504 = tpu.vector_load %arg8[%get3A_502, %get3A_503] {strides = array<i32>} : memref<64x768xf32, #tpu.memory_space<vmem>>, vector<1x16xf32>,
      %get3A_505 = vector.shape_cast %get3A_504 : vector<1x16xf32> to vector<16xf32>
      %get3A_506 = arith.index_cast %scan3A_55 : i32 to index
      %get3A_507 = arith.constant 512 : index
      %get3A_508 = tpu.vector_load %arg7[%get3A_506, %get3A_507] {strides = array<i32>} : memref<64x768xf32, #tpu.memory_space<vmem>>, vector<1x16xf32>,
      %get3A_509 = vector.shape_cast %get3A_508 : vector<1x16xf32> to vector<16xf32>
      %add3A_510 = arith.addf %get3A_505, %get3A_509 : vector<16xf32>
      %swap3A_511 = arith.index_cast %scan3A_55 : i32 to index
      %swap3A_512 = arith.constant 512 : index
      %swap3A_513 = tpu.vector_load %arg8[%swap3A_511, %swap3A_512] {strides = array<i32>} : memref<64x768xf32, #tpu.memory_space<vmem>>, vector<1x16xf32>,
      %swap3A_514 = vector.shape_cast %swap3A_513 : vector<1x16xf32> to vector<16xf32>
      %swap3A_515 = vector.shape_cast %add3A_510 : vector<16xf32> to vector<1x16xf32>
      tpu.vector_store %arg8[%swap3A_511, %swap3A_512], %swap3A_515 {strides = array<i32>} : memref<64x768xf32, #tpu.memory_space<vmem>>, vector<1x16xf32>,
      %get3A_516 = arith.index_cast %scan3A_55 : i32 to index
      %get3A_517 = arith.constant 528 : index
      %get3A_518 = tpu.vector_load %arg8[%get3A_516, %get3A_517] {strides = array<i32>} : memref<64x768xf32, #tpu.memory_space<vmem>>, vector<1x16xf32>,
      %get3A_519 = vector.shape_cast %get3A_518 : vector<1x16xf32> to vector<16xf32>
      %get3A_520 = arith.index_cast %scan3A_55 : i32 to index
      %get3A_521 = arith.constant 528 : index
      %get3A_522 = tpu.vector_load %arg7[%get3A_520, %get3A_521] {strides = array<i32>} : memref<64x768xf32, #tpu.memory_space<vmem>>, vector<1x16xf32>,
      %get3A_523 = vector.shape_cast %get3A_522 : vector<1x16xf32> to vector<16xf32>
      %add3A_524 = arith.addf %get3A_519, %get3A_523 : vector<16xf32>
      %swap3A_525 = arith.index_cast %scan3A_55 : i32 to index
      %swap3A_526 = arith.constant 528 : index
      %swap3A_527 = tpu.vector_load %arg8[%swap3A_525, %swap3A_526] {strides = array<i32>} : memref<64x768xf32, #tpu.memory_space<vmem>>, vector<1x16xf32>,
      %swap3A_528 = vector.shape_cast %swap3A_527 : vector<1x16xf32> to vector<16xf32>
      %swap3A_529 = vector.shape_cast %add3A_524 : vector<16xf32> to vector<1x16xf32>
      tpu.vector_store %arg8[%swap3A_525, %swap3A_526], %swap3A_529 {strides = array<i32>} : memref<64x768xf32, #tpu.memory_space<vmem>>, vector<1x16xf32>,
      %get3A_530 = arith.index_cast %scan3A_55 : i32 to index
      %get3A_531 = arith.constant 544 : index
      %get3A_532 = tpu.vector_load %arg8[%get3A_530, %get3A_531] {strides = array<i32>} : memref<64x768xf32, #tpu.memory_space<vmem>>, vector<1x16xf32>,
      %get3A_533 = vector.shape_cast %get3A_532 : vector<1x16xf32> to vector<16xf32>
      %get3A_534 = arith.index_cast %scan3A_55 : i32 to index
      %get3A_535 = arith.constant 544 : index
      %get3A_536 = tpu.vector_load %arg7[%get3A_534, %get3A_535] {strides = array<i32>} : memref<64x768xf32, #tpu.memory_space<vmem>>, vector<1x16xf32>,
      %get3A_537 = vector.shape_cast %get3A_536 : vector<1x16xf32> to vector<16xf32>
      %add3A_538 = arith.addf %get3A_533, %get3A_537 : vector<16xf32>
      %swap3A_539 = arith.index_cast %scan3A_55 : i32 to index
      %swap3A_540 = arith.constant 544 : index
      %swap3A_541 = tpu.vector_load %arg8[%swap3A_539, %swap3A_540] {strides = array<i32>} : memref<64x768xf32, #tpu.memory_space<vmem>>, vector<1x16xf32>,
      %swap3A_542 = vector.shape_cast %swap3A_541 : vector<1x16xf32> to vector<16xf32>
      %swap3A_543 = vector.shape_cast %add3A_538 : vector<16xf32> to vector<1x16xf32>
      tpu.vector_store %arg8[%swap3A_539, %swap3A_540], %swap3A_543 {strides = array<i32>} : memref<64x768xf32, #tpu.memory_space<vmem>>, vector<1x16xf32>,
      %get3A_544 = arith.index_cast %scan3A_55 : i32 to index
      %get3A_545 = arith.constant 560 : index
      %get3A_546 = tpu.vector_load %arg8[%get3A_544, %get3A_545] {strides = array<i32>} : memref<64x768xf32, #tpu.memory_space<vmem>>, vector<1x16xf32>,
      %get3A_547 = vector.shape_cast %get3A_546 : vector<1x16xf32> to vector<16xf32>
      %get3A_548 = arith.index_cast %scan3A_55 : i32 to index
      %get3A_549 = arith.constant 560 : index
      %get3A_550 = tpu.vector_load %arg7[%get3A_548, %get3A_549] {strides = array<i32>} : memref<64x768xf32, #tpu.memory_space<vmem>>, vector<1x16xf32>,
      %get3A_551 = vector.shape_cast %get3A_550 : vector<1x16xf32> to vector<16xf32>
      %add3A_552 = arith.addf %get3A_547, %get3A_551 : vector<16xf32>
      %swap3A_553 = arith.index_cast %scan3A_55 : i32 to index
      %swap3A_554 = arith.constant 560 : index
      %swap3A_555 = tpu.vector_load %arg8[%swap3A_553, %swap3A_554] {strides = array<i32>} : memref<64x768xf32, #tpu.memory_space<vmem>>, vector<1x16xf32>,
      %swap3A_556 = vector.shape_cast %swap3A_555 : vector<1x16xf32> to vector<16xf32>
      %swap3A_557 = vector.shape_cast %add3A_552 : vector<16xf32> to vector<1x16xf32>
      tpu.vector_store %arg8[%swap3A_553, %swap3A_554], %swap3A_557 {strides = array<i32>} : memref<64x768xf32, #tpu.memory_space<vmem>>, vector<1x16xf32>,
      %get3A_558 = arith.index_cast %scan3A_55 : i32 to index
      %get3A_559 = arith.constant 576 : index
      %get3A_560 = tpu.vector_load %arg8[%get3A_558, %get3A_559] {strides = array<i32>} : memref<64x768xf32, #tpu.memory_space<vmem>>, vector<1x16xf32>,
      %get3A_561 = vector.shape_cast %get3A_560 : vector<1x16xf32> to vector<16xf32>
      %get3A_562 = arith.index_cast %scan3A_55 : i32 to index
      %get3A_563 = arith.constant 576 : index
      %get3A_564 = tpu.vector_load %arg7[%get3A_562, %get3A_563] {strides = array<i32>} : memref<64x768xf32, #tpu.memory_space<vmem>>, vector<1x16xf32>,
      %get3A_565 = vector.shape_cast %get3A_564 : vector<1x16xf32> to vector<16xf32>
      %add3A_566 = arith.addf %get3A_561, %get3A_565 : vector<16xf32>
      %swap3A_567 = arith.index_cast %scan3A_55 : i32 to index
      %swap3A_568 = arith.constant 576 : index
      %swap3A_569 = tpu.vector_load %arg8[%swap3A_567, %swap3A_568] {strides = array<i32>} : memref<64x768xf32, #tpu.memory_space<vmem>>, vector<1x16xf32>,
      %swap3A_570 = vector.shape_cast %swap3A_569 : vector<1x16xf32> to vector<16xf32>
      %swap3A_571 = vector.shape_cast %add3A_566 : vector<16xf32> to vector<1x16xf32>
      tpu.vector_store %arg8[%swap3A_567, %swap3A_568], %swap3A_571 {strides = array<i32>} : memref<64x768xf32, #tpu.memory_space<vmem>>, vector<1x16xf32>,
      %get3A_572 = arith.index_cast %scan3A_55 : i32 to index
      %get3A_573 = arith.constant 592 : index
      %get3A_574 = tpu.vector_load %arg8[%get3A_572, %get3A_573] {strides = array<i32>} : memref<64x768xf32, #tpu.memory_space<vmem>>, vector<1x16xf32>,
      %get3A_575 = vector.shape_cast %get3A_574 : vector<1x16xf32> to vector<16xf32>
      %get3A_576 = arith.index_cast %scan3A_55 : i32 to index
      %get3A_577 = arith.constant 592 : index
      %get3A_578 = tpu.vector_load %arg7[%get3A_576, %get3A_577] {strides = array<i32>} : memref<64x768xf32, #tpu.memory_space<vmem>>, vector<1x16xf32>,
      %get3A_579 = vector.shape_cast %get3A_578 : vector<1x16xf32> to vector<16xf32>
      %add3A_580 = arith.addf %get3A_575, %get3A_579 : vector<16xf32>
      %swap3A_581 = arith.index_cast %scan3A_55 : i32 to index
      %swap3A_582 = arith.constant 592 : index
      %swap3A_583 = tpu.vector_load %arg8[%swap3A_581, %swap3A_582] {strides = array<i32>} : memref<64x768xf32, #tpu.memory_space<vmem>>, vector<1x16xf32>,
      %swap3A_584 = vector.shape_cast %swap3A_583 : vector<1x16xf32> to vector<16xf32>
      %swap3A_585 = vector.shape_cast %add3A_580 : vector<16xf32> to vector<1x16xf32>
      tpu.vector_store %arg8[%swap3A_581, %swap3A_582], %swap3A_585 {strides = array<i32>} : memref<64x768xf32, #tpu.memory_space<vmem>>, vector<1x16xf32>,
      %get3A_586 = arith.index_cast %scan3A_55 : i32 to index
      %get3A_587 = arith.constant 608 : index
      %get3A_588 = tpu.vector_load %arg8[%get3A_586, %get3A_587] {strides = array<i32>} : memref<64x768xf32, #tpu.memory_space<vmem>>, vector<1x16xf32>,
      %get3A_589 = vector.shape_cast %get3A_588 : vector<1x16xf32> to vector<16xf32>
      %get3A_590 = arith.index_cast %scan3A_55 : i32 to index
      %get3A_591 = arith.constant 608 : index
      %get3A_592 = tpu.vector_load %arg7[%get3A_590, %get3A_591] {strides = array<i32>} : memref<64x768xf32, #tpu.memory_space<vmem>>, vector<1x16xf32>,
      %get3A_593 = vector.shape_cast %get3A_592 : vector<1x16xf32> to vector<16xf32>
      %add3A_594 = arith.addf %get3A_589, %get3A_593 : vector<16xf32>
      %swap3A_595 = arith.index_cast %scan3A_55 : i32 to index
      %swap3A_596 = arith.constant 608 : index
      %swap3A_597 = tpu.vector_load %arg8[%swap3A_595, %swap3A_596] {strides = array<i32>} : memref<64x768xf32, #tpu.memory_space<vmem>>, vector<1x16xf32>,
      %swap3A_598 = vector.shape_cast %swap3A_597 : vector<1x16xf32> to vector<16xf32>
      %swap3A_599 = vector.shape_cast %add3A_594 : vector<16xf32> to vector<1x16xf32>
      tpu.vector_store %arg8[%swap3A_595, %swap3A_596], %swap3A_599 {strides = array<i32>} : memref<64x768xf32, #tpu.memory_space<vmem>>, vector<1x16xf32>,
      %get3A_600 = arith.index_cast %scan3A_55 : i32 to index
      %get3A_601 = arith.constant 624 : index
      %get3A_602 = tpu.vector_load %arg8[%get3A_600, %get3A_601] {strides = array<i32>} : memref<64x768xf32, #tpu.memory_space<vmem>>, vector<1x16xf32>,
      %get3A_603 = vector.shape_cast %get3A_602 : vector<1x16xf32> to vector<16xf32>
      %get3A_604 = arith.index_cast %scan3A_55 : i32 to index
      %get3A_605 = arith.constant 624 : index
      %get3A_606 = tpu.vector_load %arg7[%get3A_604, %get3A_605] {strides = array<i32>} : memref<64x768xf32, #tpu.memory_space<vmem>>, vector<1x16xf32>,
      %get3A_607 = vector.shape_cast %get3A_606 : vector<1x16xf32> to vector<16xf32>
      %add3A_608 = arith.addf %get3A_603, %get3A_607 : vector<16xf32>
      %swap3A_609 = arith.index_cast %scan3A_55 : i32 to index
      %swap3A_610 = arith.constant 624 : index
      %swap3A_611 = tpu.vector_load %arg8[%swap3A_609, %swap3A_610] {strides = array<i32>} : memref<64x768xf32, #tpu.memory_space<vmem>>, vector<1x16xf32>,
      %swap3A_612 = vector.shape_cast %swap3A_611 : vector<1x16xf32> to vector<16xf32>
      %swap3A_613 = vector.shape_cast %add3A_608 : vector<16xf32> to vector<1x16xf32>
      tpu.vector_store %arg8[%swap3A_609, %swap3A_610], %swap3A_613 {strides = array<i32>} : memref<64x768xf32, #tpu.memory_space<vmem>>, vector<1x16xf32>,
      %get3A_614 = arith.index_cast %scan3A_55 : i32 to index
      %get3A_615 = arith.constant 640 : index
      %get3A_616 = tpu.vector_load %arg8[%get3A_614, %get3A_615] {strides = array<i32>} : memref<64x768xf32, #tpu.memory_space<vmem>>, vector<1x16xf32>,
      %get3A_617 = vector.shape_cast %get3A_616 : vector<1x16xf32> to vector<16xf32>
      %get3A_618 = arith.index_cast %scan3A_55 : i32 to index
      %get3A_619 = arith.constant 640 : index
      %get3A_620 = tpu.vector_load %arg7[%get3A_618, %get3A_619] {strides = array<i32>} : memref<64x768xf32, #tpu.memory_space<vmem>>, vector<1x16xf32>,
      %get3A_621 = vector.shape_cast %get3A_620 : vector<1x16xf32> to vector<16xf32>
      %add3A_622 = arith.addf %get3A_617, %get3A_621 : vector<16xf32>
      %swap3A_623 = arith.index_cast %scan3A_55 : i32 to index
      %swap3A_624 = arith.constant 640 : index
      %swap3A_625 = tpu.vector_load %arg8[%swap3A_623, %swap3A_624] {strides = array<i32>} : memref<64x768xf32, #tpu.memory_space<vmem>>, vector<1x16xf32>,
      %swap3A_626 = vector.shape_cast %swap3A_625 : vector<1x16xf32> to vector<16xf32>
      %swap3A_627 = vector.shape_cast %add3A_622 : vector<16xf32> to vector<1x16xf32>
      tpu.vector_store %arg8[%swap3A_623, %swap3A_624], %swap3A_627 {strides = array<i32>} : memref<64x768xf32, #tpu.memory_space<vmem>>, vector<1x16xf32>,
      %get3A_628 = arith.index_cast %scan3A_55 : i32 to index
      %get3A_629 = arith.constant 656 : index
      %get3A_630 = tpu.vector_load %arg8[%get3A_628, %get3A_629] {strides = array<i32>} : memref<64x768xf32, #tpu.memory_space<vmem>>, vector<1x16xf32>,
      %get3A_631 = vector.shape_cast %get3A_630 : vector<1x16xf32> to vector<16xf32>
      %get3A_632 = arith.index_cast %scan3A_55 : i32 to index
      %get3A_633 = arith.constant 656 : index
      %get3A_634 = tpu.vector_load %arg7[%get3A_632, %get3A_633] {strides = array<i32>} : memref<64x768xf32, #tpu.memory_space<vmem>>, vector<1x16xf32>,
      %get3A_635 = vector.shape_cast %get3A_634 : vector<1x16xf32> to vector<16xf32>
      %add3A_636 = arith.addf %get3A_631, %get3A_635 : vector<16xf32>
      %swap3A_637 = arith.index_cast %scan3A_55 : i32 to index
      %swap3A_638 = arith.constant 656 : index
      %swap3A_639 = tpu.vector_load %arg8[%swap3A_637, %swap3A_638] {strides = array<i32>} : memref<64x768xf32, #tpu.memory_space<vmem>>, vector<1x16xf32>,
      %swap3A_640 = vector.shape_cast %swap3A_639 : vector<1x16xf32> to vector<16xf32>
      %swap3A_641 = vector.shape_cast %add3A_636 : vector<16xf32> to vector<1x16xf32>
      tpu.vector_store %arg8[%swap3A_637, %swap3A_638], %swap3A_641 {strides = array<i32>} : memref<64x768xf32, #tpu.memory_space<vmem>>, vector<1x16xf32>,
      %get3A_642 = arith.index_cast %scan3A_55 : i32 to index
      %get3A_643 = arith.constant 672 : index
      %get3A_644 = tpu.vector_load %arg8[%get3A_642, %get3A_643] {strides = array<i32>} : memref<64x768xf32, #tpu.memory_space<vmem>>, vector<1x16xf32>,
      %get3A_645 = vector.shape_cast %get3A_644 : vector<1x16xf32> to vector<16xf32>
      %get3A_646 = arith.index_cast %scan3A_55 : i32 to index
      %get3A_647 = arith.constant 672 : index
      %get3A_648 = tpu.vector_load %arg7[%get3A_646, %get3A_647] {strides = array<i32>} : memref<64x768xf32, #tpu.memory_space<vmem>>, vector<1x16xf32>,
      %get3A_649 = vector.shape_cast %get3A_648 : vector<1x16xf32> to vector<16xf32>
      %add3A_650 = arith.addf %get3A_645, %get3A_649 : vector<16xf32>
      %swap3A_651 = arith.index_cast %scan3A_55 : i32 to index
      %swap3A_652 = arith.constant 672 : index
      %swap3A_653 = tpu.vector_load %arg8[%swap3A_651, %swap3A_652] {strides = array<i32>} : memref<64x768xf32, #tpu.memory_space<vmem>>, vector<1x16xf32>,
      %swap3A_654 = vector.shape_cast %swap3A_653 : vector<1x16xf32> to vector<16xf32>
      %swap3A_655 = vector.shape_cast %add3A_650 : vector<16xf32> to vector<1x16xf32>
      tpu.vector_store %arg8[%swap3A_651, %swap3A_652], %swap3A_655 {strides = array<i32>} : memref<64x768xf32, #tpu.memory_space<vmem>>, vector<1x16xf32>,
      %get3A_656 = arith.index_cast %scan3A_55 : i32 to index
      %get3A_657 = arith.constant 688 : index
      %get3A_658 = tpu.vector_load %arg8[%get3A_656, %get3A_657] {strides = array<i32>} : memref<64x768xf32, #tpu.memory_space<vmem>>, vector<1x16xf32>,
      %get3A_659 = vector.shape_cast %get3A_658 : vector<1x16xf32> to vector<16xf32>
      %get3A_660 = arith.index_cast %scan3A_55 : i32 to index
      %get3A_661 = arith.constant 688 : index
      %get3A_662 = tpu.vector_load %arg7[%get3A_660, %get3A_661] {strides = array<i32>} : memref<64x768xf32, #tpu.memory_space<vmem>>, vector<1x16xf32>,
      %get3A_663 = vector.shape_cast %get3A_662 : vector<1x16xf32> to vector<16xf32>
      %add3A_664 = arith.addf %get3A_659, %get3A_663 : vector<16xf32>
      %swap3A_665 = arith.index_cast %scan3A_55 : i32 to index
      %swap3A_666 = arith.constant 688 : index
      %swap3A_667 = tpu.vector_load %arg8[%swap3A_665, %swap3A_666] {strides = array<i32>} : memref<64x768xf32, #tpu.memory_space<vmem>>, vector<1x16xf32>,
      %swap3A_668 = vector.shape_cast %swap3A_667 : vector<1x16xf32> to vector<16xf32>
      %swap3A_669 = vector.shape_cast %add3A_664 : vector<16xf32> to vector<1x16xf32>
      tpu.vector_store %arg8[%swap3A_665, %swap3A_666], %swap3A_669 {strides = array<i32>} : memref<64x768xf32, #tpu.memory_space<vmem>>, vector<1x16xf32>,
      %get3A_670 = arith.index_cast %scan3A_55 : i32 to index
      %get3A_671 = arith.constant 704 : index
      %get3A_672 = tpu.vector_load %arg8[%get3A_670, %get3A_671] {strides = array<i32>} : memref<64x768xf32, #tpu.memory_space<vmem>>, vector<1x16xf32>,
      %get3A_673 = vector.shape_cast %get3A_672 : vector<1x16xf32> to vector<16xf32>
      %get3A_674 = arith.index_cast %scan3A_55 : i32 to index
      %get3A_675 = arith.constant 704 : index
      %get3A_676 = tpu.vector_load %arg7[%get3A_674, %get3A_675] {strides = array<i32>} : memref<64x768xf32, #tpu.memory_space<vmem>>, vector<1x16xf32>,
      %get3A_677 = vector.shape_cast %get3A_676 : vector<1x16xf32> to vector<16xf32>
      %add3A_678 = arith.addf %get3A_673, %get3A_677 : vector<16xf32>
      %swap3A_679 = arith.index_cast %scan3A_55 : i32 to index
      %swap3A_680 = arith.constant 704 : index
      %swap3A_681 = tpu.vector_load %arg8[%swap3A_679, %swap3A_680] {strides = array<i32>} : memref<64x768xf32, #tpu.memory_space<vmem>>, vector<1x16xf32>,
      %swap3A_682 = vector.shape_cast %swap3A_681 : vector<1x16xf32> to vector<16xf32>
      %swap3A_683 = vector.shape_cast %add3A_678 : vector<16xf32> to vector<1x16xf32>
      tpu.vector_store %arg8[%swap3A_679, %swap3A_680], %swap3A_683 {strides = array<i32>} : memref<64x768xf32, #tpu.memory_space<vmem>>, vector<1x16xf32>,
      %get3A_684 = arith.index_cast %scan3A_55 : i32 to index
      %get3A_685 = arith.constant 720 : index
      %get3A_686 = tpu.vector_load %arg8[%get3A_684, %get3A_685] {strides = array<i32>} : memref<64x768xf32, #tpu.memory_space<vmem>>, vector<1x16xf32>,
      %get3A_687 = vector.shape_cast %get3A_686 : vector<1x16xf32> to vector<16xf32>
      %get3A_688 = arith.index_cast %scan3A_55 : i32 to index
      %get3A_689 = arith.constant 720 : index
      %get3A_690 = tpu.vector_load %arg7[%get3A_688, %get3A_689] {strides = array<i32>} : memref<64x768xf32, #tpu.memory_space<vmem>>, vector<1x16xf32>,
      %get3A_691 = vector.shape_cast %get3A_690 : vector<1x16xf32> to vector<16xf32>
      %add3A_692 = arith.addf %get3A_687, %get3A_691 : vector<16xf32>
      %swap3A_693 = arith.index_cast %scan3A_55 : i32 to index
      %swap3A_694 = arith.constant 720 : index
      %swap3A_695 = tpu.vector_load %arg8[%swap3A_693, %swap3A_694] {strides = array<i32>} : memref<64x768xf32, #tpu.memory_space<vmem>>, vector<1x16xf32>,
      %swap3A_696 = vector.shape_cast %swap3A_695 : vector<1x16xf32> to vector<16xf32>
      %swap3A_697 = vector.shape_cast %add3A_692 : vector<16xf32> to vector<1x16xf32>
      tpu.vector_store %arg8[%swap3A_693, %swap3A_694], %swap3A_697 {strides = array<i32>} : memref<64x768xf32, #tpu.memory_space<vmem>>, vector<1x16xf32>,
      %get3A_698 = arith.index_cast %scan3A_55 : i32 to index
      %get3A_699 = arith.constant 736 : index
      %get3A_700 = tpu.vector_load %arg8[%get3A_698, %get3A_699] {strides = array<i32>} : memref<64x768xf32, #tpu.memory_space<vmem>>, vector<1x16xf32>,
      %get3A_701 = vector.shape_cast %get3A_700 : vector<1x16xf32> to vector<16xf32>
      %get3A_702 = arith.index_cast %scan3A_55 : i32 to index
      %get3A_703 = arith.constant 736 : index
      %get3A_704 = tpu.vector_load %arg7[%get3A_702, %get3A_703] {strides = array<i32>} : memref<64x768xf32, #tpu.memory_space<vmem>>, vector<1x16xf32>,
      %get3A_705 = vector.shape_cast %get3A_704 : vector<1x16xf32> to vector<16xf32>
      %add3A_706 = arith.addf %get3A_701, %get3A_705 : vector<16xf32>
      %swap3A_707 = arith.index_cast %scan3A_55 : i32 to index
      %swap3A_708 = arith.constant 736 : index
      %swap3A_709 = tpu.vector_load %arg8[%swap3A_707, %swap3A_708] {strides = array<i32>} : memref<64x768xf32, #tpu.memory_space<vmem>>, vector<1x16xf32>,
      %swap3A_710 = vector.shape_cast %swap3A_709 : vector<1x16xf32> to vector<16xf32>
      %swap3A_711 = vector.shape_cast %add3A_706 : vector<16xf32> to vector<1x16xf32>
      tpu.vector_store %arg8[%swap3A_707, %swap3A_708], %swap3A_711 {strides = array<i32>} : memref<64x768xf32, #tpu.memory_space<vmem>>, vector<1x16xf32>,
      %get3A_712 = arith.index_cast %scan3A_55 : i32 to index
      %get3A_713 = arith.constant 752 : index
      %get3A_714 = tpu.vector_load %arg8[%get3A_712, %get3A_713] {strides = array<i32>} : memref<64x768xf32, #tpu.memory_space<vmem>>, vector<1x16xf32>,
      %get3A_715 = vector.shape_cast %get3A_714 : vector<1x16xf32> to vector<16xf32>
      %get3A_716 = arith.index_cast %scan3A_55 : i32 to index
      %get3A_717 = arith.constant 752 : index
      %get3A_718 = tpu.vector_load %arg7[%get3A_716, %get3A_717] {strides = array<i32>} : memref<64x768xf32, #tpu.memory_space<vmem>>, vector<1x16xf32>,
      %get3A_719 = vector.shape_cast %get3A_718 : vector<1x16xf32> to vector<16xf32>
      %add3A_720 = arith.addf %get3A_715, %get3A_719 : vector<16xf32>
      %swap3A_721 = arith.index_cast %scan3A_55 : i32 to index
      %swap3A_722 = arith.constant 752 : index
      %swap3A_723 = tpu.vector_load %arg8[%swap3A_721, %swap3A_722] {strides = array<i32>} : memref<64x768xf32, #tpu.memory_space<vmem>>, vector<1x16xf32>,
      %swap3A_724 = vector.shape_cast %swap3A_723 : vector<1x16xf32> to vector<16xf32>
      %swap3A_725 = vector.shape_cast %add3A_720 : vector<16xf32> to vector<1x16xf32>
      tpu.vector_store %arg8[%swap3A_721, %swap3A_722], %swap3A_725 {strides = array<i32>} : memref<64x768xf32, #tpu.memory_space<vmem>>, vector<1x16xf32>,
    }
    %scan3A_25 = arith.constant 64 : i32
    %run_scoped3A_26 = arith.constant 1 : i32
    "tpu.region"() ({
      %run_scoped3A_55 = tpu.sem_alloc : memref<!tpu.dma_semaphore, #tpu.memory_space<semaphore_mem>>
      %dma_start3A_56 = arith.constant 0 : i32
      %dma_start3A_57 = tpu.memref_slice %arg5[%run_scoped3A_26, %mul3A_2, %dma_start3A_56] : memref<4x2048x768xf32, #tpu.memory_space<hbm>> -> memref<1x64x768xf32, #tpu.memory_space<hbm>>
      %dma_start3A_58 = tpu.memref_squeeze %dma_start3A_57 : memref<1x64x768xf32, #tpu.memory_space<hbm>> -> memref<64x768xf32, #tpu.memory_space<hbm>>
      %dma_start3A_59 = arith.constant 0 : i32
      %dma_start3A_60 = tpu.memref_slice %arg5[%run_scoped3A_26, %mul3A_2, %dma_start3A_59] : memref<4x2048x768xf32, #tpu.memory_space<hbm>> -> memref<1x64x768xf32, #tpu.memory_space<hbm>>
      %dma_start3A_61 = tpu.memref_squeeze %dma_start3A_60 : memref<1x64x768xf32, #tpu.memory_space<hbm>> -> memref<64x768xf32, #tpu.memory_space<hbm>>
      tpu.enqueue_dma source(%arg8 : memref<64x768xf32, #tpu.memory_space<vmem>>) target(%dma_start3A_61 : memref<64x768xf32, #tpu.memory_space<hbm>>) target_semaphore(%run_scoped3A_55 : memref<!tpu.dma_semaphore, #tpu.memory_space<semaphore_mem>>)
      %dma_wait3A_62 = arith.constant 0 : i32
      %dma_wait3A_63 = tpu.memref_slice %arg5[%run_scoped3A_26, %mul3A_2, %dma_wait3A_62] : memref<4x2048x768xf32, #tpu.memory_space<hbm>> -> memref<1x64x768xf32, #tpu.memory_space<hbm>>
      %dma_wait3A_64 = tpu.memref_squeeze %dma_wait3A_63 : memref<1x64x768xf32, #tpu.memory_space<hbm>> -> memref<64x768xf32, #tpu.memory_space<hbm>>
      %dma_wait3A_65 = arith.constant 0 : i32
      %dma_wait3A_66 = tpu.memref_slice %arg5[%run_scoped3A_26, %mul3A_2, %dma_wait3A_65] : memref<4x2048x768xf32, #tpu.memory_space<hbm>> -> memref<1x64x768xf32, #tpu.memory_space<hbm>>
      %dma_wait3A_67 = tpu.memref_squeeze %dma_wait3A_66 : memref<1x64x768xf32, #tpu.memory_space<hbm>> -> memref<64x768xf32, #tpu.memory_space<hbm>>
      tpu.wait_dma2 semaphore(%run_scoped3A_55 : memref<!tpu.dma_semaphore, #tpu.memory_space<semaphore_mem>>) src(%arg8 : memref<64x768xf32, #tpu.memory_space<vmem>>) dst(%dma_wait3A_67 : memref<64x768xf32, #tpu.memory_space<hbm>>)
      tpu.yield
    }) : () -> ()
    %run_scoped3A_27 = arith.constant 2 : i32
    "tpu.region"() ({
      %run_scoped3A_55 = tpu.sem_alloc : memref<!tpu.dma_semaphore, #tpu.memory_space<semaphore_mem>>
      %dma_start3A_56 = tpu.memref_slice %arg2[%run_scoped3A_27, %mul3A_2] : memref<4x2048xi32, #tpu.memory_space<hbm>> -> memref<1x64xi32, #tpu.memory_space<hbm>>
      %dma_start3A_57 = tpu.memref_squeeze %dma_start3A_56 : memref<1x64xi32, #tpu.memory_space<hbm>> -> memref<64xi32, #tpu.memory_space<hbm>>
      %dma_start3A_58 = tpu.memref_slice %arg2[%run_scoped3A_27, %mul3A_2] : memref<4x2048xi32, #tpu.memory_space<hbm>> -> memref<1x64xi32, #tpu.memory_space<hbm>>
      %dma_start3A_59 = tpu.memref_squeeze %dma_start3A_58 : memref<1x64xi32, #tpu.memory_space<hbm>> -> memref<64xi32, #tpu.memory_space<hbm>>
      tpu.enqueue_dma source(%dma_start3A_59 : memref<64xi32, #tpu.memory_space<hbm>>) target(%arg6 : memref<64xi32, #tpu.memory_space<vmem>>) target_semaphore(%run_scoped3A_55 : memref<!tpu.dma_semaphore, #tpu.memory_space<semaphore_mem>>)
      %dma_wait3A_60 = tpu.memref_slice %arg2[%run_scoped3A_27, %mul3A_2] : memref<4x2048xi32, #tpu.memory_space<hbm>> -> memref<1x64xi32, #tpu.memory_space<hbm>>
      %dma_wait3A_61 = tpu.memref_squeeze %dma_wait3A_60 : memref<1x64xi32, #tpu.memory_space<hbm>> -> memref<64xi32, #tpu.memory_space<hbm>>
      %dma_wait3A_62 = tpu.memref_slice %arg2[%run_scoped3A_27, %mul3A_2] : memref<4x2048xi32, #tpu.memory_space<hbm>> -> memref<1x64xi32, #tpu.memory_space<hbm>>
      %dma_wait3A_63 = tpu.memref_squeeze %dma_wait3A_62 : memref<1x64xi32, #tpu.memory_space<hbm>> -> memref<64xi32, #tpu.memory_space<hbm>>
      tpu.wait_dma2 semaphore(%run_scoped3A_55 : memref<!tpu.dma_semaphore, #tpu.memory_space<semaphore_mem>>) src(%dma_wait3A_63 : memref<64xi32, #tpu.memory_space<hbm>>) dst(%arg6 : memref<64xi32, #tpu.memory_space<vmem>>)
      tpu.yield
    }) : () -> ()
    %dma_start3A_28 = arith.constant 0 : i32
    %dma_start3A_29 = arith.constant 0 : i32
    %dma_start3A_30 = tpu.memref_slice %arg3[%dma_start3A_28, %dma_start3A_29] : memref<100000x768xf32, #tpu.memory_space<hbm>> -> memref<100000x768xf32, #tpu.memory_space<hbm>>
    tpu.enqueue_indirect_dma source(%dma_start3A_30 : memref<100000x768xf32, #tpu.memory_space<hbm>>) target(%arg8 : memref<64x768xf32, #tpu.memory_space<vmem>>) offsets(%arg6 : memref<64xi32, #tpu.memory_space<vmem>>) semaphore(%arg9 : memref<!tpu.dma_semaphore, #tpu.memory_space<semaphore_mem>>)
    %dma_wait3A_31 = arith.constant 0 : i32
    %dma_wait3A_32 = arith.constant 0 : i32
    %dma_wait3A_33 = tpu.memref_slice %arg3[%dma_wait3A_31, %dma_wait3A_32] : memref<100000x768xf32, #tpu.memory_space<hbm>> -> memref<100000x768xf32, #tpu.memory_space<hbm>>
    tpu.wait_indirect_dma semaphore(%arg9 : memref<!tpu.dma_semaphore, #tpu.memory_space<semaphore_mem>>) src(%dma_wait3A_33 : memref<100000x768xf32, #tpu.memory_space<hbm>>) dst(%arg8 : memref<64x768xf32, #tpu.memory_space<vmem>>)
    %scan3A_34 = arith.constant 0 : i32
    %scan3A_35 = arith.constant 0 : i32
    %scan3A_36 = arith.constant 64 : i32
    %scan3A_37 = arith.addi %scan3A_35, %scan3A_36 : i32
    %scan3A_38 = arith.constant 1 : i32
    scf.for %scan3A_55 = %scan3A_35 to %scan3A_37 step %scan3A_38  : i32 {
      %get3A = arith.index_cast %scan3A_55 : i32 to index
      %get3A_56 = arith.constant 0 : index
      %get3A_57 = tpu.vector_load %arg8[%get3A, %get3A_56] {strides = array<i32>} : memref<64x768xf32, #tpu.memory_space<vmem>>, vector<1x16xf32>,
      %get3A_58 = vector.shape_cast %get3A_57 : vector<1x16xf32> to vector<16xf32>
      %get3A_59 = arith.index_cast %scan3A_55 : i32 to index
      %get3A_60 = arith.constant 0 : index
      %get3A_61 = tpu.vector_load %arg7[%get3A_59, %get3A_60] {strides = array<i32>} : memref<64x768xf32, #tpu.memory_space<vmem>>, vector<1x16xf32>,
      %get3A_62 = vector.shape_cast %get3A_61 : vector<1x16xf32> to vector<16xf32>
      %add3A_63 = arith.addf %get3A_58, %get3A_62 : vector<16xf32>
      %swap3A = arith.index_cast %scan3A_55 : i32 to index
      %swap3A_64 = arith.constant 0 : index
      %swap3A_65 = tpu.vector_load %arg8[%swap3A, %swap3A_64] {strides = array<i32>} : memref<64x768xf32, #tpu.memory_space<vmem>>, vector<1x16xf32>,
      %swap3A_66 = vector.shape_cast %swap3A_65 : vector<1x16xf32> to vector<16xf32>
      %swap3A_67 = vector.shape_cast %add3A_63 : vector<16xf32> to vector<1x16xf32>
      tpu.vector_store %arg8[%swap3A, %swap3A_64], %swap3A_67 {strides = array<i32>} : memref<64x768xf32, #tpu.memory_space<vmem>>, vector<1x16xf32>,
      %get3A_68 = arith.index_cast %scan3A_55 : i32 to index
      %get3A_69 = arith.constant 16 : index
      %get3A_70 = tpu.vector_load %arg8[%get3A_68, %get3A_69] {strides = array<i32>} : memref<64x768xf32, #tpu.memory_space<vmem>>, vector<1x16xf32>,
      %get3A_71 = vector.shape_cast %get3A_70 : vector<1x16xf32> to vector<16xf32>
      %get3A_72 = arith.index_cast %scan3A_55 : i32 to index
      %get3A_73 = arith.constant 16 : index
      %get3A_74 = tpu.vector_load %arg7[%get3A_72, %get3A_73] {strides = array<i32>} : memref<64x768xf32, #tpu.memory_space<vmem>>, vector<1x16xf32>,
      %get3A_75 = vector.shape_cast %get3A_74 : vector<1x16xf32> to vector<16xf32>
      %add3A_76 = arith.addf %get3A_71, %get3A_75 : vector<16xf32>
      %swap3A_77 = arith.index_cast %scan3A_55 : i32 to index
      %swap3A_78 = arith.constant 16 : index
      %swap3A_79 = tpu.vector_load %arg8[%swap3A_77, %swap3A_78] {strides = array<i32>} : memref<64x768xf32, #tpu.memory_space<vmem>>, vector<1x16xf32>,
      %swap3A_80 = vector.shape_cast %swap3A_79 : vector<1x16xf32> to vector<16xf32>
      %swap3A_81 = vector.shape_cast %add3A_76 : vector<16xf32> to vector<1x16xf32>
      tpu.vector_store %arg8[%swap3A_77, %swap3A_78], %swap3A_81 {strides = array<i32>} : memref<64x768xf32, #tpu.memory_space<vmem>>, vector<1x16xf32>,
      %get3A_82 = arith.index_cast %scan3A_55 : i32 to index
      %get3A_83 = arith.constant 32 : index
      %get3A_84 = tpu.vector_load %arg8[%get3A_82, %get3A_83] {strides = array<i32>} : memref<64x768xf32, #tpu.memory_space<vmem>>, vector<1x16xf32>,
      %get3A_85 = vector.shape_cast %get3A_84 : vector<1x16xf32> to vector<16xf32>
      %get3A_86 = arith.index_cast %scan3A_55 : i32 to index
      %get3A_87 = arith.constant 32 : index
      %get3A_88 = tpu.vector_load %arg7[%get3A_86, %get3A_87] {strides = array<i32>} : memref<64x768xf32, #tpu.memory_space<vmem>>, vector<1x16xf32>,
      %get3A_89 = vector.shape_cast %get3A_88 : vector<1x16xf32> to vector<16xf32>
      %add3A_90 = arith.addf %get3A_85, %get3A_89 : vector<16xf32>
      %swap3A_91 = arith.index_cast %scan3A_55 : i32 to index
      %swap3A_92 = arith.constant 32 : index
      %swap3A_93 = tpu.vector_load %arg8[%swap3A_91, %swap3A_92] {strides = array<i32>} : memref<64x768xf32, #tpu.memory_space<vmem>>, vector<1x16xf32>,
      %swap3A_94 = vector.shape_cast %swap3A_93 : vector<1x16xf32> to vector<16xf32>
      %swap3A_95 = vector.shape_cast %add3A_90 : vector<16xf32> to vector<1x16xf32>
      tpu.vector_store %arg8[%swap3A_91, %swap3A_92], %swap3A_95 {strides = array<i32>} : memref<64x768xf32, #tpu.memory_space<vmem>>, vector<1x16xf32>,
      %get3A_96 = arith.index_cast %scan3A_55 : i32 to index
      %get3A_97 = arith.constant 48 : index
      %get3A_98 = tpu.vector_load %arg8[%get3A_96, %get3A_97] {strides = array<i32>} : memref<64x768xf32, #tpu.memory_space<vmem>>, vector<1x16xf32>,
      %get3A_99 = vector.shape_cast %get3A_98 : vector<1x16xf32> to vector<16xf32>
      %get3A_100 = arith.index_cast %scan3A_55 : i32 to index
      %get3A_101 = arith.constant 48 : index
      %get3A_102 = tpu.vector_load %arg7[%get3A_100, %get3A_101] {strides = array<i32>} : memref<64x768xf32, #tpu.memory_space<vmem>>, vector<1x16xf32>,
      %get3A_103 = vector.shape_cast %get3A_102 : vector<1x16xf32> to vector<16xf32>
      %add3A_104 = arith.addf %get3A_99, %get3A_103 : vector<16xf32>
      %swap3A_105 = arith.index_cast %scan3A_55 : i32 to index
      %swap3A_106 = arith.constant 48 : index
      %swap3A_107 = tpu.vector_load %arg8[%swap3A_105, %swap3A_106] {strides = array<i32>} : memref<64x768xf32, #tpu.memory_space<vmem>>, vector<1x16xf32>,
      %swap3A_108 = vector.shape_cast %swap3A_107 : vector<1x16xf32> to vector<16xf32>
      %swap3A_109 = vector.shape_cast %add3A_104 : vector<16xf32> to vector<1x16xf32>
      tpu.vector_store %arg8[%swap3A_105, %swap3A_106], %swap3A_109 {strides = array<i32>} : memref<64x768xf32, #tpu.memory_space<vmem>>, vector<1x16xf32>,
      %get3A_110 = arith.index_cast %scan3A_55 : i32 to index
      %get3A_111 = arith.constant 64 : index
      %get3A_112 = tpu.vector_load %arg8[%get3A_110, %get3A_111] {strides = array<i32>} : memref<64x768xf32, #tpu.memory_space<vmem>>, vector<1x16xf32>,
      %get3A_113 = vector.shape_cast %get3A_112 : vector<1x16xf32> to vector<16xf32>
      %get3A_114 = arith.index_cast %scan3A_55 : i32 to index
      %get3A_115 = arith.constant 64 : index
      %get3A_116 = tpu.vector_load %arg7[%get3A_114, %get3A_115] {strides = array<i32>} : memref<64x768xf32, #tpu.memory_space<vmem>>, vector<1x16xf32>,
      %get3A_117 = vector.shape_cast %get3A_116 : vector<1x16xf32> to vector<16xf32>
      %add3A_118 = arith.addf %get3A_113, %get3A_117 : vector<16xf32>
      %swap3A_119 = arith.index_cast %scan3A_55 : i32 to index
      %swap3A_120 = arith.constant 64 : index
      %swap3A_121 = tpu.vector_load %arg8[%swap3A_119, %swap3A_120] {strides = array<i32>} : memref<64x768xf32, #tpu.memory_space<vmem>>, vector<1x16xf32>,
      %swap3A_122 = vector.shape_cast %swap3A_121 : vector<1x16xf32> to vector<16xf32>
      %swap3A_123 = vector.shape_cast %add3A_118 : vector<16xf32> to vector<1x16xf32>
      tpu.vector_store %arg8[%swap3A_119, %swap3A_120], %swap3A_123 {strides = array<i32>} : memref<64x768xf32, #tpu.memory_space<vmem>>, vector<1x16xf32>,
      %get3A_124 = arith.index_cast %scan3A_55 : i32 to index
      %get3A_125 = arith.constant 80 : index
      %get3A_126 = tpu.vector_load %arg8[%get3A_124, %get3A_125] {strides = array<i32>} : memref<64x768xf32, #tpu.memory_space<vmem>>, vector<1x16xf32>,
      %get3A_127 = vector.shape_cast %get3A_126 : vector<1x16xf32> to vector<16xf32>
      %get3A_128 = arith.index_cast %scan3A_55 : i32 to index
      %get3A_129 = arith.constant 80 : index
      %get3A_130 = tpu.vector_load %arg7[%get3A_128, %get3A_129] {strides = array<i32>} : memref<64x768xf32, #tpu.memory_space<vmem>>, vector<1x16xf32>,
      %get3A_131 = vector.shape_cast %get3A_130 : vector<1x16xf32> to vector<16xf32>
      %add3A_132 = arith.addf %get3A_127, %get3A_131 : vector<16xf32>
      %swap3A_133 = arith.index_cast %scan3A_55 : i32 to index
      %swap3A_134 = arith.constant 80 : index
      %swap3A_135 = tpu.vector_load %arg8[%swap3A_133, %swap3A_134] {strides = array<i32>} : memref<64x768xf32, #tpu.memory_space<vmem>>, vector<1x16xf32>,
      %swap3A_136 = vector.shape_cast %swap3A_135 : vector<1x16xf32> to vector<16xf32>
      %swap3A_137 = vector.shape_cast %add3A_132 : vector<16xf32> to vector<1x16xf32>
      tpu.vector_store %arg8[%swap3A_133, %swap3A_134], %swap3A_137 {strides = array<i32>} : memref<64x768xf32, #tpu.memory_space<vmem>>, vector<1x16xf32>,
      %get3A_138 = arith.index_cast %scan3A_55 : i32 to index
      %get3A_139 = arith.constant 96 : index
      %get3A_140 = tpu.vector_load %arg8[%get3A_138, %get3A_139] {strides = array<i32>} : memref<64x768xf32, #tpu.memory_space<vmem>>, vector<1x16xf32>,
      %get3A_141 = vector.shape_cast %get3A_140 : vector<1x16xf32> to vector<16xf32>
      %get3A_142 = arith.index_cast %scan3A_55 : i32 to index
      %get3A_143 = arith.constant 96 : index
      %get3A_144 = tpu.vector_load %arg7[%get3A_142, %get3A_143] {strides = array<i32>} : memref<64x768xf32, #tpu.memory_space<vmem>>, vector<1x16xf32>,
      %get3A_145 = vector.shape_cast %get3A_144 : vector<1x16xf32> to vector<16xf32>
      %add3A_146 = arith.addf %get3A_141, %get3A_145 : vector<16xf32>
      %swap3A_147 = arith.index_cast %scan3A_55 : i32 to index
      %swap3A_148 = arith.constant 96 : index
      %swap3A_149 = tpu.vector_load %arg8[%swap3A_147, %swap3A_148] {strides = array<i32>} : memref<64x768xf32, #tpu.memory_space<vmem>>, vector<1x16xf32>,
      %swap3A_150 = vector.shape_cast %swap3A_149 : vector<1x16xf32> to vector<16xf32>
      %swap3A_151 = vector.shape_cast %add3A_146 : vector<16xf32> to vector<1x16xf32>
      tpu.vector_store %arg8[%swap3A_147, %swap3A_148], %swap3A_151 {strides = array<i32>} : memref<64x768xf32, #tpu.memory_space<vmem>>, vector<1x16xf32>,
      %get3A_152 = arith.index_cast %scan3A_55 : i32 to index
      %get3A_153 = arith.constant 112 : index
      %get3A_154 = tpu.vector_load %arg8[%get3A_152, %get3A_153] {strides = array<i32>} : memref<64x768xf32, #tpu.memory_space<vmem>>, vector<1x16xf32>,
      %get3A_155 = vector.shape_cast %get3A_154 : vector<1x16xf32> to vector<16xf32>
      %get3A_156 = arith.index_cast %scan3A_55 : i32 to index
      %get3A_157 = arith.constant 112 : index
      %get3A_158 = tpu.vector_load %arg7[%get3A_156, %get3A_157] {strides = array<i32>} : memref<64x768xf32, #tpu.memory_space<vmem>>, vector<1x16xf32>,
      %get3A_159 = vector.shape_cast %get3A_158 : vector<1x16xf32> to vector<16xf32>
      %add3A_160 = arith.addf %get3A_155, %get3A_159 : vector<16xf32>
      %swap3A_161 = arith.index_cast %scan3A_55 : i32 to index
      %swap3A_162 = arith.constant 112 : index
      %swap3A_163 = tpu.vector_load %arg8[%swap3A_161, %swap3A_162] {strides = array<i32>} : memref<64x768xf32, #tpu.memory_space<vmem>>, vector<1x16xf32>,
      %swap3A_164 = vector.shape_cast %swap3A_163 : vector<1x16xf32> to vector<16xf32>
      %swap3A_165 = vector.shape_cast %add3A_160 : vector<16xf32> to vector<1x16xf32>
      tpu.vector_store %arg8[%swap3A_161, %swap3A_162], %swap3A_165 {strides = array<i32>} : memref<64x768xf32, #tpu.memory_space<vmem>>, vector<1x16xf32>,
      %get3A_166 = arith.index_cast %scan3A_55 : i32 to index
      %get3A_167 = arith.constant 128 : index
      %get3A_168 = tpu.vector_load %arg8[%get3A_166, %get3A_167] {strides = array<i32>} : memref<64x768xf32, #tpu.memory_space<vmem>>, vector<1x16xf32>,
      %get3A_169 = vector.shape_cast %get3A_168 : vector<1x16xf32> to vector<16xf32>
      %get3A_170 = arith.index_cast %scan3A_55 : i32 to index
      %get3A_171 = arith.constant 128 : index
      %get3A_172 = tpu.vector_load %arg7[%get3A_170, %get3A_171] {strides = array<i32>} : memref<64x768xf32, #tpu.memory_space<vmem>>, vector<1x16xf32>,
      %get3A_173 = vector.shape_cast %get3A_172 : vector<1x16xf32> to vector<16xf32>
      %add3A_174 = arith.addf %get3A_169, %get3A_173 : vector<16xf32>
      %swap3A_175 = arith.index_cast %scan3A_55 : i32 to index
      %swap3A_176 = arith.constant 128 : index
      %swap3A_177 = tpu.vector_load %arg8[%swap3A_175, %swap3A_176] {strides = array<i32>} : memref<64x768xf32, #tpu.memory_space<vmem>>, vector<1x16xf32>,
      %swap3A_178 = vector.shape_cast %swap3A_177 : vector<1x16xf32> to vector<16xf32>
      %swap3A_179 = vector.shape_cast %add3A_174 : vector<16xf32> to vector<1x16xf32>
      tpu.vector_store %arg8[%swap3A_175, %swap3A_176], %swap3A_179 {strides = array<i32>} : memref<64x768xf32, #tpu.memory_space<vmem>>, vector<1x16xf32>,
      %get3A_180 = arith.index_cast %scan3A_55 : i32 to index
      %get3A_181 = arith.constant 144 : index
      %get3A_182 = tpu.vector_load %arg8[%get3A_180, %get3A_181] {strides = array<i32>} : memref<64x768xf32, #tpu.memory_space<vmem>>, vector<1x16xf32>,
      %get3A_183 = vector.shape_cast %get3A_182 : vector<1x16xf32> to vector<16xf32>
      %get3A_184 = arith.index_cast %scan3A_55 : i32 to index
      %get3A_185 = arith.constant 144 : index
      %get3A_186 = tpu.vector_load %arg7[%get3A_184, %get3A_185] {strides = array<i32>} : memref<64x768xf32, #tpu.memory_space<vmem>>, vector<1x16xf32>,
      %get3A_187 = vector.shape_cast %get3A_186 : vector<1x16xf32> to vector<16xf32>
      %add3A_188 = arith.addf %get3A_183, %get3A_187 : vector<16xf32>
      %swap3A_189 = arith.index_cast %scan3A_55 : i32 to index
      %swap3A_190 = arith.constant 144 : index
      %swap3A_191 = tpu.vector_load %arg8[%swap3A_189, %swap3A_190] {strides = array<i32>} : memref<64x768xf32, #tpu.memory_space<vmem>>, vector<1x16xf32>,
      %swap3A_192 = vector.shape_cast %swap3A_191 : vector<1x16xf32> to vector<16xf32>
      %swap3A_193 = vector.shape_cast %add3A_188 : vector<16xf32> to vector<1x16xf32>
      tpu.vector_store %arg8[%swap3A_189, %swap3A_190], %swap3A_193 {strides = array<i32>} : memref<64x768xf32, #tpu.memory_space<vmem>>, vector<1x16xf32>,
      %get3A_194 = arith.index_cast %scan3A_55 : i32 to index
      %get3A_195 = arith.constant 160 : index
      %get3A_196 = tpu.vector_load %arg8[%get3A_194, %get3A_195] {strides = array<i32>} : memref<64x768xf32, #tpu.memory_space<vmem>>, vector<1x16xf32>,
      %get3A_197 = vector.shape_cast %get3A_196 : vector<1x16xf32> to vector<16xf32>
      %get3A_198 = arith.index_cast %scan3A_55 : i32 to index
      %get3A_199 = arith.constant 160 : index
      %get3A_200 = tpu.vector_load %arg7[%get3A_198, %get3A_199] {strides = array<i32>} : memref<64x768xf32, #tpu.memory_space<vmem>>, vector<1x16xf32>,
      %get3A_201 = vector.shape_cast %get3A_200 : vector<1x16xf32> to vector<16xf32>
      %add3A_202 = arith.addf %get3A_197, %get3A_201 : vector<16xf32>
      %swap3A_203 = arith.index_cast %scan3A_55 : i32 to index
      %swap3A_204 = arith.constant 160 : index
      %swap3A_205 = tpu.vector_load %arg8[%swap3A_203, %swap3A_204] {strides = array<i32>} : memref<64x768xf32, #tpu.memory_space<vmem>>, vector<1x16xf32>,
      %swap3A_206 = vector.shape_cast %swap3A_205 : vector<1x16xf32> to vector<16xf32>
      %swap3A_207 = vector.shape_cast %add3A_202 : vector<16xf32> to vector<1x16xf32>
      tpu.vector_store %arg8[%swap3A_203, %swap3A_204], %swap3A_207 {strides = array<i32>} : memref<64x768xf32, #tpu.memory_space<vmem>>, vector<1x16xf32>,
      %get3A_208 = arith.index_cast %scan3A_55 : i32 to index
      %get3A_209 = arith.constant 176 : index
      %get3A_210 = tpu.vector_load %arg8[%get3A_208, %get3A_209] {strides = array<i32>} : memref<64x768xf32, #tpu.memory_space<vmem>>, vector<1x16xf32>,
      %get3A_211 = vector.shape_cast %get3A_210 : vector<1x16xf32> to vector<16xf32>
      %get3A_212 = arith.index_cast %scan3A_55 : i32 to index
      %get3A_213 = arith.constant 176 : index
      %get3A_214 = tpu.vector_load %arg7[%get3A_212, %get3A_213] {strides = array<i32>} : memref<64x768xf32, #tpu.memory_space<vmem>>, vector<1x16xf32>,
      %get3A_215 = vector.shape_cast %get3A_214 : vector<1x16xf32> to vector<16xf32>
      %add3A_216 = arith.addf %get3A_211, %get3A_215 : vector<16xf32>
      %swap3A_217 = arith.index_cast %scan3A_55 : i32 to index
      %swap3A_218 = arith.constant 176 : index
      %swap3A_219 = tpu.vector_load %arg8[%swap3A_217, %swap3A_218] {strides = array<i32>} : memref<64x768xf32, #tpu.memory_space<vmem>>, vector<1x16xf32>,
      %swap3A_220 = vector.shape_cast %swap3A_219 : vector<1x16xf32> to vector<16xf32>
      %swap3A_221 = vector.shape_cast %add3A_216 : vector<16xf32> to vector<1x16xf32>
      tpu.vector_store %arg8[%swap3A_217, %swap3A_218], %swap3A_221 {strides = array<i32>} : memref<64x768xf32, #tpu.memory_space<vmem>>, vector<1x16xf32>,
      %get3A_222 = arith.index_cast %scan3A_55 : i32 to index
      %get3A_223 = arith.constant 192 : index
      %get3A_224 = tpu.vector_load %arg8[%get3A_222, %get3A_223] {strides = array<i32>} : memref<64x768xf32, #tpu.memory_space<vmem>>, vector<1x16xf32>,
      %get3A_225 = vector.shape_cast %get3A_224 : vector<1x16xf32> to vector<16xf32>
      %get3A_226 = arith.index_cast %scan3A_55 : i32 to index
      %get3A_227 = arith.constant 192 : index
      %get3A_228 = tpu.vector_load %arg7[%get3A_226, %get3A_227] {strides = array<i32>} : memref<64x768xf32, #tpu.memory_space<vmem>>, vector<1x16xf32>,
      %get3A_229 = vector.shape_cast %get3A_228 : vector<1x16xf32> to vector<16xf32>
      %add3A_230 = arith.addf %get3A_225, %get3A_229 : vector<16xf32>
      %swap3A_231 = arith.index_cast %scan3A_55 : i32 to index
      %swap3A_232 = arith.constant 192 : index
      %swap3A_233 = tpu.vector_load %arg8[%swap3A_231, %swap3A_232] {strides = array<i32>} : memref<64x768xf32, #tpu.memory_space<vmem>>, vector<1x16xf32>,
      %swap3A_234 = vector.shape_cast %swap3A_233 : vector<1x16xf32> to vector<16xf32>
      %swap3A_235 = vector.shape_cast %add3A_230 : vector<16xf32> to vector<1x16xf32>
      tpu.vector_store %arg8[%swap3A_231, %swap3A_232], %swap3A_235 {strides = array<i32>} : memref<64x768xf32, #tpu.memory_space<vmem>>, vector<1x16xf32>,
      %get3A_236 = arith.index_cast %scan3A_55 : i32 to index
      %get3A_237 = arith.constant 208 : index
      %get3A_238 = tpu.vector_load %arg8[%get3A_236, %get3A_237] {strides = array<i32>} : memref<64x768xf32, #tpu.memory_space<vmem>>, vector<1x16xf32>,
      %get3A_239 = vector.shape_cast %get3A_238 : vector<1x16xf32> to vector<16xf32>
      %get3A_240 = arith.index_cast %scan3A_55 : i32 to index
      %get3A_241 = arith.constant 208 : index
      %get3A_242 = tpu.vector_load %arg7[%get3A_240, %get3A_241] {strides = array<i32>} : memref<64x768xf32, #tpu.memory_space<vmem>>, vector<1x16xf32>,
      %get3A_243 = vector.shape_cast %get3A_242 : vector<1x16xf32> to vector<16xf32>
      %add3A_244 = arith.addf %get3A_239, %get3A_243 : vector<16xf32>
      %swap3A_245 = arith.index_cast %scan3A_55 : i32 to index
      %swap3A_246 = arith.constant 208 : index
      %swap3A_247 = tpu.vector_load %arg8[%swap3A_245, %swap3A_246] {strides = array<i32>} : memref<64x768xf32, #tpu.memory_space<vmem>>, vector<1x16xf32>,
      %swap3A_248 = vector.shape_cast %swap3A_247 : vector<1x16xf32> to vector<16xf32>
      %swap3A_249 = vector.shape_cast %add3A_244 : vector<16xf32> to vector<1x16xf32>
      tpu.vector_store %arg8[%swap3A_245, %swap3A_246], %swap3A_249 {strides = array<i32>} : memref<64x768xf32, #tpu.memory_space<vmem>>, vector<1x16xf32>,
      %get3A_250 = arith.index_cast %scan3A_55 : i32 to index
      %get3A_251 = arith.constant 224 : index
      %get3A_252 = tpu.vector_load %arg8[%get3A_250, %get3A_251] {strides = array<i32>} : memref<64x768xf32, #tpu.memory_space<vmem>>, vector<1x16xf32>,
      %get3A_253 = vector.shape_cast %get3A_252 : vector<1x16xf32> to vector<16xf32>
      %get3A_254 = arith.index_cast %scan3A_55 : i32 to index
      %get3A_255 = arith.constant 224 : index
      %get3A_256 = tpu.vector_load %arg7[%get3A_254, %get3A_255] {strides = array<i32>} : memref<64x768xf32, #tpu.memory_space<vmem>>, vector<1x16xf32>,
      %get3A_257 = vector.shape_cast %get3A_256 : vector<1x16xf32> to vector<16xf32>
      %add3A_258 = arith.addf %get3A_253, %get3A_257 : vector<16xf32>
      %swap3A_259 = arith.index_cast %scan3A_55 : i32 to index
      %swap3A_260 = arith.constant 224 : index
      %swap3A_261 = tpu.vector_load %arg8[%swap3A_259, %swap3A_260] {strides = array<i32>} : memref<64x768xf32, #tpu.memory_space<vmem>>, vector<1x16xf32>,
      %swap3A_262 = vector.shape_cast %swap3A_261 : vector<1x16xf32> to vector<16xf32>
      %swap3A_263 = vector.shape_cast %add3A_258 : vector<16xf32> to vector<1x16xf32>
      tpu.vector_store %arg8[%swap3A_259, %swap3A_260], %swap3A_263 {strides = array<i32>} : memref<64x768xf32, #tpu.memory_space<vmem>>, vector<1x16xf32>,
      %get3A_264 = arith.index_cast %scan3A_55 : i32 to index
      %get3A_265 = arith.constant 240 : index
      %get3A_266 = tpu.vector_load %arg8[%get3A_264, %get3A_265] {strides = array<i32>} : memref<64x768xf32, #tpu.memory_space<vmem>>, vector<1x16xf32>,
      %get3A_267 = vector.shape_cast %get3A_266 : vector<1x16xf32> to vector<16xf32>
      %get3A_268 = arith.index_cast %scan3A_55 : i32 to index
      %get3A_269 = arith.constant 240 : index
      %get3A_270 = tpu.vector_load %arg7[%get3A_268, %get3A_269] {strides = array<i32>} : memref<64x768xf32, #tpu.memory_space<vmem>>, vector<1x16xf32>,
      %get3A_271 = vector.shape_cast %get3A_270 : vector<1x16xf32> to vector<16xf32>
      %add3A_272 = arith.addf %get3A_267, %get3A_271 : vector<16xf32>
      %swap3A_273 = arith.index_cast %scan3A_55 : i32 to index
      %swap3A_274 = arith.constant 240 : index
      %swap3A_275 = tpu.vector_load %arg8[%swap3A_273, %swap3A_274] {strides = array<i32>} : memref<64x768xf32, #tpu.memory_space<vmem>>, vector<1x16xf32>,
      %swap3A_276 = vector.shape_cast %swap3A_275 : vector<1x16xf32> to vector<16xf32>
      %swap3A_277 = vector.shape_cast %add3A_272 : vector<16xf32> to vector<1x16xf32>
      tpu.vector_store %arg8[%swap3A_273, %swap3A_274], %swap3A_277 {strides = array<i32>} : memref<64x768xf32, #tpu.memory_space<vmem>>, vector<1x16xf32>,
      %get3A_278 = arith.index_cast %scan3A_55 : i32 to index
      %get3A_279 = arith.constant 256 : index
      %get3A_280 = tpu.vector_load %arg8[%get3A_278, %get3A_279] {strides = array<i32>} : memref<64x768xf32, #tpu.memory_space<vmem>>, vector<1x16xf32>,
      %get3A_281 = vector.shape_cast %get3A_280 : vector<1x16xf32> to vector<16xf32>
      %get3A_282 = arith.index_cast %scan3A_55 : i32 to index
      %get3A_283 = arith.constant 256 : index
      %get3A_284 = tpu.vector_load %arg7[%get3A_282, %get3A_283] {strides = array<i32>} : memref<64x768xf32, #tpu.memory_space<vmem>>, vector<1x16xf32>,
      %get3A_285 = vector.shape_cast %get3A_284 : vector<1x16xf32> to vector<16xf32>
      %add3A_286 = arith.addf %get3A_281, %get3A_285 : vector<16xf32>
      %swap3A_287 = arith.index_cast %scan3A_55 : i32 to index
      %swap3A_288 = arith.constant 256 : index
      %swap3A_289 = tpu.vector_load %arg8[%swap3A_287, %swap3A_288] {strides = array<i32>} : memref<64x768xf32, #tpu.memory_space<vmem>>, vector<1x16xf32>,
      %swap3A_290 = vector.shape_cast %swap3A_289 : vector<1x16xf32> to vector<16xf32>
      %swap3A_291 = vector.shape_cast %add3A_286 : vector<16xf32> to vector<1x16xf32>
      tpu.vector_store %arg8[%swap3A_287, %swap3A_288], %swap3A_291 {strides = array<i32>} : memref<64x768xf32, #tpu.memory_space<vmem>>, vector<1x16xf32>,
      %get3A_292 = arith.index_cast %scan3A_55 : i32 to index
      %get3A_293 = arith.constant 272 : index
      %get3A_294 = tpu.vector_load %arg8[%get3A_292, %get3A_293] {strides = array<i32>} : memref<64x768xf32, #tpu.memory_space<vmem>>, vector<1x16xf32>,
      %get3A_295 = vector.shape_cast %get3A_294 : vector<1x16xf32> to vector<16xf32>
      %get3A_296 = arith.index_cast %scan3A_55 : i32 to index
      %get3A_297 = arith.constant 272 : index
      %get3A_298 = tpu.vector_load %arg7[%get3A_296, %get3A_297] {strides = array<i32>} : memref<64x768xf32, #tpu.memory_space<vmem>>, vector<1x16xf32>,
      %get3A_299 = vector.shape_cast %get3A_298 : vector<1x16xf32> to vector<16xf32>
      %add3A_300 = arith.addf %get3A_295, %get3A_299 : vector<16xf32>
      %swap3A_301 = arith.index_cast %scan3A_55 : i32 to index
      %swap3A_302 = arith.constant 272 : index
      %swap3A_303 = tpu.vector_load %arg8[%swap3A_301, %swap3A_302] {strides = array<i32>} : memref<64x768xf32, #tpu.memory_space<vmem>>, vector<1x16xf32>,
      %swap3A_304 = vector.shape_cast %swap3A_303 : vector<1x16xf32> to vector<16xf32>
      %swap3A_305 = vector.shape_cast %add3A_300 : vector<16xf32> to vector<1x16xf32>
      tpu.vector_store %arg8[%swap3A_301, %swap3A_302], %swap3A_305 {strides = array<i32>} : memref<64x768xf32, #tpu.memory_space<vmem>>, vector<1x16xf32>,
      %get3A_306 = arith.index_cast %scan3A_55 : i32 to index
      %get3A_307 = arith.constant 288 : index
      %get3A_308 = tpu.vector_load %arg8[%get3A_306, %get3A_307] {strides = array<i32>} : memref<64x768xf32, #tpu.memory_space<vmem>>, vector<1x16xf32>,
      %get3A_309 = vector.shape_cast %get3A_308 : vector<1x16xf32> to vector<16xf32>
      %get3A_310 = arith.index_cast %scan3A_55 : i32 to index
      %get3A_311 = arith.constant 288 : index
      %get3A_312 = tpu.vector_load %arg7[%get3A_310, %get3A_311] {strides = array<i32>} : memref<64x768xf32, #tpu.memory_space<vmem>>, vector<1x16xf32>,
      %get3A_313 = vector.shape_cast %get3A_312 : vector<1x16xf32> to vector<16xf32>
      %add3A_314 = arith.addf %get3A_309, %get3A_313 : vector<16xf32>
      %swap3A_315 = arith.index_cast %scan3A_55 : i32 to index
      %swap3A_316 = arith.constant 288 : index
      %swap3A_317 = tpu.vector_load %arg8[%swap3A_315, %swap3A_316] {strides = array<i32>} : memref<64x768xf32, #tpu.memory_space<vmem>>, vector<1x16xf32>,
      %swap3A_318 = vector.shape_cast %swap3A_317 : vector<1x16xf32> to vector<16xf32>
      %swap3A_319 = vector.shape_cast %add3A_314 : vector<16xf32> to vector<1x16xf32>
      tpu.vector_store %arg8[%swap3A_315, %swap3A_316], %swap3A_319 {strides = array<i32>} : memref<64x768xf32, #tpu.memory_space<vmem>>, vector<1x16xf32>,
      %get3A_320 = arith.index_cast %scan3A_55 : i32 to index
      %get3A_321 = arith.constant 304 : index
      %get3A_322 = tpu.vector_load %arg8[%get3A_320, %get3A_321] {strides = array<i32>} : memref<64x768xf32, #tpu.memory_space<vmem>>, vector<1x16xf32>,
      %get3A_323 = vector.shape_cast %get3A_322 : vector<1x16xf32> to vector<16xf32>
      %get3A_324 = arith.index_cast %scan3A_55 : i32 to index
      %get3A_325 = arith.constant 304 : index
      %get3A_326 = tpu.vector_load %arg7[%get3A_324, %get3A_325] {strides = array<i32>} : memref<64x768xf32, #tpu.memory_space<vmem>>, vector<1x16xf32>,
      %get3A_327 = vector.shape_cast %get3A_326 : vector<1x16xf32> to vector<16xf32>
      %add3A_328 = arith.addf %get3A_323, %get3A_327 : vector<16xf32>
      %swap3A_329 = arith.index_cast %scan3A_55 : i32 to index
      %swap3A_330 = arith.constant 304 : index
      %swap3A_331 = tpu.vector_load %arg8[%swap3A_329, %swap3A_330] {strides = array<i32>} : memref<64x768xf32, #tpu.memory_space<vmem>>, vector<1x16xf32>,
      %swap3A_332 = vector.shape_cast %swap3A_331 : vector<1x16xf32> to vector<16xf32>
      %swap3A_333 = vector.shape_cast %add3A_328 : vector<16xf32> to vector<1x16xf32>
      tpu.vector_store %arg8[%swap3A_329, %swap3A_330], %swap3A_333 {strides = array<i32>} : memref<64x768xf32, #tpu.memory_space<vmem>>, vector<1x16xf32>,
      %get3A_334 = arith.index_cast %scan3A_55 : i32 to index
      %get3A_335 = arith.constant 320 : index
      %get3A_336 = tpu.vector_load %arg8[%get3A_334, %get3A_335] {strides = array<i32>} : memref<64x768xf32, #tpu.memory_space<vmem>>, vector<1x16xf32>,
      %get3A_337 = vector.shape_cast %get3A_336 : vector<1x16xf32> to vector<16xf32>
      %get3A_338 = arith.index_cast %scan3A_55 : i32 to index
      %get3A_339 = arith.constant 320 : index
      %get3A_340 = tpu.vector_load %arg7[%get3A_338, %get3A_339] {strides = array<i32>} : memref<64x768xf32, #tpu.memory_space<vmem>>, vector<1x16xf32>,
      %get3A_341 = vector.shape_cast %get3A_340 : vector<1x16xf32> to vector<16xf32>
      %add3A_342 = arith.addf %get3A_337, %get3A_341 : vector<16xf32>
      %swap3A_343 = arith.index_cast %scan3A_55 : i32 to index
      %swap3A_344 = arith.constant 320 : index
      %swap3A_345 = tpu.vector_load %arg8[%swap3A_343, %swap3A_344] {strides = array<i32>} : memref<64x768xf32, #tpu.memory_space<vmem>>, vector<1x16xf32>,
      %swap3A_346 = vector.shape_cast %swap3A_345 : vector<1x16xf32> to vector<16xf32>
      %swap3A_347 = vector.shape_cast %add3A_342 : vector<16xf32> to vector<1x16xf32>
      tpu.vector_store %arg8[%swap3A_343, %swap3A_344], %swap3A_347 {strides = array<i32>} : memref<64x768xf32, #tpu.memory_space<vmem>>, vector<1x16xf32>,
      %get3A_348 = arith.index_cast %scan3A_55 : i32 to index
      %get3A_349 = arith.constant 336 : index
      %get3A_350 = tpu.vector_load %arg8[%get3A_348, %get3A_349] {strides = array<i32>} : memref<64x768xf32, #tpu.memory_space<vmem>>, vector<1x16xf32>,
      %get3A_351 = vector.shape_cast %get3A_350 : vector<1x16xf32> to vector<16xf32>
      %get3A_352 = arith.index_cast %scan3A_55 : i32 to index
      %get3A_353 = arith.constant 336 : index
      %get3A_354 = tpu.vector_load %arg7[%get3A_352, %get3A_353] {strides = array<i32>} : memref<64x768xf32, #tpu.memory_space<vmem>>, vector<1x16xf32>,
      %get3A_355 = vector.shape_cast %get3A_354 : vector<1x16xf32> to vector<16xf32>
      %add3A_356 = arith.addf %get3A_351, %get3A_355 : vector<16xf32>
      %swap3A_357 = arith.index_cast %scan3A_55 : i32 to index
      %swap3A_358 = arith.constant 336 : index
      %swap3A_359 = tpu.vector_load %arg8[%swap3A_357, %swap3A_358] {strides = array<i32>} : memref<64x768xf32, #tpu.memory_space<vmem>>, vector<1x16xf32>,
      %swap3A_360 = vector.shape_cast %swap3A_359 : vector<1x16xf32> to vector<16xf32>
      %swap3A_361 = vector.shape_cast %add3A_356 : vector<16xf32> to vector<1x16xf32>
      tpu.vector_store %arg8[%swap3A_357, %swap3A_358], %swap3A_361 {strides = array<i32>} : memref<64x768xf32, #tpu.memory_space<vmem>>, vector<1x16xf32>,
      %get3A_362 = arith.index_cast %scan3A_55 : i32 to index
      %get3A_363 = arith.constant 352 : index
      %get3A_364 = tpu.vector_load %arg8[%get3A_362, %get3A_363] {strides = array<i32>} : memref<64x768xf32, #tpu.memory_space<vmem>>, vector<1x16xf32>,
      %get3A_365 = vector.shape_cast %get3A_364 : vector<1x16xf32> to vector<16xf32>
      %get3A_366 = arith.index_cast %scan3A_55 : i32 to index
      %get3A_367 = arith.constant 352 : index
      %get3A_368 = tpu.vector_load %arg7[%get3A_366, %get3A_367] {strides = array<i32>} : memref<64x768xf32, #tpu.memory_space<vmem>>, vector<1x16xf32>,
      %get3A_369 = vector.shape_cast %get3A_368 : vector<1x16xf32> to vector<16xf32>
      %add3A_370 = arith.addf %get3A_365, %get3A_369 : vector<16xf32>
      %swap3A_371 = arith.index_cast %scan3A_55 : i32 to index
      %swap3A_372 = arith.constant 352 : index
      %swap3A_373 = tpu.vector_load %arg8[%swap3A_371, %swap3A_372] {strides = array<i32>} : memref<64x768xf32, #tpu.memory_space<vmem>>, vector<1x16xf32>,
      %swap3A_374 = vector.shape_cast %swap3A_373 : vector<1x16xf32> to vector<16xf32>
      %swap3A_375 = vector.shape_cast %add3A_370 : vector<16xf32> to vector<1x16xf32>
      tpu.vector_store %arg8[%swap3A_371, %swap3A_372], %swap3A_375 {strides = array<i32>} : memref<64x768xf32, #tpu.memory_space<vmem>>, vector<1x16xf32>,
      %get3A_376 = arith.index_cast %scan3A_55 : i32 to index
      %get3A_377 = arith.constant 368 : index
      %get3A_378 = tpu.vector_load %arg8[%get3A_376, %get3A_377] {strides = array<i32>} : memref<64x768xf32, #tpu.memory_space<vmem>>, vector<1x16xf32>,
      %get3A_379 = vector.shape_cast %get3A_378 : vector<1x16xf32> to vector<16xf32>
      %get3A_380 = arith.index_cast %scan3A_55 : i32 to index
      %get3A_381 = arith.constant 368 : index
      %get3A_382 = tpu.vector_load %arg7[%get3A_380, %get3A_381] {strides = array<i32>} : memref<64x768xf32, #tpu.memory_space<vmem>>, vector<1x16xf32>,
      %get3A_383 = vector.shape_cast %get3A_382 : vector<1x16xf32> to vector<16xf32>
      %add3A_384 = arith.addf %get3A_379, %get3A_383 : vector<16xf32>
      %swap3A_385 = arith.index_cast %scan3A_55 : i32 to index
      %swap3A_386 = arith.constant 368 : index
      %swap3A_387 = tpu.vector_load %arg8[%swap3A_385, %swap3A_386] {strides = array<i32>} : memref<64x768xf32, #tpu.memory_space<vmem>>, vector<1x16xf32>,
      %swap3A_388 = vector.shape_cast %swap3A_387 : vector<1x16xf32> to vector<16xf32>
      %swap3A_389 = vector.shape_cast %add3A_384 : vector<16xf32> to vector<1x16xf32>
      tpu.vector_store %arg8[%swap3A_385, %swap3A_386], %swap3A_389 {strides = array<i32>} : memref<64x768xf32, #tpu.memory_space<vmem>>, vector<1x16xf32>,
      %get3A_390 = arith.index_cast %scan3A_55 : i32 to index
      %get3A_391 = arith.constant 384 : index
      %get3A_392 = tpu.vector_load %arg8[%get3A_390, %get3A_391] {strides = array<i32>} : memref<64x768xf32, #tpu.memory_space<vmem>>, vector<1x16xf32>,
      %get3A_393 = vector.shape_cast %get3A_392 : vector<1x16xf32> to vector<16xf32>
      %get3A_394 = arith.index_cast %scan3A_55 : i32 to index
      %get3A_395 = arith.constant 384 : index
      %get3A_396 = tpu.vector_load %arg7[%get3A_394, %get3A_395] {strides = array<i32>} : memref<64x768xf32, #tpu.memory_space<vmem>>, vector<1x16xf32>,
      %get3A_397 = vector.shape_cast %get3A_396 : vector<1x16xf32> to vector<16xf32>
      %add3A_398 = arith.addf %get3A_393, %get3A_397 : vector<16xf32>
      %swap3A_399 = arith.index_cast %scan3A_55 : i32 to index
      %swap3A_400 = arith.constant 384 : index
      %swap3A_401 = tpu.vector_load %arg8[%swap3A_399, %swap3A_400] {strides = array<i32>} : memref<64x768xf32, #tpu.memory_space<vmem>>, vector<1x16xf32>,
      %swap3A_402 = vector.shape_cast %swap3A_401 : vector<1x16xf32> to vector<16xf32>
      %swap3A_403 = vector.shape_cast %add3A_398 : vector<16xf32> to vector<1x16xf32>
      tpu.vector_store %arg8[%swap3A_399, %swap3A_400], %swap3A_403 {strides = array<i32>} : memref<64x768xf32, #tpu.memory_space<vmem>>, vector<1x16xf32>,
      %get3A_404 = arith.index_cast %scan3A_55 : i32 to index
      %get3A_405 = arith.constant 400 : index
      %get3A_406 = tpu.vector_load %arg8[%get3A_404, %get3A_405] {strides = array<i32>} : memref<64x768xf32, #tpu.memory_space<vmem>>, vector<1x16xf32>,
      %get3A_407 = vector.shape_cast %get3A_406 : vector<1x16xf32> to vector<16xf32>
      %get3A_408 = arith.index_cast %scan3A_55 : i32 to index
      %get3A_409 = arith.constant 400 : index
      %get3A_410 = tpu.vector_load %arg7[%get3A_408, %get3A_409] {strides = array<i32>} : memref<64x768xf32, #tpu.memory_space<vmem>>, vector<1x16xf32>,
      %get3A_411 = vector.shape_cast %get3A_410 : vector<1x16xf32> to vector<16xf32>
      %add3A_412 = arith.addf %get3A_407, %get3A_411 : vector<16xf32>
      %swap3A_413 = arith.index_cast %scan3A_55 : i32 to index
      %swap3A_414 = arith.constant 400 : index
      %swap3A_415 = tpu.vector_load %arg8[%swap3A_413, %swap3A_414] {strides = array<i32>} : memref<64x768xf32, #tpu.memory_space<vmem>>, vector<1x16xf32>,
      %swap3A_416 = vector.shape_cast %swap3A_415 : vector<1x16xf32> to vector<16xf32>
      %swap3A_417 = vector.shape_cast %add3A_412 : vector<16xf32> to vector<1x16xf32>
      tpu.vector_store %arg8[%swap3A_413, %swap3A_414], %swap3A_417 {strides = array<i32>} : memref<64x768xf32, #tpu.memory_space<vmem>>, vector<1x16xf32>,
      %get3A_418 = arith.index_cast %scan3A_55 : i32 to index
      %get3A_419 = arith.constant 416 : index
      %get3A_420 = tpu.vector_load %arg8[%get3A_418, %get3A_419] {strides = array<i32>} : memref<64x768xf32, #tpu.memory_space<vmem>>, vector<1x16xf32>,
      %get3A_421 = vector.shape_cast %get3A_420 : vector<1x16xf32> to vector<16xf32>
      %get3A_422 = arith.index_cast %scan3A_55 : i32 to index
      %get3A_423 = arith.constant 416 : index
      %get3A_424 = tpu.vector_load %arg7[%get3A_422, %get3A_423] {strides = array<i32>} : memref<64x768xf32, #tpu.memory_space<vmem>>, vector<1x16xf32>,
      %get3A_425 = vector.shape_cast %get3A_424 : vector<1x16xf32> to vector<16xf32>
      %add3A_426 = arith.addf %get3A_421, %get3A_425 : vector<16xf32>
      %swap3A_427 = arith.index_cast %scan3A_55 : i32 to index
      %swap3A_428 = arith.constant 416 : index
      %swap3A_429 = tpu.vector_load %arg8[%swap3A_427, %swap3A_428] {strides = array<i32>} : memref<64x768xf32, #tpu.memory_space<vmem>>, vector<1x16xf32>,
      %swap3A_430 = vector.shape_cast %swap3A_429 : vector<1x16xf32> to vector<16xf32>
      %swap3A_431 = vector.shape_cast %add3A_426 : vector<16xf32> to vector<1x16xf32>
      tpu.vector_store %arg8[%swap3A_427, %swap3A_428], %swap3A_431 {strides = array<i32>} : memref<64x768xf32, #tpu.memory_space<vmem>>, vector<1x16xf32>,
      %get3A_432 = arith.index_cast %scan3A_55 : i32 to index
      %get3A_433 = arith.constant 432 : index
      %get3A_434 = tpu.vector_load %arg8[%get3A_432, %get3A_433] {strides = array<i32>} : memref<64x768xf32, #tpu.memory_space<vmem>>, vector<1x16xf32>,
      %get3A_435 = vector.shape_cast %get3A_434 : vector<1x16xf32> to vector<16xf32>
      %get3A_436 = arith.index_cast %scan3A_55 : i32 to index
      %get3A_437 = arith.constant 432 : index
      %get3A_438 = tpu.vector_load %arg7[%get3A_436, %get3A_437] {strides = array<i32>} : memref<64x768xf32, #tpu.memory_space<vmem>>, vector<1x16xf32>,
      %get3A_439 = vector.shape_cast %get3A_438 : vector<1x16xf32> to vector<16xf32>
      %add3A_440 = arith.addf %get3A_435, %get3A_439 : vector<16xf32>
      %swap3A_441 = arith.index_cast %scan3A_55 : i32 to index
      %swap3A_442 = arith.constant 432 : index
      %swap3A_443 = tpu.vector_load %arg8[%swap3A_441, %swap3A_442] {strides = array<i32>} : memref<64x768xf32, #tpu.memory_space<vmem>>, vector<1x16xf32>,
      %swap3A_444 = vector.shape_cast %swap3A_443 : vector<1x16xf32> to vector<16xf32>
      %swap3A_445 = vector.shape_cast %add3A_440 : vector<16xf32> to vector<1x16xf32>
      tpu.vector_store %arg8[%swap3A_441, %swap3A_442], %swap3A_445 {strides = array<i32>} : memref<64x768xf32, #tpu.memory_space<vmem>>, vector<1x16xf32>,
      %get3A_446 = arith.index_cast %scan3A_55 : i32 to index
      %get3A_447 = arith.constant 448 : index
      %get3A_448 = tpu.vector_load %arg8[%get3A_446, %get3A_447] {strides = array<i32>} : memref<64x768xf32, #tpu.memory_space<vmem>>, vector<1x16xf32>,
      %get3A_449 = vector.shape_cast %get3A_448 : vector<1x16xf32> to vector<16xf32>
      %get3A_450 = arith.index_cast %scan3A_55 : i32 to index
      %get3A_451 = arith.constant 448 : index
      %get3A_452 = tpu.vector_load %arg7[%get3A_450, %get3A_451] {strides = array<i32>} : memref<64x768xf32, #tpu.memory_space<vmem>>, vector<1x16xf32>,
      %get3A_453 = vector.shape_cast %get3A_452 : vector<1x16xf32> to vector<16xf32>
      %add3A_454 = arith.addf %get3A_449, %get3A_453 : vector<16xf32>
      %swap3A_455 = arith.index_cast %scan3A_55 : i32 to index
      %swap3A_456 = arith.constant 448 : index
      %swap3A_457 = tpu.vector_load %arg8[%swap3A_455, %swap3A_456] {strides = array<i32>} : memref<64x768xf32, #tpu.memory_space<vmem>>, vector<1x16xf32>,
      %swap3A_458 = vector.shape_cast %swap3A_457 : vector<1x16xf32> to vector<16xf32>
      %swap3A_459 = vector.shape_cast %add3A_454 : vector<16xf32> to vector<1x16xf32>
      tpu.vector_store %arg8[%swap3A_455, %swap3A_456], %swap3A_459 {strides = array<i32>} : memref<64x768xf32, #tpu.memory_space<vmem>>, vector<1x16xf32>,
      %get3A_460 = arith.index_cast %scan3A_55 : i32 to index
      %get3A_461 = arith.constant 464 : index
      %get3A_462 = tpu.vector_load %arg8[%get3A_460, %get3A_461] {strides = array<i32>} : memref<64x768xf32, #tpu.memory_space<vmem>>, vector<1x16xf32>,
      %get3A_463 = vector.shape_cast %get3A_462 : vector<1x16xf32> to vector<16xf32>
      %get3A_464 = arith.index_cast %scan3A_55 : i32 to index
      %get3A_465 = arith.constant 464 : index
      %get3A_466 = tpu.vector_load %arg7[%get3A_464, %get3A_465] {strides = array<i32>} : memref<64x768xf32, #tpu.memory_space<vmem>>, vector<1x16xf32>,
      %get3A_467 = vector.shape_cast %get3A_466 : vector<1x16xf32> to vector<16xf32>
      %add3A_468 = arith.addf %get3A_463, %get3A_467 : vector<16xf32>
      %swap3A_469 = arith.index_cast %scan3A_55 : i32 to index
      %swap3A_470 = arith.constant 464 : index
      %swap3A_471 = tpu.vector_load %arg8[%swap3A_469, %swap3A_470] {strides = array<i32>} : memref<64x768xf32, #tpu.memory_space<vmem>>, vector<1x16xf32>,
      %swap3A_472 = vector.shape_cast %swap3A_471 : vector<1x16xf32> to vector<16xf32>
      %swap3A_473 = vector.shape_cast %add3A_468 : vector<16xf32> to vector<1x16xf32>
      tpu.vector_store %arg8[%swap3A_469, %swap3A_470], %swap3A_473 {strides = array<i32>} : memref<64x768xf32, #tpu.memory_space<vmem>>, vector<1x16xf32>,
      %get3A_474 = arith.index_cast %scan3A_55 : i32 to index
      %get3A_475 = arith.constant 480 : index
      %get3A_476 = tpu.vector_load %arg8[%get3A_474, %get3A_475] {strides = array<i32>} : memref<64x768xf32, #tpu.memory_space<vmem>>, vector<1x16xf32>,
      %get3A_477 = vector.shape_cast %get3A_476 : vector<1x16xf32> to vector<16xf32>
      %get3A_478 = arith.index_cast %scan3A_55 : i32 to index
      %get3A_479 = arith.constant 480 : index
      %get3A_480 = tpu.vector_load %arg7[%get3A_478, %get3A_479] {strides = array<i32>} : memref<64x768xf32, #tpu.memory_space<vmem>>, vector<1x16xf32>,
      %get3A_481 = vector.shape_cast %get3A_480 : vector<1x16xf32> to vector<16xf32>
      %add3A_482 = arith.addf %get3A_477, %get3A_481 : vector<16xf32>
      %swap3A_483 = arith.index_cast %scan3A_55 : i32 to index
      %swap3A_484 = arith.constant 480 : index
      %swap3A_485 = tpu.vector_load %arg8[%swap3A_483, %swap3A_484] {strides = array<i32>} : memref<64x768xf32, #tpu.memory_space<vmem>>, vector<1x16xf32>,
      %swap3A_486 = vector.shape_cast %swap3A_485 : vector<1x16xf32> to vector<16xf32>
      %swap3A_487 = vector.shape_cast %add3A_482 : vector<16xf32> to vector<1x16xf32>
      tpu.vector_store %arg8[%swap3A_483, %swap3A_484], %swap3A_487 {strides = array<i32>} : memref<64x768xf32, #tpu.memory_space<vmem>>, vector<1x16xf32>,
      %get3A_488 = arith.index_cast %scan3A_55 : i32 to index
      %get3A_489 = arith.constant 496 : index
      %get3A_490 = tpu.vector_load %arg8[%get3A_488, %get3A_489] {strides = array<i32>} : memref<64x768xf32, #tpu.memory_space<vmem>>, vector<1x16xf32>,
      %get3A_491 = vector.shape_cast %get3A_490 : vector<1x16xf32> to vector<16xf32>
      %get3A_492 = arith.index_cast %scan3A_55 : i32 to index
      %get3A_493 = arith.constant 496 : index
      %get3A_494 = tpu.vector_load %arg7[%get3A_492, %get3A_493] {strides = array<i32>} : memref<64x768xf32, #tpu.memory_space<vmem>>, vector<1x16xf32>,
      %get3A_495 = vector.shape_cast %get3A_494 : vector<1x16xf32> to vector<16xf32>
      %add3A_496 = arith.addf %get3A_491, %get3A_495 : vector<16xf32>
      %swap3A_497 = arith.index_cast %scan3A_55 : i32 to index
      %swap3A_498 = arith.constant 496 : index
      %swap3A_499 = tpu.vector_load %arg8[%swap3A_497, %swap3A_498] {strides = array<i32>} : memref<64x768xf32, #tpu.memory_space<vmem>>, vector<1x16xf32>,
      %swap3A_500 = vector.shape_cast %swap3A_499 : vector<1x16xf32> to vector<16xf32>
      %swap3A_501 = vector.shape_cast %add3A_496 : vector<16xf32> to vector<1x16xf32>
      tpu.vector_store %arg8[%swap3A_497, %swap3A_498], %swap3A_501 {strides = array<i32>} : memref<64x768xf32, #tpu.memory_space<vmem>>, vector<1x16xf32>,
      %get3A_502 = arith.index_cast %scan3A_55 : i32 to index
      %get3A_503 = arith.constant 512 : index
      %get3A_504 = tpu.vector_load %arg8[%get3A_502, %get3A_503] {strides = array<i32>} : memref<64x768xf32, #tpu.memory_space<vmem>>, vector<1x16xf32>,
      %get3A_505 = vector.shape_cast %get3A_504 : vector<1x16xf32> to vector<16xf32>
      %get3A_506 = arith.index_cast %scan3A_55 : i32 to index
      %get3A_507 = arith.constant 512 : index
      %get3A_508 = tpu.vector_load %arg7[%get3A_506, %get3A_507] {strides = array<i32>} : memref<64x768xf32, #tpu.memory_space<vmem>>, vector<1x16xf32>,
      %get3A_509 = vector.shape_cast %get3A_508 : vector<1x16xf32> to vector<16xf32>
      %add3A_510 = arith.addf %get3A_505, %get3A_509 : vector<16xf32>
      %swap3A_511 = arith.index_cast %scan3A_55 : i32 to index
      %swap3A_512 = arith.constant 512 : index
      %swap3A_513 = tpu.vector_load %arg8[%swap3A_511, %swap3A_512] {strides = array<i32>} : memref<64x768xf32, #tpu.memory_space<vmem>>, vector<1x16xf32>,
      %swap3A_514 = vector.shape_cast %swap3A_513 : vector<1x16xf32> to vector<16xf32>
      %swap3A_515 = vector.shape_cast %add3A_510 : vector<16xf32> to vector<1x16xf32>
      tpu.vector_store %arg8[%swap3A_511, %swap3A_512], %swap3A_515 {strides = array<i32>} : memref<64x768xf32, #tpu.memory_space<vmem>>, vector<1x16xf32>,
      %get3A_516 = arith.index_cast %scan3A_55 : i32 to index
      %get3A_517 = arith.constant 528 : index
      %get3A_518 = tpu.vector_load %arg8[%get3A_516, %get3A_517] {strides = array<i32>} : memref<64x768xf32, #tpu.memory_space<vmem>>, vector<1x16xf32>,
      %get3A_519 = vector.shape_cast %get3A_518 : vector<1x16xf32> to vector<16xf32>
      %get3A_520 = arith.index_cast %scan3A_55 : i32 to index
      %get3A_521 = arith.constant 528 : index
      %get3A_522 = tpu.vector_load %arg7[%get3A_520, %get3A_521] {strides = array<i32>} : memref<64x768xf32, #tpu.memory_space<vmem>>, vector<1x16xf32>,
      %get3A_523 = vector.shape_cast %get3A_522 : vector<1x16xf32> to vector<16xf32>
      %add3A_524 = arith.addf %get3A_519, %get3A_523 : vector<16xf32>
      %swap3A_525 = arith.index_cast %scan3A_55 : i32 to index
      %swap3A_526 = arith.constant 528 : index
      %swap3A_527 = tpu.vector_load %arg8[%swap3A_525, %swap3A_526] {strides = array<i32>} : memref<64x768xf32, #tpu.memory_space<vmem>>, vector<1x16xf32>,
      %swap3A_528 = vector.shape_cast %swap3A_527 : vector<1x16xf32> to vector<16xf32>
      %swap3A_529 = vector.shape_cast %add3A_524 : vector<16xf32> to vector<1x16xf32>
      tpu.vector_store %arg8[%swap3A_525, %swap3A_526], %swap3A_529 {strides = array<i32>} : memref<64x768xf32, #tpu.memory_space<vmem>>, vector<1x16xf32>,
      %get3A_530 = arith.index_cast %scan3A_55 : i32 to index
      %get3A_531 = arith.constant 544 : index
      %get3A_532 = tpu.vector_load %arg8[%get3A_530, %get3A_531] {strides = array<i32>} : memref<64x768xf32, #tpu.memory_space<vmem>>, vector<1x16xf32>,
      %get3A_533 = vector.shape_cast %get3A_532 : vector<1x16xf32> to vector<16xf32>
      %get3A_534 = arith.index_cast %scan3A_55 : i32 to index
      %get3A_535 = arith.constant 544 : index
      %get3A_536 = tpu.vector_load %arg7[%get3A_534, %get3A_535] {strides = array<i32>} : memref<64x768xf32, #tpu.memory_space<vmem>>, vector<1x16xf32>,
      %get3A_537 = vector.shape_cast %get3A_536 : vector<1x16xf32> to vector<16xf32>
      %add3A_538 = arith.addf %get3A_533, %get3A_537 : vector<16xf32>
      %swap3A_539 = arith.index_cast %scan3A_55 : i32 to index
      %swap3A_540 = arith.constant 544 : index
      %swap3A_541 = tpu.vector_load %arg8[%swap3A_539, %swap3A_540] {strides = array<i32>} : memref<64x768xf32, #tpu.memory_space<vmem>>, vector<1x16xf32>,
      %swap3A_542 = vector.shape_cast %swap3A_541 : vector<1x16xf32> to vector<16xf32>
      %swap3A_543 = vector.shape_cast %add3A_538 : vector<16xf32> to vector<1x16xf32>
      tpu.vector_store %arg8[%swap3A_539, %swap3A_540], %swap3A_543 {strides = array<i32>} : memref<64x768xf32, #tpu.memory_space<vmem>>, vector<1x16xf32>,
      %get3A_544 = arith.index_cast %scan3A_55 : i32 to index
      %get3A_545 = arith.constant 560 : index
      %get3A_546 = tpu.vector_load %arg8[%get3A_544, %get3A_545] {strides = array<i32>} : memref<64x768xf32, #tpu.memory_space<vmem>>, vector<1x16xf32>,
      %get3A_547 = vector.shape_cast %get3A_546 : vector<1x16xf32> to vector<16xf32>
      %get3A_548 = arith.index_cast %scan3A_55 : i32 to index
      %get3A_549 = arith.constant 560 : index
      %get3A_550 = tpu.vector_load %arg7[%get3A_548, %get3A_549] {strides = array<i32>} : memref<64x768xf32, #tpu.memory_space<vmem>>, vector<1x16xf32>,
      %get3A_551 = vector.shape_cast %get3A_550 : vector<1x16xf32> to vector<16xf32>
      %add3A_552 = arith.addf %get3A_547, %get3A_551 : vector<16xf32>
      %swap3A_553 = arith.index_cast %scan3A_55 : i32 to index
      %swap3A_554 = arith.constant 560 : index
      %swap3A_555 = tpu.vector_load %arg8[%swap3A_553, %swap3A_554] {strides = array<i32>} : memref<64x768xf32, #tpu.memory_space<vmem>>, vector<1x16xf32>,
      %swap3A_556 = vector.shape_cast %swap3A_555 : vector<1x16xf32> to vector<16xf32>
      %swap3A_557 = vector.shape_cast %add3A_552 : vector<16xf32> to vector<1x16xf32>
      tpu.vector_store %arg8[%swap3A_553, %swap3A_554], %swap3A_557 {strides = array<i32>} : memref<64x768xf32, #tpu.memory_space<vmem>>, vector<1x16xf32>,
      %get3A_558 = arith.index_cast %scan3A_55 : i32 to index
      %get3A_559 = arith.constant 576 : index
      %get3A_560 = tpu.vector_load %arg8[%get3A_558, %get3A_559] {strides = array<i32>} : memref<64x768xf32, #tpu.memory_space<vmem>>, vector<1x16xf32>,
      %get3A_561 = vector.shape_cast %get3A_560 : vector<1x16xf32> to vector<16xf32>
      %get3A_562 = arith.index_cast %scan3A_55 : i32 to index
      %get3A_563 = arith.constant 576 : index
      %get3A_564 = tpu.vector_load %arg7[%get3A_562, %get3A_563] {strides = array<i32>} : memref<64x768xf32, #tpu.memory_space<vmem>>, vector<1x16xf32>,
      %get3A_565 = vector.shape_cast %get3A_564 : vector<1x16xf32> to vector<16xf32>
      %add3A_566 = arith.addf %get3A_561, %get3A_565 : vector<16xf32>
      %swap3A_567 = arith.index_cast %scan3A_55 : i32 to index
      %swap3A_568 = arith.constant 576 : index
      %swap3A_569 = tpu.vector_load %arg8[%swap3A_567, %swap3A_568] {strides = array<i32>} : memref<64x768xf32, #tpu.memory_space<vmem>>, vector<1x16xf32>,
      %swap3A_570 = vector.shape_cast %swap3A_569 : vector<1x16xf32> to vector<16xf32>
      %swap3A_571 = vector.shape_cast %add3A_566 : vector<16xf32> to vector<1x16xf32>
      tpu.vector_store %arg8[%swap3A_567, %swap3A_568], %swap3A_571 {strides = array<i32>} : memref<64x768xf32, #tpu.memory_space<vmem>>, vector<1x16xf32>,
      %get3A_572 = arith.index_cast %scan3A_55 : i32 to index
      %get3A_573 = arith.constant 592 : index
      %get3A_574 = tpu.vector_load %arg8[%get3A_572, %get3A_573] {strides = array<i32>} : memref<64x768xf32, #tpu.memory_space<vmem>>, vector<1x16xf32>,
      %get3A_575 = vector.shape_cast %get3A_574 : vector<1x16xf32> to vector<16xf32>
      %get3A_576 = arith.index_cast %scan3A_55 : i32 to index
      %get3A_577 = arith.constant 592 : index
      %get3A_578 = tpu.vector_load %arg7[%get3A_576, %get3A_577] {strides = array<i32>} : memref<64x768xf32, #tpu.memory_space<vmem>>, vector<1x16xf32>,
      %get3A_579 = vector.shape_cast %get3A_578 : vector<1x16xf32> to vector<16xf32>
      %add3A_580 = arith.addf %get3A_575, %get3A_579 : vector<16xf32>
      %swap3A_581 = arith.index_cast %scan3A_55 : i32 to index
      %swap3A_582 = arith.constant 592 : index
      %swap3A_583 = tpu.vector_load %arg8[%swap3A_581, %swap3A_582] {strides = array<i32>} : memref<64x768xf32, #tpu.memory_space<vmem>>, vector<1x16xf32>,
      %swap3A_584 = vector.shape_cast %swap3A_583 : vector<1x16xf32> to vector<16xf32>
      %swap3A_585 = vector.shape_cast %add3A_580 : vector<16xf32> to vector<1x16xf32>
      tpu.vector_store %arg8[%swap3A_581, %swap3A_582], %swap3A_585 {strides = array<i32>} : memref<64x768xf32, #tpu.memory_space<vmem>>, vector<1x16xf32>,
      %get3A_586 = arith.index_cast %scan3A_55 : i32 to index
      %get3A_587 = arith.constant 608 : index
      %get3A_588 = tpu.vector_load %arg8[%get3A_586, %get3A_587] {strides = array<i32>} : memref<64x768xf32, #tpu.memory_space<vmem>>, vector<1x16xf32>,
      %get3A_589 = vector.shape_cast %get3A_588 : vector<1x16xf32> to vector<16xf32>
      %get3A_590 = arith.index_cast %scan3A_55 : i32 to index
      %get3A_591 = arith.constant 608 : index
      %get3A_592 = tpu.vector_load %arg7[%get3A_590, %get3A_591] {strides = array<i32>} : memref<64x768xf32, #tpu.memory_space<vmem>>, vector<1x16xf32>,
      %get3A_593 = vector.shape_cast %get3A_592 : vector<1x16xf32> to vector<16xf32>
      %add3A_594 = arith.addf %get3A_589, %get3A_593 : vector<16xf32>
      %swap3A_595 = arith.index_cast %scan3A_55 : i32 to index
      %swap3A_596 = arith.constant 608 : index
      %swap3A_597 = tpu.vector_load %arg8[%swap3A_595, %swap3A_596] {strides = array<i32>} : memref<64x768xf32, #tpu.memory_space<vmem>>, vector<1x16xf32>,
      %swap3A_598 = vector.shape_cast %swap3A_597 : vector<1x16xf32> to vector<16xf32>
      %swap3A_599 = vector.shape_cast %add3A_594 : vector<16xf32> to vector<1x16xf32>
      tpu.vector_store %arg8[%swap3A_595, %swap3A_596], %swap3A_599 {strides = array<i32>} : memref<64x768xf32, #tpu.memory_space<vmem>>, vector<1x16xf32>,
      %get3A_600 = arith.index_cast %scan3A_55 : i32 to index
      %get3A_601 = arith.constant 624 : index
      %get3A_602 = tpu.vector_load %arg8[%get3A_600, %get3A_601] {strides = array<i32>} : memref<64x768xf32, #tpu.memory_space<vmem>>, vector<1x16xf32>,
      %get3A_603 = vector.shape_cast %get3A_602 : vector<1x16xf32> to vector<16xf32>
      %get3A_604 = arith.index_cast %scan3A_55 : i32 to index
      %get3A_605 = arith.constant 624 : index
      %get3A_606 = tpu.vector_load %arg7[%get3A_604, %get3A_605] {strides = array<i32>} : memref<64x768xf32, #tpu.memory_space<vmem>>, vector<1x16xf32>,
      %get3A_607 = vector.shape_cast %get3A_606 : vector<1x16xf32> to vector<16xf32>
      %add3A_608 = arith.addf %get3A_603, %get3A_607 : vector<16xf32>
      %swap3A_609 = arith.index_cast %scan3A_55 : i32 to index
      %swap3A_610 = arith.constant 624 : index
      %swap3A_611 = tpu.vector_load %arg8[%swap3A_609, %swap3A_610] {strides = array<i32>} : memref<64x768xf32, #tpu.memory_space<vmem>>, vector<1x16xf32>,
      %swap3A_612 = vector.shape_cast %swap3A_611 : vector<1x16xf32> to vector<16xf32>
      %swap3A_613 = vector.shape_cast %add3A_608 : vector<16xf32> to vector<1x16xf32>
      tpu.vector_store %arg8[%swap3A_609, %swap3A_610], %swap3A_613 {strides = array<i32>} : memref<64x768xf32, #tpu.memory_space<vmem>>, vector<1x16xf32>,
      %get3A_614 = arith.index_cast %scan3A_55 : i32 to index
      %get3A_615 = arith.constant 640 : index
      %get3A_616 = tpu.vector_load %arg8[%get3A_614, %get3A_615] {strides = array<i32>} : memref<64x768xf32, #tpu.memory_space<vmem>>, vector<1x16xf32>,
      %get3A_617 = vector.shape_cast %get3A_616 : vector<1x16xf32> to vector<16xf32>
      %get3A_618 = arith.index_cast %scan3A_55 : i32 to index
      %get3A_619 = arith.constant 640 : index
      %get3A_620 = tpu.vector_load %arg7[%get3A_618, %get3A_619] {strides = array<i32>} : memref<64x768xf32, #tpu.memory_space<vmem>>, vector<1x16xf32>,
      %get3A_621 = vector.shape_cast %get3A_620 : vector<1x16xf32> to vector<16xf32>
      %add3A_622 = arith.addf %get3A_617, %get3A_621 : vector<16xf32>
      %swap3A_623 = arith.index_cast %scan3A_55 : i32 to index
      %swap3A_624 = arith.constant 640 : index
      %swap3A_625 = tpu.vector_load %arg8[%swap3A_623, %swap3A_624] {strides = array<i32>} : memref<64x768xf32, #tpu.memory_space<vmem>>, vector<1x16xf32>,
      %swap3A_626 = vector.shape_cast %swap3A_625 : vector<1x16xf32> to vector<16xf32>
      %swap3A_627 = vector.shape_cast %add3A_622 : vector<16xf32> to vector<1x16xf32>
      tpu.vector_store %arg8[%swap3A_623, %swap3A_624], %swap3A_627 {strides = array<i32>} : memref<64x768xf32, #tpu.memory_space<vmem>>, vector<1x16xf32>,
      %get3A_628 = arith.index_cast %scan3A_55 : i32 to index
      %get3A_629 = arith.constant 656 : index
      %get3A_630 = tpu.vector_load %arg8[%get3A_628, %get3A_629] {strides = array<i32>} : memref<64x768xf32, #tpu.memory_space<vmem>>, vector<1x16xf32>,
      %get3A_631 = vector.shape_cast %get3A_630 : vector<1x16xf32> to vector<16xf32>
      %get3A_632 = arith.index_cast %scan3A_55 : i32 to index
      %get3A_633 = arith.constant 656 : index
      %get3A_634 = tpu.vector_load %arg7[%get3A_632, %get3A_633] {strides = array<i32>} : memref<64x768xf32, #tpu.memory_space<vmem>>, vector<1x16xf32>,
      %get3A_635 = vector.shape_cast %get3A_634 : vector<1x16xf32> to vector<16xf32>
      %add3A_636 = arith.addf %get3A_631, %get3A_635 : vector<16xf32>
      %swap3A_637 = arith.index_cast %scan3A_55 : i32 to index
      %swap3A_638 = arith.constant 656 : index
      %swap3A_639 = tpu.vector_load %arg8[%swap3A_637, %swap3A_638] {strides = array<i32>} : memref<64x768xf32, #tpu.memory_space<vmem>>, vector<1x16xf32>,
      %swap3A_640 = vector.shape_cast %swap3A_639 : vector<1x16xf32> to vector<16xf32>
      %swap3A_641 = vector.shape_cast %add3A_636 : vector<16xf32> to vector<1x16xf32>
      tpu.vector_store %arg8[%swap3A_637, %swap3A_638], %swap3A_641 {strides = array<i32>} : memref<64x768xf32, #tpu.memory_space<vmem>>, vector<1x16xf32>,
      %get3A_642 = arith.index_cast %scan3A_55 : i32 to index
      %get3A_643 = arith.constant 672 : index
      %get3A_644 = tpu.vector_load %arg8[%get3A_642, %get3A_643] {strides = array<i32>} : memref<64x768xf32, #tpu.memory_space<vmem>>, vector<1x16xf32>,
      %get3A_645 = vector.shape_cast %get3A_644 : vector<1x16xf32> to vector<16xf32>
      %get3A_646 = arith.index_cast %scan3A_55 : i32 to index
      %get3A_647 = arith.constant 672 : index
      %get3A_648 = tpu.vector_load %arg7[%get3A_646, %get3A_647] {strides = array<i32>} : memref<64x768xf32, #tpu.memory_space<vmem>>, vector<1x16xf32>,
      %get3A_649 = vector.shape_cast %get3A_648 : vector<1x16xf32> to vector<16xf32>
      %add3A_650 = arith.addf %get3A_645, %get3A_649 : vector<16xf32>
      %swap3A_651 = arith.index_cast %scan3A_55 : i32 to index
      %swap3A_652 = arith.constant 672 : index
      %swap3A_653 = tpu.vector_load %arg8[%swap3A_651, %swap3A_652] {strides = array<i32>} : memref<64x768xf32, #tpu.memory_space<vmem>>, vector<1x16xf32>,
      %swap3A_654 = vector.shape_cast %swap3A_653 : vector<1x16xf32> to vector<16xf32>
      %swap3A_655 = vector.shape_cast %add3A_650 : vector<16xf32> to vector<1x16xf32>
      tpu.vector_store %arg8[%swap3A_651, %swap3A_652], %swap3A_655 {strides = array<i32>} : memref<64x768xf32, #tpu.memory_space<vmem>>, vector<1x16xf32>,
      %get3A_656 = arith.index_cast %scan3A_55 : i32 to index
      %get3A_657 = arith.constant 688 : index
      %get3A_658 = tpu.vector_load %arg8[%get3A_656, %get3A_657] {strides = array<i32>} : memref<64x768xf32, #tpu.memory_space<vmem>>, vector<1x16xf32>,
      %get3A_659 = vector.shape_cast %get3A_658 : vector<1x16xf32> to vector<16xf32>
      %get3A_660 = arith.index_cast %scan3A_55 : i32 to index
      %get3A_661 = arith.constant 688 : index
      %get3A_662 = tpu.vector_load %arg7[%get3A_660, %get3A_661] {strides = array<i32>} : memref<64x768xf32, #tpu.memory_space<vmem>>, vector<1x16xf32>,
      %get3A_663 = vector.shape_cast %get3A_662 : vector<1x16xf32> to vector<16xf32>
      %add3A_664 = arith.addf %get3A_659, %get3A_663 : vector<16xf32>
      %swap3A_665 = arith.index_cast %scan3A_55 : i32 to index
      %swap3A_666 = arith.constant 688 : index
      %swap3A_667 = tpu.vector_load %arg8[%swap3A_665, %swap3A_666] {strides = array<i32>} : memref<64x768xf32, #tpu.memory_space<vmem>>, vector<1x16xf32>,
      %swap3A_668 = vector.shape_cast %swap3A_667 : vector<1x16xf32> to vector<16xf32>
      %swap3A_669 = vector.shape_cast %add3A_664 : vector<16xf32> to vector<1x16xf32>
      tpu.vector_store %arg8[%swap3A_665, %swap3A_666], %swap3A_669 {strides = array<i32>} : memref<64x768xf32, #tpu.memory_space<vmem>>, vector<1x16xf32>,
      %get3A_670 = arith.index_cast %scan3A_55 : i32 to index
      %get3A_671 = arith.constant 704 : index
      %get3A_672 = tpu.vector_load %arg8[%get3A_670, %get3A_671] {strides = array<i32>} : memref<64x768xf32, #tpu.memory_space<vmem>>, vector<1x16xf32>,
      %get3A_673 = vector.shape_cast %get3A_672 : vector<1x16xf32> to vector<16xf32>
      %get3A_674 = arith.index_cast %scan3A_55 : i32 to index
      %get3A_675 = arith.constant 704 : index
      %get3A_676 = tpu.vector_load %arg7[%get3A_674, %get3A_675] {strides = array<i32>} : memref<64x768xf32, #tpu.memory_space<vmem>>, vector<1x16xf32>,
      %get3A_677 = vector.shape_cast %get3A_676 : vector<1x16xf32> to vector<16xf32>
      %add3A_678 = arith.addf %get3A_673, %get3A_677 : vector<16xf32>
      %swap3A_679 = arith.index_cast %scan3A_55 : i32 to index
      %swap3A_680 = arith.constant 704 : index
      %swap3A_681 = tpu.vector_load %arg8[%swap3A_679, %swap3A_680] {strides = array<i32>} : memref<64x768xf32, #tpu.memory_space<vmem>>, vector<1x16xf32>,
      %swap3A_682 = vector.shape_cast %swap3A_681 : vector<1x16xf32> to vector<16xf32>
      %swap3A_683 = vector.shape_cast %add3A_678 : vector<16xf32> to vector<1x16xf32>
      tpu.vector_store %arg8[%swap3A_679, %swap3A_680], %swap3A_683 {strides = array<i32>} : memref<64x768xf32, #tpu.memory_space<vmem>>, vector<1x16xf32>,
      %get3A_684 = arith.index_cast %scan3A_55 : i32 to index
      %get3A_685 = arith.constant 720 : index
      %get3A_686 = tpu.vector_load %arg8[%get3A_684, %get3A_685] {strides = array<i32>} : memref<64x768xf32, #tpu.memory_space<vmem>>, vector<1x16xf32>,
      %get3A_687 = vector.shape_cast %get3A_686 : vector<1x16xf32> to vector<16xf32>
      %get3A_688 = arith.index_cast %scan3A_55 : i32 to index
      %get3A_689 = arith.constant 720 : index
      %get3A_690 = tpu.vector_load %arg7[%get3A_688, %get3A_689] {strides = array<i32>} : memref<64x768xf32, #tpu.memory_space<vmem>>, vector<1x16xf32>,
      %get3A_691 = vector.shape_cast %get3A_690 : vector<1x16xf32> to vector<16xf32>
      %add3A_692 = arith.addf %get3A_687, %get3A_691 : vector<16xf32>
      %swap3A_693 = arith.index_cast %scan3A_55 : i32 to index
      %swap3A_694 = arith.constant 720 : index
      %swap3A_695 = tpu.vector_load %arg8[%swap3A_693, %swap3A_694] {strides = array<i32>} : memref<64x768xf32, #tpu.memory_space<vmem>>, vector<1x16xf32>,
      %swap3A_696 = vector.shape_cast %swap3A_695 : vector<1x16xf32> to vector<16xf32>
      %swap3A_697 = vector.shape_cast %add3A_692 : vector<16xf32> to vector<1x16xf32>
      tpu.vector_store %arg8[%swap3A_693, %swap3A_694], %swap3A_697 {strides = array<i32>} : memref<64x768xf32, #tpu.memory_space<vmem>>, vector<1x16xf32>,
      %get3A_698 = arith.index_cast %scan3A_55 : i32 to index
      %get3A_699 = arith.constant 736 : index
      %get3A_700 = tpu.vector_load %arg8[%get3A_698, %get3A_699] {strides = array<i32>} : memref<64x768xf32, #tpu.memory_space<vmem>>, vector<1x16xf32>,
      %get3A_701 = vector.shape_cast %get3A_700 : vector<1x16xf32> to vector<16xf32>
      %get3A_702 = arith.index_cast %scan3A_55 : i32 to index
      %get3A_703 = arith.constant 736 : index
      %get3A_704 = tpu.vector_load %arg7[%get3A_702, %get3A_703] {strides = array<i32>} : memref<64x768xf32, #tpu.memory_space<vmem>>, vector<1x16xf32>,
      %get3A_705 = vector.shape_cast %get3A_704 : vector<1x16xf32> to vector<16xf32>
      %add3A_706 = arith.addf %get3A_701, %get3A_705 : vector<16xf32>
      %swap3A_707 = arith.index_cast %scan3A_55 : i32 to index
      %swap3A_708 = arith.constant 736 : index
      %swap3A_709 = tpu.vector_load %arg8[%swap3A_707, %swap3A_708] {strides = array<i32>} : memref<64x768xf32, #tpu.memory_space<vmem>>, vector<1x16xf32>,
      %swap3A_710 = vector.shape_cast %swap3A_709 : vector<1x16xf32> to vector<16xf32>
      %swap3A_711 = vector.shape_cast %add3A_706 : vector<16xf32> to vector<1x16xf32>
      tpu.vector_store %arg8[%swap3A_707, %swap3A_708], %swap3A_711 {strides = array<i32>} : memref<64x768xf32, #tpu.memory_space<vmem>>, vector<1x16xf32>,
      %get3A_712 = arith.index_cast %scan3A_55 : i32 to index
      %get3A_713 = arith.constant 752 : index
      %get3A_714 = tpu.vector_load %arg8[%get3A_712, %get3A_713] {strides = array<i32>} : memref<64x768xf32, #tpu.memory_space<vmem>>, vector<1x16xf32>,
      %get3A_715 = vector.shape_cast %get3A_714 : vector<1x16xf32> to vector<16xf32>
      %get3A_716 = arith.index_cast %scan3A_55 : i32 to index
      %get3A_717 = arith.constant 752 : index
      %get3A_718 = tpu.vector_load %arg7[%get3A_716, %get3A_717] {strides = array<i32>} : memref<64x768xf32, #tpu.memory_space<vmem>>, vector<1x16xf32>,
      %get3A_719 = vector.shape_cast %get3A_718 : vector<1x16xf32> to vector<16xf32>
      %add3A_720 = arith.addf %get3A_715, %get3A_719 : vector<16xf32>
      %swap3A_721 = arith.index_cast %scan3A_55 : i32 to index
      %swap3A_722 = arith.constant 752 : index
      %swap3A_723 = tpu.vector_load %arg8[%swap3A_721, %swap3A_722] {strides = array<i32>} : memref<64x768xf32, #tpu.memory_space<vmem>>, vector<1x16xf32>,
      %swap3A_724 = vector.shape_cast %swap3A_723 : vector<1x16xf32> to vector<16xf32>
      %swap3A_725 = vector.shape_cast %add3A_720 : vector<16xf32> to vector<1x16xf32>
      tpu.vector_store %arg8[%swap3A_721, %swap3A_722], %swap3A_725 {strides = array<i32>} : memref<64x768xf32, #tpu.memory_space<vmem>>, vector<1x16xf32>,
    }
    %scan3A_39 = arith.constant 64 : i32
    %run_scoped3A_40 = arith.constant 2 : i32
    "tpu.region"() ({
      %run_scoped3A_55 = tpu.sem_alloc : memref<!tpu.dma_semaphore, #tpu.memory_space<semaphore_mem>>
      %dma_start3A_56 = arith.constant 0 : i32
      %dma_start3A_57 = tpu.memref_slice %arg5[%run_scoped3A_40, %mul3A_2, %dma_start3A_56] : memref<4x2048x768xf32, #tpu.memory_space<hbm>> -> memref<1x64x768xf32, #tpu.memory_space<hbm>>
      %dma_start3A_58 = tpu.memref_squeeze %dma_start3A_57 : memref<1x64x768xf32, #tpu.memory_space<hbm>> -> memref<64x768xf32, #tpu.memory_space<hbm>>
      %dma_start3A_59 = arith.constant 0 : i32
      %dma_start3A_60 = tpu.memref_slice %arg5[%run_scoped3A_40, %mul3A_2, %dma_start3A_59] : memref<4x2048x768xf32, #tpu.memory_space<hbm>> -> memref<1x64x768xf32, #tpu.memory_space<hbm>>
      %dma_start3A_61 = tpu.memref_squeeze %dma_start3A_60 : memref<1x64x768xf32, #tpu.memory_space<hbm>> -> memref<64x768xf32, #tpu.memory_space<hbm>>
      tpu.enqueue_dma source(%arg8 : memref<64x768xf32, #tpu.memory_space<vmem>>) target(%dma_start3A_61 : memref<64x768xf32, #tpu.memory_space<hbm>>) target_semaphore(%run_scoped3A_55 : memref<!tpu.dma_semaphore, #tpu.memory_space<semaphore_mem>>)
      %dma_wait3A_62 = arith.constant 0 : i32
      %dma_wait3A_63 = tpu.memref_slice %arg5[%run_scoped3A_40, %mul3A_2, %dma_wait3A_62] : memref<4x2048x768xf32, #tpu.memory_space<hbm>> -> memref<1x64x768xf32, #tpu.memory_space<hbm>>
      %dma_wait3A_64 = tpu.memref_squeeze %dma_wait3A_63 : memref<1x64x768xf32, #tpu.memory_space<hbm>> -> memref<64x768xf32, #tpu.memory_space<hbm>>
      %dma_wait3A_65 = arith.constant 0 : i32
      %dma_wait3A_66 = tpu.memref_slice %arg5[%run_scoped3A_40, %mul3A_2, %dma_wait3A_65] : memref<4x2048x768xf32, #tpu.memory_space<hbm>> -> memref<1x64x768xf32, #tpu.memory_space<hbm>>
      %dma_wait3A_67 = tpu.memref_squeeze %dma_wait3A_66 : memref<1x64x768xf32, #tpu.memory_space<hbm>> -> memref<64x768xf32, #tpu.memory_space<hbm>>
      tpu.wait_dma2 semaphore(%run_scoped3A_55 : memref<!tpu.dma_semaphore, #tpu.memory_space<semaphore_mem>>) src(%arg8 : memref<64x768xf32, #tpu.memory_space<vmem>>) dst(%dma_wait3A_67 : memref<64x768xf32, #tpu.memory_space<hbm>>)
      tpu.yield
    }) : () -> ()
    %run_scoped3A_41 = arith.constant 3 : i32
    "tpu.region"() ({
      %run_scoped3A_55 = tpu.sem_alloc : memref<!tpu.dma_semaphore, #tpu.memory_space<semaphore_mem>>
      %dma_start3A_56 = tpu.memref_slice %arg2[%run_scoped3A_41, %mul3A_2] : memref<4x2048xi32, #tpu.memory_space<hbm>> -> memref<1x64xi32, #tpu.memory_space<hbm>>
      %dma_start3A_57 = tpu.memref_squeeze %dma_start3A_56 : memref<1x64xi32, #tpu.memory_space<hbm>> -> memref<64xi32, #tpu.memory_space<hbm>>
      %dma_start3A_58 = tpu.memref_slice %arg2[%run_scoped3A_41, %mul3A_2] : memref<4x2048xi32, #tpu.memory_space<hbm>> -> memref<1x64xi32, #tpu.memory_space<hbm>>
      %dma_start3A_59 = tpu.memref_squeeze %dma_start3A_58 : memref<1x64xi32, #tpu.memory_space<hbm>> -> memref<64xi32, #tpu.memory_space<hbm>>
      tpu.enqueue_dma source(%dma_start3A_59 : memref<64xi32, #tpu.memory_space<hbm>>) target(%arg6 : memref<64xi32, #tpu.memory_space<vmem>>) target_semaphore(%run_scoped3A_55 : memref<!tpu.dma_semaphore, #tpu.memory_space<semaphore_mem>>)
      %dma_wait3A_60 = tpu.memref_slice %arg2[%run_scoped3A_41, %mul3A_2] : memref<4x2048xi32, #tpu.memory_space<hbm>> -> memref<1x64xi32, #tpu.memory_space<hbm>>
      %dma_wait3A_61 = tpu.memref_squeeze %dma_wait3A_60 : memref<1x64xi32, #tpu.memory_space<hbm>> -> memref<64xi32, #tpu.memory_space<hbm>>
      %dma_wait3A_62 = tpu.memref_slice %arg2[%run_scoped3A_41, %mul3A_2] : memref<4x2048xi32, #tpu.memory_space<hbm>> -> memref<1x64xi32, #tpu.memory_space<hbm>>
      %dma_wait3A_63 = tpu.memref_squeeze %dma_wait3A_62 : memref<1x64xi32, #tpu.memory_space<hbm>> -> memref<64xi32, #tpu.memory_space<hbm>>
      tpu.wait_dma2 semaphore(%run_scoped3A_55 : memref<!tpu.dma_semaphore, #tpu.memory_space<semaphore_mem>>) src(%dma_wait3A_63 : memref<64xi32, #tpu.memory_space<hbm>>) dst(%arg6 : memref<64xi32, #tpu.memory_space<vmem>>)
      tpu.yield
    }) : () -> ()
    %dma_start3A_42 = arith.constant 0 : i32
    %dma_start3A_43 = arith.constant 0 : i32
    %dma_start3A_44 = tpu.memref_slice %arg3[%dma_start3A_42, %dma_start3A_43] : memref<100000x768xf32, #tpu.memory_space<hbm>> -> memref<100000x768xf32, #tpu.memory_space<hbm>>
    tpu.enqueue_indirect_dma source(%dma_start3A_44 : memref<100000x768xf32, #tpu.memory_space<hbm>>) target(%arg8 : memref<64x768xf32, #tpu.memory_space<vmem>>) offsets(%arg6 : memref<64xi32, #tpu.memory_space<vmem>>) semaphore(%arg9 : memref<!tpu.dma_semaphore, #tpu.memory_space<semaphore_mem>>)
    %dma_wait3A_45 = arith.constant 0 : i32
    %dma_wait3A_46 = arith.constant 0 : i32
    %dma_wait3A_47 = tpu.memref_slice %arg3[%dma_wait3A_45, %dma_wait3A_46] : memref<100000x768xf32, #tpu.memory_space<hbm>> -> memref<100000x768xf32, #tpu.memory_space<hbm>>
    tpu.wait_indirect_dma semaphore(%arg9 : memref<!tpu.dma_semaphore, #tpu.memory_space<semaphore_mem>>) src(%dma_wait3A_47 : memref<100000x768xf32, #tpu.memory_space<hbm>>) dst(%arg8 : memref<64x768xf32, #tpu.memory_space<vmem>>)
    %scan3A_48 = arith.constant 0 : i32
    %scan3A_49 = arith.constant 0 : i32
    %scan3A_50 = arith.constant 64 : i32
    %scan3A_51 = arith.addi %scan3A_49, %scan3A_50 : i32
    %scan3A_52 = arith.constant 1 : i32
    scf.for %scan3A_55 = %scan3A_49 to %scan3A_51 step %scan3A_52  : i32 {
      %get3A = arith.index_cast %scan3A_55 : i32 to index
      %get3A_56 = arith.constant 0 : index
      %get3A_57 = tpu.vector_load %arg8[%get3A, %get3A_56] {strides = array<i32>} : memref<64x768xf32, #tpu.memory_space<vmem>>, vector<1x16xf32>,
      %get3A_58 = vector.shape_cast %get3A_57 : vector<1x16xf32> to vector<16xf32>
      %get3A_59 = arith.index_cast %scan3A_55 : i32 to index
      %get3A_60 = arith.constant 0 : index
      %get3A_61 = tpu.vector_load %arg7[%get3A_59, %get3A_60] {strides = array<i32>} : memref<64x768xf32, #tpu.memory_space<vmem>>, vector<1x16xf32>,
      %get3A_62 = vector.shape_cast %get3A_61 : vector<1x16xf32> to vector<16xf32>
      %add3A_63 = arith.addf %get3A_58, %get3A_62 : vector<16xf32>
      %swap3A = arith.index_cast %scan3A_55 : i32 to index
      %swap3A_64 = arith.constant 0 : index
      %swap3A_65 = tpu.vector_load %arg8[%swap3A, %swap3A_64] {strides = array<i32>} : memref<64x768xf32, #tpu.memory_space<vmem>>, vector<1x16xf32>,
      %swap3A_66 = vector.shape_cast %swap3A_65 : vector<1x16xf32> to vector<16xf32>
      %swap3A_67 = vector.shape_cast %add3A_63 : vector<16xf32> to vector<1x16xf32>
      tpu.vector_store %arg8[%swap3A, %swap3A_64], %swap3A_67 {strides = array<i32>} : memref<64x768xf32, #tpu.memory_space<vmem>>, vector<1x16xf32>,
      %get3A_68 = arith.index_cast %scan3A_55 : i32 to index
      %get3A_69 = arith.constant 16 : index
      %get3A_70 = tpu.vector_load %arg8[%get3A_68, %get3A_69] {strides = array<i32>} : memref<64x768xf32, #tpu.memory_space<vmem>>, vector<1x16xf32>,
      %get3A_71 = vector.shape_cast %get3A_70 : vector<1x16xf32> to vector<16xf32>
      %get3A_72 = arith.index_cast %scan3A_55 : i32 to index
      %get3A_73 = arith.constant 16 : index
      %get3A_74 = tpu.vector_load %arg7[%get3A_72, %get3A_73] {strides = array<i32>} : memref<64x768xf32, #tpu.memory_space<vmem>>, vector<1x16xf32>,
      %get3A_75 = vector.shape_cast %get3A_74 : vector<1x16xf32> to vector<16xf32>
      %add3A_76 = arith.addf %get3A_71, %get3A_75 : vector<16xf32>
      %swap3A_77 = arith.index_cast %scan3A_55 : i32 to index
      %swap3A_78 = arith.constant 16 : index
      %swap3A_79 = tpu.vector_load %arg8[%swap3A_77, %swap3A_78] {strides = array<i32>} : memref<64x768xf32, #tpu.memory_space<vmem>>, vector<1x16xf32>,
      %swap3A_80 = vector.shape_cast %swap3A_79 : vector<1x16xf32> to vector<16xf32>
      %swap3A_81 = vector.shape_cast %add3A_76 : vector<16xf32> to vector<1x16xf32>
      tpu.vector_store %arg8[%swap3A_77, %swap3A_78], %swap3A_81 {strides = array<i32>} : memref<64x768xf32, #tpu.memory_space<vmem>>, vector<1x16xf32>,
      %get3A_82 = arith.index_cast %scan3A_55 : i32 to index
      %get3A_83 = arith.constant 32 : index
      %get3A_84 = tpu.vector_load %arg8[%get3A_82, %get3A_83] {strides = array<i32>} : memref<64x768xf32, #tpu.memory_space<vmem>>, vector<1x16xf32>,
      %get3A_85 = vector.shape_cast %get3A_84 : vector<1x16xf32> to vector<16xf32>
      %get3A_86 = arith.index_cast %scan3A_55 : i32 to index
      %get3A_87 = arith.constant 32 : index
      %get3A_88 = tpu.vector_load %arg7[%get3A_86, %get3A_87] {strides = array<i32>} : memref<64x768xf32, #tpu.memory_space<vmem>>, vector<1x16xf32>,
      %get3A_89 = vector.shape_cast %get3A_88 : vector<1x16xf32> to vector<16xf32>
      %add3A_90 = arith.addf %get3A_85, %get3A_89 : vector<16xf32>
      %swap3A_91 = arith.index_cast %scan3A_55 : i32 to index
      %swap3A_92 = arith.constant 32 : index
      %swap3A_93 = tpu.vector_load %arg8[%swap3A_91, %swap3A_92] {strides = array<i32>} : memref<64x768xf32, #tpu.memory_space<vmem>>, vector<1x16xf32>,
      %swap3A_94 = vector.shape_cast %swap3A_93 : vector<1x16xf32> to vector<16xf32>
      %swap3A_95 = vector.shape_cast %add3A_90 : vector<16xf32> to vector<1x16xf32>
      tpu.vector_store %arg8[%swap3A_91, %swap3A_92], %swap3A_95 {strides = array<i32>} : memref<64x768xf32, #tpu.memory_space<vmem>>, vector<1x16xf32>,
      %get3A_96 = arith.index_cast %scan3A_55 : i32 to index
      %get3A_97 = arith.constant 48 : index
      %get3A_98 = tpu.vector_load %arg8[%get3A_96, %get3A_97] {strides = array<i32>} : memref<64x768xf32, #tpu.memory_space<vmem>>, vector<1x16xf32>,
      %get3A_99 = vector.shape_cast %get3A_98 : vector<1x16xf32> to vector<16xf32>
      %get3A_100 = arith.index_cast %scan3A_55 : i32 to index
      %get3A_101 = arith.constant 48 : index
      %get3A_102 = tpu.vector_load %arg7[%get3A_100, %get3A_101] {strides = array<i32>} : memref<64x768xf32, #tpu.memory_space<vmem>>, vector<1x16xf32>,
      %get3A_103 = vector.shape_cast %get3A_102 : vector<1x16xf32> to vector<16xf32>
      %add3A_104 = arith.addf %get3A_99, %get3A_103 : vector<16xf32>
      %swap3A_105 = arith.index_cast %scan3A_55 : i32 to index
      %swap3A_106 = arith.constant 48 : index
      %swap3A_107 = tpu.vector_load %arg8[%swap3A_105, %swap3A_106] {strides = array<i32>} : memref<64x768xf32, #tpu.memory_space<vmem>>, vector<1x16xf32>,
      %swap3A_108 = vector.shape_cast %swap3A_107 : vector<1x16xf32> to vector<16xf32>
      %swap3A_109 = vector.shape_cast %add3A_104 : vector<16xf32> to vector<1x16xf32>
      tpu.vector_store %arg8[%swap3A_105, %swap3A_106], %swap3A_109 {strides = array<i32>} : memref<64x768xf32, #tpu.memory_space<vmem>>, vector<1x16xf32>,
      %get3A_110 = arith.index_cast %scan3A_55 : i32 to index
      %get3A_111 = arith.constant 64 : index
      %get3A_112 = tpu.vector_load %arg8[%get3A_110, %get3A_111] {strides = array<i32>} : memref<64x768xf32, #tpu.memory_space<vmem>>, vector<1x16xf32>,
      %get3A_113 = vector.shape_cast %get3A_112 : vector<1x16xf32> to vector<16xf32>
      %get3A_114 = arith.index_cast %scan3A_55 : i32 to index
      %get3A_115 = arith.constant 64 : index
      %get3A_116 = tpu.vector_load %arg7[%get3A_114, %get3A_115] {strides = array<i32>} : memref<64x768xf32, #tpu.memory_space<vmem>>, vector<1x16xf32>,
      %get3A_117 = vector.shape_cast %get3A_116 : vector<1x16xf32> to vector<16xf32>
      %add3A_118 = arith.addf %get3A_113, %get3A_117 : vector<16xf32>
      %swap3A_119 = arith.index_cast %scan3A_55 : i32 to index
      %swap3A_120 = arith.constant 64 : index
      %swap3A_121 = tpu.vector_load %arg8[%swap3A_119, %swap3A_120] {strides = array<i32>} : memref<64x768xf32, #tpu.memory_space<vmem>>, vector<1x16xf32>,
      %swap3A_122 = vector.shape_cast %swap3A_121 : vector<1x16xf32> to vector<16xf32>
      %swap3A_123 = vector.shape_cast %add3A_118 : vector<16xf32> to vector<1x16xf32>
      tpu.vector_store %arg8[%swap3A_119, %swap3A_120], %swap3A_123 {strides = array<i32>} : memref<64x768xf32, #tpu.memory_space<vmem>>, vector<1x16xf32>,
      %get3A_124 = arith.index_cast %scan3A_55 : i32 to index
      %get3A_125 = arith.constant 80 : index
      %get3A_126 = tpu.vector_load %arg8[%get3A_124, %get3A_125] {strides = array<i32>} : memref<64x768xf32, #tpu.memory_space<vmem>>, vector<1x16xf32>,
      %get3A_127 = vector.shape_cast %get3A_126 : vector<1x16xf32> to vector<16xf32>
      %get3A_128 = arith.index_cast %scan3A_55 : i32 to index
      %get3A_129 = arith.constant 80 : index
      %get3A_130 = tpu.vector_load %arg7[%get3A_128, %get3A_129] {strides = array<i32>} : memref<64x768xf32, #tpu.memory_space<vmem>>, vector<1x16xf32>,
      %get3A_131 = vector.shape_cast %get3A_130 : vector<1x16xf32> to vector<16xf32>
      %add3A_132 = arith.addf %get3A_127, %get3A_131 : vector<16xf32>
      %swap3A_133 = arith.index_cast %scan3A_55 : i32 to index
      %swap3A_134 = arith.constant 80 : index
      %swap3A_135 = tpu.vector_load %arg8[%swap3A_133, %swap3A_134] {strides = array<i32>} : memref<64x768xf32, #tpu.memory_space<vmem>>, vector<1x16xf32>,
      %swap3A_136 = vector.shape_cast %swap3A_135 : vector<1x16xf32> to vector<16xf32>
      %swap3A_137 = vector.shape_cast %add3A_132 : vector<16xf32> to vector<1x16xf32>
      tpu.vector_store %arg8[%swap3A_133, %swap3A_134], %swap3A_137 {strides = array<i32>} : memref<64x768xf32, #tpu.memory_space<vmem>>, vector<1x16xf32>,
      %get3A_138 = arith.index_cast %scan3A_55 : i32 to index
      %get3A_139 = arith.constant 96 : index
      %get3A_140 = tpu.vector_load %arg8[%get3A_138, %get3A_139] {strides = array<i32>} : memref<64x768xf32, #tpu.memory_space<vmem>>, vector<1x16xf32>,
      %get3A_141 = vector.shape_cast %get3A_140 : vector<1x16xf32> to vector<16xf32>
      %get3A_142 = arith.index_cast %scan3A_55 : i32 to index
      %get3A_143 = arith.constant 96 : index
      %get3A_144 = tpu.vector_load %arg7[%get3A_142, %get3A_143] {strides = array<i32>} : memref<64x768xf32, #tpu.memory_space<vmem>>, vector<1x16xf32>,
      %get3A_145 = vector.shape_cast %get3A_144 : vector<1x16xf32> to vector<16xf32>
      %add3A_146 = arith.addf %get3A_141, %get3A_145 : vector<16xf32>
      %swap3A_147 = arith.index_cast %scan3A_55 : i32 to index
      %swap3A_148 = arith.constant 96 : index
      %swap3A_149 = tpu.vector_load %arg8[%swap3A_147, %swap3A_148] {strides = array<i32>} : memref<64x768xf32, #tpu.memory_space<vmem>>, vector<1x16xf32>,
      %swap3A_150 = vector.shape_cast %swap3A_149 : vector<1x16xf32> to vector<16xf32>
      %swap3A_151 = vector.shape_cast %add3A_146 : vector<16xf32> to vector<1x16xf32>
      tpu.vector_store %arg8[%swap3A_147, %swap3A_148], %swap3A_151 {strides = array<i32>} : memref<64x768xf32, #tpu.memory_space<vmem>>, vector<1x16xf32>,
      %get3A_152 = arith.index_cast %scan3A_55 : i32 to index
      %get3A_153 = arith.constant 112 : index
      %get3A_154 = tpu.vector_load %arg8[%get3A_152, %get3A_153] {strides = array<i32>} : memref<64x768xf32, #tpu.memory_space<vmem>>, vector<1x16xf32>,
      %get3A_155 = vector.shape_cast %get3A_154 : vector<1x16xf32> to vector<16xf32>
      %get3A_156 = arith.index_cast %scan3A_55 : i32 to index
      %get3A_157 = arith.constant 112 : index
      %get3A_158 = tpu.vector_load %arg7[%get3A_156, %get3A_157] {strides = array<i32>} : memref<64x768xf32, #tpu.memory_space<vmem>>, vector<1x16xf32>,
      %get3A_159 = vector.shape_cast %get3A_158 : vector<1x16xf32> to vector<16xf32>
      %add3A_160 = arith.addf %get3A_155, %get3A_159 : vector<16xf32>
      %swap3A_161 = arith.index_cast %scan3A_55 : i32 to index
      %swap3A_162 = arith.constant 112 : index
      %swap3A_163 = tpu.vector_load %arg8[%swap3A_161, %swap3A_162] {strides = array<i32>} : memref<64x768xf32, #tpu.memory_space<vmem>>, vector<1x16xf32>,
      %swap3A_164 = vector.shape_cast %swap3A_163 : vector<1x16xf32> to vector<16xf32>
      %swap3A_165 = vector.shape_cast %add3A_160 : vector<16xf32> to vector<1x16xf32>
      tpu.vector_store %arg8[%swap3A_161, %swap3A_162], %swap3A_165 {strides = array<i32>} : memref<64x768xf32, #tpu.memory_space<vmem>>, vector<1x16xf32>,
      %get3A_166 = arith.index_cast %scan3A_55 : i32 to index
      %get3A_167 = arith.constant 128 : index
      %get3A_168 = tpu.vector_load %arg8[%get3A_166, %get3A_167] {strides = array<i32>} : memref<64x768xf32, #tpu.memory_space<vmem>>, vector<1x16xf32>,
      %get3A_169 = vector.shape_cast %get3A_168 : vector<1x16xf32> to vector<16xf32>
      %get3A_170 = arith.index_cast %scan3A_55 : i32 to index
      %get3A_171 = arith.constant 128 : index
      %get3A_172 = tpu.vector_load %arg7[%get3A_170, %get3A_171] {strides = array<i32>} : memref<64x768xf32, #tpu.memory_space<vmem>>, vector<1x16xf32>,
      %get3A_173 = vector.shape_cast %get3A_172 : vector<1x16xf32> to vector<16xf32>
      %add3A_174 = arith.addf %get3A_169, %get3A_173 : vector<16xf32>
      %swap3A_175 = arith.index_cast %scan3A_55 : i32 to index
      %swap3A_176 = arith.constant 128 : index
      %swap3A_177 = tpu.vector_load %arg8[%swap3A_175, %swap3A_176] {strides = array<i32>} : memref<64x768xf32, #tpu.memory_space<vmem>>, vector<1x16xf32>,
      %swap3A_178 = vector.shape_cast %swap3A_177 : vector<1x16xf32> to vector<16xf32>
      %swap3A_179 = vector.shape_cast %add3A_174 : vector<16xf32> to vector<1x16xf32>
      tpu.vector_store %arg8[%swap3A_175, %swap3A_176], %swap3A_179 {strides = array<i32>} : memref<64x768xf32, #tpu.memory_space<vmem>>, vector<1x16xf32>,
      %get3A_180 = arith.index_cast %scan3A_55 : i32 to index
      %get3A_181 = arith.constant 144 : index
      %get3A_182 = tpu.vector_load %arg8[%get3A_180, %get3A_181] {strides = array<i32>} : memref<64x768xf32, #tpu.memory_space<vmem>>, vector<1x16xf32>,
      %get3A_183 = vector.shape_cast %get3A_182 : vector<1x16xf32> to vector<16xf32>
      %get3A_184 = arith.index_cast %scan3A_55 : i32 to index
      %get3A_185 = arith.constant 144 : index
      %get3A_186 = tpu.vector_load %arg7[%get3A_184, %get3A_185] {strides = array<i32>} : memref<64x768xf32, #tpu.memory_space<vmem>>, vector<1x16xf32>,
      %get3A_187 = vector.shape_cast %get3A_186 : vector<1x16xf32> to vector<16xf32>
      %add3A_188 = arith.addf %get3A_183, %get3A_187 : vector<16xf32>
      %swap3A_189 = arith.index_cast %scan3A_55 : i32 to index
      %swap3A_190 = arith.constant 144 : index
      %swap3A_191 = tpu.vector_load %arg8[%swap3A_189, %swap3A_190] {strides = array<i32>} : memref<64x768xf32, #tpu.memory_space<vmem>>, vector<1x16xf32>,
      %swap3A_192 = vector.shape_cast %swap3A_191 : vector<1x16xf32> to vector<16xf32>
      %swap3A_193 = vector.shape_cast %add3A_188 : vector<16xf32> to vector<1x16xf32>
      tpu.vector_store %arg8[%swap3A_189, %swap3A_190], %swap3A_193 {strides = array<i32>} : memref<64x768xf32, #tpu.memory_space<vmem>>, vector<1x16xf32>,
      %get3A_194 = arith.index_cast %scan3A_55 : i32 to index
      %get3A_195 = arith.constant 160 : index
      %get3A_196 = tpu.vector_load %arg8[%get3A_194, %get3A_195] {strides = array<i32>} : memref<64x768xf32, #tpu.memory_space<vmem>>, vector<1x16xf32>,
      %get3A_197 = vector.shape_cast %get3A_196 : vector<1x16xf32> to vector<16xf32>
      %get3A_198 = arith.index_cast %scan3A_55 : i32 to index
      %get3A_199 = arith.constant 160 : index
      %get3A_200 = tpu.vector_load %arg7[%get3A_198, %get3A_199] {strides = array<i32>} : memref<64x768xf32, #tpu.memory_space<vmem>>, vector<1x16xf32>,
      %get3A_201 = vector.shape_cast %get3A_200 : vector<1x16xf32> to vector<16xf32>
      %add3A_202 = arith.addf %get3A_197, %get3A_201 : vector<16xf32>
      %swap3A_203 = arith.index_cast %scan3A_55 : i32 to index
      %swap3A_204 = arith.constant 160 : index
      %swap3A_205 = tpu.vector_load %arg8[%swap3A_203, %swap3A_204] {strides = array<i32>} : memref<64x768xf32, #tpu.memory_space<vmem>>, vector<1x16xf32>,
      %swap3A_206 = vector.shape_cast %swap3A_205 : vector<1x16xf32> to vector<16xf32>
      %swap3A_207 = vector.shape_cast %add3A_202 : vector<16xf32> to vector<1x16xf32>
      tpu.vector_store %arg8[%swap3A_203, %swap3A_204], %swap3A_207 {strides = array<i32>} : memref<64x768xf32, #tpu.memory_space<vmem>>, vector<1x16xf32>,
      %get3A_208 = arith.index_cast %scan3A_55 : i32 to index
      %get3A_209 = arith.constant 176 : index
      %get3A_210 = tpu.vector_load %arg8[%get3A_208, %get3A_209] {strides = array<i32>} : memref<64x768xf32, #tpu.memory_space<vmem>>, vector<1x16xf32>,
      %get3A_211 = vector.shape_cast %get3A_210 : vector<1x16xf32> to vector<16xf32>
      %get3A_212 = arith.index_cast %scan3A_55 : i32 to index
      %get3A_213 = arith.constant 176 : index
      %get3A_214 = tpu.vector_load %arg7[%get3A_212, %get3A_213] {strides = array<i32>} : memref<64x768xf32, #tpu.memory_space<vmem>>, vector<1x16xf32>,
      %get3A_215 = vector.shape_cast %get3A_214 : vector<1x16xf32> to vector<16xf32>
      %add3A_216 = arith.addf %get3A_211, %get3A_215 : vector<16xf32>
      %swap3A_217 = arith.index_cast %scan3A_55 : i32 to index
      %swap3A_218 = arith.constant 176 : index
      %swap3A_219 = tpu.vector_load %arg8[%swap3A_217, %swap3A_218] {strides = array<i32>} : memref<64x768xf32, #tpu.memory_space<vmem>>, vector<1x16xf32>,
      %swap3A_220 = vector.shape_cast %swap3A_219 : vector<1x16xf32> to vector<16xf32>
      %swap3A_221 = vector.shape_cast %add3A_216 : vector<16xf32> to vector<1x16xf32>
      tpu.vector_store %arg8[%swap3A_217, %swap3A_218], %swap3A_221 {strides = array<i32>} : memref<64x768xf32, #tpu.memory_space<vmem>>, vector<1x16xf32>,
      %get3A_222 = arith.index_cast %scan3A_55 : i32 to index
      %get3A_223 = arith.constant 192 : index
      %get3A_224 = tpu.vector_load %arg8[%get3A_222, %get3A_223] {strides = array<i32>} : memref<64x768xf32, #tpu.memory_space<vmem>>, vector<1x16xf32>,
      %get3A_225 = vector.shape_cast %get3A_224 : vector<1x16xf32> to vector<16xf32>
      %get3A_226 = arith.index_cast %scan3A_55 : i32 to index
      %get3A_227 = arith.constant 192 : index
      %get3A_228 = tpu.vector_load %arg7[%get3A_226, %get3A_227] {strides = array<i32>} : memref<64x768xf32, #tpu.memory_space<vmem>>, vector<1x16xf32>,
      %get3A_229 = vector.shape_cast %get3A_228 : vector<1x16xf32> to vector<16xf32>
      %add3A_230 = arith.addf %get3A_225, %get3A_229 : vector<16xf32>
      %swap3A_231 = arith.index_cast %scan3A_55 : i32 to index
      %swap3A_232 = arith.constant 192 : index
      %swap3A_233 = tpu.vector_load %arg8[%swap3A_231, %swap3A_232] {strides = array<i32>} : memref<64x768xf32, #tpu.memory_space<vmem>>, vector<1x16xf32>,
      %swap3A_234 = vector.shape_cast %swap3A_233 : vector<1x16xf32> to vector<16xf32>
      %swap3A_235 = vector.shape_cast %add3A_230 : vector<16xf32> to vector<1x16xf32>
      tpu.vector_store %arg8[%swap3A_231, %swap3A_232], %swap3A_235 {strides = array<i32>} : memref<64x768xf32, #tpu.memory_space<vmem>>, vector<1x16xf32>,
      %get3A_236 = arith.index_cast %scan3A_55 : i32 to index
      %get3A_237 = arith.constant 208 : index
      %get3A_238 = tpu.vector_load %arg8[%get3A_236, %get3A_237] {strides = array<i32>} : memref<64x768xf32, #tpu.memory_space<vmem>>, vector<1x16xf32>,
      %get3A_239 = vector.shape_cast %get3A_238 : vector<1x16xf32> to vector<16xf32>
      %get3A_240 = arith.index_cast %scan3A_55 : i32 to index
      %get3A_241 = arith.constant 208 : index
      %get3A_242 = tpu.vector_load %arg7[%get3A_240, %get3A_241] {strides = array<i32>} : memref<64x768xf32, #tpu.memory_space<vmem>>, vector<1x16xf32>,
      %get3A_243 = vector.shape_cast %get3A_242 : vector<1x16xf32> to vector<16xf32>
      %add3A_244 = arith.addf %get3A_239, %get3A_243 : vector<16xf32>
      %swap3A_245 = arith.index_cast %scan3A_55 : i32 to index
      %swap3A_246 = arith.constant 208 : index
      %swap3A_247 = tpu.vector_load %arg8[%swap3A_245, %swap3A_246] {strides = array<i32>} : memref<64x768xf32, #tpu.memory_space<vmem>>, vector<1x16xf32>,
      %swap3A_248 = vector.shape_cast %swap3A_247 : vector<1x16xf32> to vector<16xf32>
      %swap3A_249 = vector.shape_cast %add3A_244 : vector<16xf32> to vector<1x16xf32>
      tpu.vector_store %arg8[%swap3A_245, %swap3A_246], %swap3A_249 {strides = array<i32>} : memref<64x768xf32, #tpu.memory_space<vmem>>, vector<1x16xf32>,
      %get3A_250 = arith.index_cast %scan3A_55 : i32 to index
      %get3A_251 = arith.constant 224 : index
      %get3A_252 = tpu.vector_load %arg8[%get3A_250, %get3A_251] {strides = array<i32>} : memref<64x768xf32, #tpu.memory_space<vmem>>, vector<1x16xf32>,
      %get3A_253 = vector.shape_cast %get3A_252 : vector<1x16xf32> to vector<16xf32>
      %get3A_254 = arith.index_cast %scan3A_55 : i32 to index
      %get3A_255 = arith.constant 224 : index
      %get3A_256 = tpu.vector_load %arg7[%get3A_254, %get3A_255] {strides = array<i32>} : memref<64x768xf32, #tpu.memory_space<vmem>>, vector<1x16xf32>,
      %get3A_257 = vector.shape_cast %get3A_256 : vector<1x16xf32> to vector<16xf32>
      %add3A_258 = arith.addf %get3A_253, %get3A_257 : vector<16xf32>
      %swap3A_259 = arith.index_cast %scan3A_55 : i32 to index
      %swap3A_260 = arith.constant 224 : index
      %swap3A_261 = tpu.vector_load %arg8[%swap3A_259, %swap3A_260] {strides = array<i32>} : memref<64x768xf32, #tpu.memory_space<vmem>>, vector<1x16xf32>,
      %swap3A_262 = vector.shape_cast %swap3A_261 : vector<1x16xf32> to vector<16xf32>
      %swap3A_263 = vector.shape_cast %add3A_258 : vector<16xf32> to vector<1x16xf32>
      tpu.vector_store %arg8[%swap3A_259, %swap3A_260], %swap3A_263 {strides = array<i32>} : memref<64x768xf32, #tpu.memory_space<vmem>>, vector<1x16xf32>,
      %get3A_264 = arith.index_cast %scan3A_55 : i32 to index
      %get3A_265 = arith.constant 240 : index
      %get3A_266 = tpu.vector_load %arg8[%get3A_264, %get3A_265] {strides = array<i32>} : memref<64x768xf32, #tpu.memory_space<vmem>>, vector<1x16xf32>,
      %get3A_267 = vector.shape_cast %get3A_266 : vector<1x16xf32> to vector<16xf32>
      %get3A_268 = arith.index_cast %scan3A_55 : i32 to index
      %get3A_269 = arith.constant 240 : index
      %get3A_270 = tpu.vector_load %arg7[%get3A_268, %get3A_269] {strides = array<i32>} : memref<64x768xf32, #tpu.memory_space<vmem>>, vector<1x16xf32>,
      %get3A_271 = vector.shape_cast %get3A_270 : vector<1x16xf32> to vector<16xf32>
      %add3A_272 = arith.addf %get3A_267, %get3A_271 : vector<16xf32>
      %swap3A_273 = arith.index_cast %scan3A_55 : i32 to index
      %swap3A_274 = arith.constant 240 : index
      %swap3A_275 = tpu.vector_load %arg8[%swap3A_273, %swap3A_274] {strides = array<i32>} : memref<64x768xf32, #tpu.memory_space<vmem>>, vector<1x16xf32>,
      %swap3A_276 = vector.shape_cast %swap3A_275 : vector<1x16xf32> to vector<16xf32>
      %swap3A_277 = vector.shape_cast %add3A_272 : vector<16xf32> to vector<1x16xf32>
      tpu.vector_store %arg8[%swap3A_273, %swap3A_274], %swap3A_277 {strides = array<i32>} : memref<64x768xf32, #tpu.memory_space<vmem>>, vector<1x16xf32>,
      %get3A_278 = arith.index_cast %scan3A_55 : i32 to index
      %get3A_279 = arith.constant 256 : index
      %get3A_280 = tpu.vector_load %arg8[%get3A_278, %get3A_279] {strides = array<i32>} : memref<64x768xf32, #tpu.memory_space<vmem>>, vector<1x16xf32>,
      %get3A_281 = vector.shape_cast %get3A_280 : vector<1x16xf32> to vector<16xf32>
      %get3A_282 = arith.index_cast %scan3A_55 : i32 to index
      %get3A_283 = arith.constant 256 : index
      %get3A_284 = tpu.vector_load %arg7[%get3A_282, %get3A_283] {strides = array<i32>} : memref<64x768xf32, #tpu.memory_space<vmem>>, vector<1x16xf32>,
      %get3A_285 = vector.shape_cast %get3A_284 : vector<1x16xf32> to vector<16xf32>
      %add3A_286 = arith.addf %get3A_281, %get3A_285 : vector<16xf32>
      %swap3A_287 = arith.index_cast %scan3A_55 : i32 to index
      %swap3A_288 = arith.constant 256 : index
      %swap3A_289 = tpu.vector_load %arg8[%swap3A_287, %swap3A_288] {strides = array<i32>} : memref<64x768xf32, #tpu.memory_space<vmem>>, vector<1x16xf32>,
      %swap3A_290 = vector.shape_cast %swap3A_289 : vector<1x16xf32> to vector<16xf32>
      %swap3A_291 = vector.shape_cast %add3A_286 : vector<16xf32> to vector<1x16xf32>
      tpu.vector_store %arg8[%swap3A_287, %swap3A_288], %swap3A_291 {strides = array<i32>} : memref<64x768xf32, #tpu.memory_space<vmem>>, vector<1x16xf32>,
      %get3A_292 = arith.index_cast %scan3A_55 : i32 to index
      %get3A_293 = arith.constant 272 : index
      %get3A_294 = tpu.vector_load %arg8[%get3A_292, %get3A_293] {strides = array<i32>} : memref<64x768xf32, #tpu.memory_space<vmem>>, vector<1x16xf32>,
      %get3A_295 = vector.shape_cast %get3A_294 : vector<1x16xf32> to vector<16xf32>
      %get3A_296 = arith.index_cast %scan3A_55 : i32 to index
      %get3A_297 = arith.constant 272 : index
      %get3A_298 = tpu.vector_load %arg7[%get3A_296, %get3A_297] {strides = array<i32>} : memref<64x768xf32, #tpu.memory_space<vmem>>, vector<1x16xf32>,
      %get3A_299 = vector.shape_cast %get3A_298 : vector<1x16xf32> to vector<16xf32>
      %add3A_300 = arith.addf %get3A_295, %get3A_299 : vector<16xf32>
      %swap3A_301 = arith.index_cast %scan3A_55 : i32 to index
      %swap3A_302 = arith.constant 272 : index
      %swap3A_303 = tpu.vector_load %arg8[%swap3A_301, %swap3A_302] {strides = array<i32>} : memref<64x768xf32, #tpu.memory_space<vmem>>, vector<1x16xf32>,
      %swap3A_304 = vector.shape_cast %swap3A_303 : vector<1x16xf32> to vector<16xf32>
      %swap3A_305 = vector.shape_cast %add3A_300 : vector<16xf32> to vector<1x16xf32>
      tpu.vector_store %arg8[%swap3A_301, %swap3A_302], %swap3A_305 {strides = array<i32>} : memref<64x768xf32, #tpu.memory_space<vmem>>, vector<1x16xf32>,
      %get3A_306 = arith.index_cast %scan3A_55 : i32 to index
      %get3A_307 = arith.constant 288 : index
      %get3A_308 = tpu.vector_load %arg8[%get3A_306, %get3A_307] {strides = array<i32>} : memref<64x768xf32, #tpu.memory_space<vmem>>, vector<1x16xf32>,
      %get3A_309 = vector.shape_cast %get3A_308 : vector<1x16xf32> to vector<16xf32>
      %get3A_310 = arith.index_cast %scan3A_55 : i32 to index
      %get3A_311 = arith.constant 288 : index
      %get3A_312 = tpu.vector_load %arg7[%get3A_310, %get3A_311] {strides = array<i32>} : memref<64x768xf32, #tpu.memory_space<vmem>>, vector<1x16xf32>,
      %get3A_313 = vector.shape_cast %get3A_312 : vector<1x16xf32> to vector<16xf32>
      %add3A_314 = arith.addf %get3A_309, %get3A_313 : vector<16xf32>
      %swap3A_315 = arith.index_cast %scan3A_55 : i32 to index
      %swap3A_316 = arith.constant 288 : index
      %swap3A_317 = tpu.vector_load %arg8[%swap3A_315, %swap3A_316] {strides = array<i32>} : memref<64x768xf32, #tpu.memory_space<vmem>>, vector<1x16xf32>,
      %swap3A_318 = vector.shape_cast %swap3A_317 : vector<1x16xf32> to vector<16xf32>
      %swap3A_319 = vector.shape_cast %add3A_314 : vector<16xf32> to vector<1x16xf32>
      tpu.vector_store %arg8[%swap3A_315, %swap3A_316], %swap3A_319 {strides = array<i32>} : memref<64x768xf32, #tpu.memory_space<vmem>>, vector<1x16xf32>,
      %get3A_320 = arith.index_cast %scan3A_55 : i32 to index
      %get3A_321 = arith.constant 304 : index
      %get3A_322 = tpu.vector_load %arg8[%get3A_320, %get3A_321] {strides = array<i32>} : memref<64x768xf32, #tpu.memory_space<vmem>>, vector<1x16xf32>,
      %get3A_323 = vector.shape_cast %get3A_322 : vector<1x16xf32> to vector<16xf32>
      %get3A_324 = arith.index_cast %scan3A_55 : i32 to index
      %get3A_325 = arith.constant 304 : index
      %get3A_326 = tpu.vector_load %arg7[%get3A_324, %get3A_325] {strides = array<i32>} : memref<64x768xf32, #tpu.memory_space<vmem>>, vector<1x16xf32>,
      %get3A_327 = vector.shape_cast %get3A_326 : vector<1x16xf32> to vector<16xf32>
      %add3A_328 = arith.addf %get3A_323, %get3A_327 : vector<16xf32>
      %swap3A_329 = arith.index_cast %scan3A_55 : i32 to index
      %swap3A_330 = arith.constant 304 : index
      %swap3A_331 = tpu.vector_load %arg8[%swap3A_329, %swap3A_330] {strides = array<i32>} : memref<64x768xf32, #tpu.memory_space<vmem>>, vector<1x16xf32>,
      %swap3A_332 = vector.shape_cast %swap3A_331 : vector<1x16xf32> to vector<16xf32>
      %swap3A_333 = vector.shape_cast %add3A_328 : vector<16xf32> to vector<1x16xf32>
      tpu.vector_store %arg8[%swap3A_329, %swap3A_330], %swap3A_333 {strides = array<i32>} : memref<64x768xf32, #tpu.memory_space<vmem>>, vector<1x16xf32>,
      %get3A_334 = arith.index_cast %scan3A_55 : i32 to index
      %get3A_335 = arith.constant 320 : index
      %get3A_336 = tpu.vector_load %arg8[%get3A_334, %get3A_335] {strides = array<i32>} : memref<64x768xf32, #tpu.memory_space<vmem>>, vector<1x16xf32>,
      %get3A_337 = vector.shape_cast %get3A_336 : vector<1x16xf32> to vector<16xf32>
      %get3A_338 = arith.index_cast %scan3A_55 : i32 to index
      %get3A_339 = arith.constant 320 : index
      %get3A_340 = tpu.vector_load %arg7[%get3A_338, %get3A_339] {strides = array<i32>} : memref<64x768xf32, #tpu.memory_space<vmem>>, vector<1x16xf32>,
      %get3A_341 = vector.shape_cast %get3A_340 : vector<1x16xf32> to vector<16xf32>
      %add3A_342 = arith.addf %get3A_337, %get3A_341 : vector<16xf32>
      %swap3A_343 = arith.index_cast %scan3A_55 : i32 to index
      %swap3A_344 = arith.constant 320 : index
      %swap3A_345 = tpu.vector_load %arg8[%swap3A_343, %swap3A_344] {strides = array<i32>} : memref<64x768xf32, #tpu.memory_space<vmem>>, vector<1x16xf32>,
      %swap3A_346 = vector.shape_cast %swap3A_345 : vector<1x16xf32> to vector<16xf32>
      %swap3A_347 = vector.shape_cast %add3A_342 : vector<16xf32> to vector<1x16xf32>
      tpu.vector_store %arg8[%swap3A_343, %swap3A_344], %swap3A_347 {strides = array<i32>} : memref<64x768xf32, #tpu.memory_space<vmem>>, vector<1x16xf32>,
      %get3A_348 = arith.index_cast %scan3A_55 : i32 to index
      %get3A_349 = arith.constant 336 : index
      %get3A_350 = tpu.vector_load %arg8[%get3A_348, %get3A_349] {strides = array<i32>} : memref<64x768xf32, #tpu.memory_space<vmem>>, vector<1x16xf32>,
      %get3A_351 = vector.shape_cast %get3A_350 : vector<1x16xf32> to vector<16xf32>
      %get3A_352 = arith.index_cast %scan3A_55 : i32 to index
      %get3A_353 = arith.constant 336 : index
      %get3A_354 = tpu.vector_load %arg7[%get3A_352, %get3A_353] {strides = array<i32>} : memref<64x768xf32, #tpu.memory_space<vmem>>, vector<1x16xf32>,
      %get3A_355 = vector.shape_cast %get3A_354 : vector<1x16xf32> to vector<16xf32>
      %add3A_356 = arith.addf %get3A_351, %get3A_355 : vector<16xf32>
      %swap3A_357 = arith.index_cast %scan3A_55 : i32 to index
      %swap3A_358 = arith.constant 336 : index
      %swap3A_359 = tpu.vector_load %arg8[%swap3A_357, %swap3A_358] {strides = array<i32>} : memref<64x768xf32, #tpu.memory_space<vmem>>, vector<1x16xf32>,
      %swap3A_360 = vector.shape_cast %swap3A_359 : vector<1x16xf32> to vector<16xf32>
      %swap3A_361 = vector.shape_cast %add3A_356 : vector<16xf32> to vector<1x16xf32>
      tpu.vector_store %arg8[%swap3A_357, %swap3A_358], %swap3A_361 {strides = array<i32>} : memref<64x768xf32, #tpu.memory_space<vmem>>, vector<1x16xf32>,
      %get3A_362 = arith.index_cast %scan3A_55 : i32 to index
      %get3A_363 = arith.constant 352 : index
      %get3A_364 = tpu.vector_load %arg8[%get3A_362, %get3A_363] {strides = array<i32>} : memref<64x768xf32, #tpu.memory_space<vmem>>, vector<1x16xf32>,
      %get3A_365 = vector.shape_cast %get3A_364 : vector<1x16xf32> to vector<16xf32>
      %get3A_366 = arith.index_cast %scan3A_55 : i32 to index
      %get3A_367 = arith.constant 352 : index
      %get3A_368 = tpu.vector_load %arg7[%get3A_366, %get3A_367] {strides = array<i32>} : memref<64x768xf32, #tpu.memory_space<vmem>>, vector<1x16xf32>,
      %get3A_369 = vector.shape_cast %get3A_368 : vector<1x16xf32> to vector<16xf32>
      %add3A_370 = arith.addf %get3A_365, %get3A_369 : vector<16xf32>
      %swap3A_371 = arith.index_cast %scan3A_55 : i32 to index
      %swap3A_372 = arith.constant 352 : index
      %swap3A_373 = tpu.vector_load %arg8[%swap3A_371, %swap3A_372] {strides = array<i32>} : memref<64x768xf32, #tpu.memory_space<vmem>>, vector<1x16xf32>,
      %swap3A_374 = vector.shape_cast %swap3A_373 : vector<1x16xf32> to vector<16xf32>
      %swap3A_375 = vector.shape_cast %add3A_370 : vector<16xf32> to vector<1x16xf32>
      tpu.vector_store %arg8[%swap3A_371, %swap3A_372], %swap3A_375 {strides = array<i32>} : memref<64x768xf32, #tpu.memory_space<vmem>>, vector<1x16xf32>,
      %get3A_376 = arith.index_cast %scan3A_55 : i32 to index
      %get3A_377 = arith.constant 368 : index
      %get3A_378 = tpu.vector_load %arg8[%get3A_376, %get3A_377] {strides = array<i32>} : memref<64x768xf32, #tpu.memory_space<vmem>>, vector<1x16xf32>,
      %get3A_379 = vector.shape_cast %get3A_378 : vector<1x16xf32> to vector<16xf32>
      %get3A_380 = arith.index_cast %scan3A_55 : i32 to index
      %get3A_381 = arith.constant 368 : index
      %get3A_382 = tpu.vector_load %arg7[%get3A_380, %get3A_381] {strides = array<i32>} : memref<64x768xf32, #tpu.memory_space<vmem>>, vector<1x16xf32>,
      %get3A_383 = vector.shape_cast %get3A_382 : vector<1x16xf32> to vector<16xf32>
      %add3A_384 = arith.addf %get3A_379, %get3A_383 : vector<16xf32>
      %swap3A_385 = arith.index_cast %scan3A_55 : i32 to index
      %swap3A_386 = arith.constant 368 : index
      %swap3A_387 = tpu.vector_load %arg8[%swap3A_385, %swap3A_386] {strides = array<i32>} : memref<64x768xf32, #tpu.memory_space<vmem>>, vector<1x16xf32>,
      %swap3A_388 = vector.shape_cast %swap3A_387 : vector<1x16xf32> to vector<16xf32>
      %swap3A_389 = vector.shape_cast %add3A_384 : vector<16xf32> to vector<1x16xf32>
      tpu.vector_store %arg8[%swap3A_385, %swap3A_386], %swap3A_389 {strides = array<i32>} : memref<64x768xf32, #tpu.memory_space<vmem>>, vector<1x16xf32>,
      %get3A_390 = arith.index_cast %scan3A_55 : i32 to index
      %get3A_391 = arith.constant 384 : index
      %get3A_392 = tpu.vector_load %arg8[%get3A_390, %get3A_391] {strides = array<i32>} : memref<64x768xf32, #tpu.memory_space<vmem>>, vector<1x16xf32>,
      %get3A_393 = vector.shape_cast %get3A_392 : vector<1x16xf32> to vector<16xf32>
      %get3A_394 = arith.index_cast %scan3A_55 : i32 to index
      %get3A_395 = arith.constant 384 : index
      %get3A_396 = tpu.vector_load %arg7[%get3A_394, %get3A_395] {strides = array<i32>} : memref<64x768xf32, #tpu.memory_space<vmem>>, vector<1x16xf32>,
      %get3A_397 = vector.shape_cast %get3A_396 : vector<1x16xf32> to vector<16xf32>
      %add3A_398 = arith.addf %get3A_393, %get3A_397 : vector<16xf32>
      %swap3A_399 = arith.index_cast %scan3A_55 : i32 to index
      %swap3A_400 = arith.constant 384 : index
      %swap3A_401 = tpu.vector_load %arg8[%swap3A_399, %swap3A_400] {strides = array<i32>} : memref<64x768xf32, #tpu.memory_space<vmem>>, vector<1x16xf32>,
      %swap3A_402 = vector.shape_cast %swap3A_401 : vector<1x16xf32> to vector<16xf32>
      %swap3A_403 = vector.shape_cast %add3A_398 : vector<16xf32> to vector<1x16xf32>
      tpu.vector_store %arg8[%swap3A_399, %swap3A_400], %swap3A_403 {strides = array<i32>} : memref<64x768xf32, #tpu.memory_space<vmem>>, vector<1x16xf32>,
      %get3A_404 = arith.index_cast %scan3A_55 : i32 to index
      %get3A_405 = arith.constant 400 : index
      %get3A_406 = tpu.vector_load %arg8[%get3A_404, %get3A_405] {strides = array<i32>} : memref<64x768xf32, #tpu.memory_space<vmem>>, vector<1x16xf32>,
      %get3A_407 = vector.shape_cast %get3A_406 : vector<1x16xf32> to vector<16xf32>
      %get3A_408 = arith.index_cast %scan3A_55 : i32 to index
      %get3A_409 = arith.constant 400 : index
      %get3A_410 = tpu.vector_load %arg7[%get3A_408, %get3A_409] {strides = array<i32>} : memref<64x768xf32, #tpu.memory_space<vmem>>, vector<1x16xf32>,
      %get3A_411 = vector.shape_cast %get3A_410 : vector<1x16xf32> to vector<16xf32>
      %add3A_412 = arith.addf %get3A_407, %get3A_411 : vector<16xf32>
      %swap3A_413 = arith.index_cast %scan3A_55 : i32 to index
      %swap3A_414 = arith.constant 400 : index
      %swap3A_415 = tpu.vector_load %arg8[%swap3A_413, %swap3A_414] {strides = array<i32>} : memref<64x768xf32, #tpu.memory_space<vmem>>, vector<1x16xf32>,
      %swap3A_416 = vector.shape_cast %swap3A_415 : vector<1x16xf32> to vector<16xf32>
      %swap3A_417 = vector.shape_cast %add3A_412 : vector<16xf32> to vector<1x16xf32>
      tpu.vector_store %arg8[%swap3A_413, %swap3A_414], %swap3A_417 {strides = array<i32>} : memref<64x768xf32, #tpu.memory_space<vmem>>, vector<1x16xf32>,
      %get3A_418 = arith.index_cast %scan3A_55 : i32 to index
      %get3A_419 = arith.constant 416 : index
      %get3A_420 = tpu.vector_load %arg8[%get3A_418, %get3A_419] {strides = array<i32>} : memref<64x768xf32, #tpu.memory_space<vmem>>, vector<1x16xf32>,
      %get3A_421 = vector.shape_cast %get3A_420 : vector<1x16xf32> to vector<16xf32>
      %get3A_422 = arith.index_cast %scan3A_55 : i32 to index
      %get3A_423 = arith.constant 416 : index
      %get3A_424 = tpu.vector_load %arg7[%get3A_422, %get3A_423] {strides = array<i32>} : memref<64x768xf32, #tpu.memory_space<vmem>>, vector<1x16xf32>,
      %get3A_425 = vector.shape_cast %get3A_424 : vector<1x16xf32> to vector<16xf32>
      %add3A_426 = arith.addf %get3A_421, %get3A_425 : vector<16xf32>
      %swap3A_427 = arith.index_cast %scan3A_55 : i32 to index
      %swap3A_428 = arith.constant 416 : index
      %swap3A_429 = tpu.vector_load %arg8[%swap3A_427, %swap3A_428] {strides = array<i32>} : memref<64x768xf32, #tpu.memory_space<vmem>>, vector<1x16xf32>,
      %swap3A_430 = vector.shape_cast %swap3A_429 : vector<1x16xf32> to vector<16xf32>
      %swap3A_431 = vector.shape_cast %add3A_426 : vector<16xf32> to vector<1x16xf32>
      tpu.vector_store %arg8[%swap3A_427, %swap3A_428], %swap3A_431 {strides = array<i32>} : memref<64x768xf32, #tpu.memory_space<vmem>>, vector<1x16xf32>,
      %get3A_432 = arith.index_cast %scan3A_55 : i32 to index
      %get3A_433 = arith.constant 432 : index
      %get3A_434 = tpu.vector_load %arg8[%get3A_432, %get3A_433] {strides = array<i32>} : memref<64x768xf32, #tpu.memory_space<vmem>>, vector<1x16xf32>,
      %get3A_435 = vector.shape_cast %get3A_434 : vector<1x16xf32> to vector<16xf32>
      %get3A_436 = arith.index_cast %scan3A_55 : i32 to index
      %get3A_437 = arith.constant 432 : index
      %get3A_438 = tpu.vector_load %arg7[%get3A_436, %get3A_437] {strides = array<i32>} : memref<64x768xf32, #tpu.memory_space<vmem>>, vector<1x16xf32>,
      %get3A_439 = vector.shape_cast %get3A_438 : vector<1x16xf32> to vector<16xf32>
      %add3A_440 = arith.addf %get3A_435, %get3A_439 : vector<16xf32>
      %swap3A_441 = arith.index_cast %scan3A_55 : i32 to index
      %swap3A_442 = arith.constant 432 : index
      %swap3A_443 = tpu.vector_load %arg8[%swap3A_441, %swap3A_442] {strides = array<i32>} : memref<64x768xf32, #tpu.memory_space<vmem>>, vector<1x16xf32>,
      %swap3A_444 = vector.shape_cast %swap3A_443 : vector<1x16xf32> to vector<16xf32>
      %swap3A_445 = vector.shape_cast %add3A_440 : vector<16xf32> to vector<1x16xf32>
      tpu.vector_store %arg8[%swap3A_441, %swap3A_442], %swap3A_445 {strides = array<i32>} : memref<64x768xf32, #tpu.memory_space<vmem>>, vector<1x16xf32>,
      %get3A_446 = arith.index_cast %scan3A_55 : i32 to index
      %get3A_447 = arith.constant 448 : index
      %get3A_448 = tpu.vector_load %arg8[%get3A_446, %get3A_447] {strides = array<i32>} : memref<64x768xf32, #tpu.memory_space<vmem>>, vector<1x16xf32>,
      %get3A_449 = vector.shape_cast %get3A_448 : vector<1x16xf32> to vector<16xf32>
      %get3A_450 = arith.index_cast %scan3A_55 : i32 to index
      %get3A_451 = arith.constant 448 : index
      %get3A_452 = tpu.vector_load %arg7[%get3A_450, %get3A_451] {strides = array<i32>} : memref<64x768xf32, #tpu.memory_space<vmem>>, vector<1x16xf32>,
      %get3A_453 = vector.shape_cast %get3A_452 : vector<1x16xf32> to vector<16xf32>
      %add3A_454 = arith.addf %get3A_449, %get3A_453 : vector<16xf32>
      %swap3A_455 = arith.index_cast %scan3A_55 : i32 to index
      %swap3A_456 = arith.constant 448 : index
      %swap3A_457 = tpu.vector_load %arg8[%swap3A_455, %swap3A_456] {strides = array<i32>} : memref<64x768xf32, #tpu.memory_space<vmem>>, vector<1x16xf32>,
      %swap3A_458 = vector.shape_cast %swap3A_457 : vector<1x16xf32> to vector<16xf32>
      %swap3A_459 = vector.shape_cast %add3A_454 : vector<16xf32> to vector<1x16xf32>
      tpu.vector_store %arg8[%swap3A_455, %swap3A_456], %swap3A_459 {strides = array<i32>} : memref<64x768xf32, #tpu.memory_space<vmem>>, vector<1x16xf32>,
      %get3A_460 = arith.index_cast %scan3A_55 : i32 to index
      %get3A_461 = arith.constant 464 : index
      %get3A_462 = tpu.vector_load %arg8[%get3A_460, %get3A_461] {strides = array<i32>} : memref<64x768xf32, #tpu.memory_space<vmem>>, vector<1x16xf32>,
      %get3A_463 = vector.shape_cast %get3A_462 : vector<1x16xf32> to vector<16xf32>
      %get3A_464 = arith.index_cast %scan3A_55 : i32 to index
      %get3A_465 = arith.constant 464 : index
      %get3A_466 = tpu.vector_load %arg7[%get3A_464, %get3A_465] {strides = array<i32>} : memref<64x768xf32, #tpu.memory_space<vmem>>, vector<1x16xf32>,
      %get3A_467 = vector.shape_cast %get3A_466 : vector<1x16xf32> to vector<16xf32>
      %add3A_468 = arith.addf %get3A_463, %get3A_467 : vector<16xf32>
      %swap3A_469 = arith.index_cast %scan3A_55 : i32 to index
      %swap3A_470 = arith.constant 464 : index
      %swap3A_471 = tpu.vector_load %arg8[%swap3A_469, %swap3A_470] {strides = array<i32>} : memref<64x768xf32, #tpu.memory_space<vmem>>, vector<1x16xf32>,
      %swap3A_472 = vector.shape_cast %swap3A_471 : vector<1x16xf32> to vector<16xf32>
      %swap3A_473 = vector.shape_cast %add3A_468 : vector<16xf32> to vector<1x16xf32>
      tpu.vector_store %arg8[%swap3A_469, %swap3A_470], %swap3A_473 {strides = array<i32>} : memref<64x768xf32, #tpu.memory_space<vmem>>, vector<1x16xf32>,
      %get3A_474 = arith.index_cast %scan3A_55 : i32 to index
      %get3A_475 = arith.constant 480 : index
      %get3A_476 = tpu.vector_load %arg8[%get3A_474, %get3A_475] {strides = array<i32>} : memref<64x768xf32, #tpu.memory_space<vmem>>, vector<1x16xf32>,
      %get3A_477 = vector.shape_cast %get3A_476 : vector<1x16xf32> to vector<16xf32>
      %get3A_478 = arith.index_cast %scan3A_55 : i32 to index
      %get3A_479 = arith.constant 480 : index
      %get3A_480 = tpu.vector_load %arg7[%get3A_478, %get3A_479] {strides = array<i32>} : memref<64x768xf32, #tpu.memory_space<vmem>>, vector<1x16xf32>,
      %get3A_481 = vector.shape_cast %get3A_480 : vector<1x16xf32> to vector<16xf32>
      %add3A_482 = arith.addf %get3A_477, %get3A_481 : vector<16xf32>
      %swap3A_483 = arith.index_cast %scan3A_55 : i32 to index
      %swap3A_484 = arith.constant 480 : index
      %swap3A_485 = tpu.vector_load %arg8[%swap3A_483, %swap3A_484] {strides = array<i32>} : memref<64x768xf32, #tpu.memory_space<vmem>>, vector<1x16xf32>,
      %swap3A_486 = vector.shape_cast %swap3A_485 : vector<1x16xf32> to vector<16xf32>
      %swap3A_487 = vector.shape_cast %add3A_482 : vector<16xf32> to vector<1x16xf32>
      tpu.vector_store %arg8[%swap3A_483, %swap3A_484], %swap3A_487 {strides = array<i32>} : memref<64x768xf32, #tpu.memory_space<vmem>>, vector<1x16xf32>,
      %get3A_488 = arith.index_cast %scan3A_55 : i32 to index
      %get3A_489 = arith.constant 496 : index
      %get3A_490 = tpu.vector_load %arg8[%get3A_488, %get3A_489] {strides = array<i32>} : memref<64x768xf32, #tpu.memory_space<vmem>>, vector<1x16xf32>,
      %get3A_491 = vector.shape_cast %get3A_490 : vector<1x16xf32> to vector<16xf32>
      %get3A_492 = arith.index_cast %scan3A_55 : i32 to index
      %get3A_493 = arith.constant 496 : index
      %get3A_494 = tpu.vector_load %arg7[%get3A_492, %get3A_493] {strides = array<i32>} : memref<64x768xf32, #tpu.memory_space<vmem>>, vector<1x16xf32>,
      %get3A_495 = vector.shape_cast %get3A_494 : vector<1x16xf32> to vector<16xf32>
      %add3A_496 = arith.addf %get3A_491, %get3A_495 : vector<16xf32>
      %swap3A_497 = arith.index_cast %scan3A_55 : i32 to index
      %swap3A_498 = arith.constant 496 : index
      %swap3A_499 = tpu.vector_load %arg8[%swap3A_497, %swap3A_498] {strides = array<i32>} : memref<64x768xf32, #tpu.memory_space<vmem>>, vector<1x16xf32>,
      %swap3A_500 = vector.shape_cast %swap3A_499 : vector<1x16xf32> to vector<16xf32>
      %swap3A_501 = vector.shape_cast %add3A_496 : vector<16xf32> to vector<1x16xf32>
      tpu.vector_store %arg8[%swap3A_497, %swap3A_498], %swap3A_501 {strides = array<i32>} : memref<64x768xf32, #tpu.memory_space<vmem>>, vector<1x16xf32>,
      %get3A_502 = arith.index_cast %scan3A_55 : i32 to index
      %get3A_503 = arith.constant 512 : index
      %get3A_504 = tpu.vector_load %arg8[%get3A_502, %get3A_503] {strides = array<i32>} : memref<64x768xf32, #tpu.memory_space<vmem>>, vector<1x16xf32>,
      %get3A_505 = vector.shape_cast %get3A_504 : vector<1x16xf32> to vector<16xf32>
      %get3A_506 = arith.index_cast %scan3A_55 : i32 to index
      %get3A_507 = arith.constant 512 : index
      %get3A_508 = tpu.vector_load %arg7[%get3A_506, %get3A_507] {strides = array<i32>} : memref<64x768xf32, #tpu.memory_space<vmem>>, vector<1x16xf32>,
      %get3A_509 = vector.shape_cast %get3A_508 : vector<1x16xf32> to vector<16xf32>
      %add3A_510 = arith.addf %get3A_505, %get3A_509 : vector<16xf32>
      %swap3A_511 = arith.index_cast %scan3A_55 : i32 to index
      %swap3A_512 = arith.constant 512 : index
      %swap3A_513 = tpu.vector_load %arg8[%swap3A_511, %swap3A_512] {strides = array<i32>} : memref<64x768xf32, #tpu.memory_space<vmem>>, vector<1x16xf32>,
      %swap3A_514 = vector.shape_cast %swap3A_513 : vector<1x16xf32> to vector<16xf32>
      %swap3A_515 = vector.shape_cast %add3A_510 : vector<16xf32> to vector<1x16xf32>
      tpu.vector_store %arg8[%swap3A_511, %swap3A_512], %swap3A_515 {strides = array<i32>} : memref<64x768xf32, #tpu.memory_space<vmem>>, vector<1x16xf32>,
      %get3A_516 = arith.index_cast %scan3A_55 : i32 to index
      %get3A_517 = arith.constant 528 : index
      %get3A_518 = tpu.vector_load %arg8[%get3A_516, %get3A_517] {strides = array<i32>} : memref<64x768xf32, #tpu.memory_space<vmem>>, vector<1x16xf32>,
      %get3A_519 = vector.shape_cast %get3A_518 : vector<1x16xf32> to vector<16xf32>
      %get3A_520 = arith.index_cast %scan3A_55 : i32 to index
      %get3A_521 = arith.constant 528 : index
      %get3A_522 = tpu.vector_load %arg7[%get3A_520, %get3A_521] {strides = array<i32>} : memref<64x768xf32, #tpu.memory_space<vmem>>, vector<1x16xf32>,
      %get3A_523 = vector.shape_cast %get3A_522 : vector<1x16xf32> to vector<16xf32>
      %add3A_524 = arith.addf %get3A_519, %get3A_523 : vector<16xf32>
      %swap3A_525 = arith.index_cast %scan3A_55 : i32 to index
      %swap3A_526 = arith.constant 528 : index
      %swap3A_527 = tpu.vector_load %arg8[%swap3A_525, %swap3A_526] {strides = array<i32>} : memref<64x768xf32, #tpu.memory_space<vmem>>, vector<1x16xf32>,
      %swap3A_528 = vector.shape_cast %swap3A_527 : vector<1x16xf32> to vector<16xf32>
      %swap3A_529 = vector.shape_cast %add3A_524 : vector<16xf32> to vector<1x16xf32>
      tpu.vector_store %arg8[%swap3A_525, %swap3A_526], %swap3A_529 {strides = array<i32>} : memref<64x768xf32, #tpu.memory_space<vmem>>, vector<1x16xf32>,
      %get3A_530 = arith.index_cast %scan3A_55 : i32 to index
      %get3A_531 = arith.constant 544 : index
      %get3A_532 = tpu.vector_load %arg8[%get3A_530, %get3A_531] {strides = array<i32>} : memref<64x768xf32, #tpu.memory_space<vmem>>, vector<1x16xf32>,
      %get3A_533 = vector.shape_cast %get3A_532 : vector<1x16xf32> to vector<16xf32>
      %get3A_534 = arith.index_cast %scan3A_55 : i32 to index
      %get3A_535 = arith.constant 544 : index
      %get3A_536 = tpu.vector_load %arg7[%get3A_534, %get3A_535] {strides = array<i32>} : memref<64x768xf32, #tpu.memory_space<vmem>>, vector<1x16xf32>,
      %get3A_537 = vector.shape_cast %get3A_536 : vector<1x16xf32> to vector<16xf32>
      %add3A_538 = arith.addf %get3A_533, %get3A_537 : vector<16xf32>
      %swap3A_539 = arith.index_cast %scan3A_55 : i32 to index
      %swap3A_540 = arith.constant 544 : index
      %swap3A_541 = tpu.vector_load %arg8[%swap3A_539, %swap3A_540] {strides = array<i32>} : memref<64x768xf32, #tpu.memory_space<vmem>>, vector<1x16xf32>,
      %swap3A_542 = vector.shape_cast %swap3A_541 : vector<1x16xf32> to vector<16xf32>
      %swap3A_543 = vector.shape_cast %add3A_538 : vector<16xf32> to vector<1x16xf32>
      tpu.vector_store %arg8[%swap3A_539, %swap3A_540], %swap3A_543 {strides = array<i32>} : memref<64x768xf32, #tpu.memory_space<vmem>>, vector<1x16xf32>,
      %get3A_544 = arith.index_cast %scan3A_55 : i32 to index
      %get3A_545 = arith.constant 560 : index
      %get3A_546 = tpu.vector_load %arg8[%get3A_544, %get3A_545] {strides = array<i32>} : memref<64x768xf32, #tpu.memory_space<vmem>>, vector<1x16xf32>,
      %get3A_547 = vector.shape_cast %get3A_546 : vector<1x16xf32> to vector<16xf32>
      %get3A_548 = arith.index_cast %scan3A_55 : i32 to index
      %get3A_549 = arith.constant 560 : index
      %get3A_550 = tpu.vector_load %arg7[%get3A_548, %get3A_549] {strides = array<i32>} : memref<64x768xf32, #tpu.memory_space<vmem>>, vector<1x16xf32>,
      %get3A_551 = vector.shape_cast %get3A_550 : vector<1x16xf32> to vector<16xf32>
      %add3A_552 = arith.addf %get3A_547, %get3A_551 : vector<16xf32>
      %swap3A_553 = arith.index_cast %scan3A_55 : i32 to index
      %swap3A_554 = arith.constant 560 : index
      %swap3A_555 = tpu.vector_load %arg8[%swap3A_553, %swap3A_554] {strides = array<i32>} : memref<64x768xf32, #tpu.memory_space<vmem>>, vector<1x16xf32>,
      %swap3A_556 = vector.shape_cast %swap3A_555 : vector<1x16xf32> to vector<16xf32>
      %swap3A_557 = vector.shape_cast %add3A_552 : vector<16xf32> to vector<1x16xf32>
      tpu.vector_store %arg8[%swap3A_553, %swap3A_554], %swap3A_557 {strides = array<i32>} : memref<64x768xf32, #tpu.memory_space<vmem>>, vector<1x16xf32>,
      %get3A_558 = arith.index_cast %scan3A_55 : i32 to index
      %get3A_559 = arith.constant 576 : index
      %get3A_560 = tpu.vector_load %arg8[%get3A_558, %get3A_559] {strides = array<i32>} : memref<64x768xf32, #tpu.memory_space<vmem>>, vector<1x16xf32>,
      %get3A_561 = vector.shape_cast %get3A_560 : vector<1x16xf32> to vector<16xf32>
      %get3A_562 = arith.index_cast %scan3A_55 : i32 to index
      %get3A_563 = arith.constant 576 : index
      %get3A_564 = tpu.vector_load %arg7[%get3A_562, %get3A_563] {strides = array<i32>} : memref<64x768xf32, #tpu.memory_space<vmem>>, vector<1x16xf32>,
      %get3A_565 = vector.shape_cast %get3A_564 : vector<1x16xf32> to vector<16xf32>
      %add3A_566 = arith.addf %get3A_561, %get3A_565 : vector<16xf32>
      %swap3A_567 = arith.index_cast %scan3A_55 : i32 to index
      %swap3A_568 = arith.constant 576 : index
      %swap3A_569 = tpu.vector_load %arg8[%swap3A_567, %swap3A_568] {strides = array<i32>} : memref<64x768xf32, #tpu.memory_space<vmem>>, vector<1x16xf32>,
      %swap3A_570 = vector.shape_cast %swap3A_569 : vector<1x16xf32> to vector<16xf32>
      %swap3A_571 = vector.shape_cast %add3A_566 : vector<16xf32> to vector<1x16xf32>
      tpu.vector_store %arg8[%swap3A_567, %swap3A_568], %swap3A_571 {strides = array<i32>} : memref<64x768xf32, #tpu.memory_space<vmem>>, vector<1x16xf32>,
      %get3A_572 = arith.index_cast %scan3A_55 : i32 to index
      %get3A_573 = arith.constant 592 : index
      %get3A_574 = tpu.vector_load %arg8[%get3A_572, %get3A_573] {strides = array<i32>} : memref<64x768xf32, #tpu.memory_space<vmem>>, vector<1x16xf32>,
      %get3A_575 = vector.shape_cast %get3A_574 : vector<1x16xf32> to vector<16xf32>
      %get3A_576 = arith.index_cast %scan3A_55 : i32 to index
      %get3A_577 = arith.constant 592 : index
      %get3A_578 = tpu.vector_load %arg7[%get3A_576, %get3A_577] {strides = array<i32>} : memref<64x768xf32, #tpu.memory_space<vmem>>, vector<1x16xf32>,
      %get3A_579 = vector.shape_cast %get3A_578 : vector<1x16xf32> to vector<16xf32>
      %add3A_580 = arith.addf %get3A_575, %get3A_579 : vector<16xf32>
      %swap3A_581 = arith.index_cast %scan3A_55 : i32 to index
      %swap3A_582 = arith.constant 592 : index
      %swap3A_583 = tpu.vector_load %arg8[%swap3A_581, %swap3A_582] {strides = array<i32>} : memref<64x768xf32, #tpu.memory_space<vmem>>, vector<1x16xf32>,
      %swap3A_584 = vector.shape_cast %swap3A_583 : vector<1x16xf32> to vector<16xf32>
      %swap3A_585 = vector.shape_cast %add3A_580 : vector<16xf32> to vector<1x16xf32>
      tpu.vector_store %arg8[%swap3A_581, %swap3A_582], %swap3A_585 {strides = array<i32>} : memref<64x768xf32, #tpu.memory_space<vmem>>, vector<1x16xf32>,
      %get3A_586 = arith.index_cast %scan3A_55 : i32 to index
      %get3A_587 = arith.constant 608 : index
      %get3A_588 = tpu.vector_load %arg8[%get3A_586, %get3A_587] {strides = array<i32>} : memref<64x768xf32, #tpu.memory_space<vmem>>, vector<1x16xf32>,
      %get3A_589 = vector.shape_cast %get3A_588 : vector<1x16xf32> to vector<16xf32>
      %get3A_590 = arith.index_cast %scan3A_55 : i32 to index
      %get3A_591 = arith.constant 608 : index
      %get3A_592 = tpu.vector_load %arg7[%get3A_590, %get3A_591] {strides = array<i32>} : memref<64x768xf32, #tpu.memory_space<vmem>>, vector<1x16xf32>,
      %get3A_593 = vector.shape_cast %get3A_592 : vector<1x16xf32> to vector<16xf32>
      %add3A_594 = arith.addf %get3A_589, %get3A_593 : vector<16xf32>
      %swap3A_595 = arith.index_cast %scan3A_55 : i32 to index
      %swap3A_596 = arith.constant 608 : index
      %swap3A_597 = tpu.vector_load %arg8[%swap3A_595, %swap3A_596] {strides = array<i32>} : memref<64x768xf32, #tpu.memory_space<vmem>>, vector<1x16xf32>,
      %swap3A_598 = vector.shape_cast %swap3A_597 : vector<1x16xf32> to vector<16xf32>
      %swap3A_599 = vector.shape_cast %add3A_594 : vector<16xf32> to vector<1x16xf32>
      tpu.vector_store %arg8[%swap3A_595, %swap3A_596], %swap3A_599 {strides = array<i32>} : memref<64x768xf32, #tpu.memory_space<vmem>>, vector<1x16xf32>,
      %get3A_600 = arith.index_cast %scan3A_55 : i32 to index
      %get3A_601 = arith.constant 624 : index
      %get3A_602 = tpu.vector_load %arg8[%get3A_600, %get3A_601] {strides = array<i32>} : memref<64x768xf32, #tpu.memory_space<vmem>>, vector<1x16xf32>,
      %get3A_603 = vector.shape_cast %get3A_602 : vector<1x16xf32> to vector<16xf32>
      %get3A_604 = arith.index_cast %scan3A_55 : i32 to index
      %get3A_605 = arith.constant 624 : index
      %get3A_606 = tpu.vector_load %arg7[%get3A_604, %get3A_605] {strides = array<i32>} : memref<64x768xf32, #tpu.memory_space<vmem>>, vector<1x16xf32>,
      %get3A_607 = vector.shape_cast %get3A_606 : vector<1x16xf32> to vector<16xf32>
      %add3A_608 = arith.addf %get3A_603, %get3A_607 : vector<16xf32>
      %swap3A_609 = arith.index_cast %scan3A_55 : i32 to index
      %swap3A_610 = arith.constant 624 : index
      %swap3A_611 = tpu.vector_load %arg8[%swap3A_609, %swap3A_610] {strides = array<i32>} : memref<64x768xf32, #tpu.memory_space<vmem>>, vector<1x16xf32>,
      %swap3A_612 = vector.shape_cast %swap3A_611 : vector<1x16xf32> to vector<16xf32>
      %swap3A_613 = vector.shape_cast %add3A_608 : vector<16xf32> to vector<1x16xf32>
      tpu.vector_store %arg8[%swap3A_609, %swap3A_610], %swap3A_613 {strides = array<i32>} : memref<64x768xf32, #tpu.memory_space<vmem>>, vector<1x16xf32>,
      %get3A_614 = arith.index_cast %scan3A_55 : i32 to index
      %get3A_615 = arith.constant 640 : index
      %get3A_616 = tpu.vector_load %arg8[%get3A_614, %get3A_615] {strides = array<i32>} : memref<64x768xf32, #tpu.memory_space<vmem>>, vector<1x16xf32>,
      %get3A_617 = vector.shape_cast %get3A_616 : vector<1x16xf32> to vector<16xf32>
      %get3A_618 = arith.index_cast %scan3A_55 : i32 to index
      %get3A_619 = arith.constant 640 : index
      %get3A_620 = tpu.vector_load %arg7[%get3A_618, %get3A_619] {strides = array<i32>} : memref<64x768xf32, #tpu.memory_space<vmem>>, vector<1x16xf32>,
      %get3A_621 = vector.shape_cast %get3A_620 : vector<1x16xf32> to vector<16xf32>
      %add3A_622 = arith.addf %get3A_617, %get3A_621 : vector<16xf32>
      %swap3A_623 = arith.index_cast %scan3A_55 : i32 to index
      %swap3A_624 = arith.constant 640 : index
      %swap3A_625 = tpu.vector_load %arg8[%swap3A_623, %swap3A_624] {strides = array<i32>} : memref<64x768xf32, #tpu.memory_space<vmem>>, vector<1x16xf32>,
      %swap3A_626 = vector.shape_cast %swap3A_625 : vector<1x16xf32> to vector<16xf32>
      %swap3A_627 = vector.shape_cast %add3A_622 : vector<16xf32> to vector<1x16xf32>
      tpu.vector_store %arg8[%swap3A_623, %swap3A_624], %swap3A_627 {strides = array<i32>} : memref<64x768xf32, #tpu.memory_space<vmem>>, vector<1x16xf32>,
      %get3A_628 = arith.index_cast %scan3A_55 : i32 to index
      %get3A_629 = arith.constant 656 : index
      %get3A_630 = tpu.vector_load %arg8[%get3A_628, %get3A_629] {strides = array<i32>} : memref<64x768xf32, #tpu.memory_space<vmem>>, vector<1x16xf32>,
      %get3A_631 = vector.shape_cast %get3A_630 : vector<1x16xf32> to vector<16xf32>
      %get3A_632 = arith.index_cast %scan3A_55 : i32 to index
      %get3A_633 = arith.constant 656 : index
      %get3A_634 = tpu.vector_load %arg7[%get3A_632, %get3A_633] {strides = array<i32>} : memref<64x768xf32, #tpu.memory_space<vmem>>, vector<1x16xf32>,
      %get3A_635 = vector.shape_cast %get3A_634 : vector<1x16xf32> to vector<16xf32>
      %add3A_636 = arith.addf %get3A_631, %get3A_635 : vector<16xf32>
      %swap3A_637 = arith.index_cast %scan3A_55 : i32 to index
      %swap3A_638 = arith.constant 656 : index
      %swap3A_639 = tpu.vector_load %arg8[%swap3A_637, %swap3A_638] {strides = array<i32>} : memref<64x768xf32, #tpu.memory_space<vmem>>, vector<1x16xf32>,
      %swap3A_640 = vector.shape_cast %swap3A_639 : vector<1x16xf32> to vector<16xf32>
      %swap3A_641 = vector.shape_cast %add3A_636 : vector<16xf32> to vector<1x16xf32>
      tpu.vector_store %arg8[%swap3A_637, %swap3A_638], %swap3A_641 {strides = array<i32>} : memref<64x768xf32, #tpu.memory_space<vmem>>, vector<1x16xf32>,
      %get3A_642 = arith.index_cast %scan3A_55 : i32 to index
      %get3A_643 = arith.constant 672 : index
      %get3A_644 = tpu.vector_load %arg8[%get3A_642, %get3A_643] {strides = array<i32>} : memref<64x768xf32, #tpu.memory_space<vmem>>, vector<1x16xf32>,
      %get3A_645 = vector.shape_cast %get3A_644 : vector<1x16xf32> to vector<16xf32>
      %get3A_646 = arith.index_cast %scan3A_55 : i32 to index
      %get3A_647 = arith.constant 672 : index
      %get3A_648 = tpu.vector_load %arg7[%get3A_646, %get3A_647] {strides = array<i32>} : memref<64x768xf32, #tpu.memory_space<vmem>>, vector<1x16xf32>,
      %get3A_649 = vector.shape_cast %get3A_648 : vector<1x16xf32> to vector<16xf32>
      %add3A_650 = arith.addf %get3A_645, %get3A_649 : vector<16xf32>
      %swap3A_651 = arith.index_cast %scan3A_55 : i32 to index
      %swap3A_652 = arith.constant 672 : index
      %swap3A_653 = tpu.vector_load %arg8[%swap3A_651, %swap3A_652] {strides = array<i32>} : memref<64x768xf32, #tpu.memory_space<vmem>>, vector<1x16xf32>,
      %swap3A_654 = vector.shape_cast %swap3A_653 : vector<1x16xf32> to vector<16xf32>
      %swap3A_655 = vector.shape_cast %add3A_650 : vector<16xf32> to vector<1x16xf32>
      tpu.vector_store %arg8[%swap3A_651, %swap3A_652], %swap3A_655 {strides = array<i32>} : memref<64x768xf32, #tpu.memory_space<vmem>>, vector<1x16xf32>,
      %get3A_656 = arith.index_cast %scan3A_55 : i32 to index
      %get3A_657 = arith.constant 688 : index
      %get3A_658 = tpu.vector_load %arg8[%get3A_656, %get3A_657] {strides = array<i32>} : memref<64x768xf32, #tpu.memory_space<vmem>>, vector<1x16xf32>,
      %get3A_659 = vector.shape_cast %get3A_658 : vector<1x16xf32> to vector<16xf32>
      %get3A_660 = arith.index_cast %scan3A_55 : i32 to index
      %get3A_661 = arith.constant 688 : index
      %get3A_662 = tpu.vector_load %arg7[%get3A_660, %get3A_661] {strides = array<i32>} : memref<64x768xf32, #tpu.memory_space<vmem>>, vector<1x16xf32>,
      %get3A_663 = vector.shape_cast %get3A_662 : vector<1x16xf32> to vector<16xf32>
      %add3A_664 = arith.addf %get3A_659, %get3A_663 : vector<16xf32>
      %swap3A_665 = arith.index_cast %scan3A_55 : i32 to index
      %swap3A_666 = arith.constant 688 : index
      %swap3A_667 = tpu.vector_load %arg8[%swap3A_665, %swap3A_666] {strides = array<i32>} : memref<64x768xf32, #tpu.memory_space<vmem>>, vector<1x16xf32>,
      %swap3A_668 = vector.shape_cast %swap3A_667 : vector<1x16xf32> to vector<16xf32>
      %swap3A_669 = vector.shape_cast %add3A_664 : vector<16xf32> to vector<1x16xf32>
      tpu.vector_store %arg8[%swap3A_665, %swap3A_666], %swap3A_669 {strides = array<i32>} : memref<64x768xf32, #tpu.memory_space<vmem>>, vector<1x16xf32>,
      %get3A_670 = arith.index_cast %scan3A_55 : i32 to index
      %get3A_671 = arith.constant 704 : index
      %get3A_672 = tpu.vector_load %arg8[%get3A_670, %get3A_671] {strides = array<i32>} : memref<64x768xf32, #tpu.memory_space<vmem>>, vector<1x16xf32>,
      %get3A_673 = vector.shape_cast %get3A_672 : vector<1x16xf32> to vector<16xf32>
      %get3A_674 = arith.index_cast %scan3A_55 : i32 to index
      %get3A_675 = arith.constant 704 : index
      %get3A_676 = tpu.vector_load %arg7[%get3A_674, %get3A_675] {strides = array<i32>} : memref<64x768xf32, #tpu.memory_space<vmem>>, vector<1x16xf32>,
      %get3A_677 = vector.shape_cast %get3A_676 : vector<1x16xf32> to vector<16xf32>
      %add3A_678 = arith.addf %get3A_673, %get3A_677 : vector<16xf32>
      %swap3A_679 = arith.index_cast %scan3A_55 : i32 to index
      %swap3A_680 = arith.constant 704 : index
      %swap3A_681 = tpu.vector_load %arg8[%swap3A_679, %swap3A_680] {strides = array<i32>} : memref<64x768xf32, #tpu.memory_space<vmem>>, vector<1x16xf32>,
      %swap3A_682 = vector.shape_cast %swap3A_681 : vector<1x16xf32> to vector<16xf32>
      %swap3A_683 = vector.shape_cast %add3A_678 : vector<16xf32> to vector<1x16xf32>
      tpu.vector_store %arg8[%swap3A_679, %swap3A_680], %swap3A_683 {strides = array<i32>} : memref<64x768xf32, #tpu.memory_space<vmem>>, vector<1x16xf32>,
      %get3A_684 = arith.index_cast %scan3A_55 : i32 to index
      %get3A_685 = arith.constant 720 : index
      %get3A_686 = tpu.vector_load %arg8[%get3A_684, %get3A_685] {strides = array<i32>} : memref<64x768xf32, #tpu.memory_space<vmem>>, vector<1x16xf32>,
      %get3A_687 = vector.shape_cast %get3A_686 : vector<1x16xf32> to vector<16xf32>
      %get3A_688 = arith.index_cast %scan3A_55 : i32 to index
      %get3A_689 = arith.constant 720 : index
      %get3A_690 = tpu.vector_load %arg7[%get3A_688, %get3A_689] {strides = array<i32>} : memref<64x768xf32, #tpu.memory_space<vmem>>, vector<1x16xf32>,
      %get3A_691 = vector.shape_cast %get3A_690 : vector<1x16xf32> to vector<16xf32>
      %add3A_692 = arith.addf %get3A_687, %get3A_691 : vector<16xf32>
      %swap3A_693 = arith.index_cast %scan3A_55 : i32 to index
      %swap3A_694 = arith.constant 720 : index
      %swap3A_695 = tpu.vector_load %arg8[%swap3A_693, %swap3A_694] {strides = array<i32>} : memref<64x768xf32, #tpu.memory_space<vmem>>, vector<1x16xf32>,
      %swap3A_696 = vector.shape_cast %swap3A_695 : vector<1x16xf32> to vector<16xf32>
      %swap3A_697 = vector.shape_cast %add3A_692 : vector<16xf32> to vector<1x16xf32>
      tpu.vector_store %arg8[%swap3A_693, %swap3A_694], %swap3A_697 {strides = array<i32>} : memref<64x768xf32, #tpu.memory_space<vmem>>, vector<1x16xf32>,
      %get3A_698 = arith.index_cast %scan3A_55 : i32 to index
      %get3A_699 = arith.constant 736 : index
      %get3A_700 = tpu.vector_load %arg8[%get3A_698, %get3A_699] {strides = array<i32>} : memref<64x768xf32, #tpu.memory_space<vmem>>, vector<1x16xf32>,
      %get3A_701 = vector.shape_cast %get3A_700 : vector<1x16xf32> to vector<16xf32>
      %get3A_702 = arith.index_cast %scan3A_55 : i32 to index
      %get3A_703 = arith.constant 736 : index
      %get3A_704 = tpu.vector_load %arg7[%get3A_702, %get3A_703] {strides = array<i32>} : memref<64x768xf32, #tpu.memory_space<vmem>>, vector<1x16xf32>,
      %get3A_705 = vector.shape_cast %get3A_704 : vector<1x16xf32> to vector<16xf32>
      %add3A_706 = arith.addf %get3A_701, %get3A_705 : vector<16xf32>
      %swap3A_707 = arith.index_cast %scan3A_55 : i32 to index
      %swap3A_708 = arith.constant 736 : index
      %swap3A_709 = tpu.vector_load %arg8[%swap3A_707, %swap3A_708] {strides = array<i32>} : memref<64x768xf32, #tpu.memory_space<vmem>>, vector<1x16xf32>,
      %swap3A_710 = vector.shape_cast %swap3A_709 : vector<1x16xf32> to vector<16xf32>
      %swap3A_711 = vector.shape_cast %add3A_706 : vector<16xf32> to vector<1x16xf32>
      tpu.vector_store %arg8[%swap3A_707, %swap3A_708], %swap3A_711 {strides = array<i32>} : memref<64x768xf32, #tpu.memory_space<vmem>>, vector<1x16xf32>,
      %get3A_712 = arith.index_cast %scan3A_55 : i32 to index
      %get3A_713 = arith.constant 752 : index
      %get3A_714 = tpu.vector_load %arg8[%get3A_712, %get3A_713] {strides = array<i32>} : memref<64x768xf32, #tpu.memory_space<vmem>>, vector<1x16xf32>,
      %get3A_715 = vector.shape_cast %get3A_714 : vector<1x16xf32> to vector<16xf32>
      %get3A_716 = arith.index_cast %scan3A_55 : i32 to index
      %get3A_717 = arith.constant 752 : index
      %get3A_718 = tpu.vector_load %arg7[%get3A_716, %get3A_717] {strides = array<i32>} : memref<64x768xf32, #tpu.memory_space<vmem>>, vector<1x16xf32>,
      %get3A_719 = vector.shape_cast %get3A_718 : vector<1x16xf32> to vector<16xf32>
      %add3A_720 = arith.addf %get3A_715, %get3A_719 : vector<16xf32>
      %swap3A_721 = arith.index_cast %scan3A_55 : i32 to index
      %swap3A_722 = arith.constant 752 : index
      %swap3A_723 = tpu.vector_load %arg8[%swap3A_721, %swap3A_722] {strides = array<i32>} : memref<64x768xf32, #tpu.memory_space<vmem>>, vector<1x16xf32>,
      %swap3A_724 = vector.shape_cast %swap3A_723 : vector<1x16xf32> to vector<16xf32>
      %swap3A_725 = vector.shape_cast %add3A_720 : vector<16xf32> to vector<1x16xf32>
      tpu.vector_store %arg8[%swap3A_721, %swap3A_722], %swap3A_725 {strides = array<i32>} : memref<64x768xf32, #tpu.memory_space<vmem>>, vector<1x16xf32>,
    }
    %scan3A_53 = arith.constant 64 : i32
    %run_scoped3A_54 = arith.constant 3 : i32
    "tpu.region"() ({
      %run_scoped3A_55 = tpu.sem_alloc : memref<!tpu.dma_semaphore, #tpu.memory_space<semaphore_mem>>
      %dma_start3A_56 = arith.constant 0 : i32
      %dma_start3A_57 = tpu.memref_slice %arg5[%run_scoped3A_54, %mul3A_2, %dma_start3A_56] : memref<4x2048x768xf32, #tpu.memory_space<hbm>> -> memref<1x64x768xf32, #tpu.memory_space<hbm>>
      %dma_start3A_58 = tpu.memref_squeeze %dma_start3A_57 : memref<1x64x768xf32, #tpu.memory_space<hbm>> -> memref<64x768xf32, #tpu.memory_space<hbm>>
      %dma_start3A_59 = arith.constant 0 : i32
      %dma_start3A_60 = tpu.memref_slice %arg5[%run_scoped3A_54, %mul3A_2, %dma_start3A_59] : memref<4x2048x768xf32, #tpu.memory_space<hbm>> -> memref<1x64x768xf32, #tpu.memory_space<hbm>>
      %dma_start3A_61 = tpu.memref_squeeze %dma_start3A_60 : memref<1x64x768xf32, #tpu.memory_space<hbm>> -> memref<64x768xf32, #tpu.memory_space<hbm>>
      tpu.enqueue_dma source(%arg8 : memref<64x768xf32, #tpu.memory_space<vmem>>) target(%dma_start3A_61 : memref<64x768xf32, #tpu.memory_space<hbm>>) target_semaphore(%run_scoped3A_55 : memref<!tpu.dma_semaphore, #tpu.memory_space<semaphore_mem>>)
      %dma_wait3A_62 = arith.constant 0 : i32
      %dma_wait3A_63 = tpu.memref_slice %arg5[%run_scoped3A_54, %mul3A_2, %dma_wait3A_62] : memref<4x2048x768xf32, #tpu.memory_space<hbm>> -> memref<1x64x768xf32, #tpu.memory_space<hbm>>
      %dma_wait3A_64 = tpu.memref_squeeze %dma_wait3A_63 : memref<1x64x768xf32, #tpu.memory_space<hbm>> -> memref<64x768xf32, #tpu.memory_space<hbm>>
      %dma_wait3A_65 = arith.constant 0 : i32
      %dma_wait3A_66 = tpu.memref_slice %arg5[%run_scoped3A_54, %mul3A_2, %dma_wait3A_65] : memref<4x2048x768xf32, #tpu.memory_space<hbm>> -> memref<1x64x768xf32, #tpu.memory_space<hbm>>
      %dma_wait3A_67 = tpu.memref_squeeze %dma_wait3A_66 : memref<1x64x768xf32, #tpu.memory_space<hbm>> -> memref<64x768xf32, #tpu.memory_space<hbm>>
      tpu.wait_dma2 semaphore(%run_scoped3A_55 : memref<!tpu.dma_semaphore, #tpu.memory_space<semaphore_mem>>) src(%arg8 : memref<64x768xf32, #tpu.memory_space<vmem>>) dst(%dma_wait3A_67 : memref<64x768xf32, #tpu.memory_space<hbm>>)
      tpu.yield
    }) : () -> ()
    return
  }
}

</mosaic_0001>

<sc_bundles>
// kernel: kernel.3.cloned.1.call-start
scs
__scs_entry_jumppad:
0x0: {  	(pc) =	sbr.rel $0x88, $3  }
0x1: {  	(tag) =	ssettag $0x0;
	lr =	simm.s32 $0x1  }
0x2: {  	[smem:$0x3F9E] =	sst lr;
	_ =	strace $0xD0000000  }
0x3: {  	_ = 	snop  }
0x4: {  	_ = 	snop  }
0x5: {  	_ = 	snop  }
0x6: {  	_ = 	snop  }
0x7: {  	_ = 	snop  }
__scs_overlays_trampoline_lowered:
0x8: {  	[smem:$0x3FAD] =	sst s0  }
0x9: {  	[smem:$0x3FAE] =	sst s1  }
0xa: {  	[smem:$0x3FAF] =	sst s2  }
0xb: {  	[smem:$0x3FB0] =	sst s3  }
0xc: {  	[smem:$0x3FB1] =	sst s4  }
0xd: {  	[smem:$0x3FB2] =	sst s5  }
0xe: {  	[smem:$0x3FB3] =	sst s6  }
0xf: {  	[smem:$0x3FB4] =	sst s7  }
0x10: {  	[smem:$0x3FB5] =	sst s8  }
0x11: {  	[smem:$0x3FB6] =	sst s9;
	s0 =	simm.s32 @!p0 $0x0  }
0x12: {  	s1 =	sld [smem:$0x3F9C];
	s0 =	simm.s32 @p0 $0x1  }
0x13: {  	[smem:$0x3FB7] =	sst s0;
	s0 =	simm.s32 @!p1 $0x0  }
0x14: {  	s2 =	sld [smem:$0x3F9B];
	s0 =	simm.s32 @p1 $0x1  }
0x15: {  	[smem:$0x3FB8] =	sst s0;
	s0 =	simm.s32 @!p2 $0x0  }
0x16: {  	s3 =	sld [smem:$0x3FDB];
	s0 =	simm.s32 @p2 $0x1  }
0x17: {  	s4 =	simm.s32 $0x1BF5;
	[smem:$0x3FBA] =	sst s0  }
0x18: {  	s0 =	sld [smem:$0x3F9D];
	_ =	swait.ge [sflag:s4], $0x0  }
0x19: {  	s7 =	sld [smem:$0x3F9E]  }
0x1a: {  	s8 =	sadd.s32 $0xFFFFE003, lr  }
0x1b: {  	s9 =	sadd.s32 $0xFFFFFEF7, lr;
	s5 =	simm.s32 $0xFFFFFFFF;
	p2 =	slt.u32 s8, $0xFFFFF086  }
0x1c: {  	p1 =	slt.u32 s9, $0xF7A;
	s5 =	simm.s32 @!p2 $0x0  }
0x1d: {  	s5 =	simm.s32 @p1 $0x1;
	p0 =	seq.s32 s7, s2  }
0x1e: {  	s7 =	smul.u32 @!p0 $0xF7A, s2;
	p2 =	seq.s32 @!p0 s5, $0x0  }
0x1f: {  	s9 =	smul.u32 $0xF7A, s1;
	s8 =	simm.s32 @!p0 $0x1BF5;
	p2 =	por !p2, p0  }
0x20: {  	[sflag:s8] =	ssyncset.s32 @!p0 $0xFFFFF086;
	s6 =	sadd.s32 @!p0 s3, s7;
	s7 =	simm.s32 @!p0 $0x108  }
0x21: {  	s3 =	sadd.s32 s3, s9;
	s6 =	sadd.s32 @!p0 $0x88, s6;
	s7 =	simm.s32 @p2 $0x1082  }
0x22: {  	[simem:s7], [sflag:s8] =	dma.local @!p0 [hbm:s6], $0xF7A  }
0x23: {  	s9 =	sor.u32 $0xD0000000, s2;
	s6 =	simm.s32 $0x108;
	_ =	swait.ge @!p0 [sflag:s8], $0x0  }
0x24: {  	s3 =	sadd.s32 $0x88, s3;
	s6 =	simm.s32 @!p1 $0x1082;
	[sflag:s4] =	ssyncset.s32 $0xFFFFF086  }
0x25: {  	[simem:s6], [sflag:s4] =	dma.local [hbm:s3], $0xF7A  }
0x26: {  	[smem:$0x3F9E] =	sst s1;
	(tag) =	ssettag s2;
	_ =	strace s9  }
0x27: {  	s1 =	sld [smem:$0x3FAE]  }
0x28: {  	s2 =	sld [smem:$0x3FAF]  }
0x29: {  	s4 =	sld [smem:$0x3FB1]  }
0x2a: {  	p0 =	seq.s32 s5, $0x0;
	s5 =	sld [smem:$0x3FB2]  }
0x2b: {  	s6 =	sld [smem:$0x3FB3]  }
0x2c: {  	s7 =	sld [smem:$0x3FB4]  }
0x2d: {  	s3 =	simm.s32 $0x108;
	s8 =	sld [smem:$0x3FB5]  }
0x2e: {  	s3 =	simm.s32 @!p0 $0x1082;
	s9 =	sld [smem:$0x3FB6]  }
0x2f: {  	lr =	sadd.s32 s0, s3;
	s0 =	sld [smem:$0x3FAD]  }
0x30: {  	s3 =	sld [smem:$0x3FB0]  }
0x31: {  	[smem:$0x3FB9] =	sst s10  }
0x32: {  	s10 =	sld [smem:$0x3FB7];
	_ =	sdelay $0x3  }
0x33: {  	p0 =	seq.s32 s10, $0x1;
	s10 =	sld [smem:$0x3FB9];
	_ =	sdelay $0x3  }
0x34: {  	[smem:$0x3FB9] =	sst s10  }
0x35: {  	s10 =	sld [smem:$0x3FB8];
	_ =	sdelay $0x3  }
0x36: {  	p1 =	seq.s32 s10, $0x1;
	s10 =	sld [smem:$0x3FB9];
	_ =	sdelay $0x3  }
0x37: {  	[smem:$0x3FB9] =	sst s10  }
0x38: {  	s10 =	sld [smem:$0x3FBA]  }
0x39: {  	_ = 	snop;
	(pc) =	sbr.ind lr, $3  }
0x3a: {  	_ = 	snop  }
0x3b: {  	_ = 	snop  }
0x3c: {  	p2 =	seq.s32 s10, $0x1;
	s10 =	sld [smem:$0x3FB9]  }
0x3d: {  	_ =	shalt  }
0x3e: {  	_ =	shalt  }
0x3f: {  	_ =	shalt  }
0x40: {  	_ =	shalt  }
0x41: {  	_ =	shalt  }
0x42: {  	_ =	shalt  }
0x43: {  	_ =	shalt  }
0x44: {  	_ =	shalt  }
0x45: {  	_ =	shalt  }
0x46: {  	_ =	shalt  }
0x47: {  	_ =	shalt  }
0x48: {  	_ =	shalt  }
0x49: {  	_ =	shalt  }
0x4a: {  	_ =	shalt  }
0x4b: {  	_ =	shalt  }
0x4c: {  	_ =	shalt  }
0x4d: {  	_ =	shalt  }
0x4e: {  	_ =	shalt  }
0x4f: {  	_ =	shalt  }
0x50: {  	_ =	shalt  }
0x51: {  	_ =	shalt  }
0x52: {  	_ =	shalt  }
0x53: {  	_ =	shalt  }
0x54: {  	_ =	shalt  }
0x55: {  	_ =	shalt  }
0x56: {  	_ =	shalt  }
0x57: {  	_ =	shalt  }
0x58: {  	_ =	shalt  }
0x59: {  	_ =	shalt  }
0x5a: {  	_ =	shalt  }
0x5b: {  	_ =	shalt  }
0x5c: {  	_ =	shalt  }
0x5d: {  	_ =	shalt  }
0x5e: {  	_ =	shalt  }
0x5f: {  	_ =	shalt  }
0x60: {  	_ =	shalt  }
0x61: {  	_ =	shalt  }
0x62: {  	_ =	shalt  }
0x63: {  	_ =	shalt  }
0x64: {  	_ =	shalt  }
0x65: {  	_ =	shalt  }
0x66: {  	_ =	shalt  }
0x67: {  	_ =	shalt  }
0x68: {  	_ =	shalt  }
0x69: {  	_ =	shalt  }
0x6a: {  	_ =	shalt  }
0x6b: {  	_ =	shalt  }
0x6c: {  	_ =	shalt  }
0x6d: {  	_ =	shalt  }
0x6e: {  	_ =	shalt  }
0x6f: {  	_ =	shalt  }
0x70: {  	_ =	shalt  }
0x71: {  	_ =	shalt  }
0x72: {  	_ =	shalt  }
0x73: {  	_ =	shalt  }
0x74: {  	_ =	shalt  }
0x75: {  	_ =	shalt  }
0x76: {  	_ =	shalt  }
0x77: {  	_ =	shalt  }
0x78: {  	_ =	shalt  }
0x79: {  	_ =	shalt  }
0x7a: {  	_ =	shalt  }
0x7b: {  	_ =	shalt  }
0x7c: {  	_ =	shalt  }
0x7d: {  	_ =	shalt  }
0x7e: {  	_ =	shalt  }
0x7f: {  	_ =	shalt  }
0x80: {  	_ =	shalt  }
0x81: {  	_ =	shalt  }
0x82: {  	_ =	shalt  }
0x83: {  	_ =	shalt  }
0x84: {  	_ =	shalt  }
0x85: {  	_ =	shalt  }
0x86: {  	_ =	shalt  }
0x87: {  	_ =	shalt  }
.Lfunc_end0:
.L_simem_size_0:
called_computation_lowered:
.L_overlay_start_0:
0x88: {  	s2 =	sld [smem:$0x3FD9]  }
0x89: {  	s3 =	sld [smem:$0x3FFE];
	_ =	sdelay $0x1  }
0x8a: {  	s1 =	srdreg.scid  }
0x8b: {  	s0 =	sand.u32 $0x1, s1  }
0x8c: {  	s18 =	sshll.u32 s0, $0xA;
	s2 =	sadd.s32 s3, s2  }
0x8d: {  	s2 =	sadd.s32 s2, s18  }
0x8e: {  	[smem:$0x3FC5] =	sst s2  }
0x8f: {  	_ = 	snop  }
0x90: {  	s2 =	sld [smem:$0x3FC9]  }
0x91: {  	s19 =	sld [smem:$0x3FC8]  }
0x92: {  	s4 =	sld [smem:$0x3FC7]  }
0x93: {  	s5 =	sld [smem:$0x3FD0];
	(tm) =	ssettm $0x1  }
0x94: {  	s6 =	sld [smem:$0x3FFB];
	_ =	sdelay $0x3  }
0x95: {  	_ =	strace s6  }
0x96: {  	s6 =	sld [smem:$0x3FFC];
	_ =	sdelay $0x3  }
0x97: {  	_ =	strace s6  }
0x98: {  	s6 =	sld [smem:$0x3FFD];
	_ =	sdelay $0x3  }
0x99: {  	_ =	strace s6  }
0x9a: {  	_ =	strace $0x8FFFFFFF  }
0x9b: {  	s20 =	sld [smem:$0x3FDB];
	_ =	sdelay $0x1  }
0x9c: {  	s7 =	simm.s32 $_scs_section_size  }
0x9d: {  	s8 =	simm.s32 $_size__tile_overlayer_lowered;
	s9 =	simm.s32 $_tile_overlayer_lowered  }
0x9e: {  	s23 =	simm.s32 $0x1BFF;
	s22 =	sshll.u32 s9, $0x1;
	s6 =	sadd.s32 s7, s20  }
0x9f: {  	s10 =	simm.s32 $0x0;
	s21 =	sshll.u32 s8, $0x1;
	s8 =	sadd.s32 s22, s6  }
0xa0: {  	[timem:s10], [sflag:s23] =	dma.local [hbm:s8], s21  }
0xa1: {  	_ =	swait.ge [sflag:s23], s21  }
0xa2: {  	s7 =	ssub.s32 $0x0, s21;
	[sflag:s23] =	ssyncset.done $0x0  }
0xa3: {  	[sflag:s23] =	ssyncadd.s32 s7;
	_ =	sdelay $0x1  }
0xa4: {  	s24 =	simm.s32 $0x1B8B  }
0xa5: {  	_ =	swait.ge [sflag:s24], $0x1  }
0xa6: {  	[sflag:s24] =	ssyncset.done $0x0  }
0xa7: {  	s25 =	simm.s32 $0x1B8E;
	[sflag:s24] =	ssyncadd.s32 $0xFFFFFFFF  }
0xa8: {  	s26 =	simm.s32 $execute0_lowered;
	[smem:$0x3FD2] =	sst s25  }
0xa9: {  	s7 =	sshll.u32 s26, $0x1;
	_ =	strace $0x80000046;
	[dreg:$0x1] =	wrdreg $0xFFFFFFFF  }
0xaa: {  	s28 =	simm.s32 $_size_execute0_lowered;
	s6 =	sadd.s32 s6, s7;
	[dreg:$0x0] =	wrdreg $0x0  }
0xab: {  	s7 =	sshll.u32 s28, $0x1;
	[dreg:$0x2] =	wrdreg s6  }
0xac: {  	[dreg:$0x3] =	wrdreg s7  }
0xad: {  	[dreg:$0x4] =	wrdreg $0xC0  }
0xae: {  	_ =	task [dreg:s10], $0x5FFFF  }
0xaf: {  	[dreg:$0x1] =	wrdreg $0xFFFFFFFF  }
0xb0: {  	[dreg:$0x0] =	wrdreg $0x60  }
0xb1: {  	[dreg:$0x2] =	wrdreg s2  }
0xb2: {  	[dreg:$0x3] =	wrdreg s19  }
0xb3: {  	[dreg:$0x4] =	wrdreg s4  }
0xb4: {  	[dreg:$0x5] =	wrdreg s5  }
0xb5: {  	[dreg:$0x6] =	wrdreg $0x9  }
0xb6: {  	_ =	task.clear_ibuf [dreg:s10], $0x7FFFF;
	_ =	strace $0x90000046  }
0xb7: {  	s29 =	simm.s32 $0x9;
	_ =	strace $0x80000048  }
0xb8: {  	_ =	swait.ge [sflag:s29], $0x1  }
0xb9: {  	[sflag:s29] =	ssyncadd.s32 $0xFFFFFFFF  }
0xba: {  	_ =	strace $0x90000048  }
0xbb: {  	_ =	sfence  }
0xbc: {  	s30 =	sld [smem:$0x0];
	_ =	sdelay $0x2  }
0xbd: {  	s31 =	sshll.u32 s1, $0xD;
	s1 =	sshrl.u32 s1, $0x2  }
0xbe: {  	s3 =	sand.u32 $0x4000, s31;
	s1 =	sadd.s32 s1, s30  }
0xbf: {  	s0 =	sor.u32 s3, s0;
	s1 =	sshll.u32 s1, $0x11  }
0xc0: {  	s0 =	sor.u32 s1, s0  }
0xc1: {  	s0 =	sadd.s32 $0x8F2B, s0  }
0xc2: {  	[sflag:s0] =	ssyncadd.remote.s32 $0x1  }
0xc3: {  	_ =	sfence.sel $0xFFFF  }
0xc4: {  	[dreg:$0x0] =	wrdreg $0xFFFFFFFF;
	(pc) =	sbr.abs _section_cstart, $3  }
0xc5: {  	[dreg:$0x1] =	wrdreg $0xFFFFFFFF  }
0xc6: {  	_ =	task.clear_ibuf [dreg:s10], $0x2FFFF;
	_ =	strace $0x9FFFFFFF  }
0xc7: {  	(tm) =	ssettm $0x7FFFFFFF  }
tec
execute0_lowered:
.L_overlay_start_1:
0x0: {  	(tag) =	ssettag $0x1  }
0x1: {  	s0 =	rddreg [dreg:$0x0]  }
0x2: {  	s1 =	rddreg [dreg:$0x1];
	s2 =	srdreg.scid  }
0x3: {  	s4 =	rddreg [dreg:$0x2];
	s3 =	stileid.u32  }
0x4: {  	s5 =	rddreg [dreg:$0x3];
	s28 =	simm.s32 $0x10880;
	s29 =	simm.s32 $0x11080  }
0x5: {  	s30 =	simm.s32 $0x11880;
	s31 =	simm.s32 $0x12080;
	s12 =	simm.s32 $0x16080  }
0x6: {  	s13 =	simm.s32 $0x16880;
	s14 =	simm.s32 $0x17080;
	s2 =	sand.u32 $0x1, s2  }
0x7: {  	s3 =	sshll.u32 s3, $0x7;
	s8 =	sshll.u32 s2, $0x6;
	s2 =	ssub.s32 $0x2, s2  }
0x8: {  	s6 =	sor.u32 s8, s3;
	s3 =	simm.s32 $0x0;
	s10 =	sshrl.u32 s2, $0x1  }
0x9: {  	s7 =	sshrl.u32 s6, $0x3;
	s9 =	sshll.u32 s6, $0x2;
	[smem:$0x7FF] =	sst s3  }
0xa: {  	s2 =	ssub.s32 s2, s10;
	s6 =	sadd.s32 $0x100, s1;
	s10 =	simm.s32 $0x15080  }
0xb: {  	s15 =	smul.u32 $0x1800, s7;
	s16 =	sand.u32 $0x1E00, s9;
	_ =	strace $0x80000047  }
0xc: {  	s19 =	sor.u32 s8, s9;
	s26 =	smax.u32 s2, $0x1;
	s2 =	simm.s32 $0x12880  }
0xd: {  	s9 =	simm.s32 $0x14880;
	s7 =	sor.u32 s8, s16;
	[dreg:$0xe] =	wrdreg s26  }
0xe: {  	s26 =	simm.s32 $0x10080;
	s16 =	simm.s32 $0x13880;
	s11 =	sshrl.u32 s15, $0x3  }
0xf: {  	s8 =	simm.s32 $0x0;
	s17 =	sshrl.u32 s7, $0x3;
	s4 =	sadd.s32 s4, s11  }
0x10: {  	s7 =	sadd.s32 $0x200, s1;
	s18 =	sadd.s32 s0, s17;
	[dreg:$0x5] =	wrdreg s4  }
0x11: {  	s15 =	simm.s32 $0x17880;
	s20 =	sadd.s32 s5, s11;
	[dreg:$0x6] =	wrdreg s18  }
0x12: {  	s17 =	simm.s32 $0x2;
	s21 =	sadd.s32 $0x10, s18;
	[dreg:$0x7] =	wrdreg s20  }
0x13: {  	s11 =	simm.s32 $0x15880;
	s22 =	sadd.s32 $0x30000, s20;
	[dreg:$0x8] =	wrdreg s21  }
0x14: {  	s4 =	sshrl.u32 s19, $0x3;
	s24 =	sadd.s32 $0x60000, s20;
	[dreg:$0x9] =	wrdreg s22  }
0x15: {  	s25 =	sadd.s32 $0x90000, s20;
	s18 =	simm.s32 $0xC080;
	[dreg:$0xb] =	wrdreg s24  }
0x16: {  	s23 =	sor.u32 $0x20, s4;
	s4 =	sor.u32 $0x30, s4;
	[dreg:$0xd] =	wrdreg s25  }
0x17: {  	v2 =	vlaneseq.u32;
	s24 =	simm.s32 $0xF080;
	s25 =	simm.s32 $0xF880;
	s5 =	sadd.s32 s0, s23  }
0x18: {  	vm0 =	vmmov $0xffff;
	v1 =	vshrl.u32 v2, $0x3;
	s0 =	sadd.s32 s0, s4;
	s4 =	simm.s32 $0x14080;
	[dreg:$0xa] =	wrdreg s5  }
0x19: {  	v0 =	vand.u32 $0x7, v2;
	v2 =	vor.u32 $0x8, v2;
	v1 =	vmul.u32 $0x8, v1;
	[dreg:$0xc] =	wrdreg s0;
	s0 =	simm.s32 $0x13080;
	s5 =	simm.s32 $0x1  }
.LBB2_1:
0x1a: {  	s19 =	rddreg [dreg:$0x5];
	s20 =	simm.s32 $0x80  }
0x1b: {  	[tilespmem:s20], [sflag:$0x2] =	stream.linear.gather [hbm4b:s19+s3], $0xC000, $0x38;
	[tilespmem:$0x18080] =	vst v63  }
0x1c: {  	_ =	swait.ge [sflag:s17], $0xC000  }
0x1d: {  	[sflag:s17] =	ssyncset.done $0x0  }
0x1e: {  	s20 =	rddreg [dreg:$0x6];
	[sflag:s17] =	ssyncadd.s32 $0xFFFF4000  }
0x1f: {  	[tilespmem:s3], [sflag:$0x2] =	stream.linear.gather [hbm4b:s20+s3], $0x40, $0x38;
	[tilespmem:$0x18080] =	vst v63  }
0x20: {  	_ =	swait.ge [sflag:s17], $0x40  }
0x21: {  	[sflag:s17] =	ssyncset.done $0x0  }
0x22: {  	[sflag:s17] =	ssyncadd.s32 $0xFFFFFFC0  }
0x23: {  	v3 =	vld [tilespmem:$0x0];
	_ =	sdelay $0x4  }
0x24: {  	v4 =	vshrl.u32 v3, $0x3  }
0x25: {  	v4 =	vmul.u32 $0x30, v4  }
0x26: {  	v3 =	vand.u32 $0x7, v3  }
0x27: {  	v3 =	vor.u32 v3, v4  }
0x28: {  	v4 =	vperm.xlane v3, v0;
	_ =	sdelay $0x1  }
0x29: {  	v4 =	vadd.s32 v1, v4;
	_ =	sdelay $0x3  }
0x2a: {  	v3 =	vperm.xlane v3, v2  }
0x2b: {  	[tilespmem:s18], [sflag:$0x1] =	stream.indirect_vreg.gather [hbm4b:s1+s3], $0x80, v4, vm0, $0xb8;
	[tilespmem:$0x18080] =	vst v63  }
0x2c: {  	s21 =	simm.s32 $0xC880;
	v3 =	vadd.s32 v1, v3  }
0x2d: {  	[tilespmem:s21], [sflag:$0x1] =	stream.indirect_vreg.gather [hbm4b:s6+s3], $0x80, v4, vm0, $0xb8;
	[tilespmem:$0x18080] =	vst v63  }
0x2e: {  	s22 =	simm.s32 $0xD080  }
0x2f: {  	[tilespmem:s22], [sflag:$0x1] =	stream.indirect_vreg.gather [hbm4b:s7+s3], $0x80, v4, vm0, $0xb8;
	[tilespmem:$0x18080] =	vst v63  }
0x30: {  	s23 =	simm.s32 $0xD880  }
0x31: {  	[tilespmem:s23], [sflag:$0x1] =	stream.indirect_vreg.gather [hbm4b:s1+s3], $0x80, v3, vm0, $0xb8;
	[tilespmem:$0x18080] =	vst v63  }
0x32: {  	s20 =	simm.s32 $0xE080  }
0x33: {  	[tilespmem:s20], [sflag:$0x1] =	stream.indirect_vreg.gather [hbm4b:s6+s3], $0x80, v3, vm0, $0xb8;
	[tilespmem:$0x18080] =	vst v63  }
0x34: {  	s21 =	simm.s32 $0xE880  }
0x35: {  	[tilespmem:s21], [sflag:$0x1] =	stream.indirect_vreg.gather [hbm4b:s7+s3], $0x80, v3, vm0, $0xb8;
	[tilespmem:$0x18080] =	vst v63  }
0x36: {  	v3 =	vld [tilespmem:$0x10];
	_ =	sdelay $0x4  }
0x37: {  	v4 =	vshrl.u32 v3, $0x3  }
0x38: {  	v4 =	vmul.u32 $0x30, v4  }
0x39: {  	v3 =	vand.u32 $0x7, v3  }
0x3a: {  	v3 =	vor.u32 v3, v4  }
0x3b: {  	v4 =	vperm.xlane v3, v0;
	_ =	sdelay $0x1  }
0x3c: {  	v4 =	vadd.s32 v1, v4;
	_ =	sdelay $0x3  }
0x3d: {  	v3 =	vperm.xlane v3, v2  }
0x3e: {  	[tilespmem:s24], [sflag:$0x1] =	stream.indirect_vreg.gather [hbm4b:s1+s3], $0x80, v4, vm0, $0xb8;
	[tilespmem:$0x18080] =	vst v63  }
0x3f: {  	v3 =	vadd.s32 v1, v3  }
0x40: {  	[tilespmem:s25], [sflag:$0x1] =	stream.indirect_vreg.gather [hbm4b:s6+s3], $0x80, v4, vm0, $0xb8;
	[tilespmem:$0x18080] =	vst v63  }
0x41: {  	_ = 	snop  }
0x42: {  	[tilespmem:s26], [sflag:$0x1] =	stream.indirect_vreg.gather [hbm4b:s7+s3], $0x80, v4, vm0, $0xb8;
	[tilespmem:$0x18080] =	vst v63  }
0x43: {  	_ = 	snop  }
0x44: {  	[tilespmem:s28], [sflag:$0x1] =	stream.indirect_vreg.gather [hbm4b:s1+s3], $0x80, v3, vm0, $0xb8;
	[tilespmem:$0x18080] =	vst v63  }
0x45: {  	_ = 	snop  }
0x46: {  	[tilespmem:s29], [sflag:$0x1] =	stream.indirect_vreg.gather [hbm4b:s6+s3], $0x80, v3, vm0, $0xb8;
	[tilespmem:$0x18080] =	vst v63  }
0x47: {  	_ = 	snop  }
0x48: {  	[tilespmem:s30], [sflag:$0x1] =	stream.indirect_vreg.gather [hbm4b:s7+s3], $0x80, v3, vm0, $0xb8;
	[tilespmem:$0x18080] =	vst v63  }
0x49: {  	v3 =	vld [tilespmem:$0x20];
	_ =	sdelay $0x4  }
0x4a: {  	v4 =	vshrl.u32 v3, $0x3  }
0x4b: {  	v4 =	vmul.u32 $0x30, v4  }
0x4c: {  	v3 =	vand.u32 $0x7, v3  }
0x4d: {  	v3 =	vor.u32 v3, v4  }
0x4e: {  	v4 =	vperm.xlane v3, v0;
	_ =	sdelay $0x1  }
0x4f: {  	v4 =	vadd.s32 v1, v4;
	_ =	sdelay $0x3  }
0x50: {  	v3 =	vperm.xlane v3, v2  }
0x51: {  	[tilespmem:s31], [sflag:$0x1] =	stream.indirect_vreg.gather [hbm4b:s1+s3], $0x80, v4, vm0, $0xb8;
	[tilespmem:$0x18080] =	vst v63  }
0x52: {  	v3 =	vadd.s32 v1, v3  }
0x53: {  	[tilespmem:s2], [sflag:$0x1] =	stream.indirect_vreg.gather [hbm4b:s6+s3], $0x80, v4, vm0, $0xb8;
	[tilespmem:$0x18080] =	vst v63  }
0x54: {  	_ = 	snop  }
0x55: {  	[tilespmem:s0], [sflag:$0x1] =	stream.indirect_vreg.gather [hbm4b:s7+s3], $0x80, v4, vm0, $0xb8;
	[tilespmem:$0x18080] =	vst v63  }
0x56: {  	_ = 	snop  }
0x57: {  	[tilespmem:s16], [sflag:$0x1] =	stream.indirect_vreg.gather [hbm4b:s1+s3], $0x80, v3, vm0, $0xb8;
	[tilespmem:$0x18080] =	vst v63  }
0x58: {  	_ = 	snop  }
0x59: {  	[tilespmem:s4], [sflag:$0x1] =	stream.indirect_vreg.gather [hbm4b:s6+s3], $0x80, v3, vm0, $0xb8;
	[tilespmem:$0x18080] =	vst v63  }
0x5a: {  	_ = 	snop  }
0x5b: {  	[tilespmem:s9], [sflag:$0x1] =	stream.indirect_vreg.gather [hbm4b:s7+s3], $0x80, v3, vm0, $0xb8;
	[tilespmem:$0x18080] =	vst v63  }
0x5c: {  	v3 =	vld [tilespmem:$0x30];
	_ =	sdelay $0x4  }
0x5d: {  	v4 =	vshrl.u32 v3, $0x3  }
0x5e: {  	v4 =	vmul.u32 $0x30, v4  }
0x5f: {  	v3 =	vand.u32 $0x7, v3  }
0x60: {  	v3 =	vor.u32 v3, v4  }
0x61: {  	v4 =	vperm.xlane v3, v0;
	_ =	sdelay $0x1  }
0x62: {  	v4 =	vadd.s32 v1, v4;
	_ =	sdelay $0x3  }
0x63: {  	v3 =	vperm.xlane v3, v2  }
0x64: {  	[tilespmem:s10], [sflag:$0x1] =	stream.indirect_vreg.gather [hbm4b:s1+s3], $0x80, v4, vm0, $0xb8;
	[tilespmem:$0x18080] =	vst v63  }
0x65: {  	v3 =	vadd.s32 v1, v3  }
0x66: {  	[tilespmem:s11], [sflag:$0x1] =	stream.indirect_vreg.gather [hbm4b:s6+s3], $0x80, v4, vm0, $0xb8;
	[tilespmem:$0x18080] =	vst v63  }
0x67: {  	_ = 	snop  }
0x68: {  	[tilespmem:s12], [sflag:$0x1] =	stream.indirect_vreg.gather [hbm4b:s7+s3], $0x80, v4, vm0, $0xb8;
	[tilespmem:$0x18080] =	vst v63  }
0x69: {  	_ = 	snop  }
0x6a: {  	[tilespmem:s13], [sflag:$0x1] =	stream.indirect_vreg.gather [hbm4b:s1+s3], $0x80, v3, vm0, $0xb8;
	[tilespmem:$0x18080] =	vst v63  }
0x6b: {  	_ = 	snop  }
0x6c: {  	[tilespmem:s14], [sflag:$0x1] =	stream.indirect_vreg.gather [hbm4b:s6+s3], $0x80, v3, vm0, $0xb8;
	[tilespmem:$0x18080] =	vst v63  }
0x6d: {  	s22 =	simm.s32 $0x0  }
0x6e: {  	[tilespmem:s15], [sflag:$0x1] =	stream.indirect_vreg.gather [hbm4b:s7+s3], $0x80, v3, vm0, $0xb8;
	[tilespmem:$0x18080] =	vst v63  }
0x6f: {  	s19 =	smul.u32 $0x1800, s22;
	_ =	swait.ge [sflag:s5], $0xC000  }
0x70: {  	s23 =	sand.u32 $0x380, s3;
	[sflag:s5] =	ssyncset.done $0x0  }
0x71: {  	s19 =	sor.u32 s23, s19;
	[sflag:s5] =	ssyncadd.s32 $0xFFFF4000  }
0x72: {  	v12 =	vld [tilespmem:s19+$0x80]  }
0x73: {  	v13 =	vld [tilespmem:s19+$0x90]  }
0x74: {  	v14 =	vld [tilespmem:s19+$0xA0]  }
0x75: {  	v15 =	vld [tilespmem:s19+$0xB0]  }
0x76: {  	v16 =	vld [tilespmem:s19+$0xC0]  }
0x77: {  	v17 =	vld [tilespmem:s19+$0xD0]  }
0x78: {  	v18 =	vld [tilespmem:s19+$0xE0]  }
0x79: {  	v19 =	vld [tilespmem:s19+$0xF0]  }
0x7a: {  	v20 =	vld [tilespmem:s19+$0x480]  }
0x7b: {  	v21 =	vld [tilespmem:s19+$0x490]  }
0x7c: {  	v22 =	vld [tilespmem:s19+$0x4A0]  }
0x7d: {  	v23 =	vld [tilespmem:s19+$0x4B0]  }
0x7e: {  	v24 =	vld [tilespmem:s19+$0x4C0]  }
0x7f: {  	v25 =	vld [tilespmem:s19+$0x4D0]  }
0x80: {  	v26 =	vld [tilespmem:s19+$0x4E0]  }
0x81: {  	v27 =	vld [tilespmem:s19+$0x4F0]  }
0x82: {  	v28 =	vld [tilespmem:s19+$0x880]  }
0x83: {  	v29 =	vld [tilespmem:s19+$0x890]  }
0x84: {  	v30 =	vld [tilespmem:s19+$0x8A0]  }
0x85: {  	v31 =	vld [tilespmem:s19+$0x8B0]  }
0x86: {  	v32 =	vld [tilespmem:s19+$0x8C0]  }
0x87: {  	v33 =	vld [tilespmem:s19+$0x8D0]  }
0x88: {  	v34 =	vld [tilespmem:s19+$0x8E0]  }
0x89: {  	v35 =	vld [tilespmem:s19+$0x8F0]  }
0x8a: {  	v36 =	vld [tilespmem:s19+$0xC80]  }
0x8b: {  	v37 =	vld [tilespmem:s19+$0xC90]  }
0x8c: {  	v38 =	vld [tilespmem:s19+$0xCA0]  }
0x8d: {  	v39 =	vld [tilespmem:s19+$0xCB0]  }
0x8e: {  	v40 =	vld [tilespmem:s19+$0xCC0]  }
0x8f: {  	v41 =	vld [tilespmem:s19+$0xCD0]  }
0x90: {  	v42 =	vld [tilespmem:s19+$0xCE0]  }
0x91: {  	v43 =	vld [tilespmem:s19+$0xCF0]  }
0x92: {  	v44 =	vld [tilespmem:s19+$0x1080]  }
0x93: {  	v45 =	vld [tilespmem:s19+$0x1090]  }
0x94: {  	v46 =	vld [tilespmem:s19+$0x10A0]  }
0x95: {  	v47 =	vld [tilespmem:s19+$0x10B0]  }
0x96: {  	v48 =	vld [tilespmem:s19+$0x10C0]  }
0x97: {  	v49 =	vld [tilespmem:s19+$0x10D0]  }
0x98: {  	v50 =	vld [tilespmem:s19+$0x10E0]  }
0x99: {  	v11 =	vld [tilespmem:s19+$0x10F0]  }
0x9a: {  	v10 =	vld [tilespmem:s19+$0x1480]  }
0x9b: {  	v9 =	vld [tilespmem:s19+$0x1490]  }
0x9c: {  	v8 =	vld [tilespmem:s19+$0x14A0]  }
0x9d: {  	v7 =	vld [tilespmem:s19+$0x14B0]  }
0x9e: {  	v6 =	vld [tilespmem:s19+$0x14C0]  }
0x9f: {  	v51 =	vld [tilespmem:s19+$0xC080]  }
0xa0: {  	v52 =	vld [tilespmem:s19+$0xC090]  }
0xa1: {  	v53 =	vld [tilespmem:s19+$0xC0A0]  }
0xa2: {  	v54 =	vld [tilespmem:s19+$0xC0B0]  }
0xa3: {  	v55 =	vld [tilespmem:s19+$0xC0C0]  }
0xa4: {  	v62 =	vld [tilespmem:s19+$0xC0D0];
	v12 =	vadd.f32 v12, v51  }
0xa5: {  	v63 =	vld [tilespmem:s19+$0xC0E0];
	v13 =	vadd.f32 v13, v52  }
0xa6: {  	[tilespmem:s19+$0xC080] =	vst v12;
	v12 =	vadd.f32 v14, v53;
	v14 =	vld [tilespmem:s19+$0xC0F0]  }
0xa7: {  	[tilespmem:s19+$0xC090] =	vst v13;
	v13 =	vadd.f32 v15, v54;
	v15 =	vld [tilespmem:s19+$0xC480]  }
0xa8: {  	[tilespmem:s19+$0xC0A0] =	vst v12;
	v12 =	vadd.f32 v16, v55;
	v16 =	vld [tilespmem:s19+$0xC490]  }
0xa9: {  	[tilespmem:s19+$0xC0B0] =	vst v13;
	v13 =	vadd.f32 v17, v62;
	v17 =	vld [tilespmem:s19+$0xC4A0]  }
0xaa: {  	v5 =	vld [tilespmem:s19+$0x14D0]  }
0xab: {  	[tilespmem:s19+$0xC0C0] =	vst v12;
	v12 =	vadd.f32 v18, v63;
	v18 =	vld [tilespmem:s19+$0xC4F0]  }
0xac: {  	[tilespmem:s19+$0xC0D0] =	vst v13;
	v13 =	vadd.f32 v19, v14;
	v14 =	vld [tilespmem:s19+$0xC4B0]  }
0xad: {  	[tilespmem:s19+$0xC0E0] =	vst v12;
	v12 =	vadd.f32 v20, v15;
	v15 =	vld [tilespmem:s19+$0xC4C0]  }
0xae: {  	[tilespmem:s19+$0xC0F0] =	vst v13;
	v13 =	vadd.f32 v21, v16;
	v16 =	vadd.f32 v22, v17;
	v17 =	vld [tilespmem:s19+$0xC4E0]  }
0xaf: {  	[tilespmem:s19+$0xC480] =	vst v12;
	v12 =	vld [tilespmem:s19+$0xC4D0]  }
0xb0: {  	[tilespmem:s19+$0xC490] =	vst v13;
	v13 =	vld [tilespmem:s19+$0xC880];
	v18 =	vadd.f32 v27, v18  }
0xb1: {  	[tilespmem:s19+$0xC4A0] =	vst v16;
	v16 =	vld [tilespmem:s19+$0xC890];
	v14 =	vadd.f32 v23, v14  }
0xb2: {  	v4 =	vld [tilespmem:s19+$0x14E0];
	v15 =	vadd.f32 v24, v15;
	[tilespmem:s19+$0xC4F0] =	vst v18  }
0xb3: {  	[tilespmem:s19+$0xC4B0] =	vst v14;
	v14 =	vld [tilespmem:s19+$0xC8A0];
	v17 =	vadd.f32 v26, v17  }
0xb4: {  	v12 =	vadd.f32 v25, v12;
	[tilespmem:s19+$0xC4C0] =	vst v15;
	v15 =	vld [tilespmem:s19+$0xC8B0]  }
0xb5: {  	v18 =	vld [tilespmem:s19+$0xC8F0];
	[tilespmem:s19+$0xC4E0] =	vst v17;
	v13 =	vadd.f32 v28, v13  }
0xb6: {  	v16 =	vadd.f32 v29, v16;
	[tilespmem:s19+$0xC4D0] =	vst v12;
	v12 =	vld [tilespmem:s19+$0xC8C0]  }
0xb7: {  	v17 =	vld [tilespmem:s19+$0xC8D0];
	[tilespmem:s19+$0xC880] =	vst v13  }
0xb8: {  	[tilespmem:s19+$0xC890] =	vst v16;
	v16 =	vld [tilespmem:s19+$0xC8E0];
	v13 =	vadd.f32 v30, v14  }
0xb9: {  	v14 =	vld [tilespmem:s19+$0xCC80];
	v15 =	vadd.f32 v31, v15  }
0xba: {  	[tilespmem:s19+$0xC8A0] =	vst v13;
	v13 =	vld [tilespmem:s19+$0xCC90]  }
0xbb: {  	v12 =	vadd.f32 v32, v12;
	[tilespmem:s19+$0xC8B0] =	vst v15;
	v15 =	vld [tilespmem:s19+$0xCCA0]  }
0xbc: {  	v3 =	vld [tilespmem:s19+$0x14F0];
	v17 =	vadd.f32 v33, v17  }
0xbd: {  	v16 =	vadd.f32 v34, v16;
	[tilespmem:s19+$0xC8C0] =	vst v12;
	v12 =	vld [tilespmem:s19+$0xCCB0]  }
0xbe: {  	[tilespmem:s19+$0xC8D0] =	vst v17;
	v17 =	vld [tilespmem:s19+$0xCCC0];
	v14 =	vadd.f32 v36, v14  }
0xbf: {  	v18 =	vadd.f32 v35, v18;
	[tilespmem:s19+$0xC8E0] =	vst v16;
	v16 =	vld [tilespmem:s19+$0xCCD0]  }
0xc0: {  	v13 =	vadd.f32 v37, v13;
	[tilespmem:s19+$0xCC80] =	vst v14;
	v14 =	vadd.f32 v38, v15;
	v15 =	vld [tilespmem:s19+$0xCCE0]  }
0xc1: {  	[tilespmem:s19+$0xC8F0] =	vst v18;
	v18 =	vld [tilespmem:s19+$0xCCF0]  }
0xc2: {  	[tilespmem:s19+$0xCC90] =	vst v13;
	v13 =	vld [tilespmem:s19+$0xD080];
	v12 =	vadd.f32 v39, v12  }
0xc3: {  	v17 =	vadd.f32 v40, v17;
	[tilespmem:s19+$0xCCA0] =	vst v14;
	v14 =	vld [tilespmem:s19+$0xD090]  }
0xc4: {  	v16 =	vadd.f32 v41, v16;
	[tilespmem:s19+$0xCCB0] =	vst v12;
	v12 =	vld [tilespmem:s19+$0xD0A0]  }
0xc5: {  	[tilespmem:s19+$0xCCC0] =	vst v17;
	v17 =	vld [tilespmem:s19+$0xD0B0];
	v15 =	vadd.f32 v42, v15  }
0xc6: {  	v19 =	vld [tilespmem:s19+$0xD0C0];
	[tilespmem:s19+$0xCCD0] =	vst v16;
	v16 =	vadd.f32 v43, v18  }
0xc7: {  	v18 =	vld [tilespmem:s19+$0xD0D0];
	v13 =	vadd.f32 v44, v13;
	[tilespmem:s19+$0xCCE0] =	vst v15  }
0xc8: {  	v20 =	vld [tilespmem:s19+$0xD0E0];
	[tilespmem:s19+$0xCCF0] =	vst v16;
	v14 =	vadd.f32 v45, v14  }
0xc9: {  	v16 =	vld [tilespmem:s19+$0xD0F0];
	[tilespmem:s19+$0xD080] =	vst v13;
	v12 =	vadd.f32 v46, v12  }
0xca: {  	v15 =	vld [tilespmem:s19+$0xD480];
	v13 =	vadd.f32 v47, v17;
	[tilespmem:s19+$0xD090] =	vst v14  }
0xcb: {  	v14 =	vld [tilespmem:s19+$0xD490];
	[tilespmem:s19+$0xD0A0] =	vst v12;
	v12 =	vadd.f32 v48, v19  }
0xcc: {  	[tilespmem:s19+$0xD0B0] =	vst v13;
	v13 =	vld [tilespmem:s19+$0xD4A0];
	v18 =	vadd.f32 v49, v18  }
0xcd: {  	s20 =	simm.s32 $0x1;
	s21 =	simm.s32 $0x0;
	v17 =	vadd.f32 v50, v20;
	[tilespmem:s19+$0xD0C0] =	vst v12;
	v12 =	vld [tilespmem:s19+$0xD4B0]  }
.LBB2_2:
0xce: {  	s22 =	sshrl.u32 s20, $0x3;
	p0 =	sne.s32 s20, $0x3F;
	[tilespmem:s19+$0xD0D0] =	vst v18;
	v11 =	vadd.f32 v11, v16;
	v16 =	vld [tilespmem:s19+$0xD4C0]  }
0xcf: {  	s21 =	sadd.s32 $0x80, s21;
	s22 =	smul.u32 $0x1800, s22;
	[tilespmem:s19+$0xD0E0] =	vst v17;
	v10 =	vadd.f32 v10, v15;
	v15 =	vld [tilespmem:s19+$0xD4D0]  }
0xd0: {  	s23 =	sand.u32 $0x380, s21;
	[tilespmem:s19+$0xD0F0] =	vst v11;
	v9 =	vadd.f32 v9, v14;
	v11 =	vld [tilespmem:s19+$0xD4E0]  }
0xd1: {  	s22 =	sor.u32 s23, s22;
	[tilespmem:s19+$0xD480] =	vst v10;
	v8 =	vadd.f32 v8, v13;
	v10 =	vld [tilespmem:s19+$0xD4F0]  }
0xd2: {  	v39 =	vld [tilespmem:s22+$0x80];
	[tilespmem:s19+$0xD490] =	vst v9;
	v7 =	vadd.f32 v7, v12  }
0xd3: {  	v40 =	vld [tilespmem:s22+$0x90];
	[tilespmem:s19+$0xD4A0] =	vst v8;
	v6 =	vadd.f32 v6, v16  }
0xd4: {  	v41 =	vld [tilespmem:s22+$0xA0];
	[tilespmem:s19+$0xD4B0] =	vst v7;
	v5 =	vadd.f32 v5, v15  }
0xd5: {  	v42 =	vld [tilespmem:s22+$0xB0];
	[tilespmem:s19+$0xD4C0] =	vst v6;
	v4 =	vadd.f32 v4, v11  }
0xd6: {  	v43 =	vld [tilespmem:s22+$0xC0];
	[tilespmem:s19+$0xD4D0] =	vst v5;
	v3 =	vadd.f32 v3, v10  }
0xd7: {  	v44 =	vld [tilespmem:s22+$0xD0];
	[tilespmem:s19+$0xD4E0] =	vst v4  }
0xd8: {  	v45 =	vld [tilespmem:s22+$0xE0];
	[tilespmem:s19+$0xD4F0] =	vst v3;
	s19 =	smov.u32 s22  }
0xd9: {  	v46 =	vld [tilespmem:s19+$0xF0]  }
0xda: {  	v47 =	vld [tilespmem:s19+$0x480]  }
0xdb: {  	v48 =	vld [tilespmem:s19+$0x490]  }
0xdc: {  	v49 =	vld [tilespmem:s19+$0x4A0]  }
0xdd: {  	v50 =	vld [tilespmem:s19+$0x4B0]  }
0xde: {  	v38 =	vld [tilespmem:s19+$0x4C0]  }
0xdf: {  	v37 =	vld [tilespmem:s19+$0x4D0]  }
0xe0: {  	v36 =	vld [tilespmem:s19+$0x4E0]  }
0xe1: {  	v35 =	vld [tilespmem:s19+$0x4F0]  }
0xe2: {  	v34 =	vld [tilespmem:s19+$0x880]  }
0xe3: {  	v33 =	vld [tilespmem:s19+$0x890]  }
0xe4: {  	v32 =	vld [tilespmem:s19+$0x8A0]  }
0xe5: {  	v31 =	vld [tilespmem:s19+$0x8B0]  }
0xe6: {  	v30 =	vld [tilespmem:s19+$0x8C0]  }
0xe7: {  	v29 =	vld [tilespmem:s19+$0x8D0]  }
0xe8: {  	v28 =	vld [tilespmem:s19+$0x8E0]  }
0xe9: {  	v27 =	vld [tilespmem:s19+$0x8F0]  }
0xea: {  	v26 =	vld [tilespmem:s19+$0xC80]  }
0xeb: {  	v25 =	vld [tilespmem:s19+$0xC90]  }
0xec: {  	v24 =	vld [tilespmem:s19+$0xCA0]  }
0xed: {  	v23 =	vld [tilespmem:s19+$0xCB0]  }
0xee: {  	v22 =	vld [tilespmem:s19+$0xCC0]  }
0xef: {  	v21 =	vld [tilespmem:s19+$0xCD0]  }
0xf0: {  	v20 =	vld [tilespmem:s19+$0xCE0]  }
0xf1: {  	v19 =	vld [tilespmem:s19+$0xCF0]  }
0xf2: {  	v18 =	vld [tilespmem:s19+$0x1080]  }
0xf3: {  	v17 =	vld [tilespmem:s19+$0x1090]  }
0xf4: {  	v16 =	vld [tilespmem:s19+$0x10A0]  }
0xf5: {  	v15 =	vld [tilespmem:s19+$0x10B0]  }
0xf6: {  	v14 =	vld [tilespmem:s19+$0x10C0]  }
0xf7: {  	v13 =	vld [tilespmem:s19+$0x10D0]  }
0xf8: {  	v12 =	vld [tilespmem:s19+$0x10E0]  }
0xf9: {  	v11 =	vld [tilespmem:s19+$0x10F0]  }
0xfa: {  	v10 =	vld [tilespmem:s19+$0x1480]  }
0xfb: {  	v9 =	vld [tilespmem:s19+$0x1490]  }
0xfc: {  	v8 =	vld [tilespmem:s19+$0x14A0]  }
0xfd: {  	v7 =	vld [tilespmem:s19+$0x14B0]  }
0xfe: {  	v6 =	vld [tilespmem:s19+$0x14C0]  }
0xff: {  	v5 =	vld [tilespmem:s19+$0x14D0]  }
0x100: {  	v4 =	vld [tilespmem:s19+$0x14E0]  }
0x101: {  	v3 =	vld [tilespmem:s19+$0x14F0]  }
0x102: {  	v51 =	vld [tilespmem:s19+$0xC080]  }
0x103: {  	v52 =	vld [tilespmem:s19+$0xC090]  }
0x104: {  	v53 =	vld [tilespmem:s19+$0xC0A0]  }
0x105: {  	v54 =	vld [tilespmem:s19+$0xC0B0]  }
0x106: {  	v55 =	vld [tilespmem:s19+$0xC0C0]  }
0x107: {  	v39 =	vadd.f32 v39, v51;
	v51 =	vld [tilespmem:s19+$0xC0D0]  }
0x108: {  	v40 =	vadd.f32 v40, v52;
	v52 =	vld [tilespmem:s19+$0xC0E0]  }
0x109: {  	[tilespmem:s19+$0xC080] =	vst v39;
	v39 =	vadd.f32 v41, v53;
	v41 =	vld [tilespmem:s19+$0xC0F0]  }
0x10a: {  	[tilespmem:s19+$0xC090] =	vst v40;
	v40 =	vadd.f32 v42, v54;
	v42 =	vld [tilespmem:s19+$0xC480]  }
0x10b: {  	[tilespmem:s19+$0xC0A0] =	vst v39;
	v39 =	vadd.f32 v43, v55;
	v43 =	vld [tilespmem:s19+$0xC490]  }
0x10c: {  	[tilespmem:s19+$0xC0B0] =	vst v40;
	v40 =	vadd.f32 v44, v51;
	v44 =	vld [tilespmem:s19+$0xC4A0]  }
0x10d: {  	[tilespmem:s19+$0xC0C0] =	vst v39;
	v39 =	vadd.f32 v45, v52;
	v45 =	vld [tilespmem:s19+$0xC4B0]  }
0x10e: {  	[tilespmem:s19+$0xC0D0] =	vst v40;
	v40 =	vadd.f32 v46, v41;
	v41 =	vld [tilespmem:s19+$0xC4C0]  }
0x10f: {  	[tilespmem:s19+$0xC0E0] =	vst v39;
	v39 =	vadd.f32 v47, v42;
	v42 =	vld [tilespmem:s19+$0xC4D0]  }
0x110: {  	[tilespmem:s19+$0xC0F0] =	vst v40;
	v40 =	vadd.f32 v48, v43;
	v43 =	vld [tilespmem:s19+$0xC4E0]  }
0x111: {  	[tilespmem:s19+$0xC480] =	vst v39;
	v39 =	vadd.f32 v49, v44;
	v44 =	vld [tilespmem:s19+$0xC4F0]  }
0x112: {  	[tilespmem:s19+$0xC490] =	vst v40;
	v40 =	vadd.f32 v50, v45;
	v45 =	vld [tilespmem:s19+$0xC880]  }
0x113: {  	[tilespmem:s19+$0xC4A0] =	vst v39;
	v38 =	vadd.f32 v38, v41;
	v39 =	vld [tilespmem:s19+$0xC890]  }
0x114: {  	[tilespmem:s19+$0xC4B0] =	vst v40;
	v37 =	vadd.f32 v37, v42;
	v40 =	vld [tilespmem:s19+$0xC8A0]  }
0x115: {  	[tilespmem:s19+$0xC4C0] =	vst v38;
	v36 =	vadd.f32 v36, v43;
	v38 =	vld [tilespmem:s19+$0xC8B0]  }
0x116: {  	[tilespmem:s19+$0xC4D0] =	vst v37;
	v35 =	vadd.f32 v35, v44;
	v37 =	vld [tilespmem:s19+$0xC8C0]  }
0x117: {  	[tilespmem:s19+$0xC4E0] =	vst v36;
	v34 =	vadd.f32 v34, v45;
	v36 =	vld [tilespmem:s19+$0xC8D0]  }
0x118: {  	[tilespmem:s19+$0xC4F0] =	vst v35;
	v33 =	vadd.f32 v33, v39;
	v35 =	vld [tilespmem:s19+$0xC8E0]  }
0x119: {  	[tilespmem:s19+$0xC880] =	vst v34;
	v32 =	vadd.f32 v32, v40;
	v34 =	vld [tilespmem:s19+$0xC8F0]  }
0x11a: {  	[tilespmem:s19+$0xC890] =	vst v33;
	v31 =	vadd.f32 v31, v38;
	v33 =	vld [tilespmem:s19+$0xCC80]  }
0x11b: {  	[tilespmem:s19+$0xC8A0] =	vst v32;
	v30 =	vadd.f32 v30, v37;
	v32 =	vld [tilespmem:s19+$0xCC90]  }
0x11c: {  	[tilespmem:s19+$0xC8B0] =	vst v31;
	v29 =	vadd.f32 v29, v36;
	v31 =	vld [tilespmem:s19+$0xCCA0]  }
0x11d: {  	[tilespmem:s19+$0xC8C0] =	vst v30;
	v28 =	vadd.f32 v28, v35;
	v30 =	vld [tilespmem:s19+$0xCCB0]  }
0x11e: {  	[tilespmem:s19+$0xC8D0] =	vst v29;
	v27 =	vadd.f32 v27, v34;
	v29 =	vld [tilespmem:s19+$0xCCC0]  }
0x11f: {  	[tilespmem:s19+$0xC8E0] =	vst v28;
	v26 =	vadd.f32 v26, v33;
	v28 =	vld [tilespmem:s19+$0xCCD0]  }
0x120: {  	[tilespmem:s19+$0xC8F0] =	vst v27;
	v25 =	vadd.f32 v25, v32;
	v27 =	vld [tilespmem:s19+$0xCCE0]  }
0x121: {  	[tilespmem:s19+$0xCC80] =	vst v26;
	v24 =	vadd.f32 v24, v31;
	v26 =	vld [tilespmem:s19+$0xCCF0]  }
0x122: {  	[tilespmem:s19+$0xCC90] =	vst v25;
	v23 =	vadd.f32 v23, v30;
	v25 =	vld [tilespmem:s19+$0xD080]  }
0x123: {  	[tilespmem:s19+$0xCCA0] =	vst v24;
	v22 =	vadd.f32 v22, v29;
	v24 =	vld [tilespmem:s19+$0xD090]  }
0x124: {  	[tilespmem:s19+$0xCCB0] =	vst v23;
	v21 =	vadd.f32 v21, v28;
	v23 =	vld [tilespmem:s19+$0xD0A0]  }
0x125: {  	[tilespmem:s19+$0xCCC0] =	vst v22;
	v20 =	vadd.f32 v20, v27;
	v22 =	vld [tilespmem:s19+$0xD0B0]  }
0x126: {  	[tilespmem:s19+$0xCCD0] =	vst v21;
	v19 =	vadd.f32 v19, v26;
	v21 =	vld [tilespmem:s19+$0xD0C0]  }
0x127: {  	[tilespmem:s19+$0xCCE0] =	vst v20;
	v18 =	vadd.f32 v18, v25;
	v20 =	vld [tilespmem:s19+$0xD0D0]  }
0x128: {  	[tilespmem:s19+$0xCCF0] =	vst v19;
	v17 =	vadd.f32 v17, v24;
	v19 =	vld [tilespmem:s19+$0xD0E0]  }
.Ltmp0:
0x129: {  	[tilespmem:s19+$0xD080] =	vst v18;
	v18 =	vadd.f32 v16, v23;
	v16 =	vld [tilespmem:s19+$0xD0F0];
	(pc) =	sbr.rel @p0 .LBB2_2-.Ltmp0, $4  }
0x12a: {  	[tilespmem:s19+$0xD090] =	vst v17;
	v17 =	vadd.f32 v15, v22;
	v15 =	vld [tilespmem:s19+$0xD480]  }
0x12b: {  	[tilespmem:s19+$0xD0A0] =	vst v18;
	v21 =	vadd.f32 v14, v21;
	v14 =	vld [tilespmem:s19+$0xD490]  }
0x12c: {  	[tilespmem:s19+$0xD0B0] =	vst v17;
	v18 =	vadd.f32 v13, v20;
	v13 =	vld [tilespmem:s19+$0xD4A0]  }
0x12d: {  	s20 =	sadd.s32 $0x1, s20;
	[tilespmem:s19+$0xD0C0] =	vst v21;
	v17 =	vadd.f32 v12, v19;
	v12 =	vld [tilespmem:s19+$0xD4B0]  }
0x12e: {  	[tilespmem:s19+$0xD0D0] =	vst v18;
	v18 =	vld [tilespmem:s19+$0xD4C0];
	v11 =	vadd.f32 v11, v16  }
0x12f: {  	v16 =	vld [tilespmem:s19+$0xD4D0];
	[tilespmem:s19+$0xD0E0] =	vst v17;
	v10 =	vadd.f32 v10, v15  }
0x130: {  	[tilespmem:s19+$0xD0F0] =	vst v11;
	v9 =	vadd.f32 v9, v14;
	v11 =	vld [tilespmem:s19+$0xD4E0]  }
0x131: {  	[tilespmem:s19+$0xD480] =	vst v10;
	v8 =	vadd.f32 v8, v13;
	v10 =	vld [tilespmem:s19+$0xD4F0]  }
0x132: {  	[tilespmem:s19+$0xD490] =	vst v9;
	v7 =	vadd.f32 v7, v12  }
0x133: {  	[tilespmem:s19+$0xD4A0] =	vst v8;
	v6 =	vadd.f32 v6, v18  }
0x134: {  	v5 =	vadd.f32 v5, v16;
	[tilespmem:s19+$0xD4B0] =	vst v7  }
0x135: {  	[tilespmem:s19+$0xD4C0] =	vst v6;
	v4 =	vadd.f32 v4, v11  }
0x136: {  	[tilespmem:s19+$0xD4D0] =	vst v5;
	v3 =	vadd.f32 v3, v10  }
0x137: {  	[tilespmem:s19+$0xD4E0] =	vst v4  }
0x138: {  	s20 =	rddreg [dreg:$0x7];
	[tilespmem:s19+$0xD4F0] =	vst v3;
	s19 =	simm.s32 $0x0  }
0x139: {  	[hbm4b:s20+s19] =	stream.linear.scatter [tilespmem:s18], [sflag:$0x2], $0xC000, $0x38;
	[tilespmem:$0x18080] =	vst v63  }
0x13a: {  	_ =	swait.ge [sflag:s17], $0xC000  }
0x13b: {  	[sflag:s17] =	ssyncset.done $0x0  }
0x13c: {  	s23 =	rddreg [dreg:$0x8];
	[sflag:s17] =	ssyncadd.s32 $0xFFFF4000  }
0x13d: {  	[tilespmem:s19], [sflag:$0x2] =	stream.linear.gather [hbm4b:s23+s19], $0x40, $0x38;
	[tilespmem:$0x18080] =	vst v63  }
0x13e: {  	_ =	swait.ge [sflag:s17], $0x40  }
0x13f: {  	[sflag:s17] =	ssyncset.done $0x0  }
0x140: {  	[sflag:s17] =	ssyncadd.s32 $0xFFFFFFC0  }
0x141: {  	v3 =	vld [tilespmem:$0x0];
	_ =	sdelay $0x4  }
0x142: {  	v4 =	vshrl.u32 v3, $0x3  }
0x143: {  	v4 =	vmul.u32 $0x30, v4  }
0x144: {  	v3 =	vand.u32 $0x7, v3  }
0x145: {  	v3 =	vor.u32 v3, v4  }
0x146: {  	v4 =	vperm.xlane v3, v0;
	_ =	sdelay $0x1  }
0x147: {  	v4 =	vadd.s32 v1, v4;
	_ =	sdelay $0x3  }
0x148: {  	v3 =	vperm.xlane v3, v2  }
0x149: {  	[tilespmem:s18], [sflag:$0x1] =	stream.indirect_vreg.gather [hbm4b:s1+s19], $0x80, v4, vm0, $0xb8;
	[tilespmem:$0x18080] =	vst v63  }
0x14a: {  	s21 =	simm.s32 $0xC880;
	v3 =	vadd.s32 v1, v3  }
0x14b: {  	[tilespmem:s21], [sflag:$0x1] =	stream.indirect_vreg.gather [hbm4b:s6+s19], $0x80, v4, vm0, $0xb8;
	[tilespmem:$0x18080] =	vst v63  }
0x14c: {  	s22 =	simm.s32 $0xD080  }
0x14d: {  	[tilespmem:s22], [sflag:$0x1] =	stream.indirect_vreg.gather [hbm4b:s7+s19], $0x80, v4, vm0, $0xb8;
	[tilespmem:$0x18080] =	vst v63  }
0x14e: {  	s23 =	simm.s32 $0xD880  }
0x14f: {  	[tilespmem:s23], [sflag:$0x1] =	stream.indirect_vreg.gather [hbm4b:s1+s19], $0x80, v3, vm0, $0xb8;
	[tilespmem:$0x18080] =	vst v63  }
0x150: {  	s21 =	simm.s32 $0xE080  }
0x151: {  	[tilespmem:s21], [sflag:$0x1] =	stream.indirect_vreg.gather [hbm4b:s6+s19], $0x80, v3, vm0, $0xb8;
	[tilespmem:$0x18080] =	vst v63  }
0x152: {  	s22 =	simm.s32 $0xE880  }
0x153: {  	[tilespmem:s22], [sflag:$0x1] =	stream.indirect_vreg.gather [hbm4b:s7+s19], $0x80, v3, vm0, $0xb8;
	[tilespmem:$0x18080] =	vst v63  }
0x154: {  	v3 =	vld [tilespmem:$0x10];
	_ =	sdelay $0x4  }
0x155: {  	v4 =	vshrl.u32 v3, $0x3  }
0x156: {  	v4 =	vmul.u32 $0x30, v4  }
0x157: {  	v3 =	vand.u32 $0x7, v3  }
0x158: {  	v3 =	vor.u32 v3, v4  }
0x159: {  	v4 =	vperm.xlane v3, v0;
	_ =	sdelay $0x1  }
0x15a: {  	v4 =	vadd.s32 v1, v4;
	_ =	sdelay $0x3  }
0x15b: {  	v3 =	vperm.xlane v3, v2  }
0x15c: {  	[tilespmem:s24], [sflag:$0x1] =	stream.indirect_vreg.gather [hbm4b:s1+s19], $0x80, v4, vm0, $0xb8;
	[tilespmem:$0x18080] =	vst v63  }
0x15d: {  	v3 =	vadd.s32 v1, v3  }
0x15e: {  	[tilespmem:s25], [sflag:$0x1] =	stream.indirect_vreg.gather [hbm4b:s6+s19], $0x80, v4, vm0, $0xb8;
	[tilespmem:$0x18080] =	vst v63  }
0x15f: {  	_ = 	snop  }
0x160: {  	[tilespmem:s26], [sflag:$0x1] =	stream.indirect_vreg.gather [hbm4b:s7+s19], $0x80, v4, vm0, $0xb8;
	[tilespmem:$0x18080] =	vst v63  }
0x161: {  	_ = 	snop  }
0x162: {  	[tilespmem:s28], [sflag:$0x1] =	stream.indirect_vreg.gather [hbm4b:s1+s19], $0x80, v3, vm0, $0xb8;
	[tilespmem:$0x18080] =	vst v63  }
0x163: {  	_ = 	snop  }
0x164: {  	[tilespmem:s29], [sflag:$0x1] =	stream.indirect_vreg.gather [hbm4b:s6+s19], $0x80, v3, vm0, $0xb8;
	[tilespmem:$0x18080] =	vst v63  }
0x165: {  	_ = 	snop  }
0x166: {  	[tilespmem:s30], [sflag:$0x1] =	stream.indirect_vreg.gather [hbm4b:s7+s19], $0x80, v3, vm0, $0xb8;
	[tilespmem:$0x18080] =	vst v63  }
0x167: {  	v3 =	vld [tilespmem:$0x20];
	_ =	sdelay $0x4  }
0x168: {  	v4 =	vshrl.u32 v3, $0x3  }
0x169: {  	v4 =	vmul.u32 $0x30, v4  }
0x16a: {  	v3 =	vand.u32 $0x7, v3  }
0x16b: {  	v3 =	vor.u32 v3, v4  }
0x16c: {  	v4 =	vperm.xlane v3, v0;
	_ =	sdelay $0x1  }
0x16d: {  	v4 =	vadd.s32 v1, v4;
	_ =	sdelay $0x3  }
0x16e: {  	v3 =	vperm.xlane v3, v2  }
0x16f: {  	[tilespmem:s31], [sflag:$0x1] =	stream.indirect_vreg.gather [hbm4b:s1+s19], $0x80, v4, vm0, $0xb8;
	[tilespmem:$0x18080] =	vst v63  }
0x170: {  	v3 =	vadd.s32 v1, v3  }
0x171: {  	[tilespmem:s2], [sflag:$0x1] =	stream.indirect_vreg.gather [hbm4b:s6+s19], $0x80, v4, vm0, $0xb8;
	[tilespmem:$0x18080] =	vst v63  }
0x172: {  	_ = 	snop  }
0x173: {  	[tilespmem:s0], [sflag:$0x1] =	stream.indirect_vreg.gather [hbm4b:s7+s19], $0x80, v4, vm0, $0xb8;
	[tilespmem:$0x18080] =	vst v63  }
0x174: {  	_ = 	snop  }
0x175: {  	[tilespmem:s16], [sflag:$0x1] =	stream.indirect_vreg.gather [hbm4b:s1+s19], $0x80, v3, vm0, $0xb8;
	[tilespmem:$0x18080] =	vst v63  }
0x176: {  	_ = 	snop  }
0x177: {  	[tilespmem:s4], [sflag:$0x1] =	stream.indirect_vreg.gather [hbm4b:s6+s19], $0x80, v3, vm0, $0xb8;
	[tilespmem:$0x18080] =	vst v63  }
0x178: {  	_ = 	snop  }
0x179: {  	[tilespmem:s9], [sflag:$0x1] =	stream.indirect_vreg.gather [hbm4b:s7+s19], $0x80, v3, vm0, $0xb8;
	[tilespmem:$0x18080] =	vst v63  }
0x17a: {  	v3 =	vld [tilespmem:$0x30];
	_ =	sdelay $0x4  }
0x17b: {  	v4 =	vshrl.u32 v3, $0x3  }
0x17c: {  	v4 =	vmul.u32 $0x30, v4  }
0x17d: {  	v3 =	vand.u32 $0x7, v3  }
0x17e: {  	v3 =	vor.u32 v3, v4  }
0x17f: {  	v4 =	vperm.xlane v3, v0;
	_ =	sdelay $0x1  }
0x180: {  	v4 =	vadd.s32 v1, v4;
	_ =	sdelay $0x3  }
0x181: {  	v3 =	vperm.xlane v3, v2  }
0x182: {  	[tilespmem:s10], [sflag:$0x1] =	stream.indirect_vreg.gather [hbm4b:s1+s19], $0x80, v4, vm0, $0xb8;
	[tilespmem:$0x18080] =	vst v63  }
0x183: {  	v3 =	vadd.s32 v1, v3  }
0x184: {  	[tilespmem:s11], [sflag:$0x1] =	stream.indirect_vreg.gather [hbm4b:s6+s19], $0x80, v4, vm0, $0xb8;
	[tilespmem:$0x18080] =	vst v63  }
0x185: {  	_ = 	snop  }
0x186: {  	[tilespmem:s12], [sflag:$0x1] =	stream.indirect_vreg.gather [hbm4b:s7+s19], $0x80, v4, vm0, $0xb8;
	[tilespmem:$0x18080] =	vst v63  }
0x187: {  	_ = 	snop  }
0x188: {  	[tilespmem:s13], [sflag:$0x1] =	stream.indirect_vreg.gather [hbm4b:s1+s19], $0x80, v3, vm0, $0xb8;
	[tilespmem:$0x18080] =	vst v63  }
0x189: {  	_ = 	snop  }
0x18a: {  	[tilespmem:s14], [sflag:$0x1] =	stream.indirect_vreg.gather [hbm4b:s6+s19], $0x80, v3, vm0, $0xb8;
	[tilespmem:$0x18080] =	vst v63  }
0x18b: {  	s23 =	simm.s32 $0x0  }
0x18c: {  	[tilespmem:s15], [sflag:$0x1] =	stream.indirect_vreg.gather [hbm4b:s7+s19], $0x80, v3, vm0, $0xb8;
	[tilespmem:$0x18080] =	vst v63  }
0x18d: {  	s20 =	smul.u32 $0x1800, s23;
	_ =	swait.ge [sflag:s5], $0xC000  }
0x18e: {  	s21 =	sand.u32 $0x380, s19;
	[sflag:s5] =	ssyncset.done $0x0  }
0x18f: {  	s20 =	sor.u32 s21, s20;
	[sflag:s5] =	ssyncadd.s32 $0xFFFF4000  }
0x190: {  	v12 =	vld [tilespmem:s20+$0x80]  }
0x191: {  	v13 =	vld [tilespmem:s20+$0x90]  }
0x192: {  	v14 =	vld [tilespmem:s20+$0xA0]  }
0x193: {  	v15 =	vld [tilespmem:s20+$0xB0]  }
0x194: {  	v16 =	vld [tilespmem:s20+$0xC0]  }
0x195: {  	v17 =	vld [tilespmem:s20+$0xD0]  }
0x196: {  	v18 =	vld [tilespmem:s20+$0xE0]  }
0x197: {  	v19 =	vld [tilespmem:s20+$0xF0]  }
0x198: {  	v20 =	vld [tilespmem:s20+$0x480]  }
0x199: {  	v21 =	vld [tilespmem:s20+$0x490]  }
0x19a: {  	v22 =	vld [tilespmem:s20+$0x4A0]  }
0x19b: {  	v23 =	vld [tilespmem:s20+$0x4B0]  }
0x19c: {  	v24 =	vld [tilespmem:s20+$0x4C0]  }
0x19d: {  	v25 =	vld [tilespmem:s20+$0x4D0]  }
0x19e: {  	v26 =	vld [tilespmem:s20+$0x4E0]  }
0x19f: {  	v27 =	vld [tilespmem:s20+$0x4F0]  }
0x1a0: {  	v28 =	vld [tilespmem:s20+$0x880]  }
0x1a1: {  	v29 =	vld [tilespmem:s20+$0x890]  }
0x1a2: {  	v30 =	vld [tilespmem:s20+$0x8A0]  }
0x1a3: {  	v31 =	vld [tilespmem:s20+$0x8B0]  }
0x1a4: {  	v32 =	vld [tilespmem:s20+$0x8C0]  }
0x1a5: {  	v33 =	vld [tilespmem:s20+$0x8D0]  }
0x1a6: {  	v34 =	vld [tilespmem:s20+$0x8E0]  }
0x1a7: {  	v35 =	vld [tilespmem:s20+$0x8F0]  }
0x1a8: {  	v36 =	vld [tilespmem:s20+$0xC80]  }
0x1a9: {  	v37 =	vld [tilespmem:s20+$0xC90]  }
0x1aa: {  	v38 =	vld [tilespmem:s20+$0xCA0]  }
0x1ab: {  	v39 =	vld [tilespmem:s20+$0xCB0]  }
0x1ac: {  	v40 =	vld [tilespmem:s20+$0xCC0]  }
0x1ad: {  	v41 =	vld [tilespmem:s20+$0xCD0]  }
0x1ae: {  	v42 =	vld [tilespmem:s20+$0xCE0]  }
0x1af: {  	v43 =	vld [tilespmem:s20+$0xCF0]  }
0x1b0: {  	v44 =	vld [tilespmem:s20+$0x1080]  }
0x1b1: {  	v45 =	vld [tilespmem:s20+$0x1090]  }
0x1b2: {  	v46 =	vld [tilespmem:s20+$0x10A0]  }
0x1b3: {  	v47 =	vld [tilespmem:s20+$0x10B0]  }
0x1b4: {  	v48 =	vld [tilespmem:s20+$0x10C0]  }
0x1b5: {  	v49 =	vld [tilespmem:s20+$0x10D0]  }
0x1b6: {  	v50 =	vld [tilespmem:s20+$0x10E0]  }
0x1b7: {  	v11 =	vld [tilespmem:s20+$0x10F0]  }
0x1b8: {  	v10 =	vld [tilespmem:s20+$0x1480]  }
0x1b9: {  	v9 =	vld [tilespmem:s20+$0x1490]  }
0x1ba: {  	v8 =	vld [tilespmem:s20+$0x14A0]  }
0x1bb: {  	v7 =	vld [tilespmem:s20+$0x14B0]  }
0x1bc: {  	v6 =	vld [tilespmem:s20+$0x14C0]  }
0x1bd: {  	v51 =	vld [tilespmem:s20+$0xC080]  }
0x1be: {  	v52 =	vld [tilespmem:s20+$0xC090]  }
0x1bf: {  	v53 =	vld [tilespmem:s20+$0xC0A0]  }
0x1c0: {  	v54 =	vld [tilespmem:s20+$0xC0B0]  }
0x1c1: {  	v55 =	vld [tilespmem:s20+$0xC0C0]  }
0x1c2: {  	v62 =	vld [tilespmem:s20+$0xC0D0];
	v12 =	vadd.f32 v12, v51  }
0x1c3: {  	v63 =	vld [tilespmem:s20+$0xC0E0];
	v13 =	vadd.f32 v13, v52  }
0x1c4: {  	[tilespmem:s20+$0xC080] =	vst v12;
	v12 =	vadd.f32 v14, v53;
	v14 =	vld [tilespmem:s20+$0xC0F0]  }
0x1c5: {  	[tilespmem:s20+$0xC090] =	vst v13;
	v13 =	vadd.f32 v15, v54;
	v15 =	vld [tilespmem:s20+$0xC480]  }
0x1c6: {  	[tilespmem:s20+$0xC0A0] =	vst v12;
	v12 =	vadd.f32 v16, v55;
	v16 =	vld [tilespmem:s20+$0xC490]  }
0x1c7: {  	[tilespmem:s20+$0xC0B0] =	vst v13;
	v13 =	vadd.f32 v17, v62;
	v17 =	vld [tilespmem:s20+$0xC4A0]  }
0x1c8: {  	v5 =	vld [tilespmem:s20+$0x14D0]  }
0x1c9: {  	[tilespmem:s20+$0xC0C0] =	vst v12;
	v12 =	vadd.f32 v18, v63;
	v18 =	vld [tilespmem:s20+$0xC4F0]  }
0x1ca: {  	[tilespmem:s20+$0xC0D0] =	vst v13;
	v13 =	vadd.f32 v19, v14;
	v14 =	vld [tilespmem:s20+$0xC4B0]  }
0x1cb: {  	[tilespmem:s20+$0xC0E0] =	vst v12;
	v12 =	vadd.f32 v20, v15;
	v15 =	vld [tilespmem:s20+$0xC4C0]  }
0x1cc: {  	[tilespmem:s20+$0xC0F0] =	vst v13;
	v13 =	vadd.f32 v21, v16;
	v16 =	vadd.f32 v22, v17;
	v17 =	vld [tilespmem:s20+$0xC4E0]  }
0x1cd: {  	[tilespmem:s20+$0xC480] =	vst v12;
	v12 =	vld [tilespmem:s20+$0xC4D0]  }
0x1ce: {  	[tilespmem:s20+$0xC490] =	vst v13;
	v13 =	vld [tilespmem:s20+$0xC880];
	v18 =	vadd.f32 v27, v18  }
0x1cf: {  	[tilespmem:s20+$0xC4A0] =	vst v16;
	v16 =	vld [tilespmem:s20+$0xC890];
	v14 =	vadd.f32 v23, v14  }
0x1d0: {  	v4 =	vld [tilespmem:s20+$0x14E0];
	v15 =	vadd.f32 v24, v15;
	[tilespmem:s20+$0xC4F0] =	vst v18  }
0x1d1: {  	[tilespmem:s20+$0xC4B0] =	vst v14;
	v14 =	vld [tilespmem:s20+$0xC8A0];
	v17 =	vadd.f32 v26, v17  }
0x1d2: {  	v12 =	vadd.f32 v25, v12;
	[tilespmem:s20+$0xC4C0] =	vst v15;
	v15 =	vld [tilespmem:s20+$0xC8B0]  }
0x1d3: {  	v18 =	vld [tilespmem:s20+$0xC8F0];
	[tilespmem:s20+$0xC4E0] =	vst v17;
	v13 =	vadd.f32 v28, v13  }
0x1d4: {  	v16 =	vadd.f32 v29, v16;
	[tilespmem:s20+$0xC4D0] =	vst v12;
	v12 =	vld [tilespmem:s20+$0xC8C0]  }
0x1d5: {  	v17 =	vld [tilespmem:s20+$0xC8D0];
	[tilespmem:s20+$0xC880] =	vst v13  }
0x1d6: {  	[tilespmem:s20+$0xC890] =	vst v16;
	v16 =	vld [tilespmem:s20+$0xC8E0];
	v13 =	vadd.f32 v30, v14  }
0x1d7: {  	v14 =	vld [tilespmem:s20+$0xCC80];
	v15 =	vadd.f32 v31, v15  }
0x1d8: {  	[tilespmem:s20+$0xC8A0] =	vst v13;
	v13 =	vld [tilespmem:s20+$0xCC90]  }
0x1d9: {  	v12 =	vadd.f32 v32, v12;
	[tilespmem:s20+$0xC8B0] =	vst v15;
	v15 =	vld [tilespmem:s20+$0xCCA0]  }
0x1da: {  	v3 =	vld [tilespmem:s20+$0x14F0];
	v17 =	vadd.f32 v33, v17  }
0x1db: {  	v16 =	vadd.f32 v34, v16;
	[tilespmem:s20+$0xC8C0] =	vst v12;
	v12 =	vld [tilespmem:s20+$0xCCB0]  }
0x1dc: {  	[tilespmem:s20+$0xC8D0] =	vst v17;
	v17 =	vld [tilespmem:s20+$0xCCC0];
	v14 =	vadd.f32 v36, v14  }
0x1dd: {  	v18 =	vadd.f32 v35, v18;
	[tilespmem:s20+$0xC8E0] =	vst v16;
	v16 =	vld [tilespmem:s20+$0xCCD0]  }
0x1de: {  	v13 =	vadd.f32 v37, v13;
	[tilespmem:s20+$0xCC80] =	vst v14;
	v14 =	vadd.f32 v38, v15;
	v15 =	vld [tilespmem:s20+$0xCCE0]  }
0x1df: {  	[tilespmem:s20+$0xC8F0] =	vst v18;
	v18 =	vld [tilespmem:s20+$0xCCF0]  }
0x1e0: {  	[tilespmem:s20+$0xCC90] =	vst v13;
	v13 =	vld [tilespmem:s20+$0xD080];
	v12 =	vadd.f32 v39, v12  }
0x1e1: {  	v17 =	vadd.f32 v40, v17;
	[tilespmem:s20+$0xCCA0] =	vst v14;
	v14 =	vld [tilespmem:s20+$0xD090]  }
0x1e2: {  	v16 =	vadd.f32 v41, v16;
	[tilespmem:s20+$0xCCB0] =	vst v12;
	v12 =	vld [tilespmem:s20+$0xD0A0]  }
0x1e3: {  	[tilespmem:s20+$0xCCC0] =	vst v17;
	v17 =	vld [tilespmem:s20+$0xD0B0];
	v15 =	vadd.f32 v42, v15  }
0x1e4: {  	v19 =	vld [tilespmem:s20+$0xD0C0];
	[tilespmem:s20+$0xCCD0] =	vst v16;
	v16 =	vadd.f32 v43, v18  }
0x1e5: {  	v18 =	vld [tilespmem:s20+$0xD0D0];
	v13 =	vadd.f32 v44, v13;
	[tilespmem:s20+$0xCCE0] =	vst v15  }
0x1e6: {  	v20 =	vld [tilespmem:s20+$0xD0E0];
	[tilespmem:s20+$0xCCF0] =	vst v16;
	v14 =	vadd.f32 v45, v14  }
0x1e7: {  	v16 =	vld [tilespmem:s20+$0xD0F0];
	[tilespmem:s20+$0xD080] =	vst v13;
	v12 =	vadd.f32 v46, v12  }
0x1e8: {  	v15 =	vld [tilespmem:s20+$0xD480];
	v13 =	vadd.f32 v47, v17;
	[tilespmem:s20+$0xD090] =	vst v14  }
0x1e9: {  	v14 =	vld [tilespmem:s20+$0xD490];
	[tilespmem:s20+$0xD0A0] =	vst v12;
	v12 =	vadd.f32 v48, v19  }
0x1ea: {  	[tilespmem:s20+$0xD0B0] =	vst v13;
	v13 =	vld [tilespmem:s20+$0xD4A0];
	v18 =	vadd.f32 v49, v18  }
0x1eb: {  	s21 =	simm.s32 $0x1;
	v17 =	vadd.f32 v50, v20;
	[tilespmem:s20+$0xD0C0] =	vst v12;
	v12 =	vld [tilespmem:s20+$0xD4B0]  }
.LBB2_4:
0x1ec: {  	s22 =	sshrl.u32 s21, $0x3;
	p0 =	sne.s32 s21, $0x3F;
	[tilespmem:s20+$0xD0D0] =	vst v18;
	v11 =	vadd.f32 v11, v16;
	v16 =	vld [tilespmem:s20+$0xD4C0]  }
0x1ed: {  	s19 =	sadd.s32 $0x80, s19;
	s22 =	smul.u32 $0x1800, s22;
	[tilespmem:s20+$0xD0E0] =	vst v17;
	v10 =	vadd.f32 v10, v15;
	v15 =	vld [tilespmem:s20+$0xD4D0]  }
0x1ee: {  	s23 =	sand.u32 $0x380, s19;
	[tilespmem:s20+$0xD0F0] =	vst v11;
	v9 =	vadd.f32 v9, v14;
	v11 =	vld [tilespmem:s20+$0xD4E0]  }
0x1ef: {  	s22 =	sor.u32 s23, s22;
	[tilespmem:s20+$0xD480] =	vst v10;
	v8 =	vadd.f32 v8, v13;
	v10 =	vld [tilespmem:s20+$0xD4F0]  }
0x1f0: {  	v39 =	vld [tilespmem:s22+$0x80];
	[tilespmem:s20+$0xD490] =	vst v9;
	v7 =	vadd.f32 v7, v12  }
0x1f1: {  	v40 =	vld [tilespmem:s22+$0x90];
	[tilespmem:s20+$0xD4A0] =	vst v8;
	v6 =	vadd.f32 v6, v16  }
0x1f2: {  	v41 =	vld [tilespmem:s22+$0xA0];
	[tilespmem:s20+$0xD4B0] =	vst v7;
	v5 =	vadd.f32 v5, v15  }
0x1f3: {  	v42 =	vld [tilespmem:s22+$0xB0];
	[tilespmem:s20+$0xD4C0] =	vst v6;
	v4 =	vadd.f32 v4, v11  }
0x1f4: {  	v43 =	vld [tilespmem:s22+$0xC0];
	[tilespmem:s20+$0xD4D0] =	vst v5;
	v3 =	vadd.f32 v3, v10  }
0x1f5: {  	v44 =	vld [tilespmem:s22+$0xD0];
	[tilespmem:s20+$0xD4E0] =	vst v4  }
0x1f6: {  	v45 =	vld [tilespmem:s22+$0xE0];
	[tilespmem:s20+$0xD4F0] =	vst v3;
	s20 =	smov.u32 s22  }
0x1f7: {  	v46 =	vld [tilespmem:s20+$0xF0]  }
0x1f8: {  	v47 =	vld [tilespmem:s20+$0x480]  }
0x1f9: {  	v48 =	vld [tilespmem:s20+$0x490]  }
0x1fa: {  	v49 =	vld [tilespmem:s20+$0x4A0]  }
0x1fb: {  	v50 =	vld [tilespmem:s20+$0x4B0]  }
0x1fc: {  	v38 =	vld [tilespmem:s20+$0x4C0]  }
0x1fd: {  	v37 =	vld [tilespmem:s20+$0x4D0]  }
0x1fe: {  	v36 =	vld [tilespmem:s20+$0x4E0]  }
0x1ff: {  	v35 =	vld [tilespmem:s20+$0x4F0]  }
0x200: {  	v34 =	vld [tilespmem:s20+$0x880]  }
0x201: {  	v33 =	vld [tilespmem:s20+$0x890]  }
0x202: {  	v32 =	vld [tilespmem:s20+$0x8A0]  }
0x203: {  	v31 =	vld [tilespmem:s20+$0x8B0]  }
0x204: {  	v30 =	vld [tilespmem:s20+$0x8C0]  }
0x205: {  	v29 =	vld [tilespmem:s20+$0x8D0]  }
0x206: {  	v28 =	vld [tilespmem:s20+$0x8E0]  }
0x207: {  	v27 =	vld [tilespmem:s20+$0x8F0]  }
0x208: {  	v26 =	vld [tilespmem:s20+$0xC80]  }
0x209: {  	v25 =	vld [tilespmem:s20+$0xC90]  }
0x20a: {  	v24 =	vld [tilespmem:s20+$0xCA0]  }
0x20b: {  	v23 =	vld [tilespmem:s20+$0xCB0]  }
0x20c: {  	v22 =	vld [tilespmem:s20+$0xCC0]  }
0x20d: {  	v21 =	vld [tilespmem:s20+$0xCD0]  }
0x20e: {  	v20 =	vld [tilespmem:s20+$0xCE0]  }
0x20f: {  	v19 =	vld [tilespmem:s20+$0xCF0]  }
0x210: {  	v18 =	vld [tilespmem:s20+$0x1080]  }
0x211: {  	v17 =	vld [tilespmem:s20+$0x1090]  }
0x212: {  	v16 =	vld [tilespmem:s20+$0x10A0]  }
0x213: {  	v15 =	vld [tilespmem:s20+$0x10B0]  }
0x214: {  	v14 =	vld [tilespmem:s20+$0x10C0]  }
0x215: {  	v13 =	vld [tilespmem:s20+$0x10D0]  }
0x216: {  	v12 =	vld [tilespmem:s20+$0x10E0]  }
0x217: {  	v11 =	vld [tilespmem:s20+$0x10F0]  }
0x218: {  	v10 =	vld [tilespmem:s20+$0x1480]  }
0x219: {  	v9 =	vld [tilespmem:s20+$0x1490]  }
0x21a: {  	v8 =	vld [tilespmem:s20+$0x14A0]  }
0x21b: {  	v7 =	vld [tilespmem:s20+$0x14B0]  }
0x21c: {  	v6 =	vld [tilespmem:s20+$0x14C0]  }
0x21d: {  	v5 =	vld [tilespmem:s20+$0x14D0]  }
0x21e: {  	v4 =	vld [tilespmem:s20+$0x14E0]  }
0x21f: {  	v3 =	vld [tilespmem:s20+$0x14F0]  }
0x220: {  	v51 =	vld [tilespmem:s20+$0xC080]  }
0x221: {  	v52 =	vld [tilespmem:s20+$0xC090]  }
0x222: {  	v53 =	vld [tilespmem:s20+$0xC0A0]  }
0x223: {  	v54 =	vld [tilespmem:s20+$0xC0B0]  }
0x224: {  	v55 =	vld [tilespmem:s20+$0xC0C0]  }
0x225: {  	v39 =	vadd.f32 v39, v51;
	v51 =	vld [tilespmem:s20+$0xC0D0]  }
0x226: {  	v40 =	vadd.f32 v40, v52;
	v52 =	vld [tilespmem:s20+$0xC0E0]  }
0x227: {  	[tilespmem:s20+$0xC080] =	vst v39;
	v39 =	vadd.f32 v41, v53;
	v41 =	vld [tilespmem:s20+$0xC0F0]  }
0x228: {  	[tilespmem:s20+$0xC090] =	vst v40;
	v40 =	vadd.f32 v42, v54;
	v42 =	vld [tilespmem:s20+$0xC480]  }
0x229: {  	[tilespmem:s20+$0xC0A0] =	vst v39;
	v39 =	vadd.f32 v43, v55;
	v43 =	vld [tilespmem:s20+$0xC490]  }
0x22a: {  	[tilespmem:s20+$0xC0B0] =	vst v40;
	v40 =	vadd.f32 v44, v51;
	v44 =	vld [tilespmem:s20+$0xC4A0]  }
0x22b: {  	[tilespmem:s20+$0xC0C0] =	vst v39;
	v39 =	vadd.f32 v45, v52;
	v45 =	vld [tilespmem:s20+$0xC4B0]  }
0x22c: {  	[tilespmem:s20+$0xC0D0] =	vst v40;
	v40 =	vadd.f32 v46, v41;
	v41 =	vld [tilespmem:s20+$0xC4C0]  }
0x22d: {  	[tilespmem:s20+$0xC0E0] =	vst v39;
	v39 =	vadd.f32 v47, v42;
	v42 =	vld [tilespmem:s20+$0xC4D0]  }
0x22e: {  	[tilespmem:s20+$0xC0F0] =	vst v40;
	v40 =	vadd.f32 v48, v43;
	v43 =	vld [tilespmem:s20+$0xC4E0]  }
0x22f: {  	[tilespmem:s20+$0xC480] =	vst v39;
	v39 =	vadd.f32 v49, v44;
	v44 =	vld [tilespmem:s20+$0xC4F0]  }
0x230: {  	[tilespmem:s20+$0xC490] =	vst v40;
	v40 =	vadd.f32 v50, v45;
	v45 =	vld [tilespmem:s20+$0xC880]  }
0x231: {  	[tilespmem:s20+$0xC4A0] =	vst v39;
	v38 =	vadd.f32 v38, v41;
	v39 =	vld [tilespmem:s20+$0xC890]  }
0x232: {  	[tilespmem:s20+$0xC4B0] =	vst v40;
	v37 =	vadd.f32 v37, v42;
	v40 =	vld [tilespmem:s20+$0xC8A0]  }
0x233: {  	[tilespmem:s20+$0xC4C0] =	vst v38;
	v36 =	vadd.f32 v36, v43;
	v38 =	vld [tilespmem:s20+$0xC8B0]  }
0x234: {  	[tilespmem:s20+$0xC4D0] =	vst v37;
	v35 =	vadd.f32 v35, v44;
	v37 =	vld [tilespmem:s20+$0xC8C0]  }
0x235: {  	[tilespmem:s20+$0xC4E0] =	vst v36;
	v34 =	vadd.f32 v34, v45;
	v36 =	vld [tilespmem:s20+$0xC8D0]  }
0x236: {  	[tilespmem:s20+$0xC4F0] =	vst v35;
	v33 =	vadd.f32 v33, v39;
	v35 =	vld [tilespmem:s20+$0xC8E0]  }
0x237: {  	[tilespmem:s20+$0xC880] =	vst v34;
	v32 =	vadd.f32 v32, v40;
	v34 =	vld [tilespmem:s20+$0xC8F0]  }
0x238: {  	[tilespmem:s20+$0xC890] =	vst v33;
	v31 =	vadd.f32 v31, v38;
	v33 =	vld [tilespmem:s20+$0xCC80]  }
0x239: {  	[tilespmem:s20+$0xC8A0] =	vst v32;
	v30 =	vadd.f32 v30, v37;
	v32 =	vld [tilespmem:s20+$0xCC90]  }
0x23a: {  	[tilespmem:s20+$0xC8B0] =	vst v31;
	v29 =	vadd.f32 v29, v36;
	v31 =	vld [tilespmem:s20+$0xCCA0]  }
0x23b: {  	[tilespmem:s20+$0xC8C0] =	vst v30;
	v28 =	vadd.f32 v28, v35;
	v30 =	vld [tilespmem:s20+$0xCCB0]  }
0x23c: {  	[tilespmem:s20+$0xC8D0] =	vst v29;
	v27 =	vadd.f32 v27, v34;
	v29 =	vld [tilespmem:s20+$0xCCC0]  }
0x23d: {  	[tilespmem:s20+$0xC8E0] =	vst v28;
	v26 =	vadd.f32 v26, v33;
	v28 =	vld [tilespmem:s20+$0xCCD0]  }
0x23e: {  	[tilespmem:s20+$0xC8F0] =	vst v27;
	v25 =	vadd.f32 v25, v32;
	v27 =	vld [tilespmem:s20+$0xCCE0]  }
0x23f: {  	[tilespmem:s20+$0xCC80] =	vst v26;
	v24 =	vadd.f32 v24, v31;
	v26 =	vld [tilespmem:s20+$0xCCF0]  }
0x240: {  	[tilespmem:s20+$0xCC90] =	vst v25;
	v23 =	vadd.f32 v23, v30;
	v25 =	vld [tilespmem:s20+$0xD080]  }
0x241: {  	[tilespmem:s20+$0xCCA0] =	vst v24;
	v22 =	vadd.f32 v22, v29;
	v24 =	vld [tilespmem:s20+$0xD090]  }
0x242: {  	[tilespmem:s20+$0xCCB0] =	vst v23;
	v21 =	vadd.f32 v21, v28;
	v23 =	vld [tilespmem:s20+$0xD0A0]  }
0x243: {  	[tilespmem:s20+$0xCCC0] =	vst v22;
	v20 =	vadd.f32 v20, v27;
	v22 =	vld [tilespmem:s20+$0xD0B0]  }
0x244: {  	[tilespmem:s20+$0xCCD0] =	vst v21;
	v19 =	vadd.f32 v19, v26;
	v21 =	vld [tilespmem:s20+$0xD0C0]  }
0x245: {  	[tilespmem:s20+$0xCCE0] =	vst v20;
	v18 =	vadd.f32 v18, v25;
	v20 =	vld [tilespmem:s20+$0xD0D0]  }
0x246: {  	[tilespmem:s20+$0xCCF0] =	vst v19;
	v17 =	vadd.f32 v17, v24;
	v19 =	vld [tilespmem:s20+$0xD0E0]  }
.Ltmp1:
0x247: {  	[tilespmem:s20+$0xD080] =	vst v18;
	v18 =	vadd.f32 v16, v23;
	v16 =	vld [tilespmem:s20+$0xD0F0];
	(pc) =	sbr.rel @p0 .LBB2_4-.Ltmp1, $4  }
0x248: {  	[tilespmem:s20+$0xD090] =	vst v17;
	v17 =	vadd.f32 v15, v22;
	v15 =	vld [tilespmem:s20+$0xD480]  }
0x249: {  	[tilespmem:s20+$0xD0A0] =	vst v18;
	v21 =	vadd.f32 v14, v21;
	v14 =	vld [tilespmem:s20+$0xD490]  }
0x24a: {  	[tilespmem:s20+$0xD0B0] =	vst v17;
	v18 =	vadd.f32 v13, v20;
	v13 =	vld [tilespmem:s20+$0xD4A0]  }
0x24b: {  	s21 =	sadd.s32 $0x1, s21;
	[tilespmem:s20+$0xD0C0] =	vst v21;
	v17 =	vadd.f32 v12, v19;
	v12 =	vld [tilespmem:s20+$0xD4B0]  }
0x24c: {  	[tilespmem:s20+$0xD0D0] =	vst v18;
	v18 =	vld [tilespmem:s20+$0xD4C0];
	v11 =	vadd.f32 v11, v16  }
0x24d: {  	v16 =	vld [tilespmem:s20+$0xD4D0];
	[tilespmem:s20+$0xD0E0] =	vst v17;
	v10 =	vadd.f32 v10, v15  }
0x24e: {  	[tilespmem:s20+$0xD0F0] =	vst v11;
	v9 =	vadd.f32 v9, v14;
	v11 =	vld [tilespmem:s20+$0xD4E0]  }
0x24f: {  	[tilespmem:s20+$0xD480] =	vst v10;
	v8 =	vadd.f32 v8, v13;
	v10 =	vld [tilespmem:s20+$0xD4F0]  }
0x250: {  	[tilespmem:s20+$0xD490] =	vst v9;
	v7 =	vadd.f32 v7, v12  }
0x251: {  	[tilespmem:s20+$0xD4A0] =	vst v8;
	v6 =	vadd.f32 v6, v18  }
0x252: {  	v5 =	vadd.f32 v5, v16;
	[tilespmem:s20+$0xD4B0] =	vst v7  }
0x253: {  	[tilespmem:s20+$0xD4C0] =	vst v6;
	v4 =	vadd.f32 v4, v11  }
0x254: {  	[tilespmem:s20+$0xD4D0] =	vst v5;
	v3 =	vadd.f32 v3, v10  }
0x255: {  	[tilespmem:s20+$0xD4E0] =	vst v4  }
0x256: {  	s19 =	simm.s32 $0x0;
	s22 =	rddreg [dreg:$0x9];
	[tilespmem:s20+$0xD4F0] =	vst v3  }
0x257: {  	[hbm4b:s22+s19] =	stream.linear.scatter [tilespmem:s18], [sflag:$0x2], $0xC000, $0x38;
	[tilespmem:$0x18080] =	vst v63  }
0x258: {  	_ =	swait.ge [sflag:s17], $0xC000  }
0x259: {  	[sflag:s17] =	ssyncset.done $0x0  }
0x25a: {  	s23 =	rddreg [dreg:$0xa];
	[sflag:s17] =	ssyncadd.s32 $0xFFFF4000  }
0x25b: {  	[tilespmem:s19], [sflag:$0x2] =	stream.linear.gather [hbm4b:s23+s19], $0x40, $0x38;
	[tilespmem:$0x18080] =	vst v63  }
0x25c: {  	_ =	swait.ge [sflag:s17], $0x40  }
0x25d: {  	[sflag:s17] =	ssyncset.done $0x0  }
0x25e: {  	[sflag:s17] =	ssyncadd.s32 $0xFFFFFFC0  }
0x25f: {  	v3 =	vld [tilespmem:$0x0];
	_ =	sdelay $0x4  }
0x260: {  	v4 =	vshrl.u32 v3, $0x3  }
0x261: {  	v4 =	vmul.u32 $0x30, v4  }
0x262: {  	v3 =	vand.u32 $0x7, v3  }
0x263: {  	v3 =	vor.u32 v3, v4  }
0x264: {  	v4 =	vperm.xlane v3, v0;
	_ =	sdelay $0x1  }
0x265: {  	v4 =	vadd.s32 v1, v4;
	_ =	sdelay $0x3  }
0x266: {  	v3 =	vperm.xlane v3, v2  }
0x267: {  	[tilespmem:s18], [sflag:$0x1] =	stream.indirect_vreg.gather [hbm4b:s1+s19], $0x80, v4, vm0, $0xb8;
	[tilespmem:$0x18080] =	vst v63  }
0x268: {  	s21 =	simm.s32 $0xC880;
	v3 =	vadd.s32 v1, v3  }
0x269: {  	[tilespmem:s21], [sflag:$0x1] =	stream.indirect_vreg.gather [hbm4b:s6+s19], $0x80, v4, vm0, $0xb8;
	[tilespmem:$0x18080] =	vst v63  }
0x26a: {  	s22 =	simm.s32 $0xD080  }
0x26b: {  	[tilespmem:s22], [sflag:$0x1] =	stream.indirect_vreg.gather [hbm4b:s7+s19], $0x80, v4, vm0, $0xb8;
	[tilespmem:$0x18080] =	vst v63  }
0x26c: {  	s23 =	simm.s32 $0xD880  }
0x26d: {  	[tilespmem:s23], [sflag:$0x1] =	stream.indirect_vreg.gather [hbm4b:s1+s19], $0x80, v3, vm0, $0xb8;
	[tilespmem:$0x18080] =	vst v63  }
0x26e: {  	s21 =	simm.s32 $0xE080  }
0x26f: {  	[tilespmem:s21], [sflag:$0x1] =	stream.indirect_vreg.gather [hbm4b:s6+s19], $0x80, v3, vm0, $0xb8;
	[tilespmem:$0x18080] =	vst v63  }
0x270: {  	s22 =	simm.s32 $0xE880  }
0x271: {  	[tilespmem:s22], [sflag:$0x1] =	stream.indirect_vreg.gather [hbm4b:s7+s19], $0x80, v3, vm0, $0xb8;
	[tilespmem:$0x18080] =	vst v63  }
0x272: {  	v3 =	vld [tilespmem:$0x10];
	_ =	sdelay $0x4  }
0x273: {  	v4 =	vshrl.u32 v3, $0x3  }
0x274: {  	v4 =	vmul.u32 $0x30, v4  }
0x275: {  	v3 =	vand.u32 $0x7, v3  }
0x276: {  	v3 =	vor.u32 v3, v4  }
0x277: {  	v4 =	vperm.xlane v3, v0;
	_ =	sdelay $0x1  }
0x278: {  	v4 =	vadd.s32 v1, v4;
	_ =	sdelay $0x3  }
0x279: {  	v3 =	vperm.xlane v3, v2  }
0x27a: {  	[tilespmem:s24], [sflag:$0x1] =	stream.indirect_vreg.gather [hbm4b:s1+s19], $0x80, v4, vm0, $0xb8;
	[tilespmem:$0x18080] =	vst v63  }
0x27b: {  	v3 =	vadd.s32 v1, v3  }
0x27c: {  	[tilespmem:s25], [sflag:$0x1] =	stream.indirect_vreg.gather [hbm4b:s6+s19], $0x80, v4, vm0, $0xb8;
	[tilespmem:$0x18080] =	vst v63  }
0x27d: {  	_ = 	snop  }
0x27e: {  	[tilespmem:s26], [sflag:$0x1] =	stream.indirect_vreg.gather [hbm4b:s7+s19], $0x80, v4, vm0, $0xb8;
	[tilespmem:$0x18080] =	vst v63  }
0x27f: {  	_ = 	snop  }
0x280: {  	[tilespmem:s28], [sflag:$0x1] =	stream.indirect_vreg.gather [hbm4b:s1+s19], $0x80, v3, vm0, $0xb8;
	[tilespmem:$0x18080] =	vst v63  }
0x281: {  	_ = 	snop  }
0x282: {  	[tilespmem:s29], [sflag:$0x1] =	stream.indirect_vreg.gather [hbm4b:s6+s19], $0x80, v3, vm0, $0xb8;
	[tilespmem:$0x18080] =	vst v63  }
0x283: {  	_ = 	snop  }
0x284: {  	[tilespmem:s30], [sflag:$0x1] =	stream.indirect_vreg.gather [hbm4b:s7+s19], $0x80, v3, vm0, $0xb8;
	[tilespmem:$0x18080] =	vst v63  }
0x285: {  	v3 =	vld [tilespmem:$0x20];
	_ =	sdelay $0x4  }
0x286: {  	v4 =	vshrl.u32 v3, $0x3  }
0x287: {  	v4 =	vmul.u32 $0x30, v4  }
0x288: {  	v3 =	vand.u32 $0x7, v3  }
0x289: {  	v3 =	vor.u32 v3, v4  }
0x28a: {  	v4 =	vperm.xlane v3, v0;
	_ =	sdelay $0x1  }
0x28b: {  	v4 =	vadd.s32 v1, v4;
	_ =	sdelay $0x3  }
0x28c: {  	v3 =	vperm.xlane v3, v2  }
0x28d: {  	[tilespmem:s31], [sflag:$0x1] =	stream.indirect_vreg.gather [hbm4b:s1+s19], $0x80, v4, vm0, $0xb8;
	[tilespmem:$0x18080] =	vst v63  }
0x28e: {  	v3 =	vadd.s32 v1, v3  }
0x28f: {  	[tilespmem:s2], [sflag:$0x1] =	stream.indirect_vreg.gather [hbm4b:s6+s19], $0x80, v4, vm0, $0xb8;
	[tilespmem:$0x18080] =	vst v63  }
0x290: {  	_ = 	snop  }
0x291: {  	[tilespmem:s0], [sflag:$0x1] =	stream.indirect_vreg.gather [hbm4b:s7+s19], $0x80, v4, vm0, $0xb8;
	[tilespmem:$0x18080] =	vst v63  }
0x292: {  	_ = 	snop  }
0x293: {  	[tilespmem:s16], [sflag:$0x1] =	stream.indirect_vreg.gather [hbm4b:s1+s19], $0x80, v3, vm0, $0xb8;
	[tilespmem:$0x18080] =	vst v63  }
0x294: {  	_ = 	snop  }
0x295: {  	[tilespmem:s4], [sflag:$0x1] =	stream.indirect_vreg.gather [hbm4b:s6+s19], $0x80, v3, vm0, $0xb8;
	[tilespmem:$0x18080] =	vst v63  }
0x296: {  	_ = 	snop  }
0x297: {  	[tilespmem:s9], [sflag:$0x1] =	stream.indirect_vreg.gather [hbm4b:s7+s19], $0x80, v3, vm0, $0xb8;
	[tilespmem:$0x18080] =	vst v63  }
0x298: {  	v3 =	vld [tilespmem:$0x30];
	_ =	sdelay $0x4  }
0x299: {  	v4 =	vshrl.u32 v3, $0x3  }
0x29a: {  	v4 =	vmul.u32 $0x30, v4  }
0x29b: {  	v3 =	vand.u32 $0x7, v3  }
0x29c: {  	v3 =	vor.u32 v3, v4  }
0x29d: {  	v4 =	vperm.xlane v3, v0;
	_ =	sdelay $0x1  }
0x29e: {  	v4 =	vadd.s32 v1, v4;
	_ =	sdelay $0x3  }
0x29f: {  	v3 =	vperm.xlane v3, v2  }
0x2a0: {  	[tilespmem:s10], [sflag:$0x1] =	stream.indirect_vreg.gather [hbm4b:s1+s19], $0x80, v4, vm0, $0xb8;
	[tilespmem:$0x18080] =	vst v63  }
0x2a1: {  	v3 =	vadd.s32 v1, v3  }
0x2a2: {  	[tilespmem:s11], [sflag:$0x1] =	stream.indirect_vreg.gather [hbm4b:s6+s19], $0x80, v4, vm0, $0xb8;
	[tilespmem:$0x18080] =	vst v63  }
0x2a3: {  	_ = 	snop  }
0x2a4: {  	[tilespmem:s12], [sflag:$0x1] =	stream.indirect_vreg.gather [hbm4b:s7+s19], $0x80, v4, vm0, $0xb8;
	[tilespmem:$0x18080] =	vst v63  }
0x2a5: {  	_ = 	snop  }
0x2a6: {  	[tilespmem:s13], [sflag:$0x1] =	stream.indirect_vreg.gather [hbm4b:s1+s19], $0x80, v3, vm0, $0xb8;
	[tilespmem:$0x18080] =	vst v63  }
0x2a7: {  	_ = 	snop  }
0x2a8: {  	[tilespmem:s14], [sflag:$0x1] =	stream.indirect_vreg.gather [hbm4b:s6+s19], $0x80, v3, vm0, $0xb8;
	[tilespmem:$0x18080] =	vst v63  }
0x2a9: {  	s23 =	simm.s32 $0x0  }
0x2aa: {  	[tilespmem:s15], [sflag:$0x1] =	stream.indirect_vreg.gather [hbm4b:s7+s19], $0x80, v3, vm0, $0xb8;
	[tilespmem:$0x18080] =	vst v63  }
0x2ab: {  	s20 =	smul.u32 $0x1800, s23;
	_ =	swait.ge [sflag:s5], $0xC000  }
0x2ac: {  	s21 =	sand.u32 $0x380, s19;
	[sflag:s5] =	ssyncset.done $0x0  }
0x2ad: {  	s20 =	sor.u32 s21, s20;
	[sflag:s5] =	ssyncadd.s32 $0xFFFF4000  }
0x2ae: {  	v12 =	vld [tilespmem:s20+$0x80]  }
0x2af: {  	v13 =	vld [tilespmem:s20+$0x90]  }
0x2b0: {  	v14 =	vld [tilespmem:s20+$0xA0]  }
0x2b1: {  	v15 =	vld [tilespmem:s20+$0xB0]  }
0x2b2: {  	v16 =	vld [tilespmem:s20+$0xC0]  }
0x2b3: {  	v17 =	vld [tilespmem:s20+$0xD0]  }
0x2b4: {  	v18 =	vld [tilespmem:s20+$0xE0]  }
0x2b5: {  	v19 =	vld [tilespmem:s20+$0xF0]  }
0x2b6: {  	v20 =	vld [tilespmem:s20+$0x480]  }
0x2b7: {  	v21 =	vld [tilespmem:s20+$0x490]  }
0x2b8: {  	v22 =	vld [tilespmem:s20+$0x4A0]  }
0x2b9: {  	v23 =	vld [tilespmem:s20+$0x4B0]  }
0x2ba: {  	v24 =	vld [tilespmem:s20+$0x4C0]  }
0x2bb: {  	v25 =	vld [tilespmem:s20+$0x4D0]  }
0x2bc: {  	v26 =	vld [tilespmem:s20+$0x4E0]  }
0x2bd: {  	v27 =	vld [tilespmem:s20+$0x4F0]  }
0x2be: {  	v28 =	vld [tilespmem:s20+$0x880]  }
0x2bf: {  	v29 =	vld [tilespmem:s20+$0x890]  }
0x2c0: {  	v30 =	vld [tilespmem:s20+$0x8A0]  }
0x2c1: {  	v31 =	vld [tilespmem:s20+$0x8B0]  }
0x2c2: {  	v32 =	vld [tilespmem:s20+$0x8C0]  }
0x2c3: {  	v33 =	vld [tilespmem:s20+$0x8D0]  }
0x2c4: {  	v34 =	vld [tilespmem:s20+$0x8E0]  }
0x2c5: {  	v35 =	vld [tilespmem:s20+$0x8F0]  }
0x2c6: {  	v36 =	vld [tilespmem:s20+$0xC80]  }
0x2c7: {  	v37 =	vld [tilespmem:s20+$0xC90]  }
0x2c8: {  	v38 =	vld [tilespmem:s20+$0xCA0]  }
0x2c9: {  	v39 =	vld [tilespmem:s20+$0xCB0]  }
0x2ca: {  	v40 =	vld [tilespmem:s20+$0xCC0]  }
0x2cb: {  	v41 =	vld [tilespmem:s20+$0xCD0]  }
0x2cc: {  	v42 =	vld [tilespmem:s20+$0xCE0]  }
0x2cd: {  	v43 =	vld [tilespmem:s20+$0xCF0]  }
0x2ce: {  	v44 =	vld [tilespmem:s20+$0x1080]  }
0x2cf: {  	v45 =	vld [tilespmem:s20+$0x1090]  }
0x2d0: {  	v46 =	vld [tilespmem:s20+$0x10A0]  }
0x2d1: {  	v47 =	vld [tilespmem:s20+$0x10B0]  }
0x2d2: {  	v48 =	vld [tilespmem:s20+$0x10C0]  }
0x2d3: {  	v49 =	vld [tilespmem:s20+$0x10D0]  }
0x2d4: {  	v50 =	vld [tilespmem:s20+$0x10E0]  }
0x2d5: {  	v11 =	vld [tilespmem:s20+$0x10F0]  }
0x2d6: {  	v10 =	vld [tilespmem:s20+$0x1480]  }
0x2d7: {  	v9 =	vld [tilespmem:s20+$0x1490]  }
0x2d8: {  	v8 =	vld [tilespmem:s20+$0x14A0]  }
0x2d9: {  	v7 =	vld [tilespmem:s20+$0x14B0]  }
0x2da: {  	v6 =	vld [tilespmem:s20+$0x14C0]  }
0x2db: {  	v51 =	vld [tilespmem:s20+$0xC080]  }
0x2dc: {  	v52 =	vld [tilespmem:s20+$0xC090]  }
0x2dd: {  	v53 =	vld [tilespmem:s20+$0xC0A0]  }
0x2de: {  	v54 =	vld [tilespmem:s20+$0xC0B0]  }
0x2df: {  	v55 =	vld [tilespmem:s20+$0xC0C0]  }
0x2e0: {  	v62 =	vld [tilespmem:s20+$0xC0D0];
	v12 =	vadd.f32 v12, v51  }
0x2e1: {  	v63 =	vld [tilespmem:s20+$0xC0E0];
	v13 =	vadd.f32 v13, v52  }
0x2e2: {  	[tilespmem:s20+$0xC080] =	vst v12;
	v12 =	vadd.f32 v14, v53;
	v14 =	vld [tilespmem:s20+$0xC0F0]  }
0x2e3: {  	[tilespmem:s20+$0xC090] =	vst v13;
	v13 =	vadd.f32 v15, v54;
	v15 =	vld [tilespmem:s20+$0xC480]  }
0x2e4: {  	[tilespmem:s20+$0xC0A0] =	vst v12;
	v12 =	vadd.f32 v16, v55;
	v16 =	vld [tilespmem:s20+$0xC490]  }
0x2e5: {  	[tilespmem:s20+$0xC0B0] =	vst v13;
	v13 =	vadd.f32 v17, v62;
	v17 =	vld [tilespmem:s20+$0xC4A0]  }
0x2e6: {  	v5 =	vld [tilespmem:s20+$0x14D0]  }
0x2e7: {  	[tilespmem:s20+$0xC0C0] =	vst v12;
	v12 =	vadd.f32 v18, v63;
	v18 =	vld [tilespmem:s20+$0xC4F0]  }
0x2e8: {  	[tilespmem:s20+$0xC0D0] =	vst v13;
	v13 =	vadd.f32 v19, v14;
	v14 =	vld [tilespmem:s20+$0xC4B0]  }
0x2e9: {  	[tilespmem:s20+$0xC0E0] =	vst v12;
	v12 =	vadd.f32 v20, v15;
	v15 =	vld [tilespmem:s20+$0xC4C0]  }
0x2ea: {  	[tilespmem:s20+$0xC0F0] =	vst v13;
	v13 =	vadd.f32 v21, v16;
	v16 =	vadd.f32 v22, v17;
	v17 =	vld [tilespmem:s20+$0xC4E0]  }
0x2eb: {  	[tilespmem:s20+$0xC480] =	vst v12;
	v12 =	vld [tilespmem:s20+$0xC4D0]  }
0x2ec: {  	[tilespmem:s20+$0xC490] =	vst v13;
	v13 =	vld [tilespmem:s20+$0xC880];
	v18 =	vadd.f32 v27, v18  }
0x2ed: {  	[tilespmem:s20+$0xC4A0] =	vst v16;
	v16 =	vld [tilespmem:s20+$0xC890];
	v14 =	vadd.f32 v23, v14  }
0x2ee: {  	v4 =	vld [tilespmem:s20+$0x14E0];
	v15 =	vadd.f32 v24, v15;
	[tilespmem:s20+$0xC4F0] =	vst v18  }
0x2ef: {  	[tilespmem:s20+$0xC4B0] =	vst v14;
	v14 =	vld [tilespmem:s20+$0xC8A0];
	v17 =	vadd.f32 v26, v17  }
0x2f0: {  	v12 =	vadd.f32 v25, v12;
	[tilespmem:s20+$0xC4C0] =	vst v15;
	v15 =	vld [tilespmem:s20+$0xC8B0]  }
0x2f1: {  	v18 =	vld [tilespmem:s20+$0xC8F0];
	[tilespmem:s20+$0xC4E0] =	vst v17;
	v13 =	vadd.f32 v28, v13  }
0x2f2: {  	v16 =	vadd.f32 v29, v16;
	[tilespmem:s20+$0xC4D0] =	vst v12;
	v12 =	vld [tilespmem:s20+$0xC8C0]  }
0x2f3: {  	v17 =	vld [tilespmem:s20+$0xC8D0];
	[tilespmem:s20+$0xC880] =	vst v13  }
0x2f4: {  	[tilespmem:s20+$0xC890] =	vst v16;
	v16 =	vld [tilespmem:s20+$0xC8E0];
	v13 =	vadd.f32 v30, v14  }
0x2f5: {  	v14 =	vld [tilespmem:s20+$0xCC80];
	v15 =	vadd.f32 v31, v15  }
0x2f6: {  	[tilespmem:s20+$0xC8A0] =	vst v13;
	v13 =	vld [tilespmem:s20+$0xCC90]  }
0x2f7: {  	v12 =	vadd.f32 v32, v12;
	[tilespmem:s20+$0xC8B0] =	vst v15;
	v15 =	vld [tilespmem:s20+$0xCCA0]  }
0x2f8: {  	v3 =	vld [tilespmem:s20+$0x14F0];
	v17 =	vadd.f32 v33, v17  }
0x2f9: {  	v16 =	vadd.f32 v34, v16;
	[tilespmem:s20+$0xC8C0] =	vst v12;
	v12 =	vld [tilespmem:s20+$0xCCB0]  }
0x2fa: {  	[tilespmem:s20+$0xC8D0] =	vst v17;
	v17 =	vld [tilespmem:s20+$0xCCC0];
	v14 =	vadd.f32 v36, v14  }
0x2fb: {  	v18 =	vadd.f32 v35, v18;
	[tilespmem:s20+$0xC8E0] =	vst v16;
	v16 =	vld [tilespmem:s20+$0xCCD0]  }
0x2fc: {  	v13 =	vadd.f32 v37, v13;
	[tilespmem:s20+$0xCC80] =	vst v14;
	v14 =	vadd.f32 v38, v15;
	v15 =	vld [tilespmem:s20+$0xCCE0]  }
0x2fd: {  	[tilespmem:s20+$0xC8F0] =	vst v18;
	v18 =	vld [tilespmem:s20+$0xCCF0]  }
0x2fe: {  	[tilespmem:s20+$0xCC90] =	vst v13;
	v13 =	vld [tilespmem:s20+$0xD080];
	v12 =	vadd.f32 v39, v12  }
0x2ff: {  	v17 =	vadd.f32 v40, v17;
	[tilespmem:s20+$0xCCA0] =	vst v14;
	v14 =	vld [tilespmem:s20+$0xD090]  }
0x300: {  	v16 =	vadd.f32 v41, v16;
	[tilespmem:s20+$0xCCB0] =	vst v12;
	v12 =	vld [tilespmem:s20+$0xD0A0]  }
0x301: {  	[tilespmem:s20+$0xCCC0] =	vst v17;
	v17 =	vld [tilespmem:s20+$0xD0B0];
	v15 =	vadd.f32 v42, v15  }
0x302: {  	v19 =	vld [tilespmem:s20+$0xD0C0];
	[tilespmem:s20+$0xCCD0] =	vst v16;
	v16 =	vadd.f32 v43, v18  }
0x303: {  	v18 =	vld [tilespmem:s20+$0xD0D0];
	v13 =	vadd.f32 v44, v13;
	[tilespmem:s20+$0xCCE0] =	vst v15  }
0x304: {  	v20 =	vld [tilespmem:s20+$0xD0E0];
	[tilespmem:s20+$0xCCF0] =	vst v16;
	v14 =	vadd.f32 v45, v14  }
0x305: {  	v16 =	vld [tilespmem:s20+$0xD0F0];
	[tilespmem:s20+$0xD080] =	vst v13;
	v12 =	vadd.f32 v46, v12  }
0x306: {  	v15 =	vld [tilespmem:s20+$0xD480];
	v13 =	vadd.f32 v47, v17;
	[tilespmem:s20+$0xD090] =	vst v14  }
0x307: {  	v14 =	vld [tilespmem:s20+$0xD490];
	[tilespmem:s20+$0xD0A0] =	vst v12;
	v12 =	vadd.f32 v48, v19  }
0x308: {  	[tilespmem:s20+$0xD0B0] =	vst v13;
	v13 =	vld [tilespmem:s20+$0xD4A0];
	v18 =	vadd.f32 v49, v18  }
0x309: {  	s21 =	simm.s32 $0x1;
	v17 =	vadd.f32 v50, v20;
	[tilespmem:s20+$0xD0C0] =	vst v12;
	v12 =	vld [tilespmem:s20+$0xD4B0]  }
.LBB2_6:
0x30a: {  	s22 =	sshrl.u32 s21, $0x3;
	p0 =	sne.s32 s21, $0x3F;
	[tilespmem:s20+$0xD0D0] =	vst v18;
	v11 =	vadd.f32 v11, v16;
	v16 =	vld [tilespmem:s20+$0xD4C0]  }
0x30b: {  	s19 =	sadd.s32 $0x80, s19;
	s22 =	smul.u32 $0x1800, s22;
	[tilespmem:s20+$0xD0E0] =	vst v17;
	v10 =	vadd.f32 v10, v15;
	v15 =	vld [tilespmem:s20+$0xD4D0]  }
0x30c: {  	s23 =	sand.u32 $0x380, s19;
	[tilespmem:s20+$0xD0F0] =	vst v11;
	v9 =	vadd.f32 v9, v14;
	v11 =	vld [tilespmem:s20+$0xD4E0]  }
0x30d: {  	s22 =	sor.u32 s23, s22;
	[tilespmem:s20+$0xD480] =	vst v10;
	v8 =	vadd.f32 v8, v13;
	v10 =	vld [tilespmem:s20+$0xD4F0]  }
0x30e: {  	v39 =	vld [tilespmem:s22+$0x80];
	[tilespmem:s20+$0xD490] =	vst v9;
	v7 =	vadd.f32 v7, v12  }
0x30f: {  	v40 =	vld [tilespmem:s22+$0x90];
	[tilespmem:s20+$0xD4A0] =	vst v8;
	v6 =	vadd.f32 v6, v16  }
0x310: {  	v41 =	vld [tilespmem:s22+$0xA0];
	[tilespmem:s20+$0xD4B0] =	vst v7;
	v5 =	vadd.f32 v5, v15  }
0x311: {  	v42 =	vld [tilespmem:s22+$0xB0];
	[tilespmem:s20+$0xD4C0] =	vst v6;
	v4 =	vadd.f32 v4, v11  }
0x312: {  	v43 =	vld [tilespmem:s22+$0xC0];
	[tilespmem:s20+$0xD4D0] =	vst v5;
	v3 =	vadd.f32 v3, v10  }
0x313: {  	v44 =	vld [tilespmem:s22+$0xD0];
	[tilespmem:s20+$0xD4E0] =	vst v4  }
0x314: {  	v45 =	vld [tilespmem:s22+$0xE0];
	[tilespmem:s20+$0xD4F0] =	vst v3;
	s20 =	smov.u32 s22  }
0x315: {  	v46 =	vld [tilespmem:s20+$0xF0]  }
0x316: {  	v47 =	vld [tilespmem:s20+$0x480]  }
0x317: {  	v48 =	vld [tilespmem:s20+$0x490]  }
0x318: {  	v49 =	vld [tilespmem:s20+$0x4A0]  }
0x319: {  	v50 =	vld [tilespmem:s20+$0x4B0]  }
0x31a: {  	v38 =	vld [tilespmem:s20+$0x4C0]  }
0x31b: {  	v37 =	vld [tilespmem:s20+$0x4D0]  }
0x31c: {  	v36 =	vld [tilespmem:s20+$0x4E0]  }
0x31d: {  	v35 =	vld [tilespmem:s20+$0x4F0]  }
0x31e: {  	v34 =	vld [tilespmem:s20+$0x880]  }
0x31f: {  	v33 =	vld [tilespmem:s20+$0x890]  }
0x320: {  	v32 =	vld [tilespmem:s20+$0x8A0]  }
0x321: {  	v31 =	vld [tilespmem:s20+$0x8B0]  }
0x322: {  	v30 =	vld [tilespmem:s20+$0x8C0]  }
0x323: {  	v29 =	vld [tilespmem:s20+$0x8D0]  }
0x324: {  	v28 =	vld [tilespmem:s20+$0x8E0]  }
0x325: {  	v27 =	vld [tilespmem:s20+$0x8F0]  }
0x326: {  	v26 =	vld [tilespmem:s20+$0xC80]  }
0x327: {  	v25 =	vld [tilespmem:s20+$0xC90]  }
0x328: {  	v24 =	vld [tilespmem:s20+$0xCA0]  }
0x329: {  	v23 =	vld [tilespmem:s20+$0xCB0]  }
0x32a: {  	v22 =	vld [tilespmem:s20+$0xCC0]  }
0x32b: {  	v21 =	vld [tilespmem:s20+$0xCD0]  }
0x32c: {  	v20 =	vld [tilespmem:s20+$0xCE0]  }
0x32d: {  	v19 =	vld [tilespmem:s20+$0xCF0]  }
0x32e: {  	v18 =	vld [tilespmem:s20+$0x1080]  }
0x32f: {  	v17 =	vld [tilespmem:s20+$0x1090]  }
0x330: {  	v16 =	vld [tilespmem:s20+$0x10A0]  }
0x331: {  	v15 =	vld [tilespmem:s20+$0x10B0]  }
0x332: {  	v14 =	vld [tilespmem:s20+$0x10C0]  }
0x333: {  	v13 =	vld [tilespmem:s20+$0x10D0]  }
0x334: {  	v12 =	vld [tilespmem:s20+$0x10E0]  }
0x335: {  	v11 =	vld [tilespmem:s20+$0x10F0]  }
0x336: {  	v10 =	vld [tilespmem:s20+$0x1480]  }
0x337: {  	v9 =	vld [tilespmem:s20+$0x1490]  }
0x338: {  	v8 =	vld [tilespmem:s20+$0x14A0]  }
0x339: {  	v7 =	vld [tilespmem:s20+$0x14B0]  }
0x33a: {  	v6 =	vld [tilespmem:s20+$0x14C0]  }
0x33b: {  	v5 =	vld [tilespmem:s20+$0x14D0]  }
0x33c: {  	v4 =	vld [tilespmem:s20+$0x14E0]  }
0x33d: {  	v3 =	vld [tilespmem:s20+$0x14F0]  }
0x33e: {  	v51 =	vld [tilespmem:s20+$0xC080]  }
0x33f: {  	v52 =	vld [tilespmem:s20+$0xC090]  }
0x340: {  	v53 =	vld [tilespmem:s20+$0xC0A0]  }
0x341: {  	v54 =	vld [tilespmem:s20+$0xC0B0]  }
0x342: {  	v55 =	vld [tilespmem:s20+$0xC0C0]  }
0x343: {  	v39 =	vadd.f32 v39, v51;
	v51 =	vld [tilespmem:s20+$0xC0D0]  }
0x344: {  	v40 =	vadd.f32 v40, v52;
	v52 =	vld [tilespmem:s20+$0xC0E0]  }
0x345: {  	[tilespmem:s20+$0xC080] =	vst v39;
	v39 =	vadd.f32 v41, v53;
	v41 =	vld [tilespmem:s20+$0xC0F0]  }
0x346: {  	[tilespmem:s20+$0xC090] =	vst v40;
	v40 =	vadd.f32 v42, v54;
	v42 =	vld [tilespmem:s20+$0xC480]  }
0x347: {  	[tilespmem:s20+$0xC0A0] =	vst v39;
	v39 =	vadd.f32 v43, v55;
	v43 =	vld [tilespmem:s20+$0xC490]  }
0x348: {  	[tilespmem:s20+$0xC0B0] =	vst v40;
	v40 =	vadd.f32 v44, v51;
	v44 =	vld [tilespmem:s20+$0xC4A0]  }
0x349: {  	[tilespmem:s20+$0xC0C0] =	vst v39;
	v39 =	vadd.f32 v45, v52;
	v45 =	vld [tilespmem:s20+$0xC4B0]  }
0x34a: {  	[tilespmem:s20+$0xC0D0] =	vst v40;
	v40 =	vadd.f32 v46, v41;
	v41 =	vld [tilespmem:s20+$0xC4C0]  }
0x34b: {  	[tilespmem:s20+$0xC0E0] =	vst v39;
	v39 =	vadd.f32 v47, v42;
	v42 =	vld [tilespmem:s20+$0xC4D0]  }
0x34c: {  	[tilespmem:s20+$0xC0F0] =	vst v40;
	v40 =	vadd.f32 v48, v43;
	v43 =	vld [tilespmem:s20+$0xC4E0]  }
0x34d: {  	[tilespmem:s20+$0xC480] =	vst v39;
	v39 =	vadd.f32 v49, v44;
	v44 =	vld [tilespmem:s20+$0xC4F0]  }
0x34e: {  	[tilespmem:s20+$0xC490] =	vst v40;
	v40 =	vadd.f32 v50, v45;
	v45 =	vld [tilespmem:s20+$0xC880]  }
0x34f: {  	[tilespmem:s20+$0xC4A0] =	vst v39;
	v38 =	vadd.f32 v38, v41;
	v39 =	vld [tilespmem:s20+$0xC890]  }
0x350: {  	[tilespmem:s20+$0xC4B0] =	vst v40;
	v37 =	vadd.f32 v37, v42;
	v40 =	vld [tilespmem:s20+$0xC8A0]  }
0x351: {  	[tilespmem:s20+$0xC4C0] =	vst v38;
	v36 =	vadd.f32 v36, v43;
	v38 =	vld [tilespmem:s20+$0xC8B0]  }
0x352: {  	[tilespmem:s20+$0xC4D0] =	vst v37;
	v35 =	vadd.f32 v35, v44;
	v37 =	vld [tilespmem:s20+$0xC8C0]  }
0x353: {  	[tilespmem:s20+$0xC4E0] =	vst v36;
	v34 =	vadd.f32 v34, v45;
	v36 =	vld [tilespmem:s20+$0xC8D0]  }
0x354: {  	[tilespmem:s20+$0xC4F0] =	vst v35;
	v33 =	vadd.f32 v33, v39;
	v35 =	vld [tilespmem:s20+$0xC8E0]  }
0x355: {  	[tilespmem:s20+$0xC880] =	vst v34;
	v32 =	vadd.f32 v32, v40;
	v34 =	vld [tilespmem:s20+$0xC8F0]  }
0x356: {  	[tilespmem:s20+$0xC890] =	vst v33;
	v31 =	vadd.f32 v31, v38;
	v33 =	vld [tilespmem:s20+$0xCC80]  }
0x357: {  	[tilespmem:s20+$0xC8A0] =	vst v32;
	v30 =	vadd.f32 v30, v37;
	v32 =	vld [tilespmem:s20+$0xCC90]  }
0x358: {  	[tilespmem:s20+$0xC8B0] =	vst v31;
	v29 =	vadd.f32 v29, v36;
	v31 =	vld [tilespmem:s20+$0xCCA0]  }
0x359: {  	[tilespmem:s20+$0xC8C0] =	vst v30;
	v28 =	vadd.f32 v28, v35;
	v30 =	vld [tilespmem:s20+$0xCCB0]  }
0x35a: {  	[tilespmem:s20+$0xC8D0] =	vst v29;
	v27 =	vadd.f32 v27, v34;
	v29 =	vld [tilespmem:s20+$0xCCC0]  }
0x35b: {  	[tilespmem:s20+$0xC8E0] =	vst v28;
	v26 =	vadd.f32 v26, v33;
	v28 =	vld [tilespmem:s20+$0xCCD0]  }
0x35c: {  	[tilespmem:s20+$0xC8F0] =	vst v27;
	v25 =	vadd.f32 v25, v32;
	v27 =	vld [tilespmem:s20+$0xCCE0]  }
0x35d: {  	[tilespmem:s20+$0xCC80] =	vst v26;
	v24 =	vadd.f32 v24, v31;
	v26 =	vld [tilespmem:s20+$0xCCF0]  }
0x35e: {  	[tilespmem:s20+$0xCC90] =	vst v25;
	v23 =	vadd.f32 v23, v30;
	v25 =	vld [tilespmem:s20+$0xD080]  }
0x35f: {  	[tilespmem:s20+$0xCCA0] =	vst v24;
	v22 =	vadd.f32 v22, v29;
	v24 =	vld [tilespmem:s20+$0xD090]  }
0x360: {  	[tilespmem:s20+$0xCCB0] =	vst v23;
	v21 =	vadd.f32 v21, v28;
	v23 =	vld [tilespmem:s20+$0xD0A0]  }
0x361: {  	[tilespmem:s20+$0xCCC0] =	vst v22;
	v20 =	vadd.f32 v20, v27;
	v22 =	vld [tilespmem:s20+$0xD0B0]  }
0x362: {  	[tilespmem:s20+$0xCCD0] =	vst v21;
	v19 =	vadd.f32 v19, v26;
	v21 =	vld [tilespmem:s20+$0xD0C0]  }
0x363: {  	[tilespmem:s20+$0xCCE0] =	vst v20;
	v18 =	vadd.f32 v18, v25;
	v20 =	vld [tilespmem:s20+$0xD0D0]  }
0x364: {  	[tilespmem:s20+$0xCCF0] =	vst v19;
	v17 =	vadd.f32 v17, v24;
	v19 =	vld [tilespmem:s20+$0xD0E0]  }
.Ltmp2:
0x365: {  	[tilespmem:s20+$0xD080] =	vst v18;
	v18 =	vadd.f32 v16, v23;
	v16 =	vld [tilespmem:s20+$0xD0F0];
	(pc) =	sbr.rel @p0 .LBB2_6-.Ltmp2, $4  }
0x366: {  	[tilespmem:s20+$0xD090] =	vst v17;
	v17 =	vadd.f32 v15, v22;
	v15 =	vld [tilespmem:s20+$0xD480]  }
0x367: {  	[tilespmem:s20+$0xD0A0] =	vst v18;
	v21 =	vadd.f32 v14, v21;
	v14 =	vld [tilespmem:s20+$0xD490]  }
0x368: {  	[tilespmem:s20+$0xD0B0] =	vst v17;
	v18 =	vadd.f32 v13, v20;
	v13 =	vld [tilespmem:s20+$0xD4A0]  }
0x369: {  	s21 =	sadd.s32 $0x1, s21;
	[tilespmem:s20+$0xD0C0] =	vst v21;
	v17 =	vadd.f32 v12, v19;
	v12 =	vld [tilespmem:s20+$0xD4B0]  }
0x36a: {  	[tilespmem:s20+$0xD0D0] =	vst v18;
	v18 =	vld [tilespmem:s20+$0xD4C0];
	v11 =	vadd.f32 v11, v16  }
0x36b: {  	v16 =	vld [tilespmem:s20+$0xD4D0];
	[tilespmem:s20+$0xD0E0] =	vst v17;
	v10 =	vadd.f32 v10, v15  }
0x36c: {  	[tilespmem:s20+$0xD0F0] =	vst v11;
	v9 =	vadd.f32 v9, v14;
	v11 =	vld [tilespmem:s20+$0xD4E0]  }
0x36d: {  	[tilespmem:s20+$0xD480] =	vst v10;
	v8 =	vadd.f32 v8, v13;
	v10 =	vld [tilespmem:s20+$0xD4F0]  }
0x36e: {  	[tilespmem:s20+$0xD490] =	vst v9;
	v7 =	vadd.f32 v7, v12  }
0x36f: {  	[tilespmem:s20+$0xD4A0] =	vst v8;
	v6 =	vadd.f32 v6, v18  }
0x370: {  	v5 =	vadd.f32 v5, v16;
	[tilespmem:s20+$0xD4B0] =	vst v7  }
0x371: {  	[tilespmem:s20+$0xD4C0] =	vst v6;
	v4 =	vadd.f32 v4, v11  }
0x372: {  	[tilespmem:s20+$0xD4D0] =	vst v5;
	v3 =	vadd.f32 v3, v10  }
0x373: {  	[tilespmem:s20+$0xD4E0] =	vst v4  }
0x374: {  	s19 =	simm.s32 $0x0;
	s22 =	rddreg [dreg:$0xb];
	[tilespmem:s20+$0xD4F0] =	vst v3  }
0x375: {  	[hbm4b:s22+s19] =	stream.linear.scatter [tilespmem:s18], [sflag:$0x2], $0xC000, $0x38;
	[tilespmem:$0x18080] =	vst v63  }
0x376: {  	_ =	swait.ge [sflag:s17], $0xC000  }
0x377: {  	[sflag:s17] =	ssyncset.done $0x0  }
0x378: {  	s23 =	rddreg [dreg:$0xc];
	[sflag:s17] =	ssyncadd.s32 $0xFFFF4000  }
0x379: {  	[tilespmem:s19], [sflag:$0x2] =	stream.linear.gather [hbm4b:s23+s19], $0x40, $0x38;
	[tilespmem:$0x18080] =	vst v63  }
0x37a: {  	_ =	swait.ge [sflag:s17], $0x40  }
0x37b: {  	[sflag:s17] =	ssyncset.done $0x0  }
0x37c: {  	[sflag:s17] =	ssyncadd.s32 $0xFFFFFFC0  }
0x37d: {  	v3 =	vld [tilespmem:$0x0];
	_ =	sdelay $0x4  }
0x37e: {  	v4 =	vshrl.u32 v3, $0x3  }
0x37f: {  	v4 =	vmul.u32 $0x30, v4  }
0x380: {  	v3 =	vand.u32 $0x7, v3  }
0x381: {  	v3 =	vor.u32 v3, v4  }
0x382: {  	v4 =	vperm.xlane v3, v0;
	_ =	sdelay $0x1  }
0x383: {  	v4 =	vadd.s32 v1, v4;
	_ =	sdelay $0x3  }
0x384: {  	v3 =	vperm.xlane v3, v2  }
0x385: {  	[tilespmem:s18], [sflag:$0x1] =	stream.indirect_vreg.gather [hbm4b:s1+s19], $0x80, v4, vm0, $0xb8;
	[tilespmem:$0x18080] =	vst v63  }
0x386: {  	s21 =	simm.s32 $0xC880;
	v3 =	vadd.s32 v1, v3  }
0x387: {  	[tilespmem:s21], [sflag:$0x1] =	stream.indirect_vreg.gather [hbm4b:s6+s19], $0x80, v4, vm0, $0xb8;
	[tilespmem:$0x18080] =	vst v63  }
0x388: {  	s22 =	simm.s32 $0xD080  }
0x389: {  	[tilespmem:s22], [sflag:$0x1] =	stream.indirect_vreg.gather [hbm4b:s7+s19], $0x80, v4, vm0, $0xb8;
	[tilespmem:$0x18080] =	vst v63  }
0x38a: {  	s23 =	simm.s32 $0xD880  }
0x38b: {  	[tilespmem:s23], [sflag:$0x1] =	stream.indirect_vreg.gather [hbm4b:s1+s19], $0x80, v3, vm0, $0xb8;
	[tilespmem:$0x18080] =	vst v63  }
0x38c: {  	s21 =	simm.s32 $0xE080  }
0x38d: {  	[tilespmem:s21], [sflag:$0x1] =	stream.indirect_vreg.gather [hbm4b:s6+s19], $0x80, v3, vm0, $0xb8;
	[tilespmem:$0x18080] =	vst v63  }
0x38e: {  	s22 =	simm.s32 $0xE880  }
0x38f: {  	[tilespmem:s22], [sflag:$0x1] =	stream.indirect_vreg.gather [hbm4b:s7+s19], $0x80, v3, vm0, $0xb8;
	[tilespmem:$0x18080] =	vst v63  }
0x390: {  	v3 =	vld [tilespmem:$0x10];
	_ =	sdelay $0x4  }
0x391: {  	v4 =	vshrl.u32 v3, $0x3  }
0x392: {  	v4 =	vmul.u32 $0x30, v4  }
0x393: {  	v3 =	vand.u32 $0x7, v3  }
0x394: {  	v3 =	vor.u32 v3, v4  }
0x395: {  	v4 =	vperm.xlane v3, v0;
	_ =	sdelay $0x1  }
0x396: {  	v4 =	vadd.s32 v1, v4;
	_ =	sdelay $0x3  }
0x397: {  	v3 =	vperm.xlane v3, v2  }
0x398: {  	[tilespmem:s24], [sflag:$0x1] =	stream.indirect_vreg.gather [hbm4b:s1+s19], $0x80, v4, vm0, $0xb8;
	[tilespmem:$0x18080] =	vst v63  }
0x399: {  	v3 =	vadd.s32 v1, v3  }
0x39a: {  	[tilespmem:s25], [sflag:$0x1] =	stream.indirect_vreg.gather [hbm4b:s6+s19], $0x80, v4, vm0, $0xb8;
	[tilespmem:$0x18080] =	vst v63  }
0x39b: {  	_ = 	snop  }
0x39c: {  	[tilespmem:s26], [sflag:$0x1] =	stream.indirect_vreg.gather [hbm4b:s7+s19], $0x80, v4, vm0, $0xb8;
	[tilespmem:$0x18080] =	vst v63  }
0x39d: {  	_ = 	snop  }
0x39e: {  	[tilespmem:s28], [sflag:$0x1] =	stream.indirect_vreg.gather [hbm4b:s1+s19], $0x80, v3, vm0, $0xb8;
	[tilespmem:$0x18080] =	vst v63  }
0x39f: {  	_ = 	snop  }
0x3a0: {  	[tilespmem:s29], [sflag:$0x1] =	stream.indirect_vreg.gather [hbm4b:s6+s19], $0x80, v3, vm0, $0xb8;
	[tilespmem:$0x18080] =	vst v63  }
0x3a1: {  	_ = 	snop  }
0x3a2: {  	[tilespmem:s30], [sflag:$0x1] =	stream.indirect_vreg.gather [hbm4b:s7+s19], $0x80, v3, vm0, $0xb8;
	[tilespmem:$0x18080] =	vst v63  }
0x3a3: {  	v3 =	vld [tilespmem:$0x20];
	_ =	sdelay $0x4  }
0x3a4: {  	v4 =	vshrl.u32 v3, $0x3  }
0x3a5: {  	v4 =	vmul.u32 $0x30, v4  }
0x3a6: {  	v3 =	vand.u32 $0x7, v3  }
0x3a7: {  	v3 =	vor.u32 v3, v4  }
0x3a8: {  	v4 =	vperm.xlane v3, v0;
	_ =	sdelay $0x1  }
0x3a9: {  	v4 =	vadd.s32 v1, v4;
	_ =	sdelay $0x3  }
0x3aa: {  	v3 =	vperm.xlane v3, v2  }
0x3ab: {  	[tilespmem:s31], [sflag:$0x1] =	stream.indirect_vreg.gather [hbm4b:s1+s19], $0x80, v4, vm0, $0xb8;
	[tilespmem:$0x18080] =	vst v63  }
0x3ac: {  	v3 =	vadd.s32 v1, v3  }
0x3ad: {  	[tilespmem:s2], [sflag:$0x1] =	stream.indirect_vreg.gather [hbm4b:s6+s19], $0x80, v4, vm0, $0xb8;
	[tilespmem:$0x18080] =	vst v63  }
0x3ae: {  	_ = 	snop  }
0x3af: {  	[tilespmem:s0], [sflag:$0x1] =	stream.indirect_vreg.gather [hbm4b:s7+s19], $0x80, v4, vm0, $0xb8;
	[tilespmem:$0x18080] =	vst v63  }
0x3b0: {  	_ = 	snop  }
0x3b1: {  	[tilespmem:s16], [sflag:$0x1] =	stream.indirect_vreg.gather [hbm4b:s1+s19], $0x80, v3, vm0, $0xb8;
	[tilespmem:$0x18080] =	vst v63  }
0x3b2: {  	_ = 	snop  }
0x3b3: {  	[tilespmem:s4], [sflag:$0x1] =	stream.indirect_vreg.gather [hbm4b:s6+s19], $0x80, v3, vm0, $0xb8;
	[tilespmem:$0x18080] =	vst v63  }
0x3b4: {  	_ = 	snop  }
0x3b5: {  	[tilespmem:s9], [sflag:$0x1] =	stream.indirect_vreg.gather [hbm4b:s7+s19], $0x80, v3, vm0, $0xb8;
	[tilespmem:$0x18080] =	vst v63  }
0x3b6: {  	v3 =	vld [tilespmem:$0x30];
	_ =	sdelay $0x4  }
0x3b7: {  	v4 =	vshrl.u32 v3, $0x3  }
0x3b8: {  	v4 =	vmul.u32 $0x30, v4  }
0x3b9: {  	v3 =	vand.u32 $0x7, v3  }
0x3ba: {  	v3 =	vor.u32 v3, v4  }
0x3bb: {  	v4 =	vperm.xlane v3, v0;
	_ =	sdelay $0x1  }
0x3bc: {  	v4 =	vadd.s32 v1, v4;
	_ =	sdelay $0x3  }
0x3bd: {  	v3 =	vperm.xlane v3, v2  }
0x3be: {  	[tilespmem:s10], [sflag:$0x1] =	stream.indirect_vreg.gather [hbm4b:s1+s19], $0x80, v4, vm0, $0xb8;
	[tilespmem:$0x18080] =	vst v63  }
0x3bf: {  	v3 =	vadd.s32 v1, v3  }
0x3c0: {  	[tilespmem:s11], [sflag:$0x1] =	stream.indirect_vreg.gather [hbm4b:s6+s19], $0x80, v4, vm0, $0xb8;
	[tilespmem:$0x18080] =	vst v63  }
0x3c1: {  	_ = 	snop  }
0x3c2: {  	[tilespmem:s12], [sflag:$0x1] =	stream.indirect_vreg.gather [hbm4b:s7+s19], $0x80, v4, vm0, $0xb8;
	[tilespmem:$0x18080] =	vst v63  }
0x3c3: {  	_ = 	snop  }
0x3c4: {  	[tilespmem:s13], [sflag:$0x1] =	stream.indirect_vreg.gather [hbm4b:s1+s19], $0x80, v3, vm0, $0xb8;
	[tilespmem:$0x18080] =	vst v63  }
0x3c5: {  	_ = 	snop  }
0x3c6: {  	[tilespmem:s14], [sflag:$0x1] =	stream.indirect_vreg.gather [hbm4b:s6+s19], $0x80, v3, vm0, $0xb8;
	[tilespmem:$0x18080] =	vst v63  }
0x3c7: {  	s23 =	simm.s32 $0x0  }
0x3c8: {  	[tilespmem:s15], [sflag:$0x1] =	stream.indirect_vreg.gather [hbm4b:s7+s19], $0x80, v3, vm0, $0xb8;
	[tilespmem:$0x18080] =	vst v63  }
0x3c9: {  	s20 =	smul.u32 $0x1800, s23;
	_ =	swait.ge [sflag:s5], $0xC000  }
0x3ca: {  	s21 =	sand.u32 $0x380, s19;
	[sflag:s5] =	ssyncset.done $0x0  }
0x3cb: {  	s20 =	sor.u32 s21, s20;
	[sflag:s5] =	ssyncadd.s32 $0xFFFF4000  }
0x3cc: {  	v12 =	vld [tilespmem:s20+$0x80]  }
0x3cd: {  	v13 =	vld [tilespmem:s20+$0x90]  }
0x3ce: {  	v14 =	vld [tilespmem:s20+$0xA0]  }
0x3cf: {  	v15 =	vld [tilespmem:s20+$0xB0]  }
0x3d0: {  	v16 =	vld [tilespmem:s20+$0xC0]  }
0x3d1: {  	v17 =	vld [tilespmem:s20+$0xD0]  }
0x3d2: {  	v18 =	vld [tilespmem:s20+$0xE0]  }
0x3d3: {  	v19 =	vld [tilespmem:s20+$0xF0]  }
0x3d4: {  	v20 =	vld [tilespmem:s20+$0x480]  }
0x3d5: {  	v21 =	vld [tilespmem:s20+$0x490]  }
0x3d6: {  	v22 =	vld [tilespmem:s20+$0x4A0]  }
0x3d7: {  	v23 =	vld [tilespmem:s20+$0x4B0]  }
0x3d8: {  	v24 =	vld [tilespmem:s20+$0x4C0]  }
0x3d9: {  	v25 =	vld [tilespmem:s20+$0x4D0]  }
0x3da: {  	v26 =	vld [tilespmem:s20+$0x4E0]  }
0x3db: {  	v27 =	vld [tilespmem:s20+$0x4F0]  }
0x3dc: {  	v28 =	vld [tilespmem:s20+$0x880]  }
0x3dd: {  	v29 =	vld [tilespmem:s20+$0x890]  }
0x3de: {  	v30 =	vld [tilespmem:s20+$0x8A0]  }
0x3df: {  	v31 =	vld [tilespmem:s20+$0x8B0]  }
0x3e0: {  	v32 =	vld [tilespmem:s20+$0x8C0]  }
0x3e1: {  	v33 =	vld [tilespmem:s20+$0x8D0]  }
0x3e2: {  	v34 =	vld [tilespmem:s20+$0x8E0]  }
0x3e3: {  	v35 =	vld [tilespmem:s20+$0x8F0]  }
0x3e4: {  	v36 =	vld [tilespmem:s20+$0xC80]  }
0x3e5: {  	v37 =	vld [tilespmem:s20+$0xC90]  }
0x3e6: {  	v38 =	vld [tilespmem:s20+$0xCA0]  }
0x3e7: {  	v39 =	vld [tilespmem:s20+$0xCB0]  }
0x3e8: {  	v40 =	vld [tilespmem:s20+$0xCC0]  }
0x3e9: {  	v41 =	vld [tilespmem:s20+$0xCD0]  }
0x3ea: {  	v42 =	vld [tilespmem:s20+$0xCE0]  }
0x3eb: {  	v43 =	vld [tilespmem:s20+$0xCF0]  }
0x3ec: {  	v44 =	vld [tilespmem:s20+$0x1080]  }
0x3ed: {  	v45 =	vld [tilespmem:s20+$0x1090]  }
0x3ee: {  	v46 =	vld [tilespmem:s20+$0x10A0]  }
0x3ef: {  	v47 =	vld [tilespmem:s20+$0x10B0]  }
0x3f0: {  	v48 =	vld [tilespmem:s20+$0x10C0]  }
0x3f1: {  	v49 =	vld [tilespmem:s20+$0x10D0]  }
0x3f2: {  	v50 =	vld [tilespmem:s20+$0x10E0]  }
0x3f3: {  	v11 =	vld [tilespmem:s20+$0x10F0]  }
0x3f4: {  	v10 =	vld [tilespmem:s20+$0x1480]  }
0x3f5: {  	v9 =	vld [tilespmem:s20+$0x1490]  }
0x3f6: {  	v8 =	vld [tilespmem:s20+$0x14A0]  }
0x3f7: {  	v7 =	vld [tilespmem:s20+$0x14B0]  }
0x3f8: {  	v6 =	vld [tilespmem:s20+$0x14C0]  }
0x3f9: {  	v51 =	vld [tilespmem:s20+$0xC080]  }
0x3fa: {  	v52 =	vld [tilespmem:s20+$0xC090]  }
0x3fb: {  	v53 =	vld [tilespmem:s20+$0xC0A0]  }
0x3fc: {  	v54 =	vld [tilespmem:s20+$0xC0B0]  }
0x3fd: {  	v55 =	vld [tilespmem:s20+$0xC0C0]  }
0x3fe: {  	v62 =	vld [tilespmem:s20+$0xC0D0];
	v12 =	vadd.f32 v12, v51  }
0x3ff: {  	v63 =	vld [tilespmem:s20+$0xC0E0];
	v13 =	vadd.f32 v13, v52  }
0x400: {  	[tilespmem:s20+$0xC080] =	vst v12;
	v12 =	vadd.f32 v14, v53;
	v14 =	vld [tilespmem:s20+$0xC0F0]  }
0x401: {  	[tilespmem:s20+$0xC090] =	vst v13;
	v13 =	vadd.f32 v15, v54;
	v15 =	vld [tilespmem:s20+$0xC480]  }
0x402: {  	[tilespmem:s20+$0xC0A0] =	vst v12;
	v12 =	vadd.f32 v16, v55;
	v16 =	vld [tilespmem:s20+$0xC490]  }
0x403: {  	[tilespmem:s20+$0xC0B0] =	vst v13;
	v13 =	vadd.f32 v17, v62;
	v17 =	vld [tilespmem:s20+$0xC4A0]  }
0x404: {  	v5 =	vld [tilespmem:s20+$0x14D0]  }
0x405: {  	[tilespmem:s20+$0xC0C0] =	vst v12;
	v12 =	vadd.f32 v18, v63;
	v18 =	vld [tilespmem:s20+$0xC4F0]  }
0x406: {  	[tilespmem:s20+$0xC0D0] =	vst v13;
	v13 =	vadd.f32 v19, v14;
	v14 =	vld [tilespmem:s20+$0xC4B0]  }
0x407: {  	[tilespmem:s20+$0xC0E0] =	vst v12;
	v12 =	vadd.f32 v20, v15;
	v15 =	vld [tilespmem:s20+$0xC4C0]  }
0x408: {  	[tilespmem:s20+$0xC0F0] =	vst v13;
	v13 =	vadd.f32 v21, v16;
	v16 =	vadd.f32 v22, v17;
	v17 =	vld [tilespmem:s20+$0xC4E0]  }
0x409: {  	[tilespmem:s20+$0xC480] =	vst v12;
	v12 =	vld [tilespmem:s20+$0xC4D0]  }
0x40a: {  	[tilespmem:s20+$0xC490] =	vst v13;
	v13 =	vld [tilespmem:s20+$0xC880];
	v18 =	vadd.f32 v27, v18  }
0x40b: {  	[tilespmem:s20+$0xC4A0] =	vst v16;
	v16 =	vld [tilespmem:s20+$0xC890];
	v14 =	vadd.f32 v23, v14  }
0x40c: {  	v4 =	vld [tilespmem:s20+$0x14E0];
	v15 =	vadd.f32 v24, v15;
	[tilespmem:s20+$0xC4F0] =	vst v18  }
0x40d: {  	[tilespmem:s20+$0xC4B0] =	vst v14;
	v14 =	vld [tilespmem:s20+$0xC8A0];
	v17 =	vadd.f32 v26, v17  }
0x40e: {  	v12 =	vadd.f32 v25, v12;
	[tilespmem:s20+$0xC4C0] =	vst v15;
	v15 =	vld [tilespmem:s20+$0xC8B0]  }
0x40f: {  	v18 =	vld [tilespmem:s20+$0xC8F0];
	[tilespmem:s20+$0xC4E0] =	vst v17;
	v13 =	vadd.f32 v28, v13  }
0x410: {  	v16 =	vadd.f32 v29, v16;
	[tilespmem:s20+$0xC4D0] =	vst v12;
	v12 =	vld [tilespmem:s20+$0xC8C0]  }
0x411: {  	v17 =	vld [tilespmem:s20+$0xC8D0];
	[tilespmem:s20+$0xC880] =	vst v13  }
0x412: {  	[tilespmem:s20+$0xC890] =	vst v16;
	v16 =	vld [tilespmem:s20+$0xC8E0];
	v13 =	vadd.f32 v30, v14  }
0x413: {  	v14 =	vld [tilespmem:s20+$0xCC80];
	v15 =	vadd.f32 v31, v15  }
0x414: {  	[tilespmem:s20+$0xC8A0] =	vst v13;
	v13 =	vld [tilespmem:s20+$0xCC90]  }
0x415: {  	v12 =	vadd.f32 v32, v12;
	[tilespmem:s20+$0xC8B0] =	vst v15;
	v15 =	vld [tilespmem:s20+$0xCCA0]  }
0x416: {  	v3 =	vld [tilespmem:s20+$0x14F0];
	v17 =	vadd.f32 v33, v17  }
0x417: {  	v16 =	vadd.f32 v34, v16;
	[tilespmem:s20+$0xC8C0] =	vst v12;
	v12 =	vld [tilespmem:s20+$0xCCB0]  }
0x418: {  	[tilespmem:s20+$0xC8D0] =	vst v17;
	v17 =	vld [tilespmem:s20+$0xCCC0];
	v14 =	vadd.f32 v36, v14  }
0x419: {  	v18 =	vadd.f32 v35, v18;
	[tilespmem:s20+$0xC8E0] =	vst v16;
	v16 =	vld [tilespmem:s20+$0xCCD0]  }
0x41a: {  	v13 =	vadd.f32 v37, v13;
	[tilespmem:s20+$0xCC80] =	vst v14;
	v14 =	vadd.f32 v38, v15;
	v15 =	vld [tilespmem:s20+$0xCCE0]  }
0x41b: {  	[tilespmem:s20+$0xC8F0] =	vst v18;
	v18 =	vld [tilespmem:s20+$0xCCF0]  }
0x41c: {  	[tilespmem:s20+$0xCC90] =	vst v13;
	v13 =	vld [tilespmem:s20+$0xD080];
	v12 =	vadd.f32 v39, v12  }
0x41d: {  	v17 =	vadd.f32 v40, v17;
	[tilespmem:s20+$0xCCA0] =	vst v14;
	v14 =	vld [tilespmem:s20+$0xD090]  }
0x41e: {  	v16 =	vadd.f32 v41, v16;
	[tilespmem:s20+$0xCCB0] =	vst v12;
	v12 =	vld [tilespmem:s20+$0xD0A0]  }
0x41f: {  	[tilespmem:s20+$0xCCC0] =	vst v17;
	v17 =	vld [tilespmem:s20+$0xD0B0];
	v15 =	vadd.f32 v42, v15  }
0x420: {  	v19 =	vld [tilespmem:s20+$0xD0C0];
	[tilespmem:s20+$0xCCD0] =	vst v16;
	v16 =	vadd.f32 v43, v18  }
0x421: {  	v18 =	vld [tilespmem:s20+$0xD0D0];
	v13 =	vadd.f32 v44, v13;
	[tilespmem:s20+$0xCCE0] =	vst v15  }
0x422: {  	v20 =	vld [tilespmem:s20+$0xD0E0];
	[tilespmem:s20+$0xCCF0] =	vst v16;
	v14 =	vadd.f32 v45, v14  }
0x423: {  	v16 =	vld [tilespmem:s20+$0xD0F0];
	[tilespmem:s20+$0xD080] =	vst v13;
	v12 =	vadd.f32 v46, v12  }
0x424: {  	v15 =	vld [tilespmem:s20+$0xD480];
	v13 =	vadd.f32 v47, v17;
	[tilespmem:s20+$0xD090] =	vst v14  }
0x425: {  	v14 =	vld [tilespmem:s20+$0xD490];
	[tilespmem:s20+$0xD0A0] =	vst v12;
	v12 =	vadd.f32 v48, v19  }
0x426: {  	[tilespmem:s20+$0xD0B0] =	vst v13;
	v13 =	vld [tilespmem:s20+$0xD4A0];
	v18 =	vadd.f32 v49, v18  }
0x427: {  	s21 =	simm.s32 $0x1;
	v17 =	vadd.f32 v50, v20;
	[tilespmem:s20+$0xD0C0] =	vst v12;
	v12 =	vld [tilespmem:s20+$0xD4B0]  }
.LBB2_8:
0x428: {  	s22 =	sshrl.u32 s21, $0x3;
	p0 =	sne.s32 s21, $0x3F;
	[tilespmem:s20+$0xD0D0] =	vst v18;
	v11 =	vadd.f32 v11, v16;
	v16 =	vld [tilespmem:s20+$0xD4C0]  }
0x429: {  	s19 =	sadd.s32 $0x80, s19;
	s22 =	smul.u32 $0x1800, s22;
	[tilespmem:s20+$0xD0E0] =	vst v17;
	v10 =	vadd.f32 v10, v15;
	v15 =	vld [tilespmem:s20+$0xD4D0]  }
0x42a: {  	s23 =	sand.u32 $0x380, s19;
	[tilespmem:s20+$0xD0F0] =	vst v11;
	v9 =	vadd.f32 v9, v14;
	v11 =	vld [tilespmem:s20+$0xD4E0]  }
0x42b: {  	s22 =	sor.u32 s23, s22;
	[tilespmem:s20+$0xD480] =	vst v10;
	v8 =	vadd.f32 v8, v13;
	v10 =	vld [tilespmem:s20+$0xD4F0]  }
0x42c: {  	v39 =	vld [tilespmem:s22+$0x80];
	[tilespmem:s20+$0xD490] =	vst v9;
	v7 =	vadd.f32 v7, v12  }
0x42d: {  	v40 =	vld [tilespmem:s22+$0x90];
	[tilespmem:s20+$0xD4A0] =	vst v8;
	v6 =	vadd.f32 v6, v16  }
0x42e: {  	v41 =	vld [tilespmem:s22+$0xA0];
	[tilespmem:s20+$0xD4B0] =	vst v7;
	v5 =	vadd.f32 v5, v15  }
0x42f: {  	v42 =	vld [tilespmem:s22+$0xB0];
	[tilespmem:s20+$0xD4C0] =	vst v6;
	v4 =	vadd.f32 v4, v11  }
0x430: {  	v43 =	vld [tilespmem:s22+$0xC0];
	[tilespmem:s20+$0xD4D0] =	vst v5;
	v3 =	vadd.f32 v3, v10  }
0x431: {  	v44 =	vld [tilespmem:s22+$0xD0];
	[tilespmem:s20+$0xD4E0] =	vst v4  }
0x432: {  	v45 =	vld [tilespmem:s22+$0xE0];
	[tilespmem:s20+$0xD4F0] =	vst v3;
	s20 =	smov.u32 s22  }
0x433: {  	v46 =	vld [tilespmem:s20+$0xF0]  }
0x434: {  	v47 =	vld [tilespmem:s20+$0x480]  }
0x435: {  	v48 =	vld [tilespmem:s20+$0x490]  }
0x436: {  	v49 =	vld [tilespmem:s20+$0x4A0]  }
0x437: {  	v50 =	vld [tilespmem:s20+$0x4B0]  }
0x438: {  	v38 =	vld [tilespmem:s20+$0x4C0]  }
0x439: {  	v37 =	vld [tilespmem:s20+$0x4D0]  }
0x43a: {  	v36 =	vld [tilespmem:s20+$0x4E0]  }
0x43b: {  	v35 =	vld [tilespmem:s20+$0x4F0]  }
0x43c: {  	v34 =	vld [tilespmem:s20+$0x880]  }
0x43d: {  	v33 =	vld [tilespmem:s20+$0x890]  }
0x43e: {  	v32 =	vld [tilespmem:s20+$0x8A0]  }
0x43f: {  	v31 =	vld [tilespmem:s20+$0x8B0]  }
0x440: {  	v30 =	vld [tilespmem:s20+$0x8C0]  }
0x441: {  	v29 =	vld [tilespmem:s20+$0x8D0]  }
0x442: {  	v28 =	vld [tilespmem:s20+$0x8E0]  }
0x443: {  	v27 =	vld [tilespmem:s20+$0x8F0]  }
0x444: {  	v26 =	vld [tilespmem:s20+$0xC80]  }
0x445: {  	v25 =	vld [tilespmem:s20+$0xC90]  }
0x446: {  	v24 =	vld [tilespmem:s20+$0xCA0]  }
0x447: {  	v23 =	vld [tilespmem:s20+$0xCB0]  }
0x448: {  	v22 =	vld [tilespmem:s20+$0xCC0]  }
0x449: {  	v21 =	vld [tilespmem:s20+$0xCD0]  }
0x44a: {  	v20 =	vld [tilespmem:s20+$0xCE0]  }
0x44b: {  	v19 =	vld [tilespmem:s20+$0xCF0]  }
0x44c: {  	v18 =	vld [tilespmem:s20+$0x1080]  }
0x44d: {  	v17 =	vld [tilespmem:s20+$0x1090]  }
0x44e: {  	v16 =	vld [tilespmem:s20+$0x10A0]  }
0x44f: {  	v15 =	vld [tilespmem:s20+$0x10B0]  }
0x450: {  	v14 =	vld [tilespmem:s20+$0x10C0]  }
0x451: {  	v13 =	vld [tilespmem:s20+$0x10D0]  }
0x452: {  	v12 =	vld [tilespmem:s20+$0x10E0]  }
0x453: {  	v11 =	vld [tilespmem:s20+$0x10F0]  }
0x454: {  	v10 =	vld [tilespmem:s20+$0x1480]  }
0x455: {  	v9 =	vld [tilespmem:s20+$0x1490]  }
0x456: {  	v8 =	vld [tilespmem:s20+$0x14A0]  }
0x457: {  	v7 =	vld [tilespmem:s20+$0x14B0]  }
0x458: {  	v6 =	vld [tilespmem:s20+$0x14C0]  }
0x459: {  	v5 =	vld [tilespmem:s20+$0x14D0]  }
0x45a: {  	v4 =	vld [tilespmem:s20+$0x14E0]  }
0x45b: {  	v3 =	vld [tilespmem:s20+$0x14F0]  }
0x45c: {  	v51 =	vld [tilespmem:s20+$0xC080]  }
0x45d: {  	v52 =	vld [tilespmem:s20+$0xC090]  }
0x45e: {  	v53 =	vld [tilespmem:s20+$0xC0A0]  }
0x45f: {  	v54 =	vld [tilespmem:s20+$0xC0B0]  }
0x460: {  	v55 =	vld [tilespmem:s20+$0xC0C0]  }
0x461: {  	v39 =	vadd.f32 v39, v51;
	v51 =	vld [tilespmem:s20+$0xC0D0]  }
0x462: {  	v40 =	vadd.f32 v40, v52;
	v52 =	vld [tilespmem:s20+$0xC0E0]  }
0x463: {  	[tilespmem:s20+$0xC080] =	vst v39;
	v39 =	vadd.f32 v41, v53;
	v41 =	vld [tilespmem:s20+$0xC0F0]  }
0x464: {  	[tilespmem:s20+$0xC090] =	vst v40;
	v40 =	vadd.f32 v42, v54;
	v42 =	vld [tilespmem:s20+$0xC480]  }
0x465: {  	[tilespmem:s20+$0xC0A0] =	vst v39;
	v39 =	vadd.f32 v43, v55;
	v43 =	vld [tilespmem:s20+$0xC490]  }
0x466: {  	[tilespmem:s20+$0xC0B0] =	vst v40;
	v40 =	vadd.f32 v44, v51;
	v44 =	vld [tilespmem:s20+$0xC4A0]  }
0x467: {  	[tilespmem:s20+$0xC0C0] =	vst v39;
	v39 =	vadd.f32 v45, v52;
	v45 =	vld [tilespmem:s20+$0xC4B0]  }
0x468: {  	[tilespmem:s20+$0xC0D0] =	vst v40;
	v40 =	vadd.f32 v46, v41;
	v41 =	vld [tilespmem:s20+$0xC4C0]  }
0x469: {  	[tilespmem:s20+$0xC0E0] =	vst v39;
	v39 =	vadd.f32 v47, v42;
	v42 =	vld [tilespmem:s20+$0xC4D0]  }
0x46a: {  	[tilespmem:s20+$0xC0F0] =	vst v40;
	v40 =	vadd.f32 v48, v43;
	v43 =	vld [tilespmem:s20+$0xC4E0]  }
0x46b: {  	[tilespmem:s20+$0xC480] =	vst v39;
	v39 =	vadd.f32 v49, v44;
	v44 =	vld [tilespmem:s20+$0xC4F0]  }
0x46c: {  	[tilespmem:s20+$0xC490] =	vst v40;
	v40 =	vadd.f32 v50, v45;
	v45 =	vld [tilespmem:s20+$0xC880]  }
0x46d: {  	[tilespmem:s20+$0xC4A0] =	vst v39;
	v38 =	vadd.f32 v38, v41;
	v39 =	vld [tilespmem:s20+$0xC890]  }
0x46e: {  	[tilespmem:s20+$0xC4B0] =	vst v40;
	v37 =	vadd.f32 v37, v42;
	v40 =	vld [tilespmem:s20+$0xC8A0]  }
0x46f: {  	[tilespmem:s20+$0xC4C0] =	vst v38;
	v36 =	vadd.f32 v36, v43;
	v38 =	vld [tilespmem:s20+$0xC8B0]  }
0x470: {  	[tilespmem:s20+$0xC4D0] =	vst v37;
	v35 =	vadd.f32 v35, v44;
	v37 =	vld [tilespmem:s20+$0xC8C0]  }
0x471: {  	[tilespmem:s20+$0xC4E0] =	vst v36;
	v34 =	vadd.f32 v34, v45;
	v36 =	vld [tilespmem:s20+$0xC8D0]  }
0x472: {  	[tilespmem:s20+$0xC4F0] =	vst v35;
	v33 =	vadd.f32 v33, v39;
	v35 =	vld [tilespmem:s20+$0xC8E0]  }
0x473: {  	[tilespmem:s20+$0xC880] =	vst v34;
	v32 =	vadd.f32 v32, v40;
	v34 =	vld [tilespmem:s20+$0xC8F0]  }
0x474: {  	[tilespmem:s20+$0xC890] =	vst v33;
	v31 =	vadd.f32 v31, v38;
	v33 =	vld [tilespmem:s20+$0xCC80]  }
0x475: {  	[tilespmem:s20+$0xC8A0] =	vst v32;
	v30 =	vadd.f32 v30, v37;
	v32 =	vld [tilespmem:s20+$0xCC90]  }
0x476: {  	[tilespmem:s20+$0xC8B0] =	vst v31;
	v29 =	vadd.f32 v29, v36;
	v31 =	vld [tilespmem:s20+$0xCCA0]  }
0x477: {  	[tilespmem:s20+$0xC8C0] =	vst v30;
	v28 =	vadd.f32 v28, v35;
	v30 =	vld [tilespmem:s20+$0xCCB0]  }
0x478: {  	[tilespmem:s20+$0xC8D0] =	vst v29;
	v27 =	vadd.f32 v27, v34;
	v29 =	vld [tilespmem:s20+$0xCCC0]  }
0x479: {  	[tilespmem:s20+$0xC8E0] =	vst v28;
	v26 =	vadd.f32 v26, v33;
	v28 =	vld [tilespmem:s20+$0xCCD0]  }
0x47a: {  	[tilespmem:s20+$0xC8F0] =	vst v27;
	v25 =	vadd.f32 v25, v32;
	v27 =	vld [tilespmem:s20+$0xCCE0]  }
0x47b: {  	[tilespmem:s20+$0xCC80] =	vst v26;
	v24 =	vadd.f32 v24, v31;
	v26 =	vld [tilespmem:s20+$0xCCF0]  }
0x47c: {  	[tilespmem:s20+$0xCC90] =	vst v25;
	v23 =	vadd.f32 v23, v30;
	v25 =	vld [tilespmem:s20+$0xD080]  }
0x47d: {  	[tilespmem:s20+$0xCCA0] =	vst v24;
	v22 =	vadd.f32 v22, v29;
	v24 =	vld [tilespmem:s20+$0xD090]  }
0x47e: {  	[tilespmem:s20+$0xCCB0] =	vst v23;
	v21 =	vadd.f32 v21, v28;
	v23 =	vld [tilespmem:s20+$0xD0A0]  }
0x47f: {  	[tilespmem:s20+$0xCCC0] =	vst v22;
	v20 =	vadd.f32 v20, v27;
	v22 =	vld [tilespmem:s20+$0xD0B0]  }
0x480: {  	[tilespmem:s20+$0xCCD0] =	vst v21;
	v19 =	vadd.f32 v19, v26;
	v21 =	vld [tilespmem:s20+$0xD0C0]  }
0x481: {  	[tilespmem:s20+$0xCCE0] =	vst v20;
	v18 =	vadd.f32 v18, v25;
	v20 =	vld [tilespmem:s20+$0xD0D0]  }
0x482: {  	[tilespmem:s20+$0xCCF0] =	vst v19;
	v17 =	vadd.f32 v17, v24;
	v19 =	vld [tilespmem:s20+$0xD0E0]  }
.Ltmp3:
0x483: {  	[tilespmem:s20+$0xD080] =	vst v18;
	v18 =	vadd.f32 v16, v23;
	v16 =	vld [tilespmem:s20+$0xD0F0];
	(pc) =	sbr.rel @p0 .LBB2_8-.Ltmp3, $4  }
0x484: {  	[tilespmem:s20+$0xD090] =	vst v17;
	v17 =	vadd.f32 v15, v22;
	v15 =	vld [tilespmem:s20+$0xD480]  }
0x485: {  	[tilespmem:s20+$0xD0A0] =	vst v18;
	v21 =	vadd.f32 v14, v21;
	v14 =	vld [tilespmem:s20+$0xD490]  }
0x486: {  	[tilespmem:s20+$0xD0B0] =	vst v17;
	v18 =	vadd.f32 v13, v20;
	v13 =	vld [tilespmem:s20+$0xD4A0]  }
0x487: {  	s21 =	sadd.s32 $0x1, s21;
	[tilespmem:s20+$0xD0C0] =	vst v21;
	v17 =	vadd.f32 v12, v19;
	v12 =	vld [tilespmem:s20+$0xD4B0]  }
0x488: {  	[tilespmem:s20+$0xD0D0] =	vst v18;
	v60 =	vld [tilespmem:s20+$0xD4C0];
	v11 =	vadd.f32 v11, v16  }
0x489: {  	v61 =	vld [tilespmem:s20+$0xD4D0];
	[tilespmem:s20+$0xD0E0] =	vst v17;
	v10 =	vadd.f32 v10, v15  }
0x48a: {  	v62 =	vld [tilespmem:s20+$0xD4E0];
	[tilespmem:s20+$0xD0F0] =	vst v11;
	v9 =	vadd.f32 v9, v14  }
0x48b: {  	v63 =	vld [tilespmem:s20+$0xD4F0];
	[tilespmem:s20+$0xD480] =	vst v10;
	v8 =	vadd.f32 v8, v13  }
0x48c: {  	[tilespmem:s20+$0xD490] =	vst v9;
	v7 =	vadd.f32 v7, v12  }
0x48d: {  	[tilespmem:s20+$0xD4A0] =	vst v8;
	v6 =	vadd.f32 v6, v60  }
0x48e: {  	v5 =	vadd.f32 v5, v61;
	[tilespmem:s20+$0xD4B0] =	vst v7  }
0x48f: {  	v4 =	vadd.f32 v4, v62;
	[tilespmem:s20+$0xD4C0] =	vst v6  }
0x490: {  	v3 =	vadd.f32 v3, v63;
	[tilespmem:s20+$0xD4D0] =	vst v5  }
0x491: {  	[tilespmem:s20+$0xD4E0] =	vst v4  }
0x492: {  	s19 =	rddreg [dreg:$0xd];
	[tilespmem:s20+$0xD4F0] =	vst v3  }
0x493: {  	[hbm4b:s19+s3] =	stream.linear.scatter [tilespmem:s18], [sflag:$0x2], $0xC000, $0x38;
	[tilespmem:$0x18080] =	vst v63  }
0x494: {  	_ =	swait.ge [sflag:s17], $0xC000  }
0x495: {  	s8 =	sadd.s32 $0x1, s8;
	s23 =	rddreg [dreg:$0xe]  }
0x496: {  	p0 =	sne.s32 s8, s23  }
.Ltmp4:
0x497: {  	_ = 	snop;
	(pc) =	sbr.rel @p0 .LBB2_1-.Ltmp4, $3  }
0x498: {  	_ =	sdelay $0x1  }
0x499: {  	[sflag:s17] =	ssyncset.done $0x0  }
0x49a: {  	[sflag:s17] =	ssyncadd.s32 $0xFFFF4000  }
0x49b: {  	_ =	sfence.sel $0x180000  }
0x49c: {  	[bflag:$0x0] =	sbarrier.arrive $0xFFFF  }
0x49d: {  	_ =	strace $0x90000047  }
0x49e: {  	s0 =	stileid.u32;
	[bflag:$0x2] =	sbarrier.arrive $0xFFFF  }
0x49f: {  	p0 =	sne.s32 s0, $0x0;
	s0 =	rddreg [dreg:$0x4]  }
0x4a0: {  	s0 =	sadd.s32 @!p0 $0x100000, s0  }
0x4a1: {  	[sflag:s0] =	ssyncadd.tile.s32 @!p0 $0x1;
	_ =	shalt  }
.Lfunc_end2:
_tile_overlayer_lowered:
.L_overlay_start_2:
0x4a2: {  	(tag) =	ssettag $0x2  }
0x4a3: {  	s0 =	rddreg [dreg:$0x0];
	s2 =	stileid.u32  }
0x4a4: {  	s1 =	rddreg [dreg:$0x1];
	p0 =	sne.s32 s2, $0x0  }
0x4a5: {  	s3 =	rddreg [dreg:$0x2];
	[bflag:$0x3] =	sbarrier.arrive $0xFFFF;
	s2 =	simm.s32 @!p0 $0x1C02  }
0x4a6: {  	[timem:s3], [sflag:s2] =	dma.local @!p0 [hbm:s0], s1  }
0x4a7: {  	s0 =	simm.s32 @!p0 $0x2  }
0x4a8: {  	_ =	swait.ge @!p0 [sflag:s0], s1  }
0x4a9: {  	s1 =	ssub.s32 @!p0 $0x0, s1;
	[sflag:s0] =	ssyncset.done @!p0 $0x0  }
0x4aa: {  	[sflag:s0] =	ssyncadd.s32 @!p0 s1  }
0x4ab: {  	[bflag:$0x3] =	sbarrier.arrive $0xFFFF  }
0x4ac: {  	_ =	shalt  }

</sc_bundles>
